<compile_context>
chip_gen: v7x
topology: tpu7x:2x2x1
jax: 0.10.2.dev20260603
libtpu: 0.0.44.dev20260713+nightly
codegen_flags: <defaults>
</compile_context>

<pallas_src>
import functools
from functools import partial

import jax
import jax.numpy as jnp
from jax import lax
from jax.experimental import pallas as pl
from jax.experimental.pallas import tpu as pltpu

N_NODES_C = 10000
N_EDGES_C = 320000
BE = 2560
NB = N_EDGES_C // BE
EH_C = 32
HID = 64
BF = jnp.bfloat16
F32 = jnp.float32


def _dot(a, b):
    return jnp.dot(a.astype(BF), b.astype(BF), preferred_element_type=F32)


def _ef_stats_body(ef_ref, out_ref):
    x = ef_ref[...]
    s = jnp.sum(x, axis=0)
    ss = jnp.sum(x * x, axis=0)
    out_ref[0, 0, :] = jnp.concatenate([s, ss])


def _ef_stats(ef):
    E, F = ef.shape
    return pl.pallas_call(
        _ef_stats_body,
        grid=(NB,),
        in_specs=[pl.BlockSpec((BE, F), lambda i: (i, 0))],
        out_specs=pl.BlockSpec((1, 1, 2 * F), lambda i: (i, 0, 0)),
        out_shape=jax.ShapeDtypeStruct((NB, 1, 2 * F), jnp.float32),
    )(ef)


def _edge_prep_body(ei, ni, nf_ref, deg_ref, part_ref,
                    gamma_ref, beta_ref, w1_ref, b1_ref,
                    t_ref, bias_ref, mv_ref):
    E = float(N_EDGES_C)
    nf = nf_ref[...]
    part = part_ref[...]
    ef_mu = jnp.sum(part[:, 0, :ei], axis=0)[None, :] / E
    ef_ms = jnp.sum(part[:, 0, ei:2 * ei], axis=0)[None, :] / E
    degs = deg_ref[0, :, 0:1] + deg_ref[1, :, 0:1]
    degd = deg_ref[0, :, 1:2] + deg_ref[1, :, 1:2]
    s_mu = jnp.sum(nf * degs, axis=0)[None, :] / E
    s_ms = jnp.sum(nf * nf * degs, axis=0)[None, :] / E
    d_mu = jnp.sum(nf * degd, axis=0)[None, :] / E
    d_ms = jnp.sum(nf * nf * degd, axis=0)[None, :] / E
    K = ei + 2 * ni
    gamma = gamma_ref[...]
    beta = beta_ref[...]
    w1 = w1_ref[...]
    sg_s = jnp.sqrt((s_ms - s_mu * s_mu) + 1e-5)
    sg_d = jnp.sqrt((d_ms - d_mu * d_mu) + 1e-5)
    xs = (nf - s_mu) / sg_s * gamma[:, ei:ei + ni] + beta[:, ei:ei + ni]
    xd = (nf - d_mu) / sg_d * gamma[:, ei + ni:K] + beta[:, ei + ni:K]
    t_ref[:, :HID] = _dot(xs, w1[ei:ei + ni, :])
    t_ref[:, HID:] = _dot(xd, w1[ei + ni:K, :])
    bias_ref[...] = b1_ref[...] + _dot(beta[:, K:], w1[K:, :])
    sg_ef = jnp.sqrt((ef_ms - ef_mu * ef_mu) + 1e-5)
    mv_ref[...] = jnp.concatenate([ef_mu, sg_ef], axis=1)


def _edge_prep(nf, deg, part, em, ei):
    N, ni = nf.shape
    return pl.pallas_call(
        partial(_edge_prep_body, ei, ni),
        out_shape=[
            jax.ShapeDtypeStruct((N, 2 * HID), jnp.float32),
            jax.ShapeDtypeStruct((1, HID), jnp.float32),
            jax.ShapeDtypeStruct((1, 2 * ei), jnp.float32),
        ],
    )(nf, deg, part, em["gamma"][None, :], em["beta"][None, :],
      em["W1"], em["b1"][None, :])


def _edge_body(residual, with_att, ei, g_ref, ef_ref, w1e_ref, gb_ref,
               mv_ref, bias_ref, w2_ref, b2_ref, att_ref,
               uef_ref, stat_ref, s_ref):
    g = g_ref[:, :HID]
    ef = ef_ref[:, :ei]
    mu = mv_ref[0, :ei][None, :]
    sg = mv_ref[0, ei:][None, :]
    gamma = gb_ref[0, :ei][None, :]
    beta = gb_ref[0, ei:][None, :]
    xe = (ef - mu) / sg * gamma + beta
    pre = g + _dot(xe, w1e_ref[...]) + bias_ref[...]
    h = jnp.maximum(pre, 0.0)
    uef = _dot(h, w2_ref[...]) + b2_ref[...]
    if residual:
        uef = uef + ef
    uef_ref[:, :EH_C] = uef
    uef_ref[:, EH_C:] = jnp.zeros((uef.shape[0], WID - EH_C), jnp.float32)
    s = jnp.sum(uef, axis=0)
    ss = jnp.sum(uef * uef, axis=0)
    if with_att:
        sa = _dot(uef, att_ref[...])
        s_ref[...] = sa
        mx = jnp.full((8,), jnp.max(sa), jnp.float32)
    else:
        mx = jnp.zeros((8,), jnp.float32)
    stat_ref[0, 0, :] = jnp.concatenate([s, ss, mx])


def _edge_mlp(G, ef, mv, bias, em, att, residual, with_att, ei):
    E = G.shape[0]
    att2 = att[:, None] if att is not None else jnp.zeros((EH_C, 1), jnp.float32)
    gb = jnp.concatenate([em["gamma"][None, :ei], em["beta"][None, :ei]],
                         axis=1)
    outs = pl.pallas_call(
        partial(_edge_body, residual, with_att, ei),
        grid=(NB,),
        in_specs=[
            pl.BlockSpec((BE, WID), lambda i: (i, 0)),
            pl.BlockSpec((BE, ef.shape[1]), lambda i: (i, 0)),
            pl.BlockSpec((ei, HID), lambda i: (0, 0)),
            pl.BlockSpec((1, 2 * ei), lambda i: (0, 0)),
            pl.BlockSpec((1, 2 * ei), lambda i: (0, 0)),
            pl.BlockSpec((1, HID), lambda i: (0, 0)),
            pl.BlockSpec((HID, EH_C), lambda i: (0, 0)),
            pl.BlockSpec((1, EH_C), lambda i: (0, 0)),
            pl.BlockSpec((EH_C, 1), lambda i: (0, 0)),
        ],
        out_specs=[
            pl.BlockSpec((BE, WID), lambda i: (i, 0)),
            pl.BlockSpec((1, 1, 72), lambda i: (i, 0, 0)),
            pl.BlockSpec((BE, 1), lambda i: (i, 0)),
        ],
        out_shape=[
            jax.ShapeDtypeStruct((E, WID), jnp.float32),
            jax.ShapeDtypeStruct((NB, 1, 72), jnp.float32),
            jax.ShapeDtypeStruct((E, 1), jnp.float32),
        ],
    )(G, ef, em["W1"][:ei], gb, mv, bias, em["W2"], em["b2"][None, :], att2)
    return outs


def _att_exp_body(uef_ref, s_ref, stat_ref, ut_ref):
    m = jnp.max(stat_ref[:, 0, 64:72])
    t = jnp.exp(s_ref[...] - m)
    ut_ref[:, :EH_C] = uef_ref[:, :EH_C] * t
    ut_ref[:, EH_C:] = jnp.concatenate(
        [t, jnp.zeros((t.shape[0], WID - EH_C - 1), jnp.float32)], axis=1)


def _att_exp(uef, s, stats):
    E = uef.shape[0]
    return pl.pallas_call(
        _att_exp_body,
        grid=(NB,),
        in_specs=[
            pl.BlockSpec((BE, WID), lambda i: (i, 0)),
            pl.BlockSpec((BE, 1), lambda i: (i, 0)),
            pl.BlockSpec((NB, 1, 72), lambda i: (0, 0, 0)),
        ],
        out_specs=pl.BlockSpec((BE, WID), lambda i: (i, 0)),
        out_shape=jax.ShapeDtypeStruct((E, WID), jnp.float32),
    )(uef, s, stats)


def _node_body(ni, residual, final, with_att, nf_ref, agg_ref, gamma_ref,
               beta_ref, w1_ref, b1_ref, w2_ref, b2_ref, wr_ref, br_ref,
               out_ref):
    nf = nf_ref[...]
    agg = agg_ref[0, :, :EH_C] + agg_ref[1, :, :EH_C]
    if with_att:
        den = agg_ref[0, :, EH_C:EH_C + 1] + agg_ref[1, :, EH_C:EH_C + 1]
        agg = agg / (den + 1e-16)
    N = float(nf.shape[0])
    K = ni + EH_C
    mu_n = jnp.sum(nf, axis=0)[None, :] / N
    ms_n = jnp.sum(nf * nf, axis=0)[None, :] / N
    mu_a = jnp.sum(agg, axis=0)[None, :] / N
    ms_a = jnp.sum(agg * agg, axis=0)[None, :] / N
    gamma = gamma_ref[...]
    beta = beta_ref[...]
    w1 = w1_ref[...]
    sg_n = jnp.sqrt((ms_n - mu_n * mu_n) + 1e-5)
    sg_a = jnp.sqrt((ms_a - mu_a * mu_a) + 1e-5)
    xn = (nf - mu_n) / sg_n * gamma[:, :ni] + beta[:, :ni]
    xa = (agg - mu_a) / sg_a * gamma[:, ni:K] + beta[:, ni:K]
    bias = b1_ref[...] + _dot(beta[:, K:], w1[K:, :])
    h = jnp.maximum(_dot(xn, w1[:ni, :]) + _dot(xa, w1[ni:K, :]) + bias, 0.0)
    unf = _dot(h, w2_ref[...]) + b2_ref[...]
    if residual:
        unf = unf + nf
    if final:
        pred = _dot(unf, wr_ref[...]) + br_ref[...]
        out_ref[...] = jnp.clip(pred, 0.0, 1.0)
    else:
        out_ref[...] = unf


def _node_mlp(nf, parts, nm, residual, final, reg, with_att):
    N, ni = nf.shape
    wr = reg["W"] if final else jnp.zeros((EH_C, 1), jnp.float32)
    br = reg["b"][None, :] if final else jnp.zeros((1, 1), jnp.float32)
    odim = 1 if final else EH_C
    return pl.pallas_call(
        partial(_node_body, ni, residual, final, with_att),
        out_shape=jax.ShapeDtypeStruct((N, odim), jnp.float32),
    )(nf, parts, nm["gamma"][None, :], nm["beta"][None, :], nm["W1"],
      nm["b1"][None, :], nm["W2"], nm["b2"][None, :], wr, br)


from jax.experimental.pallas import tpu_sc as plsc

SC_CH = 200
GA_CH = 400
DEG_CH = 80
EPW = N_EDGES_C // 32
STR = 640
LAST = N_NODES_C - 15 * STR
WID = 128


def _sc_mesh():
    return plsc.VectorSubcoreMesh(core_axis_name="c", subcore_axis_name="s")


def _stripe_copy(sid, do_full, do_last):
    @pl.when(sid < 15)
    def _():
        do_full()

    @pl.when(sid == 15)
    def _():
        do_last()


def _sc_gather_add(T, src, dst):

    @functools.partial(
        pl.kernel, mesh=_sc_mesh(),
        out_type=jax.ShapeDtypeStruct((N_EDGES_C, WID), jnp.float32),
        scratch_types=[
            pltpu.VMEM((GA_CH,), jnp.int32),
            pltpu.VMEM((GA_CH,), jnp.int32),
            pltpu.VMEM((GA_CH, WID), jnp.float32),
            pltpu.VMEM((GA_CH, WID), jnp.float32),
            pltpu.SemaphoreType.DMA,
            pltpu.SemaphoreType.DMA,
        ],
    )
    def k(t_hbm, src_hbm, dst_hbm, g_hbm,
          idx_s, idx_d, bufa, bufb, sema, semb):
        wid = lax.axis_index("s") * 2 + lax.axis_index("c")
        base = wid * EPW

        def chunk(c, _):
            off = base + c * GA_CH
            pltpu.sync_copy(src_hbm.at[pl.ds(off, GA_CH)], idx_s)
            pltpu.sync_copy(dst_hbm.at[pl.ds(off, GA_CH)], idx_d)
            ca = pltpu.async_copy(t_hbm.at[idx_s], bufa, sema)
            cb = pltpu.async_copy(t_hbm.at[idx_d], bufb, semb)
            ca.wait()
            cb.wait()

            def row(r, _):
                for j in range(HID // 16):
                    sl = pl.ds(j * 16, 16)
                    s2 = pl.ds(HID + j * 16, 16)
                    bufa[r, sl] = bufa[r, sl] + bufb[r, s2]
                return 0

            lax.fori_loop(0, GA_CH, row, 0)
            pltpu.sync_copy(bufa, g_hbm.at[pl.ds(off, GA_CH)])
            return 0

        lax.fori_loop(0, EPW // GA_CH, chunk, 0)

    return k(T, src, dst)


def _sc_scatter(x, idx, z):

    @functools.partial(
        pl.kernel, mesh=_sc_mesh(),
        out_type=jax.ShapeDtypeStruct((2, N_NODES_C, WID), jnp.float32),
        scratch_types=[
            pltpu.VMEM((SC_CH,), jnp.int32),
            pltpu.VMEM((SC_CH, WID), jnp.float32),
            pltpu.VMEM_SHARED((N_NODES_C, WID), jnp.float32),
        ],
    )
    def k(x_hbm, idx_hbm, z_hbm, out_hbm, idx_v, pay_v, shared):
        cid = lax.axis_index("c")
        sid = lax.axis_index("s")
        _stripe_copy(
            sid,
            lambda: pltpu.sync_copy(z_hbm.at[pl.ds(sid * STR, STR)],
                                    shared.at[pl.ds(sid * STR, STR)]),
            lambda: pltpu.sync_copy(z_hbm.at[pl.ds(15 * STR, LAST)],
                                    shared.at[pl.ds(15 * STR, LAST)]))
        plsc.subcore_barrier()
        base = cid * (N_EDGES_C // 2) + sid * EPW

        def chunk(c, _):
            off = base + c * SC_CH
            pltpu.sync_copy(idx_hbm.at[pl.ds(off, SC_CH)], idx_v)
            pltpu.sync_copy(x_hbm.at[pl.ds(off, SC_CH)], pay_v)
            pltpu.sync_copy(pay_v, shared.at[idx_v], add=True)
            return 0

        lax.fori_loop(0, EPW // SC_CH, chunk, 0)
        plsc.subcore_barrier()
        _stripe_copy(
            sid,
            lambda: pltpu.sync_copy(shared.at[pl.ds(sid * STR, STR)],
                                    out_hbm.at[cid].at[pl.ds(sid * STR, STR)]),
            lambda: pltpu.sync_copy(shared.at[pl.ds(15 * STR, LAST)],
                                    out_hbm.at[cid].at[pl.ds(15 * STR, LAST)]))

    return k(x, idx, z)


def _sc_degrees(src, dst, z):

    @functools.partial(
        pl.kernel, mesh=_sc_mesh(),
        out_type=jax.ShapeDtypeStruct((2, N_NODES_C, WID), jnp.float32),
        scratch_types=[
            pltpu.VMEM((DEG_CH,), jnp.int32),
            pltpu.VMEM((DEG_CH, WID), jnp.float32),
            pltpu.VMEM((DEG_CH, WID), jnp.float32),
            pltpu.VMEM_SHARED((N_NODES_C, WID), jnp.float32),
        ],
    )
    def k(src_hbm, dst_hbm, z_hbm, out_hbm, idx_v, pays_v, payd_v, sh):
        cid = lax.axis_index("c")
        sid = lax.axis_index("s")
        lane = lax.iota(jnp.int32, 16)
        ones = jnp.where(lane == 0, 1.0, 0.0)
        oned = jnp.where(lane == 1, 1.0, 0.0)
        zer = jnp.zeros((16,), jnp.float32)

        def prow(r, _):
            for j in range(WID // 16):
                pays_v[r, pl.ds(j * 16, 16)] = ones if j == 0 else zer
                payd_v[r, pl.ds(j * 16, 16)] = oned if j == 0 else zer
            return 0

        lax.fori_loop(0, DEG_CH, prow, 0)
        _stripe_copy(
            sid,
            lambda: pltpu.sync_copy(z_hbm.at[pl.ds(sid * STR, STR)],
                                    sh.at[pl.ds(sid * STR, STR)]),
            lambda: pltpu.sync_copy(z_hbm.at[pl.ds(15 * STR, LAST)],
                                    sh.at[pl.ds(15 * STR, LAST)]))
        plsc.subcore_barrier()
        base = cid * (N_EDGES_C // 2) + sid * EPW

        def chunk(c, _):
            off = base + c * DEG_CH
            pltpu.sync_copy(src_hbm.at[pl.ds(off, DEG_CH)], idx_v)
            pltpu.sync_copy(pays_v, sh.at[idx_v], add=True)
            pltpu.sync_copy(dst_hbm.at[pl.ds(off, DEG_CH)], idx_v)
            pltpu.sync_copy(payd_v, sh.at[idx_v], add=True)
            return 0

        lax.fori_loop(0, EPW // DEG_CH, chunk, 0)
        plsc.subcore_barrier()
        _stripe_copy(
            sid,
            lambda: pltpu.sync_copy(sh.at[pl.ds(sid * STR, STR)],
                                    out_hbm.at[cid].at[pl.ds(sid * STR, STR)]),
            lambda: pltpu.sync_copy(sh.at[pl.ds(15 * STR, LAST)],
                                    out_hbm.at[cid].at[pl.ds(15 * STR, LAST)]))

    return k(src, dst, z)


def _gather_add(A, B, src, dst):
    return A[src] + B[dst]


def _segsum(x, dst):
    return jax.ops.segment_sum(x, dst, num_segments=N_NODES_C)


def _degrees(src, dst):
    ones = jnp.ones((N_EDGES_C,), jnp.float32)
    degs = jax.ops.segment_sum(ones, src, num_segments=N_NODES_C)
    degd = jax.ops.segment_sum(ones, dst, num_segments=N_NODES_C)
    return degs[:, None], degd[:, None]


def kernel(nf, ef, gf, params, edge_index):
    src = edge_index[0].astype(jnp.int32)
    dst = edge_index[1].astype(jnp.int32)
    z = jnp.zeros((N_NODES_C, WID), jnp.float32)
    deg = _sc_degrees(src, dst, z)
    layers = params["layers"]
    L = len(layers)
    part = _ef_stats(ef)
    ei = ef.shape[1]
    for i, lp in enumerate(layers):
        residual = i >= 1
        with_att = i == L - 1
        T, bias, mv = _edge_prep(nf, deg, part, lp["em"], ei)
        G = _sc_gather_add(T, src, dst)
        att = lp.get("att", None)
        uef, stats, s = _edge_mlp(G, ef, mv, bias, lp["em"], att,
                                  residual, with_att, ei)
        if with_att:
            ut = _att_exp(uef, s, stats)
            parts = _sc_scatter(ut, dst, z)
        else:
            parts = _sc_scatter(uef, dst, z)
        nf = _node_mlp(nf, parts, lp["nm"], residual, i == L - 1,
                       params["reg"], with_att)
        ef = uef
        ei = EH_C
        part = stats
    return nf

# --- scband reference (transcript-rebuilt; emitter-appended) ---
"""Pipeline reference for scband-pignn-39118562132491 (READ-ONLY COPY).

The authoritative reference and input builder live on the scoring server;
editing this copy changes nothing except your own understanding.
"""

import jax, jax.numpy as jnp
import numpy as np

N_NODES = 10000
N_EDGES = 320000
EDGE_IN, NODE_IN, GLOBAL_IN = 16, 128, 16
EH, NH, GH = 32, 32, 32
MLP_HID = 64
N_PIGN_LAYERS = 3


def _mlp_params(rng, din, dout):
    return {
        "gamma": jnp.ones((din,), jnp.float32),
        "beta": jnp.zeros((din,), jnp.float32),
        "W1": jnp.asarray(rng.standard_normal((din, MLP_HID)) / np.sqrt(din), jnp.float32),
        "b1": jnp.zeros((MLP_HID,), jnp.float32),
        "W2": jnp.asarray(rng.standard_normal((MLP_HID, dout)) / np.sqrt(MLP_HID), jnp.float32),
        "b2": jnp.zeros((dout,), jnp.float32),
    }


def _make_params(rng):
    edge_ins = [EDGE_IN] + N_PIGN_LAYERS * [EH]
    node_ins = [NODE_IN] + N_PIGN_LAYERS * [NH]
    glob_ins = [GLOBAL_IN] + N_PIGN_LAYERS * [GH]
    layers = []
    for i in range(N_PIGN_LAYERS + 1):
        ei, ni, gi = edge_ins[i], node_ins[i], glob_ins[i]
        lp = {
            "em": _mlp_params(rng, ei + 2 * ni + gi, EH),
            "nm": _mlp_params(rng, ni + EH + gi, NH),
            "gm": _mlp_params(rng, gi + EH + NH, GH),
        }
        if i == N_PIGN_LAYERS:
            lp["att"] = jnp.asarray(rng.standard_normal((EH,)) / np.sqrt(EH), jnp.float32)
        layers.append(lp)
    reg = {
        "W": jnp.asarray(rng.standard_normal((NH, 1)) / np.sqrt(NH), jnp.float32),
        "b": jnp.zeros((1,), jnp.float32),
    }
    return {"layers": layers, "reg": reg}


def setup_inputs(seed: int = 0) -> dict:
    key = jax.random.key(seed)
    k1, k2, k3, k4 = jax.random.split(key, 4)
    nf = jax.random.normal(k1, (N_NODES, NODE_IN), jnp.float32)
    ef = jax.random.normal(k2, (N_EDGES, EDGE_IN), jnp.float32)
    gf = jax.random.normal(k3, (1, GLOBAL_IN), jnp.float32)
    edge_index = jax.random.randint(k4, (2, N_EDGES), 0, N_NODES).astype(jnp.int64)
    params = _make_params(np.random.default_rng(0))
    return {"nf": nf, "ef": ef, "gf": gf, "params": params, "edge_index": edge_index}


def _mlp(p, x):
    mu = jnp.mean(x, axis=0, keepdims=True)
    var = jnp.var(x, axis=0, keepdims=True)
    x = (x - mu) / jnp.sqrt(var + 1e-5) * p["gamma"] + p["beta"]
    h = jnp.maximum(x @ p["W1"] + p["b1"], 0.0)
    return h @ p["W2"] + p["b2"]


def _pign_layer(p, nf, ef, gf, src, dst, residual, use_att):
    E = src.shape[0]
    gf_e = jnp.broadcast_to(gf, (E, gf.shape[1]))
    uef = _mlp(p["em"], jnp.concatenate([ef, nf[src], nf[dst], gf_e], axis=1))
    if residual:
        uef = uef + ef
    if use_att:
        s = uef @ p["att"]
        smax = jax.ops.segment_max(s, dst, num_segments=N_NODES)
        smax = jnp.where(jnp.isfinite(smax), smax, 0.0)
        ex = jnp.exp(s - smax[dst])
        den = jax.ops.segment_sum(ex, dst, num_segments=N_NODES)
        alpha = ex / (den[dst] + 1e-16)
        agg = jax.ops.segment_sum(uef * alpha[:, None], dst, num_segments=N_NODES)
    else:
        agg = jax.ops.segment_sum(uef, dst, num_segments=N_NODES)
    gf_n = jnp.broadcast_to(gf, (N_NODES, gf.shape[1]))
    unf = _mlp(p["nm"], jnp.concatenate([nf, agg, gf_n], axis=1))
    if residual:
        unf = unf + nf
    g_in = jnp.concatenate([gf, jnp.mean(uef, axis=0, keepdims=True), jnp.mean(unf, axis=0, keepdims=True)], axis=1)
    ug = _mlp(p["gm"], g_in)
    if residual:
        ug = ug + gf
    return unf, uef, ug


def reference(nf, ef, gf, params, edge_index):
    src, dst = edge_index[0], edge_index[1]
    unf, uef, ug = nf, ef, gf
    for i, lp in enumerate(params["layers"]):
        unf, uef, ug = _pign_layer(lp, unf, uef, ug, src, dst, residual=(i >= 1), use_att=(i == N_PIGN_LAYERS))
    pred = unf @ params["reg"]["W"] + params["reg"]["b"]
    return jnp.clip(pred, 0.0, 1.0)

if __name__ == "__main__":
    import jax
    _d = setup_inputs()
    print(jax.jit(kernel)(*tuple(_d.values())))

</pallas_src>

<mosaic_0001>
#map = affine_map<(d0, d1) -> (0, 0)>
#map1 = affine_map<(d0, d1) -> (0)>
module attributes {stable_mosaic.version = 14 : i64} {
  func.func @k(%arg0: i32, %arg1: i32, %arg2: memref<10000x128xf32, #tpu.memory_space<hbm>>, %arg3: memref<320000xi32, #tpu.memory_space<hbm>>, %arg4: memref<320000xi32, #tpu.memory_space<hbm>>, %arg5: memref<320000x128xf32, #tpu.memory_space<hbm>>, %arg6: memref<400xi32, #tpu.memory_space<vmem>>, %arg7: memref<400xi32, #tpu.memory_space<vmem>>, %arg8: memref<400x128xf32, #tpu.memory_space<vmem>>, %arg9: memref<400x128xf32, #tpu.memory_space<vmem>>, %arg10: memref<!tpu.dma_semaphore, #tpu.memory_space<semaphore_mem>>, %arg11: memref<!tpu.dma_semaphore, #tpu.memory_space<semaphore_mem>>) attributes {dimension_semantics = [#tpu.dimension_semantics<core_parallel>, #tpu.dimension_semantics<subcore_parallel>], iteration_bounds = array<i64: 2, 16>, scalar_prefetch = 0 : i64, scratch_operands = 6 : i64, tpu.core_type = #tpu.core_type<sc_vector_subcore>, window_params = [{transform_indices = #map}, {transform_indices = #map1}, {transform_indices = #map1}, {transform_indices = #map}]} {
    %mul3A = arith.constant 2 : i32
    %mul3A_0 = arith.muli %arg1, %mul3A : i32
    %add3A = arith.addi %mul3A_0, %arg0 : i32
    %mul3A_1 = arith.constant 10000 : i32
    %mul3A_2 = arith.muli %add3A, %mul3A_1 : i32
    %scan3A = arith.constant 0 : i32
    %scan3A_3 = arith.constant 0 : i32
    %scan3A_4 = arith.constant 25 : i32
    %scan3A_5 = arith.addi %scan3A_3, %scan3A_4 : i32
    %scan3A_6 = arith.constant 1 : i32
    %scan3A_7 = scf.for %scan3A_9 = %scan3A_3 to %scan3A_5 step %scan3A_6 iter_args(%scan3A_10 = %scan3A) -> (i32)  : i32 {
      %mul3A_11 = arith.constant 400 : i32
      %mul3A_12 = arith.muli %scan3A_9, %mul3A_11 : i32
      %add3A_13 = arith.addi %mul3A_2, %mul3A_12 : i32
      "tpu.region"() ({
        %run_scoped3A = tpu.sem_alloc : memref<!tpu.dma_semaphore, #tpu.memory_space<semaphore_mem>>
        %dma_start3A_32 = tpu.memref_slice %arg3[%add3A_13] : memref<320000xi32, #tpu.memory_space<hbm>> -> memref<400xi32, #tpu.memory_space<hbm>>
        %dma_start3A_33 = tpu.memref_slice %arg3[%add3A_13] : memref<320000xi32, #tpu.memory_space<hbm>> -> memref<400xi32, #tpu.memory_space<hbm>>
        tpu.enqueue_dma source(%dma_start3A_33 : memref<400xi32, #tpu.memory_space<hbm>>) target(%arg6 : memref<400xi32, #tpu.memory_space<vmem>>) target_semaphore(%run_scoped3A : memref<!tpu.dma_semaphore, #tpu.memory_space<semaphore_mem>>)
        %dma_wait3A_34 = tpu.memref_slice %arg3[%add3A_13] : memref<320000xi32, #tpu.memory_space<hbm>> -> memref<400xi32, #tpu.memory_space<hbm>>
        %dma_wait3A_35 = tpu.memref_slice %arg3[%add3A_13] : memref<320000xi32, #tpu.memory_space<hbm>> -> memref<400xi32, #tpu.memory_space<hbm>>
        tpu.wait_dma2 semaphore(%run_scoped3A : memref<!tpu.dma_semaphore, #tpu.memory_space<semaphore_mem>>) src(%dma_wait3A_35 : memref<400xi32, #tpu.memory_space<hbm>>) dst(%arg6 : memref<400xi32, #tpu.memory_space<vmem>>)
        tpu.yield
      }) : () -> ()
      "tpu.region"() ({
        %run_scoped3A = tpu.sem_alloc : memref<!tpu.dma_semaphore, #tpu.memory_space<semaphore_mem>>
        %dma_start3A_32 = tpu.memref_slice %arg4[%add3A_13] : memref<320000xi32, #tpu.memory_space<hbm>> -> memref<400xi32, #tpu.memory_space<hbm>>
        %dma_start3A_33 = tpu.memref_slice %arg4[%add3A_13] : memref<320000xi32, #tpu.memory_space<hbm>> -> memref<400xi32, #tpu.memory_space<hbm>>
        tpu.enqueue_dma source(%dma_start3A_33 : memref<400xi32, #tpu.memory_space<hbm>>) target(%arg7 : memref<400xi32, #tpu.memory_space<vmem>>) target_semaphore(%run_scoped3A : memref<!tpu.dma_semaphore, #tpu.memory_space<semaphore_mem>>)
        %dma_wait3A_34 = tpu.memref_slice %arg4[%add3A_13] : memref<320000xi32, #tpu.memory_space<hbm>> -> memref<400xi32, #tpu.memory_space<hbm>>
        %dma_wait3A_35 = tpu.memref_slice %arg4[%add3A_13] : memref<320000xi32, #tpu.memory_space<hbm>> -> memref<400xi32, #tpu.memory_space<hbm>>
        tpu.wait_dma2 semaphore(%run_scoped3A : memref<!tpu.dma_semaphore, #tpu.memory_space<semaphore_mem>>) src(%dma_wait3A_35 : memref<400xi32, #tpu.memory_space<hbm>>) dst(%arg7 : memref<400xi32, #tpu.memory_space<vmem>>)
        tpu.yield
      }) : () -> ()
      %dma_start3A = arith.constant 0 : i32
      %dma_start3A_14 = arith.constant 0 : i32
      %dma_start3A_15 = tpu.memref_slice %arg2[%dma_start3A, %dma_start3A_14] : memref<10000x128xf32, #tpu.memory_space<hbm>> -> memref<10000x128xf32, #tpu.memory_space<hbm>>
      tpu.enqueue_indirect_dma source(%dma_start3A_15 : memref<10000x128xf32, #tpu.memory_space<hbm>>) target(%arg8 : memref<400x128xf32, #tpu.memory_space<vmem>>) offsets(%arg6 : memref<400xi32, #tpu.memory_space<vmem>>) semaphore(%arg10 : memref<!tpu.dma_semaphore, #tpu.memory_space<semaphore_mem>>)
      %dma_start3A_16 = arith.constant 0 : i32
      %dma_start3A_17 = arith.constant 0 : i32
      %dma_start3A_18 = tpu.memref_slice %arg2[%dma_start3A_16, %dma_start3A_17] : memref<10000x128xf32, #tpu.memory_space<hbm>> -> memref<10000x128xf32, #tpu.memory_space<hbm>>
      tpu.enqueue_indirect_dma source(%dma_start3A_18 : memref<10000x128xf32, #tpu.memory_space<hbm>>) target(%arg9 : memref<400x128xf32, #tpu.memory_space<vmem>>) offsets(%arg7 : memref<400xi32, #tpu.memory_space<vmem>>) semaphore(%arg11 : memref<!tpu.dma_semaphore, #tpu.memory_space<semaphore_mem>>)
      %dma_wait3A = arith.constant 0 : i32
      %dma_wait3A_19 = arith.constant 0 : i32
      %dma_wait3A_20 = tpu.memref_slice %arg2[%dma_wait3A, %dma_wait3A_19] : memref<10000x128xf32, #tpu.memory_space<hbm>> -> memref<10000x128xf32, #tpu.memory_space<hbm>>
      tpu.wait_indirect_dma semaphore(%arg10 : memref<!tpu.dma_semaphore, #tpu.memory_space<semaphore_mem>>) src(%dma_wait3A_20 : memref<10000x128xf32, #tpu.memory_space<hbm>>) dst(%arg8 : memref<400x128xf32, #tpu.memory_space<vmem>>)
      %dma_wait3A_21 = arith.constant 0 : i32
      %dma_wait3A_22 = arith.constant 0 : i32
      %dma_wait3A_23 = tpu.memref_slice %arg2[%dma_wait3A_21, %dma_wait3A_22] : memref<10000x128xf32, #tpu.memory_space<hbm>> -> memref<10000x128xf32, #tpu.memory_space<hbm>>
      tpu.wait_indirect_dma semaphore(%arg11 : memref<!tpu.dma_semaphore, #tpu.memory_space<semaphore_mem>>) src(%dma_wait3A_23 : memref<10000x128xf32, #tpu.memory_space<hbm>>) dst(%arg9 : memref<400x128xf32, #tpu.memory_space<vmem>>)
      %scan3A_24 = arith.constant 0 : i32
      %scan3A_25 = arith.constant 0 : i32
      %scan3A_26 = arith.constant 400 : i32
      %scan3A_27 = arith.addi %scan3A_25, %scan3A_26 : i32
      %scan3A_28 = arith.constant 1 : i32
      %scan3A_29 = scf.for %scan3A_32 = %scan3A_25 to %scan3A_27 step %scan3A_28 iter_args(%scan3A_33 = %scan3A_24) -> (i32)  : i32 {
        %get3A = arith.index_cast %scan3A_32 : i32 to index
        %get3A_34 = arith.constant 0 : index
        %get3A_35 = tpu.vector_load %arg8[%get3A, %get3A_34] {strides = array<i32>} : memref<400x128xf32, #tpu.memory_space<vmem>>, vector<1x16xf32>,
        %get3A_36 = vector.shape_cast %get3A_35 : vector<1x16xf32> to vector<16xf32>
        %get3A_37 = arith.index_cast %scan3A_32 : i32 to index
        %get3A_38 = arith.constant 64 : index
        %get3A_39 = tpu.vector_load %arg9[%get3A_37, %get3A_38] {strides = array<i32>} : memref<400x128xf32, #tpu.memory_space<vmem>>, vector<1x16xf32>,
        %get3A_40 = vector.shape_cast %get3A_39 : vector<1x16xf32> to vector<16xf32>
        %add3A_41 = arith.addf %get3A_36, %get3A_40 : vector<16xf32>
        %swap3A = arith.index_cast %scan3A_32 : i32 to index
        %swap3A_42 = arith.constant 0 : index
        %swap3A_43 = tpu.vector_load %arg8[%swap3A, %swap3A_42] {strides = array<i32>} : memref<400x128xf32, #tpu.memory_space<vmem>>, vector<1x16xf32>,
        %swap3A_44 = vector.shape_cast %swap3A_43 : vector<1x16xf32> to vector<16xf32>
        %swap3A_45 = vector.shape_cast %add3A_41 : vector<16xf32> to vector<1x16xf32>
        tpu.vector_store %arg8[%swap3A, %swap3A_42], %swap3A_45 {strides = array<i32>} : memref<400x128xf32, #tpu.memory_space<vmem>>, vector<1x16xf32>,
        %get3A_46 = arith.index_cast %scan3A_32 : i32 to index
        %get3A_47 = arith.constant 16 : index
        %get3A_48 = tpu.vector_load %arg8[%get3A_46, %get3A_47] {strides = array<i32>} : memref<400x128xf32, #tpu.memory_space<vmem>>, vector<1x16xf32>,
        %get3A_49 = vector.shape_cast %get3A_48 : vector<1x16xf32> to vector<16xf32>
        %get3A_50 = arith.index_cast %scan3A_32 : i32 to index
        %get3A_51 = arith.constant 80 : index
        %get3A_52 = tpu.vector_load %arg9[%get3A_50, %get3A_51] {strides = array<i32>} : memref<400x128xf32, #tpu.memory_space<vmem>>, vector<1x16xf32>,
        %get3A_53 = vector.shape_cast %get3A_52 : vector<1x16xf32> to vector<16xf32>
        %add3A_54 = arith.addf %get3A_49, %get3A_53 : vector<16xf32>
        %swap3A_55 = arith.index_cast %scan3A_32 : i32 to index
        %swap3A_56 = arith.constant 16 : index
        %swap3A_57 = tpu.vector_load %arg8[%swap3A_55, %swap3A_56] {strides = array<i32>} : memref<400x128xf32, #tpu.memory_space<vmem>>, vector<1x16xf32>,
        %swap3A_58 = vector.shape_cast %swap3A_57 : vector<1x16xf32> to vector<16xf32>
        %swap3A_59 = vector.shape_cast %add3A_54 : vector<16xf32> to vector<1x16xf32>
        tpu.vector_store %arg8[%swap3A_55, %swap3A_56], %swap3A_59 {strides = array<i32>} : memref<400x128xf32, #tpu.memory_space<vmem>>, vector<1x16xf32>,
        %get3A_60 = arith.index_cast %scan3A_32 : i32 to index
        %get3A_61 = arith.constant 32 : index
        %get3A_62 = tpu.vector_load %arg8[%get3A_60, %get3A_61] {strides = array<i32>} : memref<400x128xf32, #tpu.memory_space<vmem>>, vector<1x16xf32>,
        %get3A_63 = vector.shape_cast %get3A_62 : vector<1x16xf32> to vector<16xf32>
        %get3A_64 = arith.index_cast %scan3A_32 : i32 to index
        %get3A_65 = arith.constant 96 : index
        %get3A_66 = tpu.vector_load %arg9[%get3A_64, %get3A_65] {strides = array<i32>} : memref<400x128xf32, #tpu.memory_space<vmem>>, vector<1x16xf32>,
        %get3A_67 = vector.shape_cast %get3A_66 : vector<1x16xf32> to vector<16xf32>
        %add3A_68 = arith.addf %get3A_63, %get3A_67 : vector<16xf32>
        %swap3A_69 = arith.index_cast %scan3A_32 : i32 to index
        %swap3A_70 = arith.constant 32 : index
        %swap3A_71 = tpu.vector_load %arg8[%swap3A_69, %swap3A_70] {strides = array<i32>} : memref<400x128xf32, #tpu.memory_space<vmem>>, vector<1x16xf32>,
        %swap3A_72 = vector.shape_cast %swap3A_71 : vector<1x16xf32> to vector<16xf32>
        %swap3A_73 = vector.shape_cast %add3A_68 : vector<16xf32> to vector<1x16xf32>
        tpu.vector_store %arg8[%swap3A_69, %swap3A_70], %swap3A_73 {strides = array<i32>} : memref<400x128xf32, #tpu.memory_space<vmem>>, vector<1x16xf32>,
        %get3A_74 = arith.index_cast %scan3A_32 : i32 to index
        %get3A_75 = arith.constant 48 : index
        %get3A_76 = tpu.vector_load %arg8[%get3A_74, %get3A_75] {strides = array<i32>} : memref<400x128xf32, #tpu.memory_space<vmem>>, vector<1x16xf32>,
        %get3A_77 = vector.shape_cast %get3A_76 : vector<1x16xf32> to vector<16xf32>
        %get3A_78 = arith.index_cast %scan3A_32 : i32 to index
        %get3A_79 = arith.constant 112 : index
        %get3A_80 = tpu.vector_load %arg9[%get3A_78, %get3A_79] {strides = array<i32>} : memref<400x128xf32, #tpu.memory_space<vmem>>, vector<1x16xf32>,
        %get3A_81 = vector.shape_cast %get3A_80 : vector<1x16xf32> to vector<16xf32>
        %add3A_82 = arith.addf %get3A_77, %get3A_81 : vector<16xf32>
        %swap3A_83 = arith.index_cast %scan3A_32 : i32 to index
        %swap3A_84 = arith.constant 48 : index
        %swap3A_85 = tpu.vector_load %arg8[%swap3A_83, %swap3A_84] {strides = array<i32>} : memref<400x128xf32, #tpu.memory_space<vmem>>, vector<1x16xf32>,
        %swap3A_86 = vector.shape_cast %swap3A_85 : vector<1x16xf32> to vector<16xf32>
        %swap3A_87 = vector.shape_cast %add3A_82 : vector<16xf32> to vector<1x16xf32>
        tpu.vector_store %arg8[%swap3A_83, %swap3A_84], %swap3A_87 {strides = array<i32>} : memref<400x128xf32, #tpu.memory_space<vmem>>, vector<1x16xf32>,
        %scan3A_88 = arith.constant 0 : i32
        scf.yield %scan3A_88 : i32
      }
      %scan3A_30 = arith.constant 400 : i32
      "tpu.region"() ({
        %run_scoped3A = tpu.sem_alloc : memref<!tpu.dma_semaphore, #tpu.memory_space<semaphore_mem>>
        %dma_start3A_32 = arith.constant 0 : i32
        %dma_start3A_33 = tpu.memref_slice %arg5[%add3A_13, %dma_start3A_32] : memref<320000x128xf32, #tpu.memory_space<hbm>> -> memref<400x128xf32, #tpu.memory_space<hbm>>
        %dma_start3A_34 = arith.constant 0 : i32
        %dma_start3A_35 = tpu.memref_slice %arg5[%add3A_13, %dma_start3A_34] : memref<320000x128xf32, #tpu.memory_space<hbm>> -> memref<400x128xf32, #tpu.memory_space<hbm>>
        tpu.enqueue_dma source(%arg8 : memref<400x128xf32, #tpu.memory_space<vmem>>) target(%dma_start3A_35 : memref<400x128xf32, #tpu.memory_space<hbm>>) target_semaphore(%run_scoped3A : memref<!tpu.dma_semaphore, #tpu.memory_space<semaphore_mem>>)
        %dma_wait3A_36 = arith.constant 0 : i32
        %dma_wait3A_37 = tpu.memref_slice %arg5[%add3A_13, %dma_wait3A_36] : memref<320000x128xf32, #tpu.memory_space<hbm>> -> memref<400x128xf32, #tpu.memory_space<hbm>>
        %dma_wait3A_38 = arith.constant 0 : i32
        %dma_wait3A_39 = tpu.memref_slice %arg5[%add3A_13, %dma_wait3A_38] : memref<320000x128xf32, #tpu.memory_space<hbm>> -> memref<400x128xf32, #tpu.memory_space<hbm>>
        tpu.wait_dma2 semaphore(%run_scoped3A : memref<!tpu.dma_semaphore, #tpu.memory_space<semaphore_mem>>) src(%arg8 : memref<400x128xf32, #tpu.memory_space<vmem>>) dst(%dma_wait3A_39 : memref<400x128xf32, #tpu.memory_space<hbm>>)
        tpu.yield
      }) : () -> ()
      %scan3A_31 = arith.constant 0 : i32
      scf.yield %scan3A_31 : i32
    }
    %scan3A_8 = arith.constant 25 : i32
    return
  }
}

#map = affine_map<(d0, d1) -> (0)>
#map1 = affine_map<(d0, d1) -> (0, 0)>
#map2 = affine_map<(d0, d1) -> (0, 0, 0)>
module attributes {stable_mosaic.version = 14 : i64} {
  func.func @k(%arg0: i32, %arg1: i32, %arg2: memref<320000xi32, #tpu.memory_space<hbm>>, %arg3: memref<320000xi32, #tpu.memory_space<hbm>>, %arg4: memref<10000x128xf32, #tpu.memory_space<hbm>>, %arg5: memref<2x10000x128xf32, #tpu.memory_space<hbm>>, %arg6: memref<80xi32, #tpu.memory_space<vmem>>, %arg7: memref<80x128xf32, #tpu.memory_space<vmem>>, %arg8: memref<80x128xf32, #tpu.memory_space<vmem>>, %arg9: memref<10000x128xf32, #tpu.memory_space<vmem_shared>>) attributes {dimension_semantics = [#tpu.dimension_semantics<core_parallel>, #tpu.dimension_semantics<subcore_parallel>], iteration_bounds = array<i64: 2, 16>, scalar_prefetch = 0 : i64, scratch_operands = 4 : i64, tpu.core_type = #tpu.core_type<sc_vector_subcore>, window_params = [{transform_indices = #map}, {transform_indices = #map}, {transform_indices = #map1}, {transform_indices = #map2}]} {
    %iota3A = tpu.iota {dimensions = array<i32: 0>} : vector<16xi32>
    %eq3A = arith.constant 0 : i32
    %eq3A_0 = vector.broadcast %eq3A : i32 to vector<16xi32>
    %eq3A_1 = arith.cmpi eq, %iota3A, %eq3A_0 : vector<16xi32>
    %jit3A = arith.constant 1.000000e+00 : f32
    %jit3A_2 = arith.constant 0.000000e+00 : f32
    %broadcast_in_dim3A = vector.broadcast %jit3A : f32 to vector<16xf32>
    %broadcast_in_dim3A_3 = vector.broadcast %jit3A_2 : f32 to vector<16xf32>
    %select_n3A = arith.select %eq3A_1, %broadcast_in_dim3A, %broadcast_in_dim3A_3 : vector<16xi1>, vector<16xf32>
    %eq3A_4 = arith.constant 1 : i32
    %eq3A_5 = vector.broadcast %eq3A_4 : i32 to vector<16xi32>
    %eq3A_6 = arith.cmpi eq, %iota3A, %eq3A_5 : vector<16xi32>
    %jit3A_7 = arith.constant 1.000000e+00 : f32
    %jit3A_8 = arith.constant 0.000000e+00 : f32
    %broadcast_in_dim3A_9 = vector.broadcast %jit3A_7 : f32 to vector<16xf32>
    %broadcast_in_dim3A_10 = vector.broadcast %jit3A_8 : f32 to vector<16xf32>
    %select_n3A_11 = arith.select %eq3A_6, %broadcast_in_dim3A_9, %broadcast_in_dim3A_10 : vector<16xi1>, vector<16xf32>
    %broadcast_in_dim3A_12 = arith.constant 0.000000e+00 : f32
    %broadcast_in_dim3A_13 = vector.broadcast %broadcast_in_dim3A_12 : f32 to vector<16xf32>
    %scan3A = arith.constant 0 : i32
    %scan3A_14 = arith.constant 0 : i32
    %scan3A_15 = arith.constant 80 : i32
    %scan3A_16 = arith.addi %scan3A_14, %scan3A_15 : i32
    %scan3A_17 = arith.constant 1 : i32
    %scan3A_18 = scf.for %scan3A_48 = %scan3A_14 to %scan3A_16 step %scan3A_17 iter_args(%scan3A_49 = %scan3A) -> (i32)  : i32 {
      %swap3A = arith.index_cast %scan3A_48 : i32 to index
      %swap3A_50 = arith.constant 0 : index
      %swap3A_51 = tpu.vector_load %arg7[%swap3A, %swap3A_50] {strides = array<i32>} : memref<80x128xf32, #tpu.memory_space<vmem>>, vector<1x16xf32>,
      %swap3A_52 = vector.shape_cast %swap3A_51 : vector<1x16xf32> to vector<16xf32>
      %swap3A_53 = vector.shape_cast %select_n3A : vector<16xf32> to vector<1x16xf32>
      tpu.vector_store %arg7[%swap3A, %swap3A_50], %swap3A_53 {strides = array<i32>} : memref<80x128xf32, #tpu.memory_space<vmem>>, vector<1x16xf32>,
      %swap3A_54 = arith.index_cast %scan3A_48 : i32 to index
      %swap3A_55 = arith.constant 0 : index
      %swap3A_56 = tpu.vector_load %arg8[%swap3A_54, %swap3A_55] {strides = array<i32>} : memref<80x128xf32, #tpu.memory_space<vmem>>, vector<1x16xf32>,
      %swap3A_57 = vector.shape_cast %swap3A_56 : vector<1x16xf32> to vector<16xf32>
      %swap3A_58 = vector.shape_cast %select_n3A_11 : vector<16xf32> to vector<1x16xf32>
      tpu.vector_store %arg8[%swap3A_54, %swap3A_55], %swap3A_58 {strides = array<i32>} : memref<80x128xf32, #tpu.memory_space<vmem>>, vector<1x16xf32>,
      %swap3A_59 = arith.index_cast %scan3A_48 : i32 to index
      %swap3A_60 = arith.constant 16 : index
      %swap3A_61 = tpu.vector_load %arg7[%swap3A_59, %swap3A_60] {strides = array<i32>} : memref<80x128xf32, #tpu.memory_space<vmem>>, vector<1x16xf32>,
      %swap3A_62 = vector.shape_cast %swap3A_61 : vector<1x16xf32> to vector<16xf32>
      %swap3A_63 = vector.shape_cast %broadcast_in_dim3A_13 : vector<16xf32> to vector<1x16xf32>
      tpu.vector_store %arg7[%swap3A_59, %swap3A_60], %swap3A_63 {strides = array<i32>} : memref<80x128xf32, #tpu.memory_space<vmem>>, vector<1x16xf32>,
      %swap3A_64 = arith.index_cast %scan3A_48 : i32 to index
      %swap3A_65 = arith.constant 16 : index
      %swap3A_66 = tpu.vector_load %arg8[%swap3A_64, %swap3A_65] {strides = array<i32>} : memref<80x128xf32, #tpu.memory_space<vmem>>, vector<1x16xf32>,
      %swap3A_67 = vector.shape_cast %swap3A_66 : vector<1x16xf32> to vector<16xf32>
      %swap3A_68 = vector.shape_cast %broadcast_in_dim3A_13 : vector<16xf32> to vector<1x16xf32>
      tpu.vector_store %arg8[%swap3A_64, %swap3A_65], %swap3A_68 {strides = array<i32>} : memref<80x128xf32, #tpu.memory_space<vmem>>, vector<1x16xf32>,
      %swap3A_69 = arith.index_cast %scan3A_48 : i32 to index
      %swap3A_70 = arith.constant 32 : index
      %swap3A_71 = tpu.vector_load %arg7[%swap3A_69, %swap3A_70] {strides = array<i32>} : memref<80x128xf32, #tpu.memory_space<vmem>>, vector<1x16xf32>,
      %swap3A_72 = vector.shape_cast %swap3A_71 : vector<1x16xf32> to vector<16xf32>
      %swap3A_73 = vector.shape_cast %broadcast_in_dim3A_13 : vector<16xf32> to vector<1x16xf32>
      tpu.vector_store %arg7[%swap3A_69, %swap3A_70], %swap3A_73 {strides = array<i32>} : memref<80x128xf32, #tpu.memory_space<vmem>>, vector<1x16xf32>,
      %swap3A_74 = arith.index_cast %scan3A_48 : i32 to index
      %swap3A_75 = arith.constant 32 : index
      %swap3A_76 = tpu.vector_load %arg8[%swap3A_74, %swap3A_75] {strides = array<i32>} : memref<80x128xf32, #tpu.memory_space<vmem>>, vector<1x16xf32>,
      %swap3A_77 = vector.shape_cast %swap3A_76 : vector<1x16xf32> to vector<16xf32>
      %swap3A_78 = vector.shape_cast %broadcast_in_dim3A_13 : vector<16xf32> to vector<1x16xf32>
      tpu.vector_store %arg8[%swap3A_74, %swap3A_75], %swap3A_78 {strides = array<i32>} : memref<80x128xf32, #tpu.memory_space<vmem>>, vector<1x16xf32>,
      %swap3A_79 = arith.index_cast %scan3A_48 : i32 to index
      %swap3A_80 = arith.constant 48 : index
      %swap3A_81 = tpu.vector_load %arg7[%swap3A_79, %swap3A_80] {strides = array<i32>} : memref<80x128xf32, #tpu.memory_space<vmem>>, vector<1x16xf32>,
      %swap3A_82 = vector.shape_cast %swap3A_81 : vector<1x16xf32> to vector<16xf32>
      %swap3A_83 = vector.shape_cast %broadcast_in_dim3A_13 : vector<16xf32> to vector<1x16xf32>
      tpu.vector_store %arg7[%swap3A_79, %swap3A_80], %swap3A_83 {strides = array<i32>} : memref<80x128xf32, #tpu.memory_space<vmem>>, vector<1x16xf32>,
      %swap3A_84 = arith.index_cast %scan3A_48 : i32 to index
      %swap3A_85 = arith.constant 48 : index
      %swap3A_86 = tpu.vector_load %arg8[%swap3A_84, %swap3A_85] {strides = array<i32>} : memref<80x128xf32, #tpu.memory_space<vmem>>, vector<1x16xf32>,
      %swap3A_87 = vector.shape_cast %swap3A_86 : vector<1x16xf32> to vector<16xf32>
      %swap3A_88 = vector.shape_cast %broadcast_in_dim3A_13 : vector<16xf32> to vector<1x16xf32>
      tpu.vector_store %arg8[%swap3A_84, %swap3A_85], %swap3A_88 {strides = array<i32>} : memref<80x128xf32, #tpu.memory_space<vmem>>, vector<1x16xf32>,
      %swap3A_89 = arith.index_cast %scan3A_48 : i32 to index
      %swap3A_90 = arith.constant 64 : index
      %swap3A_91 = tpu.vector_load %arg7[%swap3A_89, %swap3A_90] {strides = array<i32>} : memref<80x128xf32, #tpu.memory_space<vmem>>, vector<1x16xf32>,
      %swap3A_92 = vector.shape_cast %swap3A_91 : vector<1x16xf32> to vector<16xf32>
      %swap3A_93 = vector.shape_cast %broadcast_in_dim3A_13 : vector<16xf32> to vector<1x16xf32>
      tpu.vector_store %arg7[%swap3A_89, %swap3A_90], %swap3A_93 {strides = array<i32>} : memref<80x128xf32, #tpu.memory_space<vmem>>, vector<1x16xf32>,
      %swap3A_94 = arith.index_cast %scan3A_48 : i32 to index
      %swap3A_95 = arith.constant 64 : index
      %swap3A_96 = tpu.vector_load %arg8[%swap3A_94, %swap3A_95] {strides = array<i32>} : memref<80x128xf32, #tpu.memory_space<vmem>>, vector<1x16xf32>,
      %swap3A_97 = vector.shape_cast %swap3A_96 : vector<1x16xf32> to vector<16xf32>
      %swap3A_98 = vector.shape_cast %broadcast_in_dim3A_13 : vector<16xf32> to vector<1x16xf32>
      tpu.vector_store %arg8[%swap3A_94, %swap3A_95], %swap3A_98 {strides = array<i32>} : memref<80x128xf32, #tpu.memory_space<vmem>>, vector<1x16xf32>,
      %swap3A_99 = arith.index_cast %scan3A_48 : i32 to index
      %swap3A_100 = arith.constant 80 : index
      %swap3A_101 = tpu.vector_load %arg7[%swap3A_99, %swap3A_100] {strides = array<i32>} : memref<80x128xf32, #tpu.memory_space<vmem>>, vector<1x16xf32>,
      %swap3A_102 = vector.shape_cast %swap3A_101 : vector<1x16xf32> to vector<16xf32>
      %swap3A_103 = vector.shape_cast %broadcast_in_dim3A_13 : vector<16xf32> to vector<1x16xf32>
      tpu.vector_store %arg7[%swap3A_99, %swap3A_100], %swap3A_103 {strides = array<i32>} : memref<80x128xf32, #tpu.memory_space<vmem>>, vector<1x16xf32>,
      %swap3A_104 = arith.index_cast %scan3A_48 : i32 to index
      %swap3A_105 = arith.constant 80 : index
      %swap3A_106 = tpu.vector_load %arg8[%swap3A_104, %swap3A_105] {strides = array<i32>} : memref<80x128xf32, #tpu.memory_space<vmem>>, vector<1x16xf32>,
      %swap3A_107 = vector.shape_cast %swap3A_106 : vector<1x16xf32> to vector<16xf32>
      %swap3A_108 = vector.shape_cast %broadcast_in_dim3A_13 : vector<16xf32> to vector<1x16xf32>
      tpu.vector_store %arg8[%swap3A_104, %swap3A_105], %swap3A_108 {strides = array<i32>} : memref<80x128xf32, #tpu.memory_space<vmem>>, vector<1x16xf32>,
      %swap3A_109 = arith.index_cast %scan3A_48 : i32 to index
      %swap3A_110 = arith.constant 96 : index
      %swap3A_111 = tpu.vector_load %arg7[%swap3A_109, %swap3A_110] {strides = array<i32>} : memref<80x128xf32, #tpu.memory_space<vmem>>, vector<1x16xf32>,
      %swap3A_112 = vector.shape_cast %swap3A_111 : vector<1x16xf32> to vector<16xf32>
      %swap3A_113 = vector.shape_cast %broadcast_in_dim3A_13 : vector<16xf32> to vector<1x16xf32>
      tpu.vector_store %arg7[%swap3A_109, %swap3A_110], %swap3A_113 {strides = array<i32>} : memref<80x128xf32, #tpu.memory_space<vmem>>, vector<1x16xf32>,
      %swap3A_114 = arith.index_cast %scan3A_48 : i32 to index
      %swap3A_115 = arith.constant 96 : index
      %swap3A_116 = tpu.vector_load %arg8[%swap3A_114, %swap3A_115] {strides = array<i32>} : memref<80x128xf32, #tpu.memory_space<vmem>>, vector<1x16xf32>,
      %swap3A_117 = vector.shape_cast %swap3A_116 : vector<1x16xf32> to vector<16xf32>
      %swap3A_118 = vector.shape_cast %broadcast_in_dim3A_13 : vector<16xf32> to vector<1x16xf32>
      tpu.vector_store %arg8[%swap3A_114, %swap3A_115], %swap3A_118 {strides = array<i32>} : memref<80x128xf32, #tpu.memory_space<vmem>>, vector<1x16xf32>,
      %swap3A_119 = arith.index_cast %scan3A_48 : i32 to index
      %swap3A_120 = arith.constant 112 : index
      %swap3A_121 = tpu.vector_load %arg7[%swap3A_119, %swap3A_120] {strides = array<i32>} : memref<80x128xf32, #tpu.memory_space<vmem>>, vector<1x16xf32>,
      %swap3A_122 = vector.shape_cast %swap3A_121 : vector<1x16xf32> to vector<16xf32>
      %swap3A_123 = vector.shape_cast %broadcast_in_dim3A_13 : vector<16xf32> to vector<1x16xf32>
      tpu.vector_store %arg7[%swap3A_119, %swap3A_120], %swap3A_123 {strides = array<i32>} : memref<80x128xf32, #tpu.memory_space<vmem>>, vector<1x16xf32>,
      %swap3A_124 = arith.index_cast %scan3A_48 : i32 to index
      %swap3A_125 = arith.constant 112 : index
      %swap3A_126 = tpu.vector_load %arg8[%swap3A_124, %swap3A_125] {strides = array<i32>} : memref<80x128xf32, #tpu.memory_space<vmem>>, vector<1x16xf32>,
      %swap3A_127 = vector.shape_cast %swap3A_126 : vector<1x16xf32> to vector<16xf32>
      %swap3A_128 = vector.shape_cast %broadcast_in_dim3A_13 : vector<16xf32> to vector<1x16xf32>
      tpu.vector_store %arg8[%swap3A_124, %swap3A_125], %swap3A_128 {strides = array<i32>} : memref<80x128xf32, #tpu.memory_space<vmem>>, vector<1x16xf32>,
      %scan3A_129 = arith.constant 0 : i32
      scf.yield %scan3A_129 : i32
    }
    %scan3A_19 = arith.constant 80 : i32
    %lt3A = arith.constant 15 : i32
    %lt3A_20 = arith.cmpi slt, %arg1, %lt3A : i32
    %convert_element_type3A = arith.extui %lt3A_20 : i1 to i32
    %cond3A = arith.constant 0 : i32
    %cond3A_21 = arith.cmpi ne, %convert_element_type3A, %cond3A : i32
    scf.if %cond3A_21 {
      %mul3A_48 = arith.constant 640 : i32
      %mul3A_49 = arith.muli %arg1, %mul3A_48 : i32
      %mul3A_50 = arith.constant 640 : i32
      %mul3A_51 = arith.muli %arg1, %mul3A_50 : i32
      "tpu.region"() ({
        %run_scoped3A = tpu.sem_alloc : memref<!tpu.dma_semaphore, #tpu.memory_space<semaphore_mem>>
        %dma_start3A = arith.constant 0 : i32
        %dma_start3A_52 = tpu.memref_slice %arg9[%mul3A_51, %dma_start3A] : memref<10000x128xf32, #tpu.memory_space<vmem_shared>> -> memref<640x128xf32, #tpu.memory_space<vmem_shared>>
        %dma_start3A_53 = arith.constant 0 : i32
        %dma_start3A_54 = tpu.memref_slice %arg4[%mul3A_49, %dma_start3A_53] : memref<10000x128xf32, #tpu.memory_space<hbm>> -> memref<640x128xf32, #tpu.memory_space<hbm>>
        tpu.enqueue_dma source(%dma_start3A_54 : memref<640x128xf32, #tpu.memory_space<hbm>>) target(%dma_start3A_52 : memref<640x128xf32, #tpu.memory_space<vmem_shared>>) target_semaphore(%run_scoped3A : memref<!tpu.dma_semaphore, #tpu.memory_space<semaphore_mem>>)
        %dma_wait3A = arith.constant 0 : i32
        %dma_wait3A_55 = tpu.memref_slice %arg9[%mul3A_51, %dma_wait3A] : memref<10000x128xf32, #tpu.memory_space<vmem_shared>> -> memref<640x128xf32, #tpu.memory_space<vmem_shared>>
        %dma_wait3A_56 = arith.constant 0 : i32
        %dma_wait3A_57 = tpu.memref_slice %arg4[%mul3A_49, %dma_wait3A_56] : memref<10000x128xf32, #tpu.memory_space<hbm>> -> memref<640x128xf32, #tpu.memory_space<hbm>>
        tpu.wait_dma2 semaphore(%run_scoped3A : memref<!tpu.dma_semaphore, #tpu.memory_space<semaphore_mem>>) src(%dma_wait3A_57 : memref<640x128xf32, #tpu.memory_space<hbm>>) dst(%dma_wait3A_55 : memref<640x128xf32, #tpu.memory_space<vmem_shared>>)
        tpu.yield
      }) : () -> ()
    } else {
    }
    %eq3A_22 = arith.constant 15 : i32
    %eq3A_23 = arith.cmpi eq, %arg1, %eq3A_22 : i32
    %convert_element_type3A_24 = arith.extui %eq3A_23 : i1 to i32
    %cond3A_25 = arith.constant 0 : i32
    %cond3A_26 = arith.cmpi ne, %convert_element_type3A_24, %cond3A_25 : i32
    scf.if %cond3A_26 {
      "tpu.region"() ({
        %run_scoped3A = tpu.sem_alloc : memref<!tpu.dma_semaphore, #tpu.memory_space<semaphore_mem>>
        %dma_start3A = arith.constant 9600 : i32
        %dma_start3A_48 = arith.constant 0 : i32
        %dma_start3A_49 = tpu.memref_slice %arg9[%dma_start3A, %dma_start3A_48] : memref<10000x128xf32, #tpu.memory_space<vmem_shared>> -> memref<400x128xf32, #tpu.memory_space<vmem_shared>>
        %dma_start3A_50 = arith.constant 9600 : i32
        %dma_start3A_51 = arith.constant 0 : i32
        %dma_start3A_52 = tpu.memref_slice %arg4[%dma_start3A_50, %dma_start3A_51] : memref<10000x128xf32, #tpu.memory_space<hbm>> -> memref<400x128xf32, #tpu.memory_space<hbm>>
        tpu.enqueue_dma source(%dma_start3A_52 : memref<400x128xf32, #tpu.memory_space<hbm>>) target(%dma_start3A_49 : memref<400x128xf32, #tpu.memory_space<vmem_shared>>) target_semaphore(%run_scoped3A : memref<!tpu.dma_semaphore, #tpu.memory_space<semaphore_mem>>)
        %dma_wait3A = arith.constant 9600 : i32
        %dma_wait3A_53 = arith.constant 0 : i32
        %dma_wait3A_54 = tpu.memref_slice %arg9[%dma_wait3A, %dma_wait3A_53] : memref<10000x128xf32, #tpu.memory_space<vmem_shared>> -> memref<400x128xf32, #tpu.memory_space<vmem_shared>>
        %dma_wait3A_55 = arith.constant 9600 : i32
        %dma_wait3A_56 = arith.constant 0 : i32
        %dma_wait3A_57 = tpu.memref_slice %arg4[%dma_wait3A_55, %dma_wait3A_56] : memref<10000x128xf32, #tpu.memory_space<hbm>> -> memref<400x128xf32, #tpu.memory_space<hbm>>
        tpu.wait_dma2 semaphore(%run_scoped3A : memref<!tpu.dma_semaphore, #tpu.memory_space<semaphore_mem>>) src(%dma_wait3A_57 : memref<400x128xf32, #tpu.memory_space<hbm>>) dst(%dma_wait3A_54 : memref<400x128xf32, #tpu.memory_space<vmem_shared>>)
        tpu.yield
      }) : () -> ()
    } else {
    }
    %barrier3A = arith.constant 0 : index
    tpu.barrier barrier_id(%barrier3A)
    %mul3A = arith.constant 160000 : i32
    %mul3A_27 = arith.muli %arg0, %mul3A : i32
    %mul3A_28 = arith.constant 10000 : i32
    %mul3A_29 = arith.muli %arg1, %mul3A_28 : i32
    %add3A = arith.addi %mul3A_27, %mul3A_29 : i32
    %scan3A_30 = arith.constant 0 : i32
    %scan3A_31 = arith.constant 0 : i32
    %scan3A_32 = arith.constant 125 : i32
    %scan3A_33 = arith.addi %scan3A_31, %scan3A_32 : i32
    %scan3A_34 = arith.constant 1 : i32
    %scan3A_35 = scf.for %scan3A_48 = %scan3A_31 to %scan3A_33 step %scan3A_34 iter_args(%scan3A_49 = %scan3A_30) -> (i32)  : i32 {
      %mul3A_50 = arith.constant 80 : i32
      %mul3A_51 = arith.muli %scan3A_48, %mul3A_50 : i32
      %add3A_52 = arith.addi %add3A, %mul3A_51 : i32
      "tpu.region"() ({
        %run_scoped3A = tpu.sem_alloc : memref<!tpu.dma_semaphore, #tpu.memory_space<semaphore_mem>>
        %dma_start3A = tpu.memref_slice %arg2[%add3A_52] : memref<320000xi32, #tpu.memory_space<hbm>> -> memref<80xi32, #tpu.memory_space<hbm>>
        %dma_start3A_54 = tpu.memref_slice %arg2[%add3A_52] : memref<320000xi32, #tpu.memory_space<hbm>> -> memref<80xi32, #tpu.memory_space<hbm>>
        tpu.enqueue_dma source(%dma_start3A_54 : memref<80xi32, #tpu.memory_space<hbm>>) target(%arg6 : memref<80xi32, #tpu.memory_space<vmem>>) target_semaphore(%run_scoped3A : memref<!tpu.dma_semaphore, #tpu.memory_space<semaphore_mem>>)
        %dma_wait3A = tpu.memref_slice %arg2[%add3A_52] : memref<320000xi32, #tpu.memory_space<hbm>> -> memref<80xi32, #tpu.memory_space<hbm>>
        %dma_wait3A_55 = tpu.memref_slice %arg2[%add3A_52] : memref<320000xi32, #tpu.memory_space<hbm>> -> memref<80xi32, #tpu.memory_space<hbm>>
        tpu.wait_dma2 semaphore(%run_scoped3A : memref<!tpu.dma_semaphore, #tpu.memory_space<semaphore_mem>>) src(%dma_wait3A_55 : memref<80xi32, #tpu.memory_space<hbm>>) dst(%arg6 : memref<80xi32, #tpu.memory_space<vmem>>)
        tpu.yield
      }) : () -> ()
      "tpu.region"() ({
        %run_scoped3A = tpu.sem_alloc : memref<!tpu.dma_semaphore, #tpu.memory_space<semaphore_mem>>
        %dma_start3A = arith.constant 0 : i32
        %dma_start3A_54 = arith.constant 0 : i32
        %dma_start3A_55 = tpu.memref_slice %arg9[%dma_start3A, %dma_start3A_54] : memref<10000x128xf32, #tpu.memory_space<vmem_shared>> -> memref<10000x128xf32, #tpu.memory_space<vmem_shared>>
        tpu.enqueue_indirect_dma source(%arg7 : memref<80x128xf32, #tpu.memory_space<vmem>>) target(%dma_start3A_55 : memref<10000x128xf32, #tpu.memory_space<vmem_shared>>) offsets(%arg6 : memref<80xi32, #tpu.memory_space<vmem>>) semaphore(%run_scoped3A : memref<!tpu.dma_semaphore, #tpu.memory_space<semaphore_mem>>) {add = true}
        %dma_wait3A = arith.constant 0 : i32
        %dma_wait3A_56 = arith.constant 0 : i32
        %dma_wait3A_57 = tpu.memref_slice %arg9[%dma_wait3A, %dma_wait3A_56] : memref<10000x128xf32, #tpu.memory_space<vmem_shared>> -> memref<10000x128xf32, #tpu.memory_space<vmem_shared>>
        tpu.wait_indirect_dma semaphore(%run_scoped3A : memref<!tpu.dma_semaphore, #tpu.memory_space<semaphore_mem>>) src(%arg7 : memref<80x128xf32, #tpu.memory_space<vmem>>) dst(%dma_wait3A_57 : memref<10000x128xf32, #tpu.memory_space<vmem_shared>>)
        tpu.yield
      }) : () -> ()
      "tpu.region"() ({
        %run_scoped3A = tpu.sem_alloc : memref<!tpu.dma_semaphore, #tpu.memory_space<semaphore_mem>>
        %dma_start3A = tpu.memref_slice %arg3[%add3A_52] : memref<320000xi32, #tpu.memory_space<hbm>> -> memref<80xi32, #tpu.memory_space<hbm>>
        %dma_start3A_54 = tpu.memref_slice %arg3[%add3A_52] : memref<320000xi32, #tpu.memory_space<hbm>> -> memref<80xi32, #tpu.memory_space<hbm>>
        tpu.enqueue_dma source(%dma_start3A_54 : memref<80xi32, #tpu.memory_space<hbm>>) target(%arg6 : memref<80xi32, #tpu.memory_space<vmem>>) target_semaphore(%run_scoped3A : memref<!tpu.dma_semaphore, #tpu.memory_space<semaphore_mem>>)
        %dma_wait3A = tpu.memref_slice %arg3[%add3A_52] : memref<320000xi32, #tpu.memory_space<hbm>> -> memref<80xi32, #tpu.memory_space<hbm>>
        %dma_wait3A_55 = tpu.memref_slice %arg3[%add3A_52] : memref<320000xi32, #tpu.memory_space<hbm>> -> memref<80xi32, #tpu.memory_space<hbm>>
        tpu.wait_dma2 semaphore(%run_scoped3A : memref<!tpu.dma_semaphore, #tpu.memory_space<semaphore_mem>>) src(%dma_wait3A_55 : memref<80xi32, #tpu.memory_space<hbm>>) dst(%arg6 : memref<80xi32, #tpu.memory_space<vmem>>)
        tpu.yield
      }) : () -> ()
      "tpu.region"() ({
        %run_scoped3A = tpu.sem_alloc : memref<!tpu.dma_semaphore, #tpu.memory_space<semaphore_mem>>
        %dma_start3A = arith.constant 0 : i32
        %dma_start3A_54 = arith.constant 0 : i32
        %dma_start3A_55 = tpu.memref_slice %arg9[%dma_start3A, %dma_start3A_54] : memref<10000x128xf32, #tpu.memory_space<vmem_shared>> -> memref<10000x128xf32, #tpu.memory_space<vmem_shared>>
        tpu.enqueue_indirect_dma source(%arg8 : memref<80x128xf32, #tpu.memory_space<vmem>>) target(%dma_start3A_55 : memref<10000x128xf32, #tpu.memory_space<vmem_shared>>) offsets(%arg6 : memref<80xi32, #tpu.memory_space<vmem>>) semaphore(%run_scoped3A : memref<!tpu.dma_semaphore, #tpu.memory_space<semaphore_mem>>) {add = true}
        %dma_wait3A = arith.constant 0 : i32
        %dma_wait3A_56 = arith.constant 0 : i32
        %dma_wait3A_57 = tpu.memref_slice %arg9[%dma_wait3A, %dma_wait3A_56] : memref<10000x128xf32, #tpu.memory_space<vmem_shared>> -> memref<10000x128xf32, #tpu.memory_space<vmem_shared>>
        tpu.wait_indirect_dma semaphore(%run_scoped3A : memref<!tpu.dma_semaphore, #tpu.memory_space<semaphore_mem>>) src(%arg8 : memref<80x128xf32, #tpu.memory_space<vmem>>) dst(%dma_wait3A_57 : memref<10000x128xf32, #tpu.memory_space<vmem_shared>>)
        tpu.yield
      }) : () -> ()
      %scan3A_53 = arith.constant 0 : i32
      scf.yield %scan3A_53 : i32
    }
    %scan3A_36 = arith.constant 125 : i32
    %barrier3A_37 = arith.constant 0 : index
    tpu.barrier barrier_id(%barrier3A_37)
    %lt3A_38 = arith.constant 15 : i32
    %lt3A_39 = arith.cmpi slt, %arg1, %lt3A_38 : i32
    %convert_element_type3A_40 = arith.extui %lt3A_39 : i1 to i32
    %cond3A_41 = arith.constant 0 : i32
    %cond3A_42 = arith.cmpi ne, %convert_element_type3A_40, %cond3A_41 : i32
    scf.if %cond3A_42 {
      %mul3A_48 = arith.constant 640 : i32
      %mul3A_49 = arith.muli %arg1, %mul3A_48 : i32
      %mul3A_50 = arith.constant 640 : i32
      %mul3A_51 = arith.muli %arg1, %mul3A_50 : i32
      "tpu.region"() ({
        %run_scoped3A = tpu.sem_alloc : memref<!tpu.dma_semaphore, #tpu.memory_space<semaphore_mem>>
        %dma_start3A = arith.constant 0 : i32
        %dma_start3A_52 = arith.constant 0 : i32
        %dma_start3A_53 = tpu.memref_slice %arg5[%arg0, %dma_start3A, %dma_start3A_52] : memref<2x10000x128xf32, #tpu.memory_space<hbm>> -> memref<1x10000x128xf32, #tpu.memory_space<hbm>>
        %dma_start3A_54 = tpu.memref_squeeze %dma_start3A_53 : memref<1x10000x128xf32, #tpu.memory_space<hbm>> -> memref<10000x128xf32, #tpu.memory_space<hbm>>
        %dma_start3A_55 = arith.constant 0 : i32
        %dma_start3A_56 = tpu.memref_slice %dma_start3A_54[%mul3A_51, %dma_start3A_55] : memref<10000x128xf32, #tpu.memory_space<hbm>> -> memref<640x128xf32, #tpu.memory_space<hbm>>
        %dma_start3A_57 = arith.constant 0 : i32
        %dma_start3A_58 = tpu.memref_slice %arg9[%mul3A_49, %dma_start3A_57] : memref<10000x128xf32, #tpu.memory_space<vmem_shared>> -> memref<640x128xf32, #tpu.memory_space<vmem_shared>>
        tpu.enqueue_dma source(%dma_start3A_58 : memref<640x128xf32, #tpu.memory_space<vmem_shared>>) target(%dma_start3A_56 : memref<640x128xf32, #tpu.memory_space<hbm>>) target_semaphore(%run_scoped3A : memref<!tpu.dma_semaphore, #tpu.memory_space<semaphore_mem>>)
        %dma_wait3A = arith.constant 0 : i32
        %dma_wait3A_59 = arith.constant 0 : i32
        %dma_wait3A_60 = tpu.memref_slice %arg5[%arg0, %dma_wait3A, %dma_wait3A_59] : memref<2x10000x128xf32, #tpu.memory_space<hbm>> -> memref<1x10000x128xf32, #tpu.memory_space<hbm>>
        %dma_wait3A_61 = tpu.memref_squeeze %dma_wait3A_60 : memref<1x10000x128xf32, #tpu.memory_space<hbm>> -> memref<10000x128xf32, #tpu.memory_space<hbm>>
        %dma_wait3A_62 = arith.constant 0 : i32
        %dma_wait3A_63 = tpu.memref_slice %dma_wait3A_61[%mul3A_51, %dma_wait3A_62] : memref<10000x128xf32, #tpu.memory_space<hbm>> -> memref<640x128xf32, #tpu.memory_space<hbm>>
        %dma_wait3A_64 = arith.constant 0 : i32
        %dma_wait3A_65 = tpu.memref_slice %arg9[%mul3A_49, %dma_wait3A_64] : memref<10000x128xf32, #tpu.memory_space<vmem_shared>> -> memref<640x128xf32, #tpu.memory_space<vmem_shared>>
        tpu.wait_dma2 semaphore(%run_scoped3A : memref<!tpu.dma_semaphore, #tpu.memory_space<semaphore_mem>>) src(%dma_wait3A_65 : memref<640x128xf32, #tpu.memory_space<vmem_shared>>) dst(%dma_wait3A_63 : memref<640x128xf32, #tpu.memory_space<hbm>>)
        tpu.yield
      }) : () -> ()
    } else {
    }
    %eq3A_43 = arith.constant 15 : i32
    %eq3A_44 = arith.cmpi eq, %arg1, %eq3A_43 : i32
    %convert_element_type3A_45 = arith.extui %eq3A_44 : i1 to i32
    %cond3A_46 = arith.constant 0 : i32
    %cond3A_47 = arith.cmpi ne, %convert_element_type3A_45, %cond3A_46 : i32
    scf.if %cond3A_47 {
      "tpu.region"() ({
        %run_scoped3A = tpu.sem_alloc : memref<!tpu.dma_semaphore, #tpu.memory_space<semaphore_mem>>
        %dma_start3A = arith.constant 0 : i32
        %dma_start3A_48 = arith.constant 0 : i32
        %dma_start3A_49 = tpu.memref_slice %arg5[%arg0, %dma_start3A, %dma_start3A_48] : memref<2x10000x128xf32, #tpu.memory_space<hbm>> -> memref<1x10000x128xf32, #tpu.memory_space<hbm>>
        %dma_start3A_50 = tpu.memref_squeeze %dma_start3A_49 : memref<1x10000x128xf32, #tpu.memory_space<hbm>> -> memref<10000x128xf32, #tpu.memory_space<hbm>>
        %dma_start3A_51 = arith.constant 9600 : i32
        %dma_start3A_52 = arith.constant 0 : i32
        %dma_start3A_53 = tpu.memref_slice %dma_start3A_50[%dma_start3A_51, %dma_start3A_52] : memref<10000x128xf32, #tpu.memory_space<hbm>> -> memref<400x128xf32, #tpu.memory_space<hbm>>
        %dma_start3A_54 = arith.constant 9600 : i32
        %dma_start3A_55 = arith.constant 0 : i32
        %dma_start3A_56 = tpu.memref_slice %arg9[%dma_start3A_54, %dma_start3A_55] : memref<10000x128xf32, #tpu.memory_space<vmem_shared>> -> memref<400x128xf32, #tpu.memory_space<vmem_shared>>
        tpu.enqueue_dma source(%dma_start3A_56 : memref<400x128xf32, #tpu.memory_space<vmem_shared>>) target(%dma_start3A_53 : memref<400x128xf32, #tpu.memory_space<hbm>>) target_semaphore(%run_scoped3A : memref<!tpu.dma_semaphore, #tpu.memory_space<semaphore_mem>>)
        %dma_wait3A = arith.constant 0 : i32
        %dma_wait3A_57 = arith.constant 0 : i32
        %dma_wait3A_58 = tpu.memref_slice %arg5[%arg0, %dma_wait3A, %dma_wait3A_57] : memref<2x10000x128xf32, #tpu.memory_space<hbm>> -> memref<1x10000x128xf32, #tpu.memory_space<hbm>>
        %dma_wait3A_59 = tpu.memref_squeeze %dma_wait3A_58 : memref<1x10000x128xf32, #tpu.memory_space<hbm>> -> memref<10000x128xf32, #tpu.memory_space<hbm>>
        %dma_wait3A_60 = arith.constant 9600 : i32
        %dma_wait3A_61 = arith.constant 0 : i32
        %dma_wait3A_62 = tpu.memref_slice %dma_wait3A_59[%dma_wait3A_60, %dma_wait3A_61] : memref<10000x128xf32, #tpu.memory_space<hbm>> -> memref<400x128xf32, #tpu.memory_space<hbm>>
        %dma_wait3A_63 = arith.constant 9600 : i32
        %dma_wait3A_64 = arith.constant 0 : i32
        %dma_wait3A_65 = tpu.memref_slice %arg9[%dma_wait3A_63, %dma_wait3A_64] : memref<10000x128xf32, #tpu.memory_space<vmem_shared>> -> memref<400x128xf32, #tpu.memory_space<vmem_shared>>
        tpu.wait_dma2 semaphore(%run_scoped3A : memref<!tpu.dma_semaphore, #tpu.memory_space<semaphore_mem>>) src(%dma_wait3A_65 : memref<400x128xf32, #tpu.memory_space<vmem_shared>>) dst(%dma_wait3A_62 : memref<400x128xf32, #tpu.memory_space<hbm>>)
        tpu.yield
      }) : () -> ()
    } else {
    }
    return
  }
}

#map = affine_map<(d0, d1) -> (0, 0)>
#map1 = affine_map<(d0, d1) -> (0)>
#map2 = affine_map<(d0, d1) -> (0, 0, 0)>
module attributes {stable_mosaic.version = 14 : i64} {
  func.func @k(%arg0: i32, %arg1: i32, %arg2: memref<320000x128xf32, #tpu.memory_space<hbm>>, %arg3: memref<320000xi32, #tpu.memory_space<hbm>>, %arg4: memref<10000x128xf32, #tpu.memory_space<hbm>>, %arg5: memref<2x10000x128xf32, #tpu.memory_space<hbm>>, %arg6: memref<200xi32, #tpu.memory_space<vmem>>, %arg7: memref<200x128xf32, #tpu.memory_space<vmem>>, %arg8: memref<10000x128xf32, #tpu.memory_space<vmem_shared>>) attributes {dimension_semantics = [#tpu.dimension_semantics<core_parallel>, #tpu.dimension_semantics<subcore_parallel>], iteration_bounds = array<i64: 2, 16>, scalar_prefetch = 0 : i64, scratch_operands = 3 : i64, tpu.core_type = #tpu.core_type<sc_vector_subcore>, window_params = [{transform_indices = #map}, {transform_indices = #map1}, {transform_indices = #map}, {transform_indices = #map2}]} {
    %lt3A = arith.constant 15 : i32
    %lt3A_0 = arith.cmpi slt, %arg1, %lt3A : i32
    %convert_element_type3A = arith.extui %lt3A_0 : i1 to i32
    %cond3A = arith.constant 0 : i32
    %cond3A_1 = arith.cmpi ne, %convert_element_type3A, %cond3A : i32
    scf.if %cond3A_1 {
      %mul3A_26 = arith.constant 640 : i32
      %mul3A_27 = arith.muli %arg1, %mul3A_26 : i32
      %mul3A_28 = arith.constant 640 : i32
      %mul3A_29 = arith.muli %arg1, %mul3A_28 : i32
      "tpu.region"() ({
        %run_scoped3A = tpu.sem_alloc : memref<!tpu.dma_semaphore, #tpu.memory_space<semaphore_mem>>
        %dma_start3A = arith.constant 0 : i32
        %dma_start3A_30 = tpu.memref_slice %arg8[%mul3A_29, %dma_start3A] : memref<10000x128xf32, #tpu.memory_space<vmem_shared>> -> memref<640x128xf32, #tpu.memory_space<vmem_shared>>
        %dma_start3A_31 = arith.constant 0 : i32
        %dma_start3A_32 = tpu.memref_slice %arg4[%mul3A_27, %dma_start3A_31] : memref<10000x128xf32, #tpu.memory_space<hbm>> -> memref<640x128xf32, #tpu.memory_space<hbm>>
        tpu.enqueue_dma source(%dma_start3A_32 : memref<640x128xf32, #tpu.memory_space<hbm>>) target(%dma_start3A_30 : memref<640x128xf32, #tpu.memory_space<vmem_shared>>) target_semaphore(%run_scoped3A : memref<!tpu.dma_semaphore, #tpu.memory_space<semaphore_mem>>)
        %dma_wait3A = arith.constant 0 : i32
        %dma_wait3A_33 = tpu.memref_slice %arg8[%mul3A_29, %dma_wait3A] : memref<10000x128xf32, #tpu.memory_space<vmem_shared>> -> memref<640x128xf32, #tpu.memory_space<vmem_shared>>
        %dma_wait3A_34 = arith.constant 0 : i32
        %dma_wait3A_35 = tpu.memref_slice %arg4[%mul3A_27, %dma_wait3A_34] : memref<10000x128xf32, #tpu.memory_space<hbm>> -> memref<640x128xf32, #tpu.memory_space<hbm>>
        tpu.wait_dma2 semaphore(%run_scoped3A : memref<!tpu.dma_semaphore, #tpu.memory_space<semaphore_mem>>) src(%dma_wait3A_35 : memref<640x128xf32, #tpu.memory_space<hbm>>) dst(%dma_wait3A_33 : memref<640x128xf32, #tpu.memory_space<vmem_shared>>)
        tpu.yield
      }) : () -> ()
    } else {
    }
    %eq3A = arith.constant 15 : i32
    %eq3A_2 = arith.cmpi eq, %arg1, %eq3A : i32
    %convert_element_type3A_3 = arith.extui %eq3A_2 : i1 to i32
    %cond3A_4 = arith.constant 0 : i32
    %cond3A_5 = arith.cmpi ne, %convert_element_type3A_3, %cond3A_4 : i32
    scf.if %cond3A_5 {
      "tpu.region"() ({
        %run_scoped3A = tpu.sem_alloc : memref<!tpu.dma_semaphore, #tpu.memory_space<semaphore_mem>>
        %dma_start3A = arith.constant 9600 : i32
        %dma_start3A_26 = arith.constant 0 : i32
        %dma_start3A_27 = tpu.memref_slice %arg8[%dma_start3A, %dma_start3A_26] : memref<10000x128xf32, #tpu.memory_space<vmem_shared>> -> memref<400x128xf32, #tpu.memory_space<vmem_shared>>
        %dma_start3A_28 = arith.constant 9600 : i32
        %dma_start3A_29 = arith.constant 0 : i32
        %dma_start3A_30 = tpu.memref_slice %arg4[%dma_start3A_28, %dma_start3A_29] : memref<10000x128xf32, #tpu.memory_space<hbm>> -> memref<400x128xf32, #tpu.memory_space<hbm>>
        tpu.enqueue_dma source(%dma_start3A_30 : memref<400x128xf32, #tpu.memory_space<hbm>>) target(%dma_start3A_27 : memref<400x128xf32, #tpu.memory_space<vmem_shared>>) target_semaphore(%run_scoped3A : memref<!tpu.dma_semaphore, #tpu.memory_space<semaphore_mem>>)
        %dma_wait3A = arith.constant 9600 : i32
        %dma_wait3A_31 = arith.constant 0 : i32
        %dma_wait3A_32 = tpu.memref_slice %arg8[%dma_wait3A, %dma_wait3A_31] : memref<10000x128xf32, #tpu.memory_space<vmem_shared>> -> memref<400x128xf32, #tpu.memory_space<vmem_shared>>
        %dma_wait3A_33 = arith.constant 9600 : i32
        %dma_wait3A_34 = arith.constant 0 : i32
        %dma_wait3A_35 = tpu.memref_slice %arg4[%dma_wait3A_33, %dma_wait3A_34] : memref<10000x128xf32, #tpu.memory_space<hbm>> -> memref<400x128xf32, #tpu.memory_space<hbm>>
        tpu.wait_dma2 semaphore(%run_scoped3A : memref<!tpu.dma_semaphore, #tpu.memory_space<semaphore_mem>>) src(%dma_wait3A_35 : memref<400x128xf32, #tpu.memory_space<hbm>>) dst(%dma_wait3A_32 : memref<400x128xf32, #tpu.memory_space<vmem_shared>>)
        tpu.yield
      }) : () -> ()
    } else {
    }
    %barrier3A = arith.constant 0 : index
    tpu.barrier barrier_id(%barrier3A)
    %mul3A = arith.constant 160000 : i32
    %mul3A_6 = arith.muli %arg0, %mul3A : i32
    %mul3A_7 = arith.constant 10000 : i32
    %mul3A_8 = arith.muli %arg1, %mul3A_7 : i32
    %add3A = arith.addi %mul3A_6, %mul3A_8 : i32
    %scan3A = arith.constant 0 : i32
    %scan3A_9 = arith.constant 0 : i32
    %scan3A_10 = arith.constant 50 : i32
    %scan3A_11 = arith.addi %scan3A_9, %scan3A_10 : i32
    %scan3A_12 = arith.constant 1 : i32
    %scan3A_13 = scf.for %scan3A_26 = %scan3A_9 to %scan3A_11 step %scan3A_12 iter_args(%scan3A_27 = %scan3A) -> (i32)  : i32 {
      %mul3A_28 = arith.constant 200 : i32
      %mul3A_29 = arith.muli %scan3A_26, %mul3A_28 : i32
      %add3A_30 = arith.addi %add3A, %mul3A_29 : i32
      "tpu.region"() ({
        %run_scoped3A = tpu.sem_alloc : memref<!tpu.dma_semaphore, #tpu.memory_space<semaphore_mem>>
        %dma_start3A = tpu.memref_slice %arg3[%add3A_30] : memref<320000xi32, #tpu.memory_space<hbm>> -> memref<200xi32, #tpu.memory_space<hbm>>
        %dma_start3A_32 = tpu.memref_slice %arg3[%add3A_30] : memref<320000xi32, #tpu.memory_space<hbm>> -> memref<200xi32, #tpu.memory_space<hbm>>
        tpu.enqueue_dma source(%dma_start3A_32 : memref<200xi32, #tpu.memory_space<hbm>>) target(%arg6 : memref<200xi32, #tpu.memory_space<vmem>>) target_semaphore(%run_scoped3A : memref<!tpu.dma_semaphore, #tpu.memory_space<semaphore_mem>>)
        %dma_wait3A = tpu.memref_slice %arg3[%add3A_30] : memref<320000xi32, #tpu.memory_space<hbm>> -> memref<200xi32, #tpu.memory_space<hbm>>
        %dma_wait3A_33 = tpu.memref_slice %arg3[%add3A_30] : memref<320000xi32, #tpu.memory_space<hbm>> -> memref<200xi32, #tpu.memory_space<hbm>>
        tpu.wait_dma2 semaphore(%run_scoped3A : memref<!tpu.dma_semaphore, #tpu.memory_space<semaphore_mem>>) src(%dma_wait3A_33 : memref<200xi32, #tpu.memory_space<hbm>>) dst(%arg6 : memref<200xi32, #tpu.memory_space<vmem>>)
        tpu.yield
      }) : () -> ()
      "tpu.region"() ({
        %run_scoped3A = tpu.sem_alloc : memref<!tpu.dma_semaphore, #tpu.memory_space<semaphore_mem>>
        %dma_start3A = arith.constant 0 : i32
        %dma_start3A_32 = tpu.memref_slice %arg2[%add3A_30, %dma_start3A] : memref<320000x128xf32, #tpu.memory_space<hbm>> -> memref<200x128xf32, #tpu.memory_space<hbm>>
        %dma_start3A_33 = arith.constant 0 : i32
        %dma_start3A_34 = tpu.memref_slice %arg2[%add3A_30, %dma_start3A_33] : memref<320000x128xf32, #tpu.memory_space<hbm>> -> memref<200x128xf32, #tpu.memory_space<hbm>>
        tpu.enqueue_dma source(%dma_start3A_34 : memref<200x128xf32, #tpu.memory_space<hbm>>) target(%arg7 : memref<200x128xf32, #tpu.memory_space<vmem>>) target_semaphore(%run_scoped3A : memref<!tpu.dma_semaphore, #tpu.memory_space<semaphore_mem>>)
        %dma_wait3A = arith.constant 0 : i32
        %dma_wait3A_35 = tpu.memref_slice %arg2[%add3A_30, %dma_wait3A] : memref<320000x128xf32, #tpu.memory_space<hbm>> -> memref<200x128xf32, #tpu.memory_space<hbm>>
        %dma_wait3A_36 = arith.constant 0 : i32
        %dma_wait3A_37 = tpu.memref_slice %arg2[%add3A_30, %dma_wait3A_36] : memref<320000x128xf32, #tpu.memory_space<hbm>> -> memref<200x128xf32, #tpu.memory_space<hbm>>
        tpu.wait_dma2 semaphore(%run_scoped3A : memref<!tpu.dma_semaphore, #tpu.memory_space<semaphore_mem>>) src(%dma_wait3A_37 : memref<200x128xf32, #tpu.memory_space<hbm>>) dst(%arg7 : memref<200x128xf32, #tpu.memory_space<vmem>>)
        tpu.yield
      }) : () -> ()
      "tpu.region"() ({
        %run_scoped3A = tpu.sem_alloc : memref<!tpu.dma_semaphore, #tpu.memory_space<semaphore_mem>>
        %dma_start3A = arith.constant 0 : i32
        %dma_start3A_32 = arith.constant 0 : i32
        %dma_start3A_33 = tpu.memref_slice %arg8[%dma_start3A, %dma_start3A_32] : memref<10000x128xf32, #tpu.memory_space<vmem_shared>> -> memref<10000x128xf32, #tpu.memory_space<vmem_shared>>
        tpu.enqueue_indirect_dma source(%arg7 : memref<200x128xf32, #tpu.memory_space<vmem>>) target(%dma_start3A_33 : memref<10000x128xf32, #tpu.memory_space<vmem_shared>>) offsets(%arg6 : memref<200xi32, #tpu.memory_space<vmem>>) semaphore(%run_scoped3A : memref<!tpu.dma_semaphore, #tpu.memory_space<semaphore_mem>>) {add = true}
        %dma_wait3A = arith.constant 0 : i32
        %dma_wait3A_34 = arith.constant 0 : i32
        %dma_wait3A_35 = tpu.memref_slice %arg8[%dma_wait3A, %dma_wait3A_34] : memref<10000x128xf32, #tpu.memory_space<vmem_shared>> -> memref<10000x128xf32, #tpu.memory_space<vmem_shared>>
        tpu.wait_indirect_dma semaphore(%run_scoped3A : memref<!tpu.dma_semaphore, #tpu.memory_space<semaphore_mem>>) src(%arg7 : memref<200x128xf32, #tpu.memory_space<vmem>>) dst(%dma_wait3A_35 : memref<10000x128xf32, #tpu.memory_space<vmem_shared>>)
        tpu.yield
      }) : () -> ()
      %scan3A_31 = arith.constant 0 : i32
      scf.yield %scan3A_31 : i32
    }
    %scan3A_14 = arith.constant 50 : i32
    %barrier3A_15 = arith.constant 0 : index
    tpu.barrier barrier_id(%barrier3A_15)
    %lt3A_16 = arith.constant 15 : i32
    %lt3A_17 = arith.cmpi slt, %arg1, %lt3A_16 : i32
    %convert_element_type3A_18 = arith.extui %lt3A_17 : i1 to i32
    %cond3A_19 = arith.constant 0 : i32
    %cond3A_20 = arith.cmpi ne, %convert_element_type3A_18, %cond3A_19 : i32
    scf.if %cond3A_20 {
      %mul3A_26 = arith.constant 640 : i32
      %mul3A_27 = arith.muli %arg1, %mul3A_26 : i32
      %mul3A_28 = arith.constant 640 : i32
      %mul3A_29 = arith.muli %arg1, %mul3A_28 : i32
      "tpu.region"() ({
        %run_scoped3A = tpu.sem_alloc : memref<!tpu.dma_semaphore, #tpu.memory_space<semaphore_mem>>
        %dma_start3A = arith.constant 0 : i32
        %dma_start3A_30 = arith.constant 0 : i32
        %dma_start3A_31 = tpu.memref_slice %arg5[%arg0, %dma_start3A, %dma_start3A_30] : memref<2x10000x128xf32, #tpu.memory_space<hbm>> -> memref<1x10000x128xf32, #tpu.memory_space<hbm>>
        %dma_start3A_32 = tpu.memref_squeeze %dma_start3A_31 : memref<1x10000x128xf32, #tpu.memory_space<hbm>> -> memref<10000x128xf32, #tpu.memory_space<hbm>>
        %dma_start3A_33 = arith.constant 0 : i32
        %dma_start3A_34 = tpu.memref_slice %dma_start3A_32[%mul3A_29, %dma_start3A_33] : memref<10000x128xf32, #tpu.memory_space<hbm>> -> memref<640x128xf32, #tpu.memory_space<hbm>>
        %dma_start3A_35 = arith.constant 0 : i32
        %dma_start3A_36 = tpu.memref_slice %arg8[%mul3A_27, %dma_start3A_35] : memref<10000x128xf32, #tpu.memory_space<vmem_shared>> -> memref<640x128xf32, #tpu.memory_space<vmem_shared>>
        tpu.enqueue_dma source(%dma_start3A_36 : memref<640x128xf32, #tpu.memory_space<vmem_shared>>) target(%dma_start3A_34 : memref<640x128xf32, #tpu.memory_space<hbm>>) target_semaphore(%run_scoped3A : memref<!tpu.dma_semaphore, #tpu.memory_space<semaphore_mem>>)
        %dma_wait3A = arith.constant 0 : i32
        %dma_wait3A_37 = arith.constant 0 : i32
        %dma_wait3A_38 = tpu.memref_slice %arg5[%arg0, %dma_wait3A, %dma_wait3A_37] : memref<2x10000x128xf32, #tpu.memory_space<hbm>> -> memref<1x10000x128xf32, #tpu.memory_space<hbm>>
        %dma_wait3A_39 = tpu.memref_squeeze %dma_wait3A_38 : memref<1x10000x128xf32, #tpu.memory_space<hbm>> -> memref<10000x128xf32, #tpu.memory_space<hbm>>
        %dma_wait3A_40 = arith.constant 0 : i32
        %dma_wait3A_41 = tpu.memref_slice %dma_wait3A_39[%mul3A_29, %dma_wait3A_40] : memref<10000x128xf32, #tpu.memory_space<hbm>> -> memref<640x128xf32, #tpu.memory_space<hbm>>
        %dma_wait3A_42 = arith.constant 0 : i32
        %dma_wait3A_43 = tpu.memref_slice %arg8[%mul3A_27, %dma_wait3A_42] : memref<10000x128xf32, #tpu.memory_space<vmem_shared>> -> memref<640x128xf32, #tpu.memory_space<vmem_shared>>
        tpu.wait_dma2 semaphore(%run_scoped3A : memref<!tpu.dma_semaphore, #tpu.memory_space<semaphore_mem>>) src(%dma_wait3A_43 : memref<640x128xf32, #tpu.memory_space<vmem_shared>>) dst(%dma_wait3A_41 : memref<640x128xf32, #tpu.memory_space<hbm>>)
        tpu.yield
      }) : () -> ()
    } else {
    }
    %eq3A_21 = arith.constant 15 : i32
    %eq3A_22 = arith.cmpi eq, %arg1, %eq3A_21 : i32
    %convert_element_type3A_23 = arith.extui %eq3A_22 : i1 to i32
    %cond3A_24 = arith.constant 0 : i32
    %cond3A_25 = arith.cmpi ne, %convert_element_type3A_23, %cond3A_24 : i32
    scf.if %cond3A_25 {
      "tpu.region"() ({
        %run_scoped3A = tpu.sem_alloc : memref<!tpu.dma_semaphore, #tpu.memory_space<semaphore_mem>>
        %dma_start3A = arith.constant 0 : i32
        %dma_start3A_26 = arith.constant 0 : i32
        %dma_start3A_27 = tpu.memref_slice %arg5[%arg0, %dma_start3A, %dma_start3A_26] : memref<2x10000x128xf32, #tpu.memory_space<hbm>> -> memref<1x10000x128xf32, #tpu.memory_space<hbm>>
        %dma_start3A_28 = tpu.memref_squeeze %dma_start3A_27 : memref<1x10000x128xf32, #tpu.memory_space<hbm>> -> memref<10000x128xf32, #tpu.memory_space<hbm>>
        %dma_start3A_29 = arith.constant 9600 : i32
        %dma_start3A_30 = arith.constant 0 : i32
        %dma_start3A_31 = tpu.memref_slice %dma_start3A_28[%dma_start3A_29, %dma_start3A_30] : memref<10000x128xf32, #tpu.memory_space<hbm>> -> memref<400x128xf32, #tpu.memory_space<hbm>>
        %dma_start3A_32 = arith.constant 9600 : i32
        %dma_start3A_33 = arith.constant 0 : i32
        %dma_start3A_34 = tpu.memref_slice %arg8[%dma_start3A_32, %dma_start3A_33] : memref<10000x128xf32, #tpu.memory_space<vmem_shared>> -> memref<400x128xf32, #tpu.memory_space<vmem_shared>>
        tpu.enqueue_dma source(%dma_start3A_34 : memref<400x128xf32, #tpu.memory_space<vmem_shared>>) target(%dma_start3A_31 : memref<400x128xf32, #tpu.memory_space<hbm>>) target_semaphore(%run_scoped3A : memref<!tpu.dma_semaphore, #tpu.memory_space<semaphore_mem>>)
        %dma_wait3A = arith.constant 0 : i32
        %dma_wait3A_35 = arith.constant 0 : i32
        %dma_wait3A_36 = tpu.memref_slice %arg5[%arg0, %dma_wait3A, %dma_wait3A_35] : memref<2x10000x128xf32, #tpu.memory_space<hbm>> -> memref<1x10000x128xf32, #tpu.memory_space<hbm>>
        %dma_wait3A_37 = tpu.memref_squeeze %dma_wait3A_36 : memref<1x10000x128xf32, #tpu.memory_space<hbm>> -> memref<10000x128xf32, #tpu.memory_space<hbm>>
        %dma_wait3A_38 = arith.constant 9600 : i32
        %dma_wait3A_39 = arith.constant 0 : i32
        %dma_wait3A_40 = tpu.memref_slice %dma_wait3A_37[%dma_wait3A_38, %dma_wait3A_39] : memref<10000x128xf32, #tpu.memory_space<hbm>> -> memref<400x128xf32, #tpu.memory_space<hbm>>
        %dma_wait3A_41 = arith.constant 9600 : i32
        %dma_wait3A_42 = arith.constant 0 : i32
        %dma_wait3A_43 = tpu.memref_slice %arg8[%dma_wait3A_41, %dma_wait3A_42] : memref<10000x128xf32, #tpu.memory_space<vmem_shared>> -> memref<400x128xf32, #tpu.memory_space<vmem_shared>>
        tpu.wait_dma2 semaphore(%run_scoped3A : memref<!tpu.dma_semaphore, #tpu.memory_space<semaphore_mem>>) src(%dma_wait3A_43 : memref<400x128xf32, #tpu.memory_space<vmem_shared>>) dst(%dma_wait3A_40 : memref<400x128xf32, #tpu.memory_space<hbm>>)
        tpu.yield
      }) : () -> ()
    } else {
    }
    return
  }
}

#map = affine_map<(d0, d1) -> (0, 0)>
#map1 = affine_map<(d0, d1) -> (0)>
module attributes {stable_mosaic.version = 14 : i64} {
  func.func @k(%arg0: i32, %arg1: i32, %arg2: memref<10000x128xf32, #tpu.memory_space<hbm>>, %arg3: memref<320000xi32, #tpu.memory_space<hbm>>, %arg4: memref<320000xi32, #tpu.memory_space<hbm>>, %arg5: memref<320000x128xf32, #tpu.memory_space<hbm>>, %arg6: memref<400xi32, #tpu.memory_space<vmem>>, %arg7: memref<400xi32, #tpu.memory_space<vmem>>, %arg8: memref<400x128xf32, #tpu.memory_space<vmem>>, %arg9: memref<400x128xf32, #tpu.memory_space<vmem>>, %arg10: memref<!tpu.dma_semaphore, #tpu.memory_space<semaphore_mem>>, %arg11: memref<!tpu.dma_semaphore, #tpu.memory_space<semaphore_mem>>) attributes {dimension_semantics = [#tpu.dimension_semantics<core_parallel>, #tpu.dimension_semantics<subcore_parallel>], iteration_bounds = array<i64: 2, 16>, scalar_prefetch = 0 : i64, scratch_operands = 6 : i64, tpu.core_type = #tpu.core_type<sc_vector_subcore>, window_params = [{transform_indices = #map}, {transform_indices = #map1}, {transform_indices = #map1}, {transform_indices = #map}]} {
    %mul3A = arith.constant 2 : i32
    %mul3A_0 = arith.muli %arg1, %mul3A : i32
    %add3A = arith.addi %mul3A_0, %arg0 : i32
    %mul3A_1 = arith.constant 10000 : i32
    %mul3A_2 = arith.muli %add3A, %mul3A_1 : i32
    %scan3A = arith.constant 0 : i32
    %scan3A_3 = arith.constant 0 : i32
    %scan3A_4 = arith.constant 25 : i32
    %scan3A_5 = arith.addi %scan3A_3, %scan3A_4 : i32
    %scan3A_6 = arith.constant 1 : i32
    %scan3A_7 = scf.for %scan3A_9 = %scan3A_3 to %scan3A_5 step %scan3A_6 iter_args(%scan3A_10 = %scan3A) -> (i32)  : i32 {
      %mul3A_11 = arith.constant 400 : i32
      %mul3A_12 = arith.muli %scan3A_9, %mul3A_11 : i32
      %add3A_13 = arith.addi %mul3A_2, %mul3A_12 : i32
      "tpu.region"() ({
        %run_scoped3A = tpu.sem_alloc : memref<!tpu.dma_semaphore, #tpu.memory_space<semaphore_mem>>
        %dma_start3A_32 = tpu.memref_slice %arg3[%add3A_13] : memref<320000xi32, #tpu.memory_space<hbm>> -> memref<400xi32, #tpu.memory_space<hbm>>
        %dma_start3A_33 = tpu.memref_slice %arg3[%add3A_13] : memref<320000xi32, #tpu.memory_space<hbm>> -> memref<400xi32, #tpu.memory_space<hbm>>
        tpu.enqueue_dma source(%dma_start3A_33 : memref<400xi32, #tpu.memory_space<hbm>>) target(%arg6 : memref<400xi32, #tpu.memory_space<vmem>>) target_semaphore(%run_scoped3A : memref<!tpu.dma_semaphore, #tpu.memory_space<semaphore_mem>>)
        %dma_wait3A_34 = tpu.memref_slice %arg3[%add3A_13] : memref<320000xi32, #tpu.memory_space<hbm>> -> memref<400xi32, #tpu.memory_space<hbm>>
        %dma_wait3A_35 = tpu.memref_slice %arg3[%add3A_13] : memref<320000xi32, #tpu.memory_space<hbm>> -> memref<400xi32, #tpu.memory_space<hbm>>
        tpu.wait_dma2 semaphore(%run_scoped3A : memref<!tpu.dma_semaphore, #tpu.memory_space<semaphore_mem>>) src(%dma_wait3A_35 : memref<400xi32, #tpu.memory_space<hbm>>) dst(%arg6 : memref<400xi32, #tpu.memory_space<vmem>>)
        tpu.yield
      }) : () -> ()
      "tpu.region"() ({
        %run_scoped3A = tpu.sem_alloc : memref<!tpu.dma_semaphore, #tpu.memory_space<semaphore_mem>>
        %dma_start3A_32 = tpu.memref_slice %arg4[%add3A_13] : memref<320000xi32, #tpu.memory_space<hbm>> -> memref<400xi32, #tpu.memory_space<hbm>>
        %dma_start3A_33 = tpu.memref_slice %arg4[%add3A_13] : memref<320000xi32, #tpu.memory_space<hbm>> -> memref<400xi32, #tpu.memory_space<hbm>>
        tpu.enqueue_dma source(%dma_start3A_33 : memref<400xi32, #tpu.memory_space<hbm>>) target(%arg7 : memref<400xi32, #tpu.memory_space<vmem>>) target_semaphore(%run_scoped3A : memref<!tpu.dma_semaphore, #tpu.memory_space<semaphore_mem>>)
        %dma_wait3A_34 = tpu.memref_slice %arg4[%add3A_13] : memref<320000xi32, #tpu.memory_space<hbm>> -> memref<400xi32, #tpu.memory_space<hbm>>
        %dma_wait3A_35 = tpu.memref_slice %arg4[%add3A_13] : memref<320000xi32, #tpu.memory_space<hbm>> -> memref<400xi32, #tpu.memory_space<hbm>>
        tpu.wait_dma2 semaphore(%run_scoped3A : memref<!tpu.dma_semaphore, #tpu.memory_space<semaphore_mem>>) src(%dma_wait3A_35 : memref<400xi32, #tpu.memory_space<hbm>>) dst(%arg7 : memref<400xi32, #tpu.memory_space<vmem>>)
        tpu.yield
      }) : () -> ()
      %dma_start3A = arith.constant 0 : i32
      %dma_start3A_14 = arith.constant 0 : i32
      %dma_start3A_15 = tpu.memref_slice %arg2[%dma_start3A, %dma_start3A_14] : memref<10000x128xf32, #tpu.memory_space<hbm>> -> memref<10000x128xf32, #tpu.memory_space<hbm>>
      tpu.enqueue_indirect_dma source(%dma_start3A_15 : memref<10000x128xf32, #tpu.memory_space<hbm>>) target(%arg8 : memref<400x128xf32, #tpu.memory_space<vmem>>) offsets(%arg6 : memref<400xi32, #tpu.memory_space<vmem>>) semaphore(%arg10 : memref<!tpu.dma_semaphore, #tpu.memory_space<semaphore_mem>>)
      %dma_start3A_16 = arith.constant 0 : i32
      %dma_start3A_17 = arith.constant 0 : i32
      %dma_start3A_18 = tpu.memref_slice %arg2[%dma_start3A_16, %dma_start3A_17] : memref<10000x128xf32, #tpu.memory_space<hbm>> -> memref<10000x128xf32, #tpu.memory_space<hbm>>
      tpu.enqueue_indirect_dma source(%dma_start3A_18 : memref<10000x128xf32, #tpu.memory_space<hbm>>) target(%arg9 : memref<400x128xf32, #tpu.memory_space<vmem>>) offsets(%arg7 : memref<400xi32, #tpu.memory_space<vmem>>) semaphore(%arg11 : memref<!tpu.dma_semaphore, #tpu.memory_space<semaphore_mem>>)
      %dma_wait3A = arith.constant 0 : i32
      %dma_wait3A_19 = arith.constant 0 : i32
      %dma_wait3A_20 = tpu.memref_slice %arg2[%dma_wait3A, %dma_wait3A_19] : memref<10000x128xf32, #tpu.memory_space<hbm>> -> memref<10000x128xf32, #tpu.memory_space<hbm>>
      tpu.wait_indirect_dma semaphore(%arg10 : memref<!tpu.dma_semaphore, #tpu.memory_space<semaphore_mem>>) src(%dma_wait3A_20 : memref<10000x128xf32, #tpu.memory_space<hbm>>) dst(%arg8 : memref<400x128xf32, #tpu.memory_space<vmem>>)
      %dma_wait3A_21 = arith.constant 0 : i32
      %dma_wait3A_22 = arith.constant 0 : i32
      %dma_wait3A_23 = tpu.memref_slice %arg2[%dma_wait3A_21, %dma_wait3A_22] : memref<10000x128xf32, #tpu.memory_space<hbm>> -> memref<10000x128xf32, #tpu.memory_space<hbm>>
      tpu.wait_indirect_dma semaphore(%arg11 : memref<!tpu.dma_semaphore, #tpu.memory_space<semaphore_mem>>) src(%dma_wait3A_23 : memref<10000x128xf32, #tpu.memory_space<hbm>>) dst(%arg9 : memref<400x128xf32, #tpu.memory_space<vmem>>)
      %scan3A_24 = arith.constant 0 : i32
      %scan3A_25 = arith.constant 0 : i32
      %scan3A_26 = arith.constant 400 : i32
      %scan3A_27 = arith.addi %scan3A_25, %scan3A_26 : i32
      %scan3A_28 = arith.constant 1 : i32
      %scan3A_29 = scf.for %scan3A_32 = %scan3A_25 to %scan3A_27 step %scan3A_28 iter_args(%scan3A_33 = %scan3A_24) -> (i32)  : i32 {
        %get3A = arith.index_cast %scan3A_32 : i32 to index
        %get3A_34 = arith.constant 0 : index
        %get3A_35 = tpu.vector_load %arg8[%get3A, %get3A_34] {strides = array<i32>} : memref<400x128xf32, #tpu.memory_space<vmem>>, vector<1x16xf32>,
        %get3A_36 = vector.shape_cast %get3A_35 : vector<1x16xf32> to vector<16xf32>
        %get3A_37 = arith.index_cast %scan3A_32 : i32 to index
        %get3A_38 = arith.constant 64 : index
        %get3A_39 = tpu.vector_load %arg9[%get3A_37, %get3A_38] {strides = array<i32>} : memref<400x128xf32, #tpu.memory_space<vmem>>, vector<1x16xf32>,
        %get3A_40 = vector.shape_cast %get3A_39 : vector<1x16xf32> to vector<16xf32>
        %add3A_41 = arith.addf %get3A_36, %get3A_40 : vector<16xf32>
        %swap3A = arith.index_cast %scan3A_32 : i32 to index
        %swap3A_42 = arith.constant 0 : index
        %swap3A_43 = tpu.vector_load %arg8[%swap3A, %swap3A_42] {strides = array<i32>} : memref<400x128xf32, #tpu.memory_space<vmem>>, vector<1x16xf32>,
        %swap3A_44 = vector.shape_cast %swap3A_43 : vector<1x16xf32> to vector<16xf32>
        %swap3A_45 = vector.shape_cast %add3A_41 : vector<16xf32> to vector<1x16xf32>
        tpu.vector_store %arg8[%swap3A, %swap3A_42], %swap3A_45 {strides = array<i32>} : memref<400x128xf32, #tpu.memory_space<vmem>>, vector<1x16xf32>,
        %get3A_46 = arith.index_cast %scan3A_32 : i32 to index
        %get3A_47 = arith.constant 16 : index
        %get3A_48 = tpu.vector_load %arg8[%get3A_46, %get3A_47] {strides = array<i32>} : memref<400x128xf32, #tpu.memory_space<vmem>>, vector<1x16xf32>,
        %get3A_49 = vector.shape_cast %get3A_48 : vector<1x16xf32> to vector<16xf32>
        %get3A_50 = arith.index_cast %scan3A_32 : i32 to index
        %get3A_51 = arith.constant 80 : index
        %get3A_52 = tpu.vector_load %arg9[%get3A_50, %get3A_51] {strides = array<i32>} : memref<400x128xf32, #tpu.memory_space<vmem>>, vector<1x16xf32>,
        %get3A_53 = vector.shape_cast %get3A_52 : vector<1x16xf32> to vector<16xf32>
        %add3A_54 = arith.addf %get3A_49, %get3A_53 : vector<16xf32>
        %swap3A_55 = arith.index_cast %scan3A_32 : i32 to index
        %swap3A_56 = arith.constant 16 : index
        %swap3A_57 = tpu.vector_load %arg8[%swap3A_55, %swap3A_56] {strides = array<i32>} : memref<400x128xf32, #tpu.memory_space<vmem>>, vector<1x16xf32>,
        %swap3A_58 = vector.shape_cast %swap3A_57 : vector<1x16xf32> to vector<16xf32>
        %swap3A_59 = vector.shape_cast %add3A_54 : vector<16xf32> to vector<1x16xf32>
        tpu.vector_store %arg8[%swap3A_55, %swap3A_56], %swap3A_59 {strides = array<i32>} : memref<400x128xf32, #tpu.memory_space<vmem>>, vector<1x16xf32>,
        %get3A_60 = arith.index_cast %scan3A_32 : i32 to index
        %get3A_61 = arith.constant 32 : index
        %get3A_62 = tpu.vector_load %arg8[%get3A_60, %get3A_61] {strides = array<i32>} : memref<400x128xf32, #tpu.memory_space<vmem>>, vector<1x16xf32>,
        %get3A_63 = vector.shape_cast %get3A_62 : vector<1x16xf32> to vector<16xf32>
        %get3A_64 = arith.index_cast %scan3A_32 : i32 to index
        %get3A_65 = arith.constant 96 : index
        %get3A_66 = tpu.vector_load %arg9[%get3A_64, %get3A_65] {strides = array<i32>} : memref<400x128xf32, #tpu.memory_space<vmem>>, vector<1x16xf32>,
        %get3A_67 = vector.shape_cast %get3A_66 : vector<1x16xf32> to vector<16xf32>
        %add3A_68 = arith.addf %get3A_63, %get3A_67 : vector<16xf32>
        %swap3A_69 = arith.index_cast %scan3A_32 : i32 to index
        %swap3A_70 = arith.constant 32 : index
        %swap3A_71 = tpu.vector_load %arg8[%swap3A_69, %swap3A_70] {strides = array<i32>} : memref<400x128xf32, #tpu.memory_space<vmem>>, vector<1x16xf32>,
        %swap3A_72 = vector.shape_cast %swap3A_71 : vector<1x16xf32> to vector<16xf32>
        %swap3A_73 = vector.shape_cast %add3A_68 : vector<16xf32> to vector<1x16xf32>
        tpu.vector_store %arg8[%swap3A_69, %swap3A_70], %swap3A_73 {strides = array<i32>} : memref<400x128xf32, #tpu.memory_space<vmem>>, vector<1x16xf32>,
        %get3A_74 = arith.index_cast %scan3A_32 : i32 to index
        %get3A_75 = arith.constant 48 : index
        %get3A_76 = tpu.vector_load %arg8[%get3A_74, %get3A_75] {strides = array<i32>} : memref<400x128xf32, #tpu.memory_space<vmem>>, vector<1x16xf32>,
        %get3A_77 = vector.shape_cast %get3A_76 : vector<1x16xf32> to vector<16xf32>
        %get3A_78 = arith.index_cast %scan3A_32 : i32 to index
        %get3A_79 = arith.constant 112 : index
        %get3A_80 = tpu.vector_load %arg9[%get3A_78, %get3A_79] {strides = array<i32>} : memref<400x128xf32, #tpu.memory_space<vmem>>, vector<1x16xf32>,
        %get3A_81 = vector.shape_cast %get3A_80 : vector<1x16xf32> to vector<16xf32>
        %add3A_82 = arith.addf %get3A_77, %get3A_81 : vector<16xf32>
        %swap3A_83 = arith.index_cast %scan3A_32 : i32 to index
        %swap3A_84 = arith.constant 48 : index
        %swap3A_85 = tpu.vector_load %arg8[%swap3A_83, %swap3A_84] {strides = array<i32>} : memref<400x128xf32, #tpu.memory_space<vmem>>, vector<1x16xf32>,
        %swap3A_86 = vector.shape_cast %swap3A_85 : vector<1x16xf32> to vector<16xf32>
        %swap3A_87 = vector.shape_cast %add3A_82 : vector<16xf32> to vector<1x16xf32>
        tpu.vector_store %arg8[%swap3A_83, %swap3A_84], %swap3A_87 {strides = array<i32>} : memref<400x128xf32, #tpu.memory_space<vmem>>, vector<1x16xf32>,
        %scan3A_88 = arith.constant 0 : i32
        scf.yield %scan3A_88 : i32
      }
      %scan3A_30 = arith.constant 400 : i32
      "tpu.region"() ({
        %run_scoped3A = tpu.sem_alloc : memref<!tpu.dma_semaphore, #tpu.memory_space<semaphore_mem>>
        %dma_start3A_32 = arith.constant 0 : i32
        %dma_start3A_33 = tpu.memref_slice %arg5[%add3A_13, %dma_start3A_32] : memref<320000x128xf32, #tpu.memory_space<hbm>> -> memref<400x128xf32, #tpu.memory_space<hbm>>
        %dma_start3A_34 = arith.constant 0 : i32
        %dma_start3A_35 = tpu.memref_slice %arg5[%add3A_13, %dma_start3A_34] : memref<320000x128xf32, #tpu.memory_space<hbm>> -> memref<400x128xf32, #tpu.memory_space<hbm>>
        tpu.enqueue_dma source(%arg8 : memref<400x128xf32, #tpu.memory_space<vmem>>) target(%dma_start3A_35 : memref<400x128xf32, #tpu.memory_space<hbm>>) target_semaphore(%run_scoped3A : memref<!tpu.dma_semaphore, #tpu.memory_space<semaphore_mem>>)
        %dma_wait3A_36 = arith.constant 0 : i32
        %dma_wait3A_37 = tpu.memref_slice %arg5[%add3A_13, %dma_wait3A_36] : memref<320000x128xf32, #tpu.memory_space<hbm>> -> memref<400x128xf32, #tpu.memory_space<hbm>>
        %dma_wait3A_38 = arith.constant 0 : i32
        %dma_wait3A_39 = tpu.memref_slice %arg5[%add3A_13, %dma_wait3A_38] : memref<320000x128xf32, #tpu.memory_space<hbm>> -> memref<400x128xf32, #tpu.memory_space<hbm>>
        tpu.wait_dma2 semaphore(%run_scoped3A : memref<!tpu.dma_semaphore, #tpu.memory_space<semaphore_mem>>) src(%arg8 : memref<400x128xf32, #tpu.memory_space<vmem>>) dst(%dma_wait3A_39 : memref<400x128xf32, #tpu.memory_space<hbm>>)
        tpu.yield
      }) : () -> ()
      %scan3A_31 = arith.constant 0 : i32
      scf.yield %scan3A_31 : i32
    }
    %scan3A_8 = arith.constant 25 : i32
    return
  }
}

#map = affine_map<(d0, d1) -> (0, 0)>
#map1 = affine_map<(d0, d1) -> (0)>
#map2 = affine_map<(d0, d1) -> (0, 0, 0)>
module attributes {stable_mosaic.version = 14 : i64} {
  func.func @k(%arg0: i32, %arg1: i32, %arg2: memref<320000x128xf32, #tpu.memory_space<hbm>>, %arg3: memref<320000xi32, #tpu.memory_space<hbm>>, %arg4: memref<10000x128xf32, #tpu.memory_space<hbm>>, %arg5: memref<2x10000x128xf32, #tpu.memory_space<hbm>>, %arg6: memref<200xi32, #tpu.memory_space<vmem>>, %arg7: memref<200x128xf32, #tpu.memory_space<vmem>>, %arg8: memref<10000x128xf32, #tpu.memory_space<vmem_shared>>) attributes {dimension_semantics = [#tpu.dimension_semantics<core_parallel>, #tpu.dimension_semantics<subcore_parallel>], iteration_bounds = array<i64: 2, 16>, scalar_prefetch = 0 : i64, scratch_operands = 3 : i64, tpu.core_type = #tpu.core_type<sc_vector_subcore>, window_params = [{transform_indices = #map}, {transform_indices = #map1}, {transform_indices = #map}, {transform_indices = #map2}]} {
    %lt3A = arith.constant 15 : i32
    %lt3A_0 = arith.cmpi slt, %arg1, %lt3A : i32
    %convert_element_type3A = arith.extui %lt3A_0 : i1 to i32
    %cond3A = arith.constant 0 : i32
    %cond3A_1 = arith.cmpi ne, %convert_element_type3A, %cond3A : i32
    scf.if %cond3A_1 {
      %mul3A_26 = arith.constant 640 : i32
      %mul3A_27 = arith.muli %arg1, %mul3A_26 : i32
      %mul3A_28 = arith.constant 640 : i32
      %mul3A_29 = arith.muli %arg1, %mul3A_28 : i32
      "tpu.region"() ({
        %run_scoped3A = tpu.sem_alloc : memref<!tpu.dma_semaphore, #tpu.memory_space<semaphore_mem>>
        %dma_start3A = arith.constant 0 : i32
        %dma_start3A_30 = tpu.memref_slice %arg8[%mul3A_29, %dma_start3A] : memref<10000x128xf32, #tpu.memory_space<vmem_shared>> -> memref<640x128xf32, #tpu.memory_space<vmem_shared>>
        %dma_start3A_31 = arith.constant 0 : i32
        %dma_start3A_32 = tpu.memref_slice %arg4[%mul3A_27, %dma_start3A_31] : memref<10000x128xf32, #tpu.memory_space<hbm>> -> memref<640x128xf32, #tpu.memory_space<hbm>>
        tpu.enqueue_dma source(%dma_start3A_32 : memref<640x128xf32, #tpu.memory_space<hbm>>) target(%dma_start3A_30 : memref<640x128xf32, #tpu.memory_space<vmem_shared>>) target_semaphore(%run_scoped3A : memref<!tpu.dma_semaphore, #tpu.memory_space<semaphore_mem>>)
        %dma_wait3A = arith.constant 0 : i32
        %dma_wait3A_33 = tpu.memref_slice %arg8[%mul3A_29, %dma_wait3A] : memref<10000x128xf32, #tpu.memory_space<vmem_shared>> -> memref<640x128xf32, #tpu.memory_space<vmem_shared>>
        %dma_wait3A_34 = arith.constant 0 : i32
        %dma_wait3A_35 = tpu.memref_slice %arg4[%mul3A_27, %dma_wait3A_34] : memref<10000x128xf32, #tpu.memory_space<hbm>> -> memref<640x128xf32, #tpu.memory_space<hbm>>
        tpu.wait_dma2 semaphore(%run_scoped3A : memref<!tpu.dma_semaphore, #tpu.memory_space<semaphore_mem>>) src(%dma_wait3A_35 : memref<640x128xf32, #tpu.memory_space<hbm>>) dst(%dma_wait3A_33 : memref<640x128xf32, #tpu.memory_space<vmem_shared>>)
        tpu.yield
      }) : () -> ()
    } else {
    }
    %eq3A = arith.constant 15 : i32
    %eq3A_2 = arith.cmpi eq, %arg1, %eq3A : i32
    %convert_element_type3A_3 = arith.extui %eq3A_2 : i1 to i32
    %cond3A_4 = arith.constant 0 : i32
    %cond3A_5 = arith.cmpi ne, %convert_element_type3A_3, %cond3A_4 : i32
    scf.if %cond3A_5 {
      "tpu.region"() ({
        %run_scoped3A = tpu.sem_alloc : memref<!tpu.dma_semaphore, #tpu.memory_space<semaphore_mem>>
        %dma_start3A = arith.constant 9600 : i32
        %dma_start3A_26 = arith.constant 0 : i32
        %dma_start3A_27 = tpu.memref_slice %arg8[%dma_start3A, %dma_start3A_26] : memref<10000x128xf32, #tpu.memory_space<vmem_shared>> -> memref<400x128xf32, #tpu.memory_space<vmem_shared>>
        %dma_start3A_28 = arith.constant 9600 : i32
        %dma_start3A_29 = arith.constant 0 : i32
        %dma_start3A_30 = tpu.memref_slice %arg4[%dma_start3A_28, %dma_start3A_29] : memref<10000x128xf32, #tpu.memory_space<hbm>> -> memref<400x128xf32, #tpu.memory_space<hbm>>
        tpu.enqueue_dma source(%dma_start3A_30 : memref<400x128xf32, #tpu.memory_space<hbm>>) target(%dma_start3A_27 : memref<400x128xf32, #tpu.memory_space<vmem_shared>>) target_semaphore(%run_scoped3A : memref<!tpu.dma_semaphore, #tpu.memory_space<semaphore_mem>>)
        %dma_wait3A = arith.constant 9600 : i32
        %dma_wait3A_31 = arith.constant 0 : i32
        %dma_wait3A_32 = tpu.memref_slice %arg8[%dma_wait3A, %dma_wait3A_31] : memref<10000x128xf32, #tpu.memory_space<vmem_shared>> -> memref<400x128xf32, #tpu.memory_space<vmem_shared>>
        %dma_wait3A_33 = arith.constant 9600 : i32
        %dma_wait3A_34 = arith.constant 0 : i32
        %dma_wait3A_35 = tpu.memref_slice %arg4[%dma_wait3A_33, %dma_wait3A_34] : memref<10000x128xf32, #tpu.memory_space<hbm>> -> memref<400x128xf32, #tpu.memory_space<hbm>>
        tpu.wait_dma2 semaphore(%run_scoped3A : memref<!tpu.dma_semaphore, #tpu.memory_space<semaphore_mem>>) src(%dma_wait3A_35 : memref<400x128xf32, #tpu.memory_space<hbm>>) dst(%dma_wait3A_32 : memref<400x128xf32, #tpu.memory_space<vmem_shared>>)
        tpu.yield
      }) : () -> ()
    } else {
    }
    %barrier3A = arith.constant 0 : index
    tpu.barrier barrier_id(%barrier3A)
    %mul3A = arith.constant 160000 : i32
    %mul3A_6 = arith.muli %arg0, %mul3A : i32
    %mul3A_7 = arith.constant 10000 : i32
    %mul3A_8 = arith.muli %arg1, %mul3A_7 : i32
    %add3A = arith.addi %mul3A_6, %mul3A_8 : i32
    %scan3A = arith.constant 0 : i32
    %scan3A_9 = arith.constant 0 : i32
    %scan3A_10 = arith.constant 50 : i32
    %scan3A_11 = arith.addi %scan3A_9, %scan3A_10 : i32
    %scan3A_12 = arith.constant 1 : i32
    %scan3A_13 = scf.for %scan3A_26 = %scan3A_9 to %scan3A_11 step %scan3A_12 iter_args(%scan3A_27 = %scan3A) -> (i32)  : i32 {
      %mul3A_28 = arith.constant 200 : i32
      %mul3A_29 = arith.muli %scan3A_26, %mul3A_28 : i32
      %add3A_30 = arith.addi %add3A, %mul3A_29 : i32
      "tpu.region"() ({
        %run_scoped3A = tpu.sem_alloc : memref<!tpu.dma_semaphore, #tpu.memory_space<semaphore_mem>>
        %dma_start3A = tpu.memref_slice %arg3[%add3A_30] : memref<320000xi32, #tpu.memory_space<hbm>> -> memref<200xi32, #tpu.memory_space<hbm>>
        %dma_start3A_32 = tpu.memref_slice %arg3[%add3A_30] : memref<320000xi32, #tpu.memory_space<hbm>> -> memref<200xi32, #tpu.memory_space<hbm>>
        tpu.enqueue_dma source(%dma_start3A_32 : memref<200xi32, #tpu.memory_space<hbm>>) target(%arg6 : memref<200xi32, #tpu.memory_space<vmem>>) target_semaphore(%run_scoped3A : memref<!tpu.dma_semaphore, #tpu.memory_space<semaphore_mem>>)
        %dma_wait3A = tpu.memref_slice %arg3[%add3A_30] : memref<320000xi32, #tpu.memory_space<hbm>> -> memref<200xi32, #tpu.memory_space<hbm>>
        %dma_wait3A_33 = tpu.memref_slice %arg3[%add3A_30] : memref<320000xi32, #tpu.memory_space<hbm>> -> memref<200xi32, #tpu.memory_space<hbm>>
        tpu.wait_dma2 semaphore(%run_scoped3A : memref<!tpu.dma_semaphore, #tpu.memory_space<semaphore_mem>>) src(%dma_wait3A_33 : memref<200xi32, #tpu.memory_space<hbm>>) dst(%arg6 : memref<200xi32, #tpu.memory_space<vmem>>)
        tpu.yield
      }) : () -> ()
      "tpu.region"() ({
        %run_scoped3A = tpu.sem_alloc : memref<!tpu.dma_semaphore, #tpu.memory_space<semaphore_mem>>
        %dma_start3A = arith.constant 0 : i32
        %dma_start3A_32 = tpu.memref_slice %arg2[%add3A_30, %dma_start3A] : memref<320000x128xf32, #tpu.memory_space<hbm>> -> memref<200x128xf32, #tpu.memory_space<hbm>>
        %dma_start3A_33 = arith.constant 0 : i32
        %dma_start3A_34 = tpu.memref_slice %arg2[%add3A_30, %dma_start3A_33] : memref<320000x128xf32, #tpu.memory_space<hbm>> -> memref<200x128xf32, #tpu.memory_space<hbm>>
        tpu.enqueue_dma source(%dma_start3A_34 : memref<200x128xf32, #tpu.memory_space<hbm>>) target(%arg7 : memref<200x128xf32, #tpu.memory_space<vmem>>) target_semaphore(%run_scoped3A : memref<!tpu.dma_semaphore, #tpu.memory_space<semaphore_mem>>)
        %dma_wait3A = arith.constant 0 : i32
        %dma_wait3A_35 = tpu.memref_slice %arg2[%add3A_30, %dma_wait3A] : memref<320000x128xf32, #tpu.memory_space<hbm>> -> memref<200x128xf32, #tpu.memory_space<hbm>>
        %dma_wait3A_36 = arith.constant 0 : i32
        %dma_wait3A_37 = tpu.memref_slice %arg2[%add3A_30, %dma_wait3A_36] : memref<320000x128xf32, #tpu.memory_space<hbm>> -> memref<200x128xf32, #tpu.memory_space<hbm>>
        tpu.wait_dma2 semaphore(%run_scoped3A : memref<!tpu.dma_semaphore, #tpu.memory_space<semaphore_mem>>) src(%dma_wait3A_37 : memref<200x128xf32, #tpu.memory_space<hbm>>) dst(%arg7 : memref<200x128xf32, #tpu.memory_space<vmem>>)
        tpu.yield
      }) : () -> ()
      "tpu.region"() ({
        %run_scoped3A = tpu.sem_alloc : memref<!tpu.dma_semaphore, #tpu.memory_space<semaphore_mem>>
        %dma_start3A = arith.constant 0 : i32
        %dma_start3A_32 = arith.constant 0 : i32
        %dma_start3A_33 = tpu.memref_slice %arg8[%dma_start3A, %dma_start3A_32] : memref<10000x128xf32, #tpu.memory_space<vmem_shared>> -> memref<10000x128xf32, #tpu.memory_space<vmem_shared>>
        tpu.enqueue_indirect_dma source(%arg7 : memref<200x128xf32, #tpu.memory_space<vmem>>) target(%dma_start3A_33 : memref<10000x128xf32, #tpu.memory_space<vmem_shared>>) offsets(%arg6 : memref<200xi32, #tpu.memory_space<vmem>>) semaphore(%run_scoped3A : memref<!tpu.dma_semaphore, #tpu.memory_space<semaphore_mem>>) {add = true}
        %dma_wait3A = arith.constant 0 : i32
        %dma_wait3A_34 = arith.constant 0 : i32
        %dma_wait3A_35 = tpu.memref_slice %arg8[%dma_wait3A, %dma_wait3A_34] : memref<10000x128xf32, #tpu.memory_space<vmem_shared>> -> memref<10000x128xf32, #tpu.memory_space<vmem_shared>>
        tpu.wait_indirect_dma semaphore(%run_scoped3A : memref<!tpu.dma_semaphore, #tpu.memory_space<semaphore_mem>>) src(%arg7 : memref<200x128xf32, #tpu.memory_space<vmem>>) dst(%dma_wait3A_35 : memref<10000x128xf32, #tpu.memory_space<vmem_shared>>)
        tpu.yield
      }) : () -> ()
      %scan3A_31 = arith.constant 0 : i32
      scf.yield %scan3A_31 : i32
    }
    %scan3A_14 = arith.constant 50 : i32
    %barrier3A_15 = arith.constant 0 : index
    tpu.barrier barrier_id(%barrier3A_15)
    %lt3A_16 = arith.constant 15 : i32
    %lt3A_17 = arith.cmpi slt, %arg1, %lt3A_16 : i32
    %convert_element_type3A_18 = arith.extui %lt3A_17 : i1 to i32
    %cond3A_19 = arith.constant 0 : i32
    %cond3A_20 = arith.cmpi ne, %convert_element_type3A_18, %cond3A_19 : i32
    scf.if %cond3A_20 {
      %mul3A_26 = arith.constant 640 : i32
      %mul3A_27 = arith.muli %arg1, %mul3A_26 : i32
      %mul3A_28 = arith.constant 640 : i32
      %mul3A_29 = arith.muli %arg1, %mul3A_28 : i32
      "tpu.region"() ({
        %run_scoped3A = tpu.sem_alloc : memref<!tpu.dma_semaphore, #tpu.memory_space<semaphore_mem>>
        %dma_start3A = arith.constant 0 : i32
        %dma_start3A_30 = arith.constant 0 : i32
        %dma_start3A_31 = tpu.memref_slice %arg5[%arg0, %dma_start3A, %dma_start3A_30] : memref<2x10000x128xf32, #tpu.memory_space<hbm>> -> memref<1x10000x128xf32, #tpu.memory_space<hbm>>
        %dma_start3A_32 = tpu.memref_squeeze %dma_start3A_31 : memref<1x10000x128xf32, #tpu.memory_space<hbm>> -> memref<10000x128xf32, #tpu.memory_space<hbm>>
        %dma_start3A_33 = arith.constant 0 : i32
        %dma_start3A_34 = tpu.memref_slice %dma_start3A_32[%mul3A_29, %dma_start3A_33] : memref<10000x128xf32, #tpu.memory_space<hbm>> -> memref<640x128xf32, #tpu.memory_space<hbm>>
        %dma_start3A_35 = arith.constant 0 : i32
        %dma_start3A_36 = tpu.memref_slice %arg8[%mul3A_27, %dma_start3A_35] : memref<10000x128xf32, #tpu.memory_space<vmem_shared>> -> memref<640x128xf32, #tpu.memory_space<vmem_shared>>
        tpu.enqueue_dma source(%dma_start3A_36 : memref<640x128xf32, #tpu.memory_space<vmem_shared>>) target(%dma_start3A_34 : memref<640x128xf32, #tpu.memory_space<hbm>>) target_semaphore(%run_scoped3A : memref<!tpu.dma_semaphore, #tpu.memory_space<semaphore_mem>>)
        %dma_wait3A = arith.constant 0 : i32
        %dma_wait3A_37 = arith.constant 0 : i32
        %dma_wait3A_38 = tpu.memref_slice %arg5[%arg0, %dma_wait3A, %dma_wait3A_37] : memref<2x10000x128xf32, #tpu.memory_space<hbm>> -> memref<1x10000x128xf32, #tpu.memory_space<hbm>>
        %dma_wait3A_39 = tpu.memref_squeeze %dma_wait3A_38 : memref<1x10000x128xf32, #tpu.memory_space<hbm>> -> memref<10000x128xf32, #tpu.memory_space<hbm>>
        %dma_wait3A_40 = arith.constant 0 : i32
        %dma_wait3A_41 = tpu.memref_slice %dma_wait3A_39[%mul3A_29, %dma_wait3A_40] : memref<10000x128xf32, #tpu.memory_space<hbm>> -> memref<640x128xf32, #tpu.memory_space<hbm>>
        %dma_wait3A_42 = arith.constant 0 : i32
        %dma_wait3A_43 = tpu.memref_slice %arg8[%mul3A_27, %dma_wait3A_42] : memref<10000x128xf32, #tpu.memory_space<vmem_shared>> -> memref<640x128xf32, #tpu.memory_space<vmem_shared>>
        tpu.wait_dma2 semaphore(%run_scoped3A : memref<!tpu.dma_semaphore, #tpu.memory_space<semaphore_mem>>) src(%dma_wait3A_43 : memref<640x128xf32, #tpu.memory_space<vmem_shared>>) dst(%dma_wait3A_41 : memref<640x128xf32, #tpu.memory_space<hbm>>)
        tpu.yield
      }) : () -> ()
    } else {
    }
    %eq3A_21 = arith.constant 15 : i32
    %eq3A_22 = arith.cmpi eq, %arg1, %eq3A_21 : i32
    %convert_element_type3A_23 = arith.extui %eq3A_22 : i1 to i32
    %cond3A_24 = arith.constant 0 : i32
    %cond3A_25 = arith.cmpi ne, %convert_element_type3A_23, %cond3A_24 : i32
    scf.if %cond3A_25 {
      "tpu.region"() ({
        %run_scoped3A = tpu.sem_alloc : memref<!tpu.dma_semaphore, #tpu.memory_space<semaphore_mem>>
        %dma_start3A = arith.constant 0 : i32
        %dma_start3A_26 = arith.constant 0 : i32
        %dma_start3A_27 = tpu.memref_slice %arg5[%arg0, %dma_start3A, %dma_start3A_26] : memref<2x10000x128xf32, #tpu.memory_space<hbm>> -> memref<1x10000x128xf32, #tpu.memory_space<hbm>>
        %dma_start3A_28 = tpu.memref_squeeze %dma_start3A_27 : memref<1x10000x128xf32, #tpu.memory_space<hbm>> -> memref<10000x128xf32, #tpu.memory_space<hbm>>
        %dma_start3A_29 = arith.constant 9600 : i32
        %dma_start3A_30 = arith.constant 0 : i32
        %dma_start3A_31 = tpu.memref_slice %dma_start3A_28[%dma_start3A_29, %dma_start3A_30] : memref<10000x128xf32, #tpu.memory_space<hbm>> -> memref<400x128xf32, #tpu.memory_space<hbm>>
        %dma_start3A_32 = arith.constant 9600 : i32
        %dma_start3A_33 = arith.constant 0 : i32
        %dma_start3A_34 = tpu.memref_slice %arg8[%dma_start3A_32, %dma_start3A_33] : memref<10000x128xf32, #tpu.memory_space<vmem_shared>> -> memref<400x128xf32, #tpu.memory_space<vmem_shared>>
        tpu.enqueue_dma source(%dma_start3A_34 : memref<400x128xf32, #tpu.memory_space<vmem_shared>>) target(%dma_start3A_31 : memref<400x128xf32, #tpu.memory_space<hbm>>) target_semaphore(%run_scoped3A : memref<!tpu.dma_semaphore, #tpu.memory_space<semaphore_mem>>)
        %dma_wait3A = arith.constant 0 : i32
        %dma_wait3A_35 = arith.constant 0 : i32
        %dma_wait3A_36 = tpu.memref_slice %arg5[%arg0, %dma_wait3A, %dma_wait3A_35] : memref<2x10000x128xf32, #tpu.memory_space<hbm>> -> memref<1x10000x128xf32, #tpu.memory_space<hbm>>
        %dma_wait3A_37 = tpu.memref_squeeze %dma_wait3A_36 : memref<1x10000x128xf32, #tpu.memory_space<hbm>> -> memref<10000x128xf32, #tpu.memory_space<hbm>>
        %dma_wait3A_38 = arith.constant 9600 : i32
        %dma_wait3A_39 = arith.constant 0 : i32
        %dma_wait3A_40 = tpu.memref_slice %dma_wait3A_37[%dma_wait3A_38, %dma_wait3A_39] : memref<10000x128xf32, #tpu.memory_space<hbm>> -> memref<400x128xf32, #tpu.memory_space<hbm>>
        %dma_wait3A_41 = arith.constant 9600 : i32
        %dma_wait3A_42 = arith.constant 0 : i32
        %dma_wait3A_43 = tpu.memref_slice %arg8[%dma_wait3A_41, %dma_wait3A_42] : memref<10000x128xf32, #tpu.memory_space<vmem_shared>> -> memref<400x128xf32, #tpu.memory_space<vmem_shared>>
        tpu.wait_dma2 semaphore(%run_scoped3A : memref<!tpu.dma_semaphore, #tpu.memory_space<semaphore_mem>>) src(%dma_wait3A_43 : memref<400x128xf32, #tpu.memory_space<vmem_shared>>) dst(%dma_wait3A_40 : memref<400x128xf32, #tpu.memory_space<hbm>>)
        tpu.yield
      }) : () -> ()
    } else {
    }
    return
  }
}

#map = affine_map<(d0, d1) -> (0, 0)>
#map1 = affine_map<(d0, d1) -> (0)>
module attributes {stable_mosaic.version = 14 : i64} {
  func.func @k(%arg0: i32, %arg1: i32, %arg2: memref<10000x128xf32, #tpu.memory_space<hbm>>, %arg3: memref<320000xi32, #tpu.memory_space<hbm>>, %arg4: memref<320000xi32, #tpu.memory_space<hbm>>, %arg5: memref<320000x128xf32, #tpu.memory_space<hbm>>, %arg6: memref<400xi32, #tpu.memory_space<vmem>>, %arg7: memref<400xi32, #tpu.memory_space<vmem>>, %arg8: memref<400x128xf32, #tpu.memory_space<vmem>>, %arg9: memref<400x128xf32, #tpu.memory_space<vmem>>, %arg10: memref<!tpu.dma_semaphore, #tpu.memory_space<semaphore_mem>>, %arg11: memref<!tpu.dma_semaphore, #tpu.memory_space<semaphore_mem>>) attributes {dimension_semantics = [#tpu.dimension_semantics<core_parallel>, #tpu.dimension_semantics<subcore_parallel>], iteration_bounds = array<i64: 2, 16>, scalar_prefetch = 0 : i64, scratch_operands = 6 : i64, tpu.core_type = #tpu.core_type<sc_vector_subcore>, window_params = [{transform_indices = #map}, {transform_indices = #map1}, {transform_indices = #map1}, {transform_indices = #map}]} {
    %mul3A = arith.constant 2 : i32
    %mul3A_0 = arith.muli %arg1, %mul3A : i32
    %add3A = arith.addi %mul3A_0, %arg0 : i32
    %mul3A_1 = arith.constant 10000 : i32
    %mul3A_2 = arith.muli %add3A, %mul3A_1 : i32
    %scan3A = arith.constant 0 : i32
    %scan3A_3 = arith.constant 0 : i32
    %scan3A_4 = arith.constant 25 : i32
    %scan3A_5 = arith.addi %scan3A_3, %scan3A_4 : i32
    %scan3A_6 = arith.constant 1 : i32
    %scan3A_7 = scf.for %scan3A_9 = %scan3A_3 to %scan3A_5 step %scan3A_6 iter_args(%scan3A_10 = %scan3A) -> (i32)  : i32 {
      %mul3A_11 = arith.constant 400 : i32
      %mul3A_12 = arith.muli %scan3A_9, %mul3A_11 : i32
      %add3A_13 = arith.addi %mul3A_2, %mul3A_12 : i32
      "tpu.region"() ({
        %run_scoped3A = tpu.sem_alloc : memref<!tpu.dma_semaphore, #tpu.memory_space<semaphore_mem>>
        %dma_start3A_32 = tpu.memref_slice %arg3[%add3A_13] : memref<320000xi32, #tpu.memory_space<hbm>> -> memref<400xi32, #tpu.memory_space<hbm>>
        %dma_start3A_33 = tpu.memref_slice %arg3[%add3A_13] : memref<320000xi32, #tpu.memory_space<hbm>> -> memref<400xi32, #tpu.memory_space<hbm>>
        tpu.enqueue_dma source(%dma_start3A_33 : memref<400xi32, #tpu.memory_space<hbm>>) target(%arg6 : memref<400xi32, #tpu.memory_space<vmem>>) target_semaphore(%run_scoped3A : memref<!tpu.dma_semaphore, #tpu.memory_space<semaphore_mem>>)
        %dma_wait3A_34 = tpu.memref_slice %arg3[%add3A_13] : memref<320000xi32, #tpu.memory_space<hbm>> -> memref<400xi32, #tpu.memory_space<hbm>>
        %dma_wait3A_35 = tpu.memref_slice %arg3[%add3A_13] : memref<320000xi32, #tpu.memory_space<hbm>> -> memref<400xi32, #tpu.memory_space<hbm>>
        tpu.wait_dma2 semaphore(%run_scoped3A : memref<!tpu.dma_semaphore, #tpu.memory_space<semaphore_mem>>) src(%dma_wait3A_35 : memref<400xi32, #tpu.memory_space<hbm>>) dst(%arg6 : memref<400xi32, #tpu.memory_space<vmem>>)
        tpu.yield
      }) : () -> ()
      "tpu.region"() ({
        %run_scoped3A = tpu.sem_alloc : memref<!tpu.dma_semaphore, #tpu.memory_space<semaphore_mem>>
        %dma_start3A_32 = tpu.memref_slice %arg4[%add3A_13] : memref<320000xi32, #tpu.memory_space<hbm>> -> memref<400xi32, #tpu.memory_space<hbm>>
        %dma_start3A_33 = tpu.memref_slice %arg4[%add3A_13] : memref<320000xi32, #tpu.memory_space<hbm>> -> memref<400xi32, #tpu.memory_space<hbm>>
        tpu.enqueue_dma source(%dma_start3A_33 : memref<400xi32, #tpu.memory_space<hbm>>) target(%arg7 : memref<400xi32, #tpu.memory_space<vmem>>) target_semaphore(%run_scoped3A : memref<!tpu.dma_semaphore, #tpu.memory_space<semaphore_mem>>)
        %dma_wait3A_34 = tpu.memref_slice %arg4[%add3A_13] : memref<320000xi32, #tpu.memory_space<hbm>> -> memref<400xi32, #tpu.memory_space<hbm>>
        %dma_wait3A_35 = tpu.memref_slice %arg4[%add3A_13] : memref<320000xi32, #tpu.memory_space<hbm>> -> memref<400xi32, #tpu.memory_space<hbm>>
        tpu.wait_dma2 semaphore(%run_scoped3A : memref<!tpu.dma_semaphore, #tpu.memory_space<semaphore_mem>>) src(%dma_wait3A_35 : memref<400xi32, #tpu.memory_space<hbm>>) dst(%arg7 : memref<400xi32, #tpu.memory_space<vmem>>)
        tpu.yield
      }) : () -> ()
      %dma_start3A = arith.constant 0 : i32
      %dma_start3A_14 = arith.constant 0 : i32
      %dma_start3A_15 = tpu.memref_slice %arg2[%dma_start3A, %dma_start3A_14] : memref<10000x128xf32, #tpu.memory_space<hbm>> -> memref<10000x128xf32, #tpu.memory_space<hbm>>
      tpu.enqueue_indirect_dma source(%dma_start3A_15 : memref<10000x128xf32, #tpu.memory_space<hbm>>) target(%arg8 : memref<400x128xf32, #tpu.memory_space<vmem>>) offsets(%arg6 : memref<400xi32, #tpu.memory_space<vmem>>) semaphore(%arg10 : memref<!tpu.dma_semaphore, #tpu.memory_space<semaphore_mem>>)
      %dma_start3A_16 = arith.constant 0 : i32
      %dma_start3A_17 = arith.constant 0 : i32
      %dma_start3A_18 = tpu.memref_slice %arg2[%dma_start3A_16, %dma_start3A_17] : memref<10000x128xf32, #tpu.memory_space<hbm>> -> memref<10000x128xf32, #tpu.memory_space<hbm>>
      tpu.enqueue_indirect_dma source(%dma_start3A_18 : memref<10000x128xf32, #tpu.memory_space<hbm>>) target(%arg9 : memref<400x128xf32, #tpu.memory_space<vmem>>) offsets(%arg7 : memref<400xi32, #tpu.memory_space<vmem>>) semaphore(%arg11 : memref<!tpu.dma_semaphore, #tpu.memory_space<semaphore_mem>>)
      %dma_wait3A = arith.constant 0 : i32
      %dma_wait3A_19 = arith.constant 0 : i32
      %dma_wait3A_20 = tpu.memref_slice %arg2[%dma_wait3A, %dma_wait3A_19] : memref<10000x128xf32, #tpu.memory_space<hbm>> -> memref<10000x128xf32, #tpu.memory_space<hbm>>
      tpu.wait_indirect_dma semaphore(%arg10 : memref<!tpu.dma_semaphore, #tpu.memory_space<semaphore_mem>>) src(%dma_wait3A_20 : memref<10000x128xf32, #tpu.memory_space<hbm>>) dst(%arg8 : memref<400x128xf32, #tpu.memory_space<vmem>>)
      %dma_wait3A_21 = arith.constant 0 : i32
      %dma_wait3A_22 = arith.constant 0 : i32
      %dma_wait3A_23 = tpu.memref_slice %arg2[%dma_wait3A_21, %dma_wait3A_22] : memref<10000x128xf32, #tpu.memory_space<hbm>> -> memref<10000x128xf32, #tpu.memory_space<hbm>>
      tpu.wait_indirect_dma semaphore(%arg11 : memref<!tpu.dma_semaphore, #tpu.memory_space<semaphore_mem>>) src(%dma_wait3A_23 : memref<10000x128xf32, #tpu.memory_space<hbm>>) dst(%arg9 : memref<400x128xf32, #tpu.memory_space<vmem>>)
      %scan3A_24 = arith.constant 0 : i32
      %scan3A_25 = arith.constant 0 : i32
      %scan3A_26 = arith.constant 400 : i32
      %scan3A_27 = arith.addi %scan3A_25, %scan3A_26 : i32
      %scan3A_28 = arith.constant 1 : i32
      %scan3A_29 = scf.for %scan3A_32 = %scan3A_25 to %scan3A_27 step %scan3A_28 iter_args(%scan3A_33 = %scan3A_24) -> (i32)  : i32 {
        %get3A = arith.index_cast %scan3A_32 : i32 to index
        %get3A_34 = arith.constant 0 : index
        %get3A_35 = tpu.vector_load %arg8[%get3A, %get3A_34] {strides = array<i32>} : memref<400x128xf32, #tpu.memory_space<vmem>>, vector<1x16xf32>,
        %get3A_36 = vector.shape_cast %get3A_35 : vector<1x16xf32> to vector<16xf32>
        %get3A_37 = arith.index_cast %scan3A_32 : i32 to index
        %get3A_38 = arith.constant 64 : index
        %get3A_39 = tpu.vector_load %arg9[%get3A_37, %get3A_38] {strides = array<i32>} : memref<400x128xf32, #tpu.memory_space<vmem>>, vector<1x16xf32>,
        %get3A_40 = vector.shape_cast %get3A_39 : vector<1x16xf32> to vector<16xf32>
        %add3A_41 = arith.addf %get3A_36, %get3A_40 : vector<16xf32>
        %swap3A = arith.index_cast %scan3A_32 : i32 to index
        %swap3A_42 = arith.constant 0 : index
        %swap3A_43 = tpu.vector_load %arg8[%swap3A, %swap3A_42] {strides = array<i32>} : memref<400x128xf32, #tpu.memory_space<vmem>>, vector<1x16xf32>,
        %swap3A_44 = vector.shape_cast %swap3A_43 : vector<1x16xf32> to vector<16xf32>
        %swap3A_45 = vector.shape_cast %add3A_41 : vector<16xf32> to vector<1x16xf32>
        tpu.vector_store %arg8[%swap3A, %swap3A_42], %swap3A_45 {strides = array<i32>} : memref<400x128xf32, #tpu.memory_space<vmem>>, vector<1x16xf32>,
        %get3A_46 = arith.index_cast %scan3A_32 : i32 to index
        %get3A_47 = arith.constant 16 : index
        %get3A_48 = tpu.vector_load %arg8[%get3A_46, %get3A_47] {strides = array<i32>} : memref<400x128xf32, #tpu.memory_space<vmem>>, vector<1x16xf32>,
        %get3A_49 = vector.shape_cast %get3A_48 : vector<1x16xf32> to vector<16xf32>
        %get3A_50 = arith.index_cast %scan3A_32 : i32 to index
        %get3A_51 = arith.constant 80 : index
        %get3A_52 = tpu.vector_load %arg9[%get3A_50, %get3A_51] {strides = array<i32>} : memref<400x128xf32, #tpu.memory_space<vmem>>, vector<1x16xf32>,
        %get3A_53 = vector.shape_cast %get3A_52 : vector<1x16xf32> to vector<16xf32>
        %add3A_54 = arith.addf %get3A_49, %get3A_53 : vector<16xf32>
        %swap3A_55 = arith.index_cast %scan3A_32 : i32 to index
        %swap3A_56 = arith.constant 16 : index
        %swap3A_57 = tpu.vector_load %arg8[%swap3A_55, %swap3A_56] {strides = array<i32>} : memref<400x128xf32, #tpu.memory_space<vmem>>, vector<1x16xf32>,
        %swap3A_58 = vector.shape_cast %swap3A_57 : vector<1x16xf32> to vector<16xf32>
        %swap3A_59 = vector.shape_cast %add3A_54 : vector<16xf32> to vector<1x16xf32>
        tpu.vector_store %arg8[%swap3A_55, %swap3A_56], %swap3A_59 {strides = array<i32>} : memref<400x128xf32, #tpu.memory_space<vmem>>, vector<1x16xf32>,
        %get3A_60 = arith.index_cast %scan3A_32 : i32 to index
        %get3A_61 = arith.constant 32 : index
        %get3A_62 = tpu.vector_load %arg8[%get3A_60, %get3A_61] {strides = array<i32>} : memref<400x128xf32, #tpu.memory_space<vmem>>, vector<1x16xf32>,
        %get3A_63 = vector.shape_cast %get3A_62 : vector<1x16xf32> to vector<16xf32>
        %get3A_64 = arith.index_cast %scan3A_32 : i32 to index
        %get3A_65 = arith.constant 96 : index
        %get3A_66 = tpu.vector_load %arg9[%get3A_64, %get3A_65] {strides = array<i32>} : memref<400x128xf32, #tpu.memory_space<vmem>>, vector<1x16xf32>,
        %get3A_67 = vector.shape_cast %get3A_66 : vector<1x16xf32> to vector<16xf32>
        %add3A_68 = arith.addf %get3A_63, %get3A_67 : vector<16xf32>
        %swap3A_69 = arith.index_cast %scan3A_32 : i32 to index
        %swap3A_70 = arith.constant 32 : index
        %swap3A_71 = tpu.vector_load %arg8[%swap3A_69, %swap3A_70] {strides = array<i32>} : memref<400x128xf32, #tpu.memory_space<vmem>>, vector<1x16xf32>,
        %swap3A_72 = vector.shape_cast %swap3A_71 : vector<1x16xf32> to vector<16xf32>
        %swap3A_73 = vector.shape_cast %add3A_68 : vector<16xf32> to vector<1x16xf32>
        tpu.vector_store %arg8[%swap3A_69, %swap3A_70], %swap3A_73 {strides = array<i32>} : memref<400x128xf32, #tpu.memory_space<vmem>>, vector<1x16xf32>,
        %get3A_74 = arith.index_cast %scan3A_32 : i32 to index
        %get3A_75 = arith.constant 48 : index
        %get3A_76 = tpu.vector_load %arg8[%get3A_74, %get3A_75] {strides = array<i32>} : memref<400x128xf32, #tpu.memory_space<vmem>>, vector<1x16xf32>,
        %get3A_77 = vector.shape_cast %get3A_76 : vector<1x16xf32> to vector<16xf32>
        %get3A_78 = arith.index_cast %scan3A_32 : i32 to index
        %get3A_79 = arith.constant 112 : index
        %get3A_80 = tpu.vector_load %arg9[%get3A_78, %get3A_79] {strides = array<i32>} : memref<400x128xf32, #tpu.memory_space<vmem>>, vector<1x16xf32>,
        %get3A_81 = vector.shape_cast %get3A_80 : vector<1x16xf32> to vector<16xf32>
        %add3A_82 = arith.addf %get3A_77, %get3A_81 : vector<16xf32>
        %swap3A_83 = arith.index_cast %scan3A_32 : i32 to index
        %swap3A_84 = arith.constant 48 : index
        %swap3A_85 = tpu.vector_load %arg8[%swap3A_83, %swap3A_84] {strides = array<i32>} : memref<400x128xf32, #tpu.memory_space<vmem>>, vector<1x16xf32>,
        %swap3A_86 = vector.shape_cast %swap3A_85 : vector<1x16xf32> to vector<16xf32>
        %swap3A_87 = vector.shape_cast %add3A_82 : vector<16xf32> to vector<1x16xf32>
        tpu.vector_store %arg8[%swap3A_83, %swap3A_84], %swap3A_87 {strides = array<i32>} : memref<400x128xf32, #tpu.memory_space<vmem>>, vector<1x16xf32>,
        %scan3A_88 = arith.constant 0 : i32
        scf.yield %scan3A_88 : i32
      }
      %scan3A_30 = arith.constant 400 : i32
      "tpu.region"() ({
        %run_scoped3A = tpu.sem_alloc : memref<!tpu.dma_semaphore, #tpu.memory_space<semaphore_mem>>
        %dma_start3A_32 = arith.constant 0 : i32
        %dma_start3A_33 = tpu.memref_slice %arg5[%add3A_13, %dma_start3A_32] : memref<320000x128xf32, #tpu.memory_space<hbm>> -> memref<400x128xf32, #tpu.memory_space<hbm>>
        %dma_start3A_34 = arith.constant 0 : i32
        %dma_start3A_35 = tpu.memref_slice %arg5[%add3A_13, %dma_start3A_34] : memref<320000x128xf32, #tpu.memory_space<hbm>> -> memref<400x128xf32, #tpu.memory_space<hbm>>
        tpu.enqueue_dma source(%arg8 : memref<400x128xf32, #tpu.memory_space<vmem>>) target(%dma_start3A_35 : memref<400x128xf32, #tpu.memory_space<hbm>>) target_semaphore(%run_scoped3A : memref<!tpu.dma_semaphore, #tpu.memory_space<semaphore_mem>>)
        %dma_wait3A_36 = arith.constant 0 : i32
        %dma_wait3A_37 = tpu.memref_slice %arg5[%add3A_13, %dma_wait3A_36] : memref<320000x128xf32, #tpu.memory_space<hbm>> -> memref<400x128xf32, #tpu.memory_space<hbm>>
        %dma_wait3A_38 = arith.constant 0 : i32
        %dma_wait3A_39 = tpu.memref_slice %arg5[%add3A_13, %dma_wait3A_38] : memref<320000x128xf32, #tpu.memory_space<hbm>> -> memref<400x128xf32, #tpu.memory_space<hbm>>
        tpu.wait_dma2 semaphore(%run_scoped3A : memref<!tpu.dma_semaphore, #tpu.memory_space<semaphore_mem>>) src(%arg8 : memref<400x128xf32, #tpu.memory_space<vmem>>) dst(%dma_wait3A_39 : memref<400x128xf32, #tpu.memory_space<hbm>>)
        tpu.yield
      }) : () -> ()
      %scan3A_31 = arith.constant 0 : i32
      scf.yield %scan3A_31 : i32
    }
    %scan3A_8 = arith.constant 25 : i32
    return
  }
}

#map = affine_map<(d0, d1) -> (0, 0)>
#map1 = affine_map<(d0, d1) -> (0)>
#map2 = affine_map<(d0, d1) -> (0, 0, 0)>
module attributes {stable_mosaic.version = 14 : i64} {
  func.func @k(%arg0: i32, %arg1: i32, %arg2: memref<320000x128xf32, #tpu.memory_space<hbm>>, %arg3: memref<320000xi32, #tpu.memory_space<hbm>>, %arg4: memref<10000x128xf32, #tpu.memory_space<hbm>>, %arg5: memref<2x10000x128xf32, #tpu.memory_space<hbm>>, %arg6: memref<200xi32, #tpu.memory_space<vmem>>, %arg7: memref<200x128xf32, #tpu.memory_space<vmem>>, %arg8: memref<10000x128xf32, #tpu.memory_space<vmem_shared>>) attributes {dimension_semantics = [#tpu.dimension_semantics<core_parallel>, #tpu.dimension_semantics<subcore_parallel>], iteration_bounds = array<i64: 2, 16>, scalar_prefetch = 0 : i64, scratch_operands = 3 : i64, tpu.core_type = #tpu.core_type<sc_vector_subcore>, window_params = [{transform_indices = #map}, {transform_indices = #map1}, {transform_indices = #map}, {transform_indices = #map2}]} {
    %lt3A = arith.constant 15 : i32
    %lt3A_0 = arith.cmpi slt, %arg1, %lt3A : i32
    %convert_element_type3A = arith.extui %lt3A_0 : i1 to i32
    %cond3A = arith.constant 0 : i32
    %cond3A_1 = arith.cmpi ne, %convert_element_type3A, %cond3A : i32
    scf.if %cond3A_1 {
      %mul3A_26 = arith.constant 640 : i32
      %mul3A_27 = arith.muli %arg1, %mul3A_26 : i32
      %mul3A_28 = arith.constant 640 : i32
      %mul3A_29 = arith.muli %arg1, %mul3A_28 : i32
      "tpu.region"() ({
        %run_scoped3A = tpu.sem_alloc : memref<!tpu.dma_semaphore, #tpu.memory_space<semaphore_mem>>
        %dma_start3A = arith.constant 0 : i32
        %dma_start3A_30 = tpu.memref_slice %arg8[%mul3A_29, %dma_start3A] : memref<10000x128xf32, #tpu.memory_space<vmem_shared>> -> memref<640x128xf32, #tpu.memory_space<vmem_shared>>
        %dma_start3A_31 = arith.constant 0 : i32
        %dma_start3A_32 = tpu.memref_slice %arg4[%mul3A_27, %dma_start3A_31] : memref<10000x128xf32, #tpu.memory_space<hbm>> -> memref<640x128xf32, #tpu.memory_space<hbm>>
        tpu.enqueue_dma source(%dma_start3A_32 : memref<640x128xf32, #tpu.memory_space<hbm>>) target(%dma_start3A_30 : memref<640x128xf32, #tpu.memory_space<vmem_shared>>) target_semaphore(%run_scoped3A : memref<!tpu.dma_semaphore, #tpu.memory_space<semaphore_mem>>)
        %dma_wait3A = arith.constant 0 : i32
        %dma_wait3A_33 = tpu.memref_slice %arg8[%mul3A_29, %dma_wait3A] : memref<10000x128xf32, #tpu.memory_space<vmem_shared>> -> memref<640x128xf32, #tpu.memory_space<vmem_shared>>
        %dma_wait3A_34 = arith.constant 0 : i32
        %dma_wait3A_35 = tpu.memref_slice %arg4[%mul3A_27, %dma_wait3A_34] : memref<10000x128xf32, #tpu.memory_space<hbm>> -> memref<640x128xf32, #tpu.memory_space<hbm>>
        tpu.wait_dma2 semaphore(%run_scoped3A : memref<!tpu.dma_semaphore, #tpu.memory_space<semaphore_mem>>) src(%dma_wait3A_35 : memref<640x128xf32, #tpu.memory_space<hbm>>) dst(%dma_wait3A_33 : memref<640x128xf32, #tpu.memory_space<vmem_shared>>)
        tpu.yield
      }) : () -> ()
    } else {
    }
    %eq3A = arith.constant 15 : i32
    %eq3A_2 = arith.cmpi eq, %arg1, %eq3A : i32
    %convert_element_type3A_3 = arith.extui %eq3A_2 : i1 to i32
    %cond3A_4 = arith.constant 0 : i32
    %cond3A_5 = arith.cmpi ne, %convert_element_type3A_3, %cond3A_4 : i32
    scf.if %cond3A_5 {
      "tpu.region"() ({
        %run_scoped3A = tpu.sem_alloc : memref<!tpu.dma_semaphore, #tpu.memory_space<semaphore_mem>>
        %dma_start3A = arith.constant 9600 : i32
        %dma_start3A_26 = arith.constant 0 : i32
        %dma_start3A_27 = tpu.memref_slice %arg8[%dma_start3A, %dma_start3A_26] : memref<10000x128xf32, #tpu.memory_space<vmem_shared>> -> memref<400x128xf32, #tpu.memory_space<vmem_shared>>
        %dma_start3A_28 = arith.constant 9600 : i32
        %dma_start3A_29 = arith.constant 0 : i32
        %dma_start3A_30 = tpu.memref_slice %arg4[%dma_start3A_28, %dma_start3A_29] : memref<10000x128xf32, #tpu.memory_space<hbm>> -> memref<400x128xf32, #tpu.memory_space<hbm>>
        tpu.enqueue_dma source(%dma_start3A_30 : memref<400x128xf32, #tpu.memory_space<hbm>>) target(%dma_start3A_27 : memref<400x128xf32, #tpu.memory_space<vmem_shared>>) target_semaphore(%run_scoped3A : memref<!tpu.dma_semaphore, #tpu.memory_space<semaphore_mem>>)
        %dma_wait3A = arith.constant 9600 : i32
        %dma_wait3A_31 = arith.constant 0 : i32
        %dma_wait3A_32 = tpu.memref_slice %arg8[%dma_wait3A, %dma_wait3A_31] : memref<10000x128xf32, #tpu.memory_space<vmem_shared>> -> memref<400x128xf32, #tpu.memory_space<vmem_shared>>
        %dma_wait3A_33 = arith.constant 9600 : i32
        %dma_wait3A_34 = arith.constant 0 : i32
        %dma_wait3A_35 = tpu.memref_slice %arg4[%dma_wait3A_33, %dma_wait3A_34] : memref<10000x128xf32, #tpu.memory_space<hbm>> -> memref<400x128xf32, #tpu.memory_space<hbm>>
        tpu.wait_dma2 semaphore(%run_scoped3A : memref<!tpu.dma_semaphore, #tpu.memory_space<semaphore_mem>>) src(%dma_wait3A_35 : memref<400x128xf32, #tpu.memory_space<hbm>>) dst(%dma_wait3A_32 : memref<400x128xf32, #tpu.memory_space<vmem_shared>>)
        tpu.yield
      }) : () -> ()
    } else {
    }
    %barrier3A = arith.constant 0 : index
    tpu.barrier barrier_id(%barrier3A)
    %mul3A = arith.constant 160000 : i32
    %mul3A_6 = arith.muli %arg0, %mul3A : i32
    %mul3A_7 = arith.constant 10000 : i32
    %mul3A_8 = arith.muli %arg1, %mul3A_7 : i32
    %add3A = arith.addi %mul3A_6, %mul3A_8 : i32
    %scan3A = arith.constant 0 : i32
    %scan3A_9 = arith.constant 0 : i32
    %scan3A_10 = arith.constant 50 : i32
    %scan3A_11 = arith.addi %scan3A_9, %scan3A_10 : i32
    %scan3A_12 = arith.constant 1 : i32
    %scan3A_13 = scf.for %scan3A_26 = %scan3A_9 to %scan3A_11 step %scan3A_12 iter_args(%scan3A_27 = %scan3A) -> (i32)  : i32 {
      %mul3A_28 = arith.constant 200 : i32
      %mul3A_29 = arith.muli %scan3A_26, %mul3A_28 : i32
      %add3A_30 = arith.addi %add3A, %mul3A_29 : i32
      "tpu.region"() ({
        %run_scoped3A = tpu.sem_alloc : memref<!tpu.dma_semaphore, #tpu.memory_space<semaphore_mem>>
        %dma_start3A = tpu.memref_slice %arg3[%add3A_30] : memref<320000xi32, #tpu.memory_space<hbm>> -> memref<200xi32, #tpu.memory_space<hbm>>
        %dma_start3A_32 = tpu.memref_slice %arg3[%add3A_30] : memref<320000xi32, #tpu.memory_space<hbm>> -> memref<200xi32, #tpu.memory_space<hbm>>
        tpu.enqueue_dma source(%dma_start3A_32 : memref<200xi32, #tpu.memory_space<hbm>>) target(%arg6 : memref<200xi32, #tpu.memory_space<vmem>>) target_semaphore(%run_scoped3A : memref<!tpu.dma_semaphore, #tpu.memory_space<semaphore_mem>>)
        %dma_wait3A = tpu.memref_slice %arg3[%add3A_30] : memref<320000xi32, #tpu.memory_space<hbm>> -> memref<200xi32, #tpu.memory_space<hbm>>
        %dma_wait3A_33 = tpu.memref_slice %arg3[%add3A_30] : memref<320000xi32, #tpu.memory_space<hbm>> -> memref<200xi32, #tpu.memory_space<hbm>>
        tpu.wait_dma2 semaphore(%run_scoped3A : memref<!tpu.dma_semaphore, #tpu.memory_space<semaphore_mem>>) src(%dma_wait3A_33 : memref<200xi32, #tpu.memory_space<hbm>>) dst(%arg6 : memref<200xi32, #tpu.memory_space<vmem>>)
        tpu.yield
      }) : () -> ()
      "tpu.region"() ({
        %run_scoped3A = tpu.sem_alloc : memref<!tpu.dma_semaphore, #tpu.memory_space<semaphore_mem>>
        %dma_start3A = arith.constant 0 : i32
        %dma_start3A_32 = tpu.memref_slice %arg2[%add3A_30, %dma_start3A] : memref<320000x128xf32, #tpu.memory_space<hbm>> -> memref<200x128xf32, #tpu.memory_space<hbm>>
        %dma_start3A_33 = arith.constant 0 : i32
        %dma_start3A_34 = tpu.memref_slice %arg2[%add3A_30, %dma_start3A_33] : memref<320000x128xf32, #tpu.memory_space<hbm>> -> memref<200x128xf32, #tpu.memory_space<hbm>>
        tpu.enqueue_dma source(%dma_start3A_34 : memref<200x128xf32, #tpu.memory_space<hbm>>) target(%arg7 : memref<200x128xf32, #tpu.memory_space<vmem>>) target_semaphore(%run_scoped3A : memref<!tpu.dma_semaphore, #tpu.memory_space<semaphore_mem>>)
        %dma_wait3A = arith.constant 0 : i32
        %dma_wait3A_35 = tpu.memref_slice %arg2[%add3A_30, %dma_wait3A] : memref<320000x128xf32, #tpu.memory_space<hbm>> -> memref<200x128xf32, #tpu.memory_space<hbm>>
        %dma_wait3A_36 = arith.constant 0 : i32
        %dma_wait3A_37 = tpu.memref_slice %arg2[%add3A_30, %dma_wait3A_36] : memref<320000x128xf32, #tpu.memory_space<hbm>> -> memref<200x128xf32, #tpu.memory_space<hbm>>
        tpu.wait_dma2 semaphore(%run_scoped3A : memref<!tpu.dma_semaphore, #tpu.memory_space<semaphore_mem>>) src(%dma_wait3A_37 : memref<200x128xf32, #tpu.memory_space<hbm>>) dst(%arg7 : memref<200x128xf32, #tpu.memory_space<vmem>>)
        tpu.yield
      }) : () -> ()
      "tpu.region"() ({
        %run_scoped3A = tpu.sem_alloc : memref<!tpu.dma_semaphore, #tpu.memory_space<semaphore_mem>>
        %dma_start3A = arith.constant 0 : i32
        %dma_start3A_32 = arith.constant 0 : i32
        %dma_start3A_33 = tpu.memref_slice %arg8[%dma_start3A, %dma_start3A_32] : memref<10000x128xf32, #tpu.memory_space<vmem_shared>> -> memref<10000x128xf32, #tpu.memory_space<vmem_shared>>
        tpu.enqueue_indirect_dma source(%arg7 : memref<200x128xf32, #tpu.memory_space<vmem>>) target(%dma_start3A_33 : memref<10000x128xf32, #tpu.memory_space<vmem_shared>>) offsets(%arg6 : memref<200xi32, #tpu.memory_space<vmem>>) semaphore(%run_scoped3A : memref<!tpu.dma_semaphore, #tpu.memory_space<semaphore_mem>>) {add = true}
        %dma_wait3A = arith.constant 0 : i32
        %dma_wait3A_34 = arith.constant 0 : i32
        %dma_wait3A_35 = tpu.memref_slice %arg8[%dma_wait3A, %dma_wait3A_34] : memref<10000x128xf32, #tpu.memory_space<vmem_shared>> -> memref<10000x128xf32, #tpu.memory_space<vmem_shared>>
        tpu.wait_indirect_dma semaphore(%run_scoped3A : memref<!tpu.dma_semaphore, #tpu.memory_space<semaphore_mem>>) src(%arg7 : memref<200x128xf32, #tpu.memory_space<vmem>>) dst(%dma_wait3A_35 : memref<10000x128xf32, #tpu.memory_space<vmem_shared>>)
        tpu.yield
      }) : () -> ()
      %scan3A_31 = arith.constant 0 : i32
      scf.yield %scan3A_31 : i32
    }
    %scan3A_14 = arith.constant 50 : i32
    %barrier3A_15 = arith.constant 0 : index
    tpu.barrier barrier_id(%barrier3A_15)
    %lt3A_16 = arith.constant 15 : i32
    %lt3A_17 = arith.cmpi slt, %arg1, %lt3A_16 : i32
    %convert_element_type3A_18 = arith.extui %lt3A_17 : i1 to i32
    %cond3A_19 = arith.constant 0 : i32
    %cond3A_20 = arith.cmpi ne, %convert_element_type3A_18, %cond3A_19 : i32
    scf.if %cond3A_20 {
      %mul3A_26 = arith.constant 640 : i32
      %mul3A_27 = arith.muli %arg1, %mul3A_26 : i32
      %mul3A_28 = arith.constant 640 : i32
      %mul3A_29 = arith.muli %arg1, %mul3A_28 : i32
      "tpu.region"() ({
        %run_scoped3A = tpu.sem_alloc : memref<!tpu.dma_semaphore, #tpu.memory_space<semaphore_mem>>
        %dma_start3A = arith.constant 0 : i32
        %dma_start3A_30 = arith.constant 0 : i32
        %dma_start3A_31 = tpu.memref_slice %arg5[%arg0, %dma_start3A, %dma_start3A_30] : memref<2x10000x128xf32, #tpu.memory_space<hbm>> -> memref<1x10000x128xf32, #tpu.memory_space<hbm>>
        %dma_start3A_32 = tpu.memref_squeeze %dma_start3A_31 : memref<1x10000x128xf32, #tpu.memory_space<hbm>> -> memref<10000x128xf32, #tpu.memory_space<hbm>>
        %dma_start3A_33 = arith.constant 0 : i32
        %dma_start3A_34 = tpu.memref_slice %dma_start3A_32[%mul3A_29, %dma_start3A_33] : memref<10000x128xf32, #tpu.memory_space<hbm>> -> memref<640x128xf32, #tpu.memory_space<hbm>>
        %dma_start3A_35 = arith.constant 0 : i32
        %dma_start3A_36 = tpu.memref_slice %arg8[%mul3A_27, %dma_start3A_35] : memref<10000x128xf32, #tpu.memory_space<vmem_shared>> -> memref<640x128xf32, #tpu.memory_space<vmem_shared>>
        tpu.enqueue_dma source(%dma_start3A_36 : memref<640x128xf32, #tpu.memory_space<vmem_shared>>) target(%dma_start3A_34 : memref<640x128xf32, #tpu.memory_space<hbm>>) target_semaphore(%run_scoped3A : memref<!tpu.dma_semaphore, #tpu.memory_space<semaphore_mem>>)
        %dma_wait3A = arith.constant 0 : i32
        %dma_wait3A_37 = arith.constant 0 : i32
        %dma_wait3A_38 = tpu.memref_slice %arg5[%arg0, %dma_wait3A, %dma_wait3A_37] : memref<2x10000x128xf32, #tpu.memory_space<hbm>> -> memref<1x10000x128xf32, #tpu.memory_space<hbm>>
        %dma_wait3A_39 = tpu.memref_squeeze %dma_wait3A_38 : memref<1x10000x128xf32, #tpu.memory_space<hbm>> -> memref<10000x128xf32, #tpu.memory_space<hbm>>
        %dma_wait3A_40 = arith.constant 0 : i32
        %dma_wait3A_41 = tpu.memref_slice %dma_wait3A_39[%mul3A_29, %dma_wait3A_40] : memref<10000x128xf32, #tpu.memory_space<hbm>> -> memref<640x128xf32, #tpu.memory_space<hbm>>
        %dma_wait3A_42 = arith.constant 0 : i32
        %dma_wait3A_43 = tpu.memref_slice %arg8[%mul3A_27, %dma_wait3A_42] : memref<10000x128xf32, #tpu.memory_space<vmem_shared>> -> memref<640x128xf32, #tpu.memory_space<vmem_shared>>
        tpu.wait_dma2 semaphore(%run_scoped3A : memref<!tpu.dma_semaphore, #tpu.memory_space<semaphore_mem>>) src(%dma_wait3A_43 : memref<640x128xf32, #tpu.memory_space<vmem_shared>>) dst(%dma_wait3A_41 : memref<640x128xf32, #tpu.memory_space<hbm>>)
        tpu.yield
      }) : () -> ()
    } else {
    }
    %eq3A_21 = arith.constant 15 : i32
    %eq3A_22 = arith.cmpi eq, %arg1, %eq3A_21 : i32
    %convert_element_type3A_23 = arith.extui %eq3A_22 : i1 to i32
    %cond3A_24 = arith.constant 0 : i32
    %cond3A_25 = arith.cmpi ne, %convert_element_type3A_23, %cond3A_24 : i32
    scf.if %cond3A_25 {
      "tpu.region"() ({
        %run_scoped3A = tpu.sem_alloc : memref<!tpu.dma_semaphore, #tpu.memory_space<semaphore_mem>>
        %dma_start3A = arith.constant 0 : i32
        %dma_start3A_26 = arith.constant 0 : i32
        %dma_start3A_27 = tpu.memref_slice %arg5[%arg0, %dma_start3A, %dma_start3A_26] : memref<2x10000x128xf32, #tpu.memory_space<hbm>> -> memref<1x10000x128xf32, #tpu.memory_space<hbm>>
        %dma_start3A_28 = tpu.memref_squeeze %dma_start3A_27 : memref<1x10000x128xf32, #tpu.memory_space<hbm>> -> memref<10000x128xf32, #tpu.memory_space<hbm>>
        %dma_start3A_29 = arith.constant 9600 : i32
        %dma_start3A_30 = arith.constant 0 : i32
        %dma_start3A_31 = tpu.memref_slice %dma_start3A_28[%dma_start3A_29, %dma_start3A_30] : memref<10000x128xf32, #tpu.memory_space<hbm>> -> memref<400x128xf32, #tpu.memory_space<hbm>>
        %dma_start3A_32 = arith.constant 9600 : i32
        %dma_start3A_33 = arith.constant 0 : i32
        %dma_start3A_34 = tpu.memref_slice %arg8[%dma_start3A_32, %dma_start3A_33] : memref<10000x128xf32, #tpu.memory_space<vmem_shared>> -> memref<400x128xf32, #tpu.memory_space<vmem_shared>>
        tpu.enqueue_dma source(%dma_start3A_34 : memref<400x128xf32, #tpu.memory_space<vmem_shared>>) target(%dma_start3A_31 : memref<400x128xf32, #tpu.memory_space<hbm>>) target_semaphore(%run_scoped3A : memref<!tpu.dma_semaphore, #tpu.memory_space<semaphore_mem>>)
        %dma_wait3A = arith.constant 0 : i32
        %dma_wait3A_35 = arith.constant 0 : i32
        %dma_wait3A_36 = tpu.memref_slice %arg5[%arg0, %dma_wait3A, %dma_wait3A_35] : memref<2x10000x128xf32, #tpu.memory_space<hbm>> -> memref<1x10000x128xf32, #tpu.memory_space<hbm>>
        %dma_wait3A_37 = tpu.memref_squeeze %dma_wait3A_36 : memref<1x10000x128xf32, #tpu.memory_space<hbm>> -> memref<10000x128xf32, #tpu.memory_space<hbm>>
        %dma_wait3A_38 = arith.constant 9600 : i32
        %dma_wait3A_39 = arith.constant 0 : i32
        %dma_wait3A_40 = tpu.memref_slice %dma_wait3A_37[%dma_wait3A_38, %dma_wait3A_39] : memref<10000x128xf32, #tpu.memory_space<hbm>> -> memref<400x128xf32, #tpu.memory_space<hbm>>
        %dma_wait3A_41 = arith.constant 9600 : i32
        %dma_wait3A_42 = arith.constant 0 : i32
        %dma_wait3A_43 = tpu.memref_slice %arg8[%dma_wait3A_41, %dma_wait3A_42] : memref<10000x128xf32, #tpu.memory_space<vmem_shared>> -> memref<400x128xf32, #tpu.memory_space<vmem_shared>>
        tpu.wait_dma2 semaphore(%run_scoped3A : memref<!tpu.dma_semaphore, #tpu.memory_space<semaphore_mem>>) src(%dma_wait3A_43 : memref<400x128xf32, #tpu.memory_space<vmem_shared>>) dst(%dma_wait3A_40 : memref<400x128xf32, #tpu.memory_space<hbm>>)
        tpu.yield
      }) : () -> ()
    } else {
    }
    return
  }
}

#map = affine_map<(d0, d1) -> (0, 0)>
#map1 = affine_map<(d0, d1) -> (0)>
module attributes {stable_mosaic.version = 14 : i64} {
  func.func @k(%arg0: i32, %arg1: i32, %arg2: memref<10000x128xf32, #tpu.memory_space<hbm>>, %arg3: memref<320000xi32, #tpu.memory_space<hbm>>, %arg4: memref<320000xi32, #tpu.memory_space<hbm>>, %arg5: memref<320000x128xf32, #tpu.memory_space<hbm>>, %arg6: memref<400xi32, #tpu.memory_space<vmem>>, %arg7: memref<400xi32, #tpu.memory_space<vmem>>, %arg8: memref<400x128xf32, #tpu.memory_space<vmem>>, %arg9: memref<400x128xf32, #tpu.memory_space<vmem>>, %arg10: memref<!tpu.dma_semaphore, #tpu.memory_space<semaphore_mem>>, %arg11: memref<!tpu.dma_semaphore, #tpu.memory_space<semaphore_mem>>) attributes {dimension_semantics = [#tpu.dimension_semantics<core_parallel>, #tpu.dimension_semantics<subcore_parallel>], iteration_bounds = array<i64: 2, 16>, scalar_prefetch = 0 : i64, scratch_operands = 6 : i64, tpu.core_type = #tpu.core_type<sc_vector_subcore>, window_params = [{transform_indices = #map}, {transform_indices = #map1}, {transform_indices = #map1}, {transform_indices = #map}]} {
    %mul3A = arith.constant 2 : i32
    %mul3A_0 = arith.muli %arg1, %mul3A : i32
    %add3A = arith.addi %mul3A_0, %arg0 : i32
    %mul3A_1 = arith.constant 10000 : i32
    %mul3A_2 = arith.muli %add3A, %mul3A_1 : i32
    %scan3A = arith.constant 0 : i32
    %scan3A_3 = arith.constant 0 : i32
    %scan3A_4 = arith.constant 25 : i32
    %scan3A_5 = arith.addi %scan3A_3, %scan3A_4 : i32
    %scan3A_6 = arith.constant 1 : i32
    %scan3A_7 = scf.for %scan3A_9 = %scan3A_3 to %scan3A_5 step %scan3A_6 iter_args(%scan3A_10 = %scan3A) -> (i32)  : i32 {
      %mul3A_11 = arith.constant 400 : i32
      %mul3A_12 = arith.muli %scan3A_9, %mul3A_11 : i32
      %add3A_13 = arith.addi %mul3A_2, %mul3A_12 : i32
      "tpu.region"() ({
        %run_scoped3A = tpu.sem_alloc : memref<!tpu.dma_semaphore, #tpu.memory_space<semaphore_mem>>
        %dma_start3A_32 = tpu.memref_slice %arg3[%add3A_13] : memref<320000xi32, #tpu.memory_space<hbm>> -> memref<400xi32, #tpu.memory_space<hbm>>
        %dma_start3A_33 = tpu.memref_slice %arg3[%add3A_13] : memref<320000xi32, #tpu.memory_space<hbm>> -> memref<400xi32, #tpu.memory_space<hbm>>
        tpu.enqueue_dma source(%dma_start3A_33 : memref<400xi32, #tpu.memory_space<hbm>>) target(%arg6 : memref<400xi32, #tpu.memory_space<vmem>>) target_semaphore(%run_scoped3A : memref<!tpu.dma_semaphore, #tpu.memory_space<semaphore_mem>>)
        %dma_wait3A_34 = tpu.memref_slice %arg3[%add3A_13] : memref<320000xi32, #tpu.memory_space<hbm>> -> memref<400xi32, #tpu.memory_space<hbm>>
        %dma_wait3A_35 = tpu.memref_slice %arg3[%add3A_13] : memref<320000xi32, #tpu.memory_space<hbm>> -> memref<400xi32, #tpu.memory_space<hbm>>
        tpu.wait_dma2 semaphore(%run_scoped3A : memref<!tpu.dma_semaphore, #tpu.memory_space<semaphore_mem>>) src(%dma_wait3A_35 : memref<400xi32, #tpu.memory_space<hbm>>) dst(%arg6 : memref<400xi32, #tpu.memory_space<vmem>>)
        tpu.yield
      }) : () -> ()
      "tpu.region"() ({
        %run_scoped3A = tpu.sem_alloc : memref<!tpu.dma_semaphore, #tpu.memory_space<semaphore_mem>>
        %dma_start3A_32 = tpu.memref_slice %arg4[%add3A_13] : memref<320000xi32, #tpu.memory_space<hbm>> -> memref<400xi32, #tpu.memory_space<hbm>>
        %dma_start3A_33 = tpu.memref_slice %arg4[%add3A_13] : memref<320000xi32, #tpu.memory_space<hbm>> -> memref<400xi32, #tpu.memory_space<hbm>>
        tpu.enqueue_dma source(%dma_start3A_33 : memref<400xi32, #tpu.memory_space<hbm>>) target(%arg7 : memref<400xi32, #tpu.memory_space<vmem>>) target_semaphore(%run_scoped3A : memref<!tpu.dma_semaphore, #tpu.memory_space<semaphore_mem>>)
        %dma_wait3A_34 = tpu.memref_slice %arg4[%add3A_13] : memref<320000xi32, #tpu.memory_space<hbm>> -> memref<400xi32, #tpu.memory_space<hbm>>
        %dma_wait3A_35 = tpu.memref_slice %arg4[%add3A_13] : memref<320000xi32, #tpu.memory_space<hbm>> -> memref<400xi32, #tpu.memory_space<hbm>>
        tpu.wait_dma2 semaphore(%run_scoped3A : memref<!tpu.dma_semaphore, #tpu.memory_space<semaphore_mem>>) src(%dma_wait3A_35 : memref<400xi32, #tpu.memory_space<hbm>>) dst(%arg7 : memref<400xi32, #tpu.memory_space<vmem>>)
        tpu.yield
      }) : () -> ()
      %dma_start3A = arith.constant 0 : i32
      %dma_start3A_14 = arith.constant 0 : i32
      %dma_start3A_15 = tpu.memref_slice %arg2[%dma_start3A, %dma_start3A_14] : memref<10000x128xf32, #tpu.memory_space<hbm>> -> memref<10000x128xf32, #tpu.memory_space<hbm>>
      tpu.enqueue_indirect_dma source(%dma_start3A_15 : memref<10000x128xf32, #tpu.memory_space<hbm>>) target(%arg8 : memref<400x128xf32, #tpu.memory_space<vmem>>) offsets(%arg6 : memref<400xi32, #tpu.memory_space<vmem>>) semaphore(%arg10 : memref<!tpu.dma_semaphore, #tpu.memory_space<semaphore_mem>>)
      %dma_start3A_16 = arith.constant 0 : i32
      %dma_start3A_17 = arith.constant 0 : i32
      %dma_start3A_18 = tpu.memref_slice %arg2[%dma_start3A_16, %dma_start3A_17] : memref<10000x128xf32, #tpu.memory_space<hbm>> -> memref<10000x128xf32, #tpu.memory_space<hbm>>
      tpu.enqueue_indirect_dma source(%dma_start3A_18 : memref<10000x128xf32, #tpu.memory_space<hbm>>) target(%arg9 : memref<400x128xf32, #tpu.memory_space<vmem>>) offsets(%arg7 : memref<400xi32, #tpu.memory_space<vmem>>) semaphore(%arg11 : memref<!tpu.dma_semaphore, #tpu.memory_space<semaphore_mem>>)
      %dma_wait3A = arith.constant 0 : i32
      %dma_wait3A_19 = arith.constant 0 : i32
      %dma_wait3A_20 = tpu.memref_slice %arg2[%dma_wait3A, %dma_wait3A_19] : memref<10000x128xf32, #tpu.memory_space<hbm>> -> memref<10000x128xf32, #tpu.memory_space<hbm>>
      tpu.wait_indirect_dma semaphore(%arg10 : memref<!tpu.dma_semaphore, #tpu.memory_space<semaphore_mem>>) src(%dma_wait3A_20 : memref<10000x128xf32, #tpu.memory_space<hbm>>) dst(%arg8 : memref<400x128xf32, #tpu.memory_space<vmem>>)
      %dma_wait3A_21 = arith.constant 0 : i32
      %dma_wait3A_22 = arith.constant 0 : i32
      %dma_wait3A_23 = tpu.memref_slice %arg2[%dma_wait3A_21, %dma_wait3A_22] : memref<10000x128xf32, #tpu.memory_space<hbm>> -> memref<10000x128xf32, #tpu.memory_space<hbm>>
      tpu.wait_indirect_dma semaphore(%arg11 : memref<!tpu.dma_semaphore, #tpu.memory_space<semaphore_mem>>) src(%dma_wait3A_23 : memref<10000x128xf32, #tpu.memory_space<hbm>>) dst(%arg9 : memref<400x128xf32, #tpu.memory_space<vmem>>)
      %scan3A_24 = arith.constant 0 : i32
      %scan3A_25 = arith.constant 0 : i32
      %scan3A_26 = arith.constant 400 : i32
      %scan3A_27 = arith.addi %scan3A_25, %scan3A_26 : i32
      %scan3A_28 = arith.constant 1 : i32
      %scan3A_29 = scf.for %scan3A_32 = %scan3A_25 to %scan3A_27 step %scan3A_28 iter_args(%scan3A_33 = %scan3A_24) -> (i32)  : i32 {
        %get3A = arith.index_cast %scan3A_32 : i32 to index
        %get3A_34 = arith.constant 0 : index
        %get3A_35 = tpu.vector_load %arg8[%get3A, %get3A_34] {strides = array<i32>} : memref<400x128xf32, #tpu.memory_space<vmem>>, vector<1x16xf32>,
        %get3A_36 = vector.shape_cast %get3A_35 : vector<1x16xf32> to vector<16xf32>
        %get3A_37 = arith.index_cast %scan3A_32 : i32 to index
        %get3A_38 = arith.constant 64 : index
        %get3A_39 = tpu.vector_load %arg9[%get3A_37, %get3A_38] {strides = array<i32>} : memref<400x128xf32, #tpu.memory_space<vmem>>, vector<1x16xf32>,
        %get3A_40 = vector.shape_cast %get3A_39 : vector<1x16xf32> to vector<16xf32>
        %add3A_41 = arith.addf %get3A_36, %get3A_40 : vector<16xf32>
        %swap3A = arith.index_cast %scan3A_32 : i32 to index
        %swap3A_42 = arith.constant 0 : index
        %swap3A_43 = tpu.vector_load %arg8[%swap3A, %swap3A_42] {strides = array<i32>} : memref<400x128xf32, #tpu.memory_space<vmem>>, vector<1x16xf32>,
        %swap3A_44 = vector.shape_cast %swap3A_43 : vector<1x16xf32> to vector<16xf32>
        %swap3A_45 = vector.shape_cast %add3A_41 : vector<16xf32> to vector<1x16xf32>
        tpu.vector_store %arg8[%swap3A, %swap3A_42], %swap3A_45 {strides = array<i32>} : memref<400x128xf32, #tpu.memory_space<vmem>>, vector<1x16xf32>,
        %get3A_46 = arith.index_cast %scan3A_32 : i32 to index
        %get3A_47 = arith.constant 16 : index
        %get3A_48 = tpu.vector_load %arg8[%get3A_46, %get3A_47] {strides = array<i32>} : memref<400x128xf32, #tpu.memory_space<vmem>>, vector<1x16xf32>,
        %get3A_49 = vector.shape_cast %get3A_48 : vector<1x16xf32> to vector<16xf32>
        %get3A_50 = arith.index_cast %scan3A_32 : i32 to index
        %get3A_51 = arith.constant 80 : index
        %get3A_52 = tpu.vector_load %arg9[%get3A_50, %get3A_51] {strides = array<i32>} : memref<400x128xf32, #tpu.memory_space<vmem>>, vector<1x16xf32>,
        %get3A_53 = vector.shape_cast %get3A_52 : vector<1x16xf32> to vector<16xf32>
        %add3A_54 = arith.addf %get3A_49, %get3A_53 : vector<16xf32>
        %swap3A_55 = arith.index_cast %scan3A_32 : i32 to index
        %swap3A_56 = arith.constant 16 : index
        %swap3A_57 = tpu.vector_load %arg8[%swap3A_55, %swap3A_56] {strides = array<i32>} : memref<400x128xf32, #tpu.memory_space<vmem>>, vector<1x16xf32>,
        %swap3A_58 = vector.shape_cast %swap3A_57 : vector<1x16xf32> to vector<16xf32>
        %swap3A_59 = vector.shape_cast %add3A_54 : vector<16xf32> to vector<1x16xf32>
        tpu.vector_store %arg8[%swap3A_55, %swap3A_56], %swap3A_59 {strides = array<i32>} : memref<400x128xf32, #tpu.memory_space<vmem>>, vector<1x16xf32>,
        %get3A_60 = arith.index_cast %scan3A_32 : i32 to index
        %get3A_61 = arith.constant 32 : index
        %get3A_62 = tpu.vector_load %arg8[%get3A_60, %get3A_61] {strides = array<i32>} : memref<400x128xf32, #tpu.memory_space<vmem>>, vector<1x16xf32>,
        %get3A_63 = vector.shape_cast %get3A_62 : vector<1x16xf32> to vector<16xf32>
        %get3A_64 = arith.index_cast %scan3A_32 : i32 to index
        %get3A_65 = arith.constant 96 : index
        %get3A_66 = tpu.vector_load %arg9[%get3A_64, %get3A_65] {strides = array<i32>} : memref<400x128xf32, #tpu.memory_space<vmem>>, vector<1x16xf32>,
        %get3A_67 = vector.shape_cast %get3A_66 : vector<1x16xf32> to vector<16xf32>
        %add3A_68 = arith.addf %get3A_63, %get3A_67 : vector<16xf32>
        %swap3A_69 = arith.index_cast %scan3A_32 : i32 to index
        %swap3A_70 = arith.constant 32 : index
        %swap3A_71 = tpu.vector_load %arg8[%swap3A_69, %swap3A_70] {strides = array<i32>} : memref<400x128xf32, #tpu.memory_space<vmem>>, vector<1x16xf32>,
        %swap3A_72 = vector.shape_cast %swap3A_71 : vector<1x16xf32> to vector<16xf32>
        %swap3A_73 = vector.shape_cast %add3A_68 : vector<16xf32> to vector<1x16xf32>
        tpu.vector_store %arg8[%swap3A_69, %swap3A_70], %swap3A_73 {strides = array<i32>} : memref<400x128xf32, #tpu.memory_space<vmem>>, vector<1x16xf32>,
        %get3A_74 = arith.index_cast %scan3A_32 : i32 to index
        %get3A_75 = arith.constant 48 : index
        %get3A_76 = tpu.vector_load %arg8[%get3A_74, %get3A_75] {strides = array<i32>} : memref<400x128xf32, #tpu.memory_space<vmem>>, vector<1x16xf32>,
        %get3A_77 = vector.shape_cast %get3A_76 : vector<1x16xf32> to vector<16xf32>
        %get3A_78 = arith.index_cast %scan3A_32 : i32 to index
        %get3A_79 = arith.constant 112 : index
        %get3A_80 = tpu.vector_load %arg9[%get3A_78, %get3A_79] {strides = array<i32>} : memref<400x128xf32, #tpu.memory_space<vmem>>, vector<1x16xf32>,
        %get3A_81 = vector.shape_cast %get3A_80 : vector<1x16xf32> to vector<16xf32>
        %add3A_82 = arith.addf %get3A_77, %get3A_81 : vector<16xf32>
        %swap3A_83 = arith.index_cast %scan3A_32 : i32 to index
        %swap3A_84 = arith.constant 48 : index
        %swap3A_85 = tpu.vector_load %arg8[%swap3A_83, %swap3A_84] {strides = array<i32>} : memref<400x128xf32, #tpu.memory_space<vmem>>, vector<1x16xf32>,
        %swap3A_86 = vector.shape_cast %swap3A_85 : vector<1x16xf32> to vector<16xf32>
        %swap3A_87 = vector.shape_cast %add3A_82 : vector<16xf32> to vector<1x16xf32>
        tpu.vector_store %arg8[%swap3A_83, %swap3A_84], %swap3A_87 {strides = array<i32>} : memref<400x128xf32, #tpu.memory_space<vmem>>, vector<1x16xf32>,
        %scan3A_88 = arith.constant 0 : i32
        scf.yield %scan3A_88 : i32
      }
      %scan3A_30 = arith.constant 400 : i32
      "tpu.region"() ({
        %run_scoped3A = tpu.sem_alloc : memref<!tpu.dma_semaphore, #tpu.memory_space<semaphore_mem>>
        %dma_start3A_32 = arith.constant 0 : i32
        %dma_start3A_33 = tpu.memref_slice %arg5[%add3A_13, %dma_start3A_32] : memref<320000x128xf32, #tpu.memory_space<hbm>> -> memref<400x128xf32, #tpu.memory_space<hbm>>
        %dma_start3A_34 = arith.constant 0 : i32
        %dma_start3A_35 = tpu.memref_slice %arg5[%add3A_13, %dma_start3A_34] : memref<320000x128xf32, #tpu.memory_space<hbm>> -> memref<400x128xf32, #tpu.memory_space<hbm>>
        tpu.enqueue_dma source(%arg8 : memref<400x128xf32, #tpu.memory_space<vmem>>) target(%dma_start3A_35 : memref<400x128xf32, #tpu.memory_space<hbm>>) target_semaphore(%run_scoped3A : memref<!tpu.dma_semaphore, #tpu.memory_space<semaphore_mem>>)
        %dma_wait3A_36 = arith.constant 0 : i32
        %dma_wait3A_37 = tpu.memref_slice %arg5[%add3A_13, %dma_wait3A_36] : memref<320000x128xf32, #tpu.memory_space<hbm>> -> memref<400x128xf32, #tpu.memory_space<hbm>>
        %dma_wait3A_38 = arith.constant 0 : i32
        %dma_wait3A_39 = tpu.memref_slice %arg5[%add3A_13, %dma_wait3A_38] : memref<320000x128xf32, #tpu.memory_space<hbm>> -> memref<400x128xf32, #tpu.memory_space<hbm>>
        tpu.wait_dma2 semaphore(%run_scoped3A : memref<!tpu.dma_semaphore, #tpu.memory_space<semaphore_mem>>) src(%arg8 : memref<400x128xf32, #tpu.memory_space<vmem>>) dst(%dma_wait3A_39 : memref<400x128xf32, #tpu.memory_space<hbm>>)
        tpu.yield
      }) : () -> ()
      %scan3A_31 = arith.constant 0 : i32
      scf.yield %scan3A_31 : i32
    }
    %scan3A_8 = arith.constant 25 : i32
    return
  }
}

#map = affine_map<(d0, d1) -> (0, 0)>
#map1 = affine_map<(d0, d1) -> (0)>
#map2 = affine_map<(d0, d1) -> (0, 0, 0)>
module attributes {stable_mosaic.version = 14 : i64} {
  func.func @k(%arg0: i32, %arg1: i32, %arg2: memref<320000x128xf32, #tpu.memory_space<hbm>>, %arg3: memref<320000xi32, #tpu.memory_space<hbm>>, %arg4: memref<10000x128xf32, #tpu.memory_space<hbm>>, %arg5: memref<2x10000x128xf32, #tpu.memory_space<hbm>>, %arg6: memref<200xi32, #tpu.memory_space<vmem>>, %arg7: memref<200x128xf32, #tpu.memory_space<vmem>>, %arg8: memref<10000x128xf32, #tpu.memory_space<vmem_shared>>) attributes {dimension_semantics = [#tpu.dimension_semantics<core_parallel>, #tpu.dimension_semantics<subcore_parallel>], iteration_bounds = array<i64: 2, 16>, scalar_prefetch = 0 : i64, scratch_operands = 3 : i64, tpu.core_type = #tpu.core_type<sc_vector_subcore>, window_params = [{transform_indices = #map}, {transform_indices = #map1}, {transform_indices = #map}, {transform_indices = #map2}]} {
    %lt3A = arith.constant 15 : i32
    %lt3A_0 = arith.cmpi slt, %arg1, %lt3A : i32
    %convert_element_type3A = arith.extui %lt3A_0 : i1 to i32
    %cond3A = arith.constant 0 : i32
    %cond3A_1 = arith.cmpi ne, %convert_element_type3A, %cond3A : i32
    scf.if %cond3A_1 {
      %mul3A_26 = arith.constant 640 : i32
      %mul3A_27 = arith.muli %arg1, %mul3A_26 : i32
      %mul3A_28 = arith.constant 640 : i32
      %mul3A_29 = arith.muli %arg1, %mul3A_28 : i32
      "tpu.region"() ({
        %run_scoped3A = tpu.sem_alloc : memref<!tpu.dma_semaphore, #tpu.memory_space<semaphore_mem>>
        %dma_start3A = arith.constant 0 : i32
        %dma_start3A_30 = tpu.memref_slice %arg8[%mul3A_29, %dma_start3A] : memref<10000x128xf32, #tpu.memory_space<vmem_shared>> -> memref<640x128xf32, #tpu.memory_space<vmem_shared>>
        %dma_start3A_31 = arith.constant 0 : i32
        %dma_start3A_32 = tpu.memref_slice %arg4[%mul3A_27, %dma_start3A_31] : memref<10000x128xf32, #tpu.memory_space<hbm>> -> memref<640x128xf32, #tpu.memory_space<hbm>>
        tpu.enqueue_dma source(%dma_start3A_32 : memref<640x128xf32, #tpu.memory_space<hbm>>) target(%dma_start3A_30 : memref<640x128xf32, #tpu.memory_space<vmem_shared>>) target_semaphore(%run_scoped3A : memref<!tpu.dma_semaphore, #tpu.memory_space<semaphore_mem>>)
        %dma_wait3A = arith.constant 0 : i32
        %dma_wait3A_33 = tpu.memref_slice %arg8[%mul3A_29, %dma_wait3A] : memref<10000x128xf32, #tpu.memory_space<vmem_shared>> -> memref<640x128xf32, #tpu.memory_space<vmem_shared>>
        %dma_wait3A_34 = arith.constant 0 : i32
        %dma_wait3A_35 = tpu.memref_slice %arg4[%mul3A_27, %dma_wait3A_34] : memref<10000x128xf32, #tpu.memory_space<hbm>> -> memref<640x128xf32, #tpu.memory_space<hbm>>
        tpu.wait_dma2 semaphore(%run_scoped3A : memref<!tpu.dma_semaphore, #tpu.memory_space<semaphore_mem>>) src(%dma_wait3A_35 : memref<640x128xf32, #tpu.memory_space<hbm>>) dst(%dma_wait3A_33 : memref<640x128xf32, #tpu.memory_space<vmem_shared>>)
        tpu.yield
      }) : () -> ()
    } else {
    }
    %eq3A = arith.constant 15 : i32
    %eq3A_2 = arith.cmpi eq, %arg1, %eq3A : i32
    %convert_element_type3A_3 = arith.extui %eq3A_2 : i1 to i32
    %cond3A_4 = arith.constant 0 : i32
    %cond3A_5 = arith.cmpi ne, %convert_element_type3A_3, %cond3A_4 : i32
    scf.if %cond3A_5 {
      "tpu.region"() ({
        %run_scoped3A = tpu.sem_alloc : memref<!tpu.dma_semaphore, #tpu.memory_space<semaphore_mem>>
        %dma_start3A = arith.constant 9600 : i32
        %dma_start3A_26 = arith.constant 0 : i32
        %dma_start3A_27 = tpu.memref_slice %arg8[%dma_start3A, %dma_start3A_26] : memref<10000x128xf32, #tpu.memory_space<vmem_shared>> -> memref<400x128xf32, #tpu.memory_space<vmem_shared>>
        %dma_start3A_28 = arith.constant 9600 : i32
        %dma_start3A_29 = arith.constant 0 : i32
        %dma_start3A_30 = tpu.memref_slice %arg4[%dma_start3A_28, %dma_start3A_29] : memref<10000x128xf32, #tpu.memory_space<hbm>> -> memref<400x128xf32, #tpu.memory_space<hbm>>
        tpu.enqueue_dma source(%dma_start3A_30 : memref<400x128xf32, #tpu.memory_space<hbm>>) target(%dma_start3A_27 : memref<400x128xf32, #tpu.memory_space<vmem_shared>>) target_semaphore(%run_scoped3A : memref<!tpu.dma_semaphore, #tpu.memory_space<semaphore_mem>>)
        %dma_wait3A = arith.constant 9600 : i32
        %dma_wait3A_31 = arith.constant 0 : i32
        %dma_wait3A_32 = tpu.memref_slice %arg8[%dma_wait3A, %dma_wait3A_31] : memref<10000x128xf32, #tpu.memory_space<vmem_shared>> -> memref<400x128xf32, #tpu.memory_space<vmem_shared>>
        %dma_wait3A_33 = arith.constant 9600 : i32
        %dma_wait3A_34 = arith.constant 0 : i32
        %dma_wait3A_35 = tpu.memref_slice %arg4[%dma_wait3A_33, %dma_wait3A_34] : memref<10000x128xf32, #tpu.memory_space<hbm>> -> memref<400x128xf32, #tpu.memory_space<hbm>>
        tpu.wait_dma2 semaphore(%run_scoped3A : memref<!tpu.dma_semaphore, #tpu.memory_space<semaphore_mem>>) src(%dma_wait3A_35 : memref<400x128xf32, #tpu.memory_space<hbm>>) dst(%dma_wait3A_32 : memref<400x128xf32, #tpu.memory_space<vmem_shared>>)
        tpu.yield
      }) : () -> ()
    } else {
    }
    %barrier3A = arith.constant 0 : index
    tpu.barrier barrier_id(%barrier3A)
    %mul3A = arith.constant 160000 : i32
    %mul3A_6 = arith.muli %arg0, %mul3A : i32
    %mul3A_7 = arith.constant 10000 : i32
    %mul3A_8 = arith.muli %arg1, %mul3A_7 : i32
    %add3A = arith.addi %mul3A_6, %mul3A_8 : i32
    %scan3A = arith.constant 0 : i32
    %scan3A_9 = arith.constant 0 : i32
    %scan3A_10 = arith.constant 50 : i32
    %scan3A_11 = arith.addi %scan3A_9, %scan3A_10 : i32
    %scan3A_12 = arith.constant 1 : i32
    %scan3A_13 = scf.for %scan3A_26 = %scan3A_9 to %scan3A_11 step %scan3A_12 iter_args(%scan3A_27 = %scan3A) -> (i32)  : i32 {
      %mul3A_28 = arith.constant 200 : i32
      %mul3A_29 = arith.muli %scan3A_26, %mul3A_28 : i32
      %add3A_30 = arith.addi %add3A, %mul3A_29 : i32
      "tpu.region"() ({
        %run_scoped3A = tpu.sem_alloc : memref<!tpu.dma_semaphore, #tpu.memory_space<semaphore_mem>>
        %dma_start3A = tpu.memref_slice %arg3[%add3A_30] : memref<320000xi32, #tpu.memory_space<hbm>> -> memref<200xi32, #tpu.memory_space<hbm>>
        %dma_start3A_32 = tpu.memref_slice %arg3[%add3A_30] : memref<320000xi32, #tpu.memory_space<hbm>> -> memref<200xi32, #tpu.memory_space<hbm>>
        tpu.enqueue_dma source(%dma_start3A_32 : memref<200xi32, #tpu.memory_space<hbm>>) target(%arg6 : memref<200xi32, #tpu.memory_space<vmem>>) target_semaphore(%run_scoped3A : memref<!tpu.dma_semaphore, #tpu.memory_space<semaphore_mem>>)
        %dma_wait3A = tpu.memref_slice %arg3[%add3A_30] : memref<320000xi32, #tpu.memory_space<hbm>> -> memref<200xi32, #tpu.memory_space<hbm>>
        %dma_wait3A_33 = tpu.memref_slice %arg3[%add3A_30] : memref<320000xi32, #tpu.memory_space<hbm>> -> memref<200xi32, #tpu.memory_space<hbm>>
        tpu.wait_dma2 semaphore(%run_scoped3A : memref<!tpu.dma_semaphore, #tpu.memory_space<semaphore_mem>>) src(%dma_wait3A_33 : memref<200xi32, #tpu.memory_space<hbm>>) dst(%arg6 : memref<200xi32, #tpu.memory_space<vmem>>)
        tpu.yield
      }) : () -> ()
      "tpu.region"() ({
        %run_scoped3A = tpu.sem_alloc : memref<!tpu.dma_semaphore, #tpu.memory_space<semaphore_mem>>
        %dma_start3A = arith.constant 0 : i32
        %dma_start3A_32 = tpu.memref_slice %arg2[%add3A_30, %dma_start3A] : memref<320000x128xf32, #tpu.memory_space<hbm>> -> memref<200x128xf32, #tpu.memory_space<hbm>>
        %dma_start3A_33 = arith.constant 0 : i32
        %dma_start3A_34 = tpu.memref_slice %arg2[%add3A_30, %dma_start3A_33] : memref<320000x128xf32, #tpu.memory_space<hbm>> -> memref<200x128xf32, #tpu.memory_space<hbm>>
        tpu.enqueue_dma source(%dma_start3A_34 : memref<200x128xf32, #tpu.memory_space<hbm>>) target(%arg7 : memref<200x128xf32, #tpu.memory_space<vmem>>) target_semaphore(%run_scoped3A : memref<!tpu.dma_semaphore, #tpu.memory_space<semaphore_mem>>)
        %dma_wait3A = arith.constant 0 : i32
        %dma_wait3A_35 = tpu.memref_slice %arg2[%add3A_30, %dma_wait3A] : memref<320000x128xf32, #tpu.memory_space<hbm>> -> memref<200x128xf32, #tpu.memory_space<hbm>>
        %dma_wait3A_36 = arith.constant 0 : i32
        %dma_wait3A_37 = tpu.memref_slice %arg2[%add3A_30, %dma_wait3A_36] : memref<320000x128xf32, #tpu.memory_space<hbm>> -> memref<200x128xf32, #tpu.memory_space<hbm>>
        tpu.wait_dma2 semaphore(%run_scoped3A : memref<!tpu.dma_semaphore, #tpu.memory_space<semaphore_mem>>) src(%dma_wait3A_37 : memref<200x128xf32, #tpu.memory_space<hbm>>) dst(%arg7 : memref<200x128xf32, #tpu.memory_space<vmem>>)
        tpu.yield
      }) : () -> ()
      "tpu.region"() ({
        %run_scoped3A = tpu.sem_alloc : memref<!tpu.dma_semaphore, #tpu.memory_space<semaphore_mem>>
        %dma_start3A = arith.constant 0 : i32
        %dma_start3A_32 = arith.constant 0 : i32
        %dma_start3A_33 = tpu.memref_slice %arg8[%dma_start3A, %dma_start3A_32] : memref<10000x128xf32, #tpu.memory_space<vmem_shared>> -> memref<10000x128xf32, #tpu.memory_space<vmem_shared>>
        tpu.enqueue_indirect_dma source(%arg7 : memref<200x128xf32, #tpu.memory_space<vmem>>) target(%dma_start3A_33 : memref<10000x128xf32, #tpu.memory_space<vmem_shared>>) offsets(%arg6 : memref<200xi32, #tpu.memory_space<vmem>>) semaphore(%run_scoped3A : memref<!tpu.dma_semaphore, #tpu.memory_space<semaphore_mem>>) {add = true}
        %dma_wait3A = arith.constant 0 : i32
        %dma_wait3A_34 = arith.constant 0 : i32
        %dma_wait3A_35 = tpu.memref_slice %arg8[%dma_wait3A, %dma_wait3A_34] : memref<10000x128xf32, #tpu.memory_space<vmem_shared>> -> memref<10000x128xf32, #tpu.memory_space<vmem_shared>>
        tpu.wait_indirect_dma semaphore(%run_scoped3A : memref<!tpu.dma_semaphore, #tpu.memory_space<semaphore_mem>>) src(%arg7 : memref<200x128xf32, #tpu.memory_space<vmem>>) dst(%dma_wait3A_35 : memref<10000x128xf32, #tpu.memory_space<vmem_shared>>)
        tpu.yield
      }) : () -> ()
      %scan3A_31 = arith.constant 0 : i32
      scf.yield %scan3A_31 : i32
    }
    %scan3A_14 = arith.constant 50 : i32
    %barrier3A_15 = arith.constant 0 : index
    tpu.barrier barrier_id(%barrier3A_15)
    %lt3A_16 = arith.constant 15 : i32
    %lt3A_17 = arith.cmpi slt, %arg1, %lt3A_16 : i32
    %convert_element_type3A_18 = arith.extui %lt3A_17 : i1 to i32
    %cond3A_19 = arith.constant 0 : i32
    %cond3A_20 = arith.cmpi ne, %convert_element_type3A_18, %cond3A_19 : i32
    scf.if %cond3A_20 {
      %mul3A_26 = arith.constant 640 : i32
      %mul3A_27 = arith.muli %arg1, %mul3A_26 : i32
      %mul3A_28 = arith.constant 640 : i32
      %mul3A_29 = arith.muli %arg1, %mul3A_28 : i32
      "tpu.region"() ({
        %run_scoped3A = tpu.sem_alloc : memref<!tpu.dma_semaphore, #tpu.memory_space<semaphore_mem>>
        %dma_start3A = arith.constant 0 : i32
        %dma_start3A_30 = arith.constant 0 : i32
        %dma_start3A_31 = tpu.memref_slice %arg5[%arg0, %dma_start3A, %dma_start3A_30] : memref<2x10000x128xf32, #tpu.memory_space<hbm>> -> memref<1x10000x128xf32, #tpu.memory_space<hbm>>
        %dma_start3A_32 = tpu.memref_squeeze %dma_start3A_31 : memref<1x10000x128xf32, #tpu.memory_space<hbm>> -> memref<10000x128xf32, #tpu.memory_space<hbm>>
        %dma_start3A_33 = arith.constant 0 : i32
        %dma_start3A_34 = tpu.memref_slice %dma_start3A_32[%mul3A_29, %dma_start3A_33] : memref<10000x128xf32, #tpu.memory_space<hbm>> -> memref<640x128xf32, #tpu.memory_space<hbm>>
        %dma_start3A_35 = arith.constant 0 : i32
        %dma_start3A_36 = tpu.memref_slice %arg8[%mul3A_27, %dma_start3A_35] : memref<10000x128xf32, #tpu.memory_space<vmem_shared>> -> memref<640x128xf32, #tpu.memory_space<vmem_shared>>
        tpu.enqueue_dma source(%dma_start3A_36 : memref<640x128xf32, #tpu.memory_space<vmem_shared>>) target(%dma_start3A_34 : memref<640x128xf32, #tpu.memory_space<hbm>>) target_semaphore(%run_scoped3A : memref<!tpu.dma_semaphore, #tpu.memory_space<semaphore_mem>>)
        %dma_wait3A = arith.constant 0 : i32
        %dma_wait3A_37 = arith.constant 0 : i32
        %dma_wait3A_38 = tpu.memref_slice %arg5[%arg0, %dma_wait3A, %dma_wait3A_37] : memref<2x10000x128xf32, #tpu.memory_space<hbm>> -> memref<1x10000x128xf32, #tpu.memory_space<hbm>>
        %dma_wait3A_39 = tpu.memref_squeeze %dma_wait3A_38 : memref<1x10000x128xf32, #tpu.memory_space<hbm>> -> memref<10000x128xf32, #tpu.memory_space<hbm>>
        %dma_wait3A_40 = arith.constant 0 : i32
        %dma_wait3A_41 = tpu.memref_slice %dma_wait3A_39[%mul3A_29, %dma_wait3A_40] : memref<10000x128xf32, #tpu.memory_space<hbm>> -> memref<640x128xf32, #tpu.memory_space<hbm>>
        %dma_wait3A_42 = arith.constant 0 : i32
        %dma_wait3A_43 = tpu.memref_slice %arg8[%mul3A_27, %dma_wait3A_42] : memref<10000x128xf32, #tpu.memory_space<vmem_shared>> -> memref<640x128xf32, #tpu.memory_space<vmem_shared>>
        tpu.wait_dma2 semaphore(%run_scoped3A : memref<!tpu.dma_semaphore, #tpu.memory_space<semaphore_mem>>) src(%dma_wait3A_43 : memref<640x128xf32, #tpu.memory_space<vmem_shared>>) dst(%dma_wait3A_41 : memref<640x128xf32, #tpu.memory_space<hbm>>)
        tpu.yield
      }) : () -> ()
    } else {
    }
    %eq3A_21 = arith.constant 15 : i32
    %eq3A_22 = arith.cmpi eq, %arg1, %eq3A_21 : i32
    %convert_element_type3A_23 = arith.extui %eq3A_22 : i1 to i32
    %cond3A_24 = arith.constant 0 : i32
    %cond3A_25 = arith.cmpi ne, %convert_element_type3A_23, %cond3A_24 : i32
    scf.if %cond3A_25 {
      "tpu.region"() ({
        %run_scoped3A = tpu.sem_alloc : memref<!tpu.dma_semaphore, #tpu.memory_space<semaphore_mem>>
        %dma_start3A = arith.constant 0 : i32
        %dma_start3A_26 = arith.constant 0 : i32
        %dma_start3A_27 = tpu.memref_slice %arg5[%arg0, %dma_start3A, %dma_start3A_26] : memref<2x10000x128xf32, #tpu.memory_space<hbm>> -> memref<1x10000x128xf32, #tpu.memory_space<hbm>>
        %dma_start3A_28 = tpu.memref_squeeze %dma_start3A_27 : memref<1x10000x128xf32, #tpu.memory_space<hbm>> -> memref<10000x128xf32, #tpu.memory_space<hbm>>
        %dma_start3A_29 = arith.constant 9600 : i32
        %dma_start3A_30 = arith.constant 0 : i32
        %dma_start3A_31 = tpu.memref_slice %dma_start3A_28[%dma_start3A_29, %dma_start3A_30] : memref<10000x128xf32, #tpu.memory_space<hbm>> -> memref<400x128xf32, #tpu.memory_space<hbm>>
        %dma_start3A_32 = arith.constant 9600 : i32
        %dma_start3A_33 = arith.constant 0 : i32
        %dma_start3A_34 = tpu.memref_slice %arg8[%dma_start3A_32, %dma_start3A_33] : memref<10000x128xf32, #tpu.memory_space<vmem_shared>> -> memref<400x128xf32, #tpu.memory_space<vmem_shared>>
        tpu.enqueue_dma source(%dma_start3A_34 : memref<400x128xf32, #tpu.memory_space<vmem_shared>>) target(%dma_start3A_31 : memref<400x128xf32, #tpu.memory_space<hbm>>) target_semaphore(%run_scoped3A : memref<!tpu.dma_semaphore, #tpu.memory_space<semaphore_mem>>)
        %dma_wait3A = arith.constant 0 : i32
        %dma_wait3A_35 = arith.constant 0 : i32
        %dma_wait3A_36 = tpu.memref_slice %arg5[%arg0, %dma_wait3A, %dma_wait3A_35] : memref<2x10000x128xf32, #tpu.memory_space<hbm>> -> memref<1x10000x128xf32, #tpu.memory_space<hbm>>
        %dma_wait3A_37 = tpu.memref_squeeze %dma_wait3A_36 : memref<1x10000x128xf32, #tpu.memory_space<hbm>> -> memref<10000x128xf32, #tpu.memory_space<hbm>>
        %dma_wait3A_38 = arith.constant 9600 : i32
        %dma_wait3A_39 = arith.constant 0 : i32
        %dma_wait3A_40 = tpu.memref_slice %dma_wait3A_37[%dma_wait3A_38, %dma_wait3A_39] : memref<10000x128xf32, #tpu.memory_space<hbm>> -> memref<400x128xf32, #tpu.memory_space<hbm>>
        %dma_wait3A_41 = arith.constant 9600 : i32
        %dma_wait3A_42 = arith.constant 0 : i32
        %dma_wait3A_43 = tpu.memref_slice %arg8[%dma_wait3A_41, %dma_wait3A_42] : memref<10000x128xf32, #tpu.memory_space<vmem_shared>> -> memref<400x128xf32, #tpu.memory_space<vmem_shared>>
        tpu.wait_dma2 semaphore(%run_scoped3A : memref<!tpu.dma_semaphore, #tpu.memory_space<semaphore_mem>>) src(%dma_wait3A_43 : memref<400x128xf32, #tpu.memory_space<vmem_shared>>) dst(%dma_wait3A_40 : memref<400x128xf32, #tpu.memory_space<hbm>>)
        tpu.yield
      }) : () -> ()
    } else {
    }
    return
  }
}

module attributes {stable_mosaic.version = 14 : i64} {
  func.func @_ef_stats_body(%arg0: i32, %arg1: memref<2560x16xf32, #tpu.memory_space<vmem>>, %arg2: memref<1x1x32xf32, #tpu.memory_space<vmem>>) attributes {dimension_semantics = [#tpu.dimension_semantics<arbitrary>], iteration_bounds = array<i64: 125>, scalar_prefetch = 0 : i64, scratch_operands = 0 : i64, tpu.core_type = #tpu.core_type<tc>, window_params = [{transform_indices = @transform_0, window_bounds = array<i64: 2560, 16>}, {transform_indices = @transform_1, window_bounds = array<i64: 1, 1, 32>}]} {
    %get3A = arith.constant 0 : index
    %get3A_0 = arith.constant 0 : index
    %get3A_1 = vector.load %arg1[%get3A, %get3A_0] : memref<2560x16xf32, #tpu.memory_space<vmem>>, vector<2560x16xf32>
    %reduce_sum3A = arith.constant dense<0.000000e+00> : vector<16xf32>
    %reduce_sum3A_2 = vector.multi_reduction <add>, %get3A_1, %reduce_sum3A [0] : vector<2560x16xf32> to vector<16xf32>
    %mul3A = arith.mulf %get3A_1, %get3A_1 : vector<2560x16xf32>
    %reduce_sum3A_3 = arith.constant dense<0.000000e+00> : vector<16xf32>
    %reduce_sum3A_4 = vector.multi_reduction <add>, %mul3A, %reduce_sum3A_3 [0] : vector<2560x16xf32> to vector<16xf32>
    %concatenate3A = tpu.concatenate %reduce_sum3A_2, %reduce_sum3A_4 in 0 : vector<16xf32>, vector<16xf32> -> vector<32xf32>
    %swap3A = arith.constant 0 : index
    %swap3A_5 = arith.constant 0 : index
    %swap3A_6 = arith.constant 0 : index
    %swap3A_7 = vector.load %arg2[%swap3A, %swap3A_5, %swap3A_6] : memref<1x1x32xf32, #tpu.memory_space<vmem>>, vector<1x1x32xf32>
    %swap3A_8 = vector.shape_cast %swap3A_7 : vector<1x1x32xf32> to vector<32xf32>
    %swap3A_9 = vector.shape_cast %concatenate3A : vector<32xf32> to vector<1x1x32xf32>
    tpu.vector_store %arg2[%swap3A, %swap3A_5, %swap3A_6], %swap3A_9 {strides = array<i32>} : memref<1x1x32xf32, #tpu.memory_space<vmem>>, vector<1x1x32xf32>,
    return
  }
  func.func @transform_0(%arg0: i32) -> (i32, i32) {
    %c0_i32 = arith.constant 0 : i32
    %c0_i32_0 = arith.constant 0 : i32
    return %arg0, %c0_i32 : i32, i32
  }
  func.func @transform_1(%arg0: i32) -> (i32, i32, i32) {
    %c0_i32 = arith.constant 0 : i32
    %c0_i32_0 = arith.constant 0 : i32
    %c0_i32_1 = arith.constant 0 : i32
    return %arg0, %c0_i32, %c0_i32_0 : i32, i32, i32
  }
}

module attributes {stable_mosaic.version = 14 : i64} {
  func.func @_edge_prep_body(%arg0: memref<10000x128xf32, #tpu.memory_space<vmem>>, %arg1: memref<2x10000x128xf32, #tpu.memory_space<vmem>>, %arg2: memref<125x1x32xf32, #tpu.memory_space<vmem>>, %arg3: memref<1x288xf32, #tpu.memory_space<vmem>>, %arg4: memref<1x288xf32, #tpu.memory_space<vmem>>, %arg5: memref<288x64xf32, #tpu.memory_space<vmem>>, %arg6: memref<1x64xf32, #tpu.memory_space<vmem>>, %arg7: memref<10000x128xf32, #tpu.memory_space<vmem>>, %arg8: memref<1x64xf32, #tpu.memory_space<vmem>>, %arg9: memref<1x32xf32, #tpu.memory_space<vmem>>) attributes {dimension_semantics = [], scalar_prefetch = 0 : i64, scratch_operands = 0 : i64, tpu.core_type = #tpu.core_type<tc>} {
    %get3A = arith.constant 0 : index
    %get3A_0 = arith.constant 0 : index
    %get3A_1 = vector.load %arg0[%get3A, %get3A_0] : memref<10000x128xf32, #tpu.memory_space<vmem>>, vector<10000x128xf32>
    %get3A_2 = arith.constant 0 : index
    %get3A_3 = arith.constant 0 : index
    %get3A_4 = arith.constant 0 : index
    %get3A_5 = vector.load %arg2[%get3A_2, %get3A_3, %get3A_4] : memref<125x1x32xf32, #tpu.memory_space<vmem>>, vector<125x1x32xf32>
    %slice3A = vector.extract_strided_slice %get3A_5 {offsets = [0, 0, 0], sizes = [125, 1, 16], strides = [1, 1, 1]} : vector<125x1x32xf32> to vector<125x1x16xf32>
    %squeeze3A = vector.shape_cast %slice3A : vector<125x1x16xf32> to vector<125x16xf32>
    %reduce_sum3A = arith.constant dense<0.000000e+00> : vector<16xf32>
    %reduce_sum3A_6 = vector.multi_reduction <add>, %squeeze3A, %reduce_sum3A [0] : vector<125x16xf32> to vector<16xf32>
    %broadcast_in_dim3A = vector.shape_cast %reduce_sum3A_6 : vector<16xf32> to vector<1x16xf32>
    %div3A = arith.constant 3.200000e+05 : f32
    %div3A_7 = vector.broadcast %div3A : f32 to vector<1x16xf32>
    %div3A_8 = arith.divf %broadcast_in_dim3A, %div3A_7 : vector<1x16xf32>
    %slice3A_9 = vector.extract_strided_slice %get3A_5 {offsets = [0, 0, 16], sizes = [125, 1, 16], strides = [1, 1, 1]} : vector<125x1x32xf32> to vector<125x1x16xf32>
    %squeeze3A_10 = vector.shape_cast %slice3A_9 : vector<125x1x16xf32> to vector<125x16xf32>
    %reduce_sum3A_11 = arith.constant dense<0.000000e+00> : vector<16xf32>
    %reduce_sum3A_12 = vector.multi_reduction <add>, %squeeze3A_10, %reduce_sum3A_11 [0] : vector<125x16xf32> to vector<16xf32>
    %broadcast_in_dim3A_13 = vector.shape_cast %reduce_sum3A_12 : vector<16xf32> to vector<1x16xf32>
    %div3A_14 = arith.constant 3.200000e+05 : f32
    %div3A_15 = vector.broadcast %div3A_14 : f32 to vector<1x16xf32>
    %div3A_16 = arith.divf %broadcast_in_dim3A_13, %div3A_15 : vector<1x16xf32>
    %get3A_17 = arith.constant 0 : index
    %get3A_18 = arith.constant 0 : index
    %get3A_19 = arith.constant 0 : index
    %get3A_20 = vector.load %arg1[%get3A_17, %get3A_18, %get3A_19] : memref<2x10000x128xf32, #tpu.memory_space<vmem>>, vector<1x10000x1xf32>
    %get3A_21 = vector.shape_cast %get3A_20 : vector<1x10000x1xf32> to vector<10000x1xf32>
    %get3A_22 = arith.constant 1 : index
    %get3A_23 = arith.constant 0 : index
    %get3A_24 = arith.constant 0 : index
    %get3A_25 = vector.load %arg1[%get3A_22, %get3A_23, %get3A_24] : memref<2x10000x128xf32, #tpu.memory_space<vmem>>, vector<1x10000x1xf32>
    %get3A_26 = vector.shape_cast %get3A_25 : vector<1x10000x1xf32> to vector<10000x1xf32>
    %add3A = arith.addf %get3A_21, %get3A_26 : vector<10000x1xf32>
    %get3A_27 = arith.constant 0 : index
    %get3A_28 = arith.constant 0 : index
    %get3A_29 = arith.constant 1 : index
    %get3A_30 = vector.load %arg1[%get3A_27, %get3A_28, %get3A_29] : memref<2x10000x128xf32, #tpu.memory_space<vmem>>, vector<1x10000x1xf32>
    %get3A_31 = vector.shape_cast %get3A_30 : vector<1x10000x1xf32> to vector<10000x1xf32>
    %get3A_32 = arith.constant 1 : index
    %get3A_33 = arith.constant 0 : index
    %get3A_34 = arith.constant 1 : index
    %get3A_35 = vector.load %arg1[%get3A_32, %get3A_33, %get3A_34] : memref<2x10000x128xf32, #tpu.memory_space<vmem>>, vector<1x10000x1xf32>
    %get3A_36 = vector.shape_cast %get3A_35 : vector<1x10000x1xf32> to vector<10000x1xf32>
    %add3A_37 = arith.addf %get3A_31, %get3A_36 : vector<10000x1xf32>
    %mul3A = vector.broadcast %add3A : vector<10000x1xf32> to vector<10000x128xf32>
    %mul3A_38 = arith.mulf %get3A_1, %mul3A : vector<10000x128xf32>
    %reduce_sum3A_39 = arith.constant dense<0.000000e+00> : vector<128xf32>
    %reduce_sum3A_40 = vector.multi_reduction <add>, %mul3A_38, %reduce_sum3A_39 [0] : vector<10000x128xf32> to vector<128xf32>
    %broadcast_in_dim3A_41 = vector.shape_cast %reduce_sum3A_40 : vector<128xf32> to vector<1x128xf32>
    %div3A_42 = arith.constant 3.200000e+05 : f32
    %div3A_43 = vector.broadcast %div3A_42 : f32 to vector<1x128xf32>
    %div3A_44 = arith.divf %broadcast_in_dim3A_41, %div3A_43 : vector<1x128xf32>
    %mul3A_45 = arith.mulf %get3A_1, %get3A_1 : vector<10000x128xf32>
    %mul3A_46 = vector.broadcast %add3A : vector<10000x1xf32> to vector<10000x128xf32>
    %mul3A_47 = arith.mulf %mul3A_45, %mul3A_46 : vector<10000x128xf32>
    %reduce_sum3A_48 = arith.constant dense<0.000000e+00> : vector<128xf32>
    %reduce_sum3A_49 = vector.multi_reduction <add>, %mul3A_47, %reduce_sum3A_48 [0] : vector<10000x128xf32> to vector<128xf32>
    %broadcast_in_dim3A_50 = vector.shape_cast %reduce_sum3A_49 : vector<128xf32> to vector<1x128xf32>
    %div3A_51 = arith.constant 3.200000e+05 : f32
    %div3A_52 = vector.broadcast %div3A_51 : f32 to vector<1x128xf32>
    %div3A_53 = arith.divf %broadcast_in_dim3A_50, %div3A_52 : vector<1x128xf32>
    %mul3A_54 = vector.broadcast %add3A_37 : vector<10000x1xf32> to vector<10000x128xf32>
    %mul3A_55 = arith.mulf %get3A_1, %mul3A_54 : vector<10000x128xf32>
    %reduce_sum3A_56 = arith.constant dense<0.000000e+00> : vector<128xf32>
    %reduce_sum3A_57 = vector.multi_reduction <add>, %mul3A_55, %reduce_sum3A_56 [0] : vector<10000x128xf32> to vector<128xf32>
    %broadcast_in_dim3A_58 = vector.shape_cast %reduce_sum3A_57 : vector<128xf32> to vector<1x128xf32>
    %div3A_59 = arith.constant 3.200000e+05 : f32
    %div3A_60 = vector.broadcast %div3A_59 : f32 to vector<1x128xf32>
    %div3A_61 = arith.divf %broadcast_in_dim3A_58, %div3A_60 : vector<1x128xf32>
    %mul3A_62 = arith.mulf %get3A_1, %get3A_1 : vector<10000x128xf32>
    %mul3A_63 = vector.broadcast %add3A_37 : vector<10000x1xf32> to vector<10000x128xf32>
    %mul3A_64 = arith.mulf %mul3A_62, %mul3A_63 : vector<10000x128xf32>
    %reduce_sum3A_65 = arith.constant dense<0.000000e+00> : vector<128xf32>
    %reduce_sum3A_66 = vector.multi_reduction <add>, %mul3A_64, %reduce_sum3A_65 [0] : vector<10000x128xf32> to vector<128xf32>
    %broadcast_in_dim3A_67 = vector.shape_cast %reduce_sum3A_66 : vector<128xf32> to vector<1x128xf32>
    %div3A_68 = arith.constant 3.200000e+05 : f32
    %div3A_69 = vector.broadcast %div3A_68 : f32 to vector<1x128xf32>
    %div3A_70 = arith.divf %broadcast_in_dim3A_67, %div3A_69 : vector<1x128xf32>
    %get3A_71 = arith.constant 0 : index
    %get3A_72 = arith.constant 0 : index
    %get3A_73 = vector.load %arg3[%get3A_71, %get3A_72] : memref<1x288xf32, #tpu.memory_space<vmem>>, vector<1x288xf32>
    %get3A_74 = arith.constant 0 : index
    %get3A_75 = arith.constant 0 : index
    %get3A_76 = vector.load %arg4[%get3A_74, %get3A_75] : memref<1x288xf32, #tpu.memory_space<vmem>>, vector<1x288xf32>
    %get3A_77 = arith.constant 0 : index
    %get3A_78 = arith.constant 0 : index
    %get3A_79 = vector.load %arg5[%get3A_77, %get3A_78] : memref<288x64xf32, #tpu.memory_space<vmem>>, vector<288x64xf32>
    %mul3A_80 = arith.mulf %div3A_44, %div3A_44 : vector<1x128xf32>
    %sub3A = arith.subf %div3A_53, %mul3A_80 : vector<1x128xf32>
    %add3A_81 = arith.constant 9.99999974E-6 : f32
    %add3A_82 = vector.broadcast %add3A_81 : f32 to vector<1x128xf32>
    %add3A_83 = arith.addf %sub3A, %add3A_82 : vector<1x128xf32>
    %sqrt3A = math.sqrt %add3A_83 : vector<1x128xf32>
    %mul3A_84 = arith.mulf %div3A_61, %div3A_61 : vector<1x128xf32>
    %sub3A_85 = arith.subf %div3A_70, %mul3A_84 : vector<1x128xf32>
    %add3A_86 = arith.constant 9.99999974E-6 : f32
    %add3A_87 = vector.broadcast %add3A_86 : f32 to vector<1x128xf32>
    %add3A_88 = arith.addf %sub3A_85, %add3A_87 : vector<1x128xf32>
    %sqrt3A_89 = math.sqrt %add3A_88 : vector<1x128xf32>
    %sub3A_90 = vector.broadcast %div3A_44 : vector<1x128xf32> to vector<10000x128xf32>
    %sub3A_91 = arith.subf %get3A_1, %sub3A_90 : vector<10000x128xf32>
    %div3A_92 = vector.broadcast %sqrt3A : vector<1x128xf32> to vector<10000x128xf32>
    %div3A_93 = arith.divf %sub3A_91, %div3A_92 : vector<10000x128xf32>
    %slice3A_94 = vector.extract_strided_slice %get3A_73 {offsets = [0, 16], sizes = [1, 128], strides = [1, 1]} : vector<1x288xf32> to vector<1x128xf32>
    %mul3A_95 = vector.broadcast %slice3A_94 : vector<1x128xf32> to vector<10000x128xf32>
    %mul3A_96 = arith.mulf %div3A_93, %mul3A_95 : vector<10000x128xf32>
    %slice3A_97 = vector.extract_strided_slice %get3A_76 {offsets = [0, 16], sizes = [1, 128], strides = [1, 1]} : vector<1x288xf32> to vector<1x128xf32>
    %add3A_98 = vector.broadcast %slice3A_97 : vector<1x128xf32> to vector<10000x128xf32>
    %add3A_99 = arith.addf %mul3A_96, %add3A_98 : vector<10000x128xf32>
    %sub3A_100 = vector.broadcast %div3A_61 : vector<1x128xf32> to vector<10000x128xf32>
    %sub3A_101 = arith.subf %get3A_1, %sub3A_100 : vector<10000x128xf32>
    %div3A_102 = vector.broadcast %sqrt3A_89 : vector<1x128xf32> to vector<10000x128xf32>
    %div3A_103 = arith.divf %sub3A_101, %div3A_102 : vector<10000x128xf32>
    %slice3A_104 = vector.extract_strided_slice %get3A_73 {offsets = [0, 144], sizes = [1, 128], strides = [1, 1]} : vector<1x288xf32> to vector<1x128xf32>
    %mul3A_105 = vector.broadcast %slice3A_104 : vector<1x128xf32> to vector<10000x128xf32>
    %mul3A_106 = arith.mulf %div3A_103, %mul3A_105 : vector<10000x128xf32>
    %slice3A_107 = vector.extract_strided_slice %get3A_76 {offsets = [0, 144], sizes = [1, 128], strides = [1, 1]} : vector<1x288xf32> to vector<1x128xf32>
    %add3A_108 = vector.broadcast %slice3A_107 : vector<1x128xf32> to vector<10000x128xf32>
    %add3A_109 = arith.addf %mul3A_106, %add3A_108 : vector<10000x128xf32>
    %slice3A_110 = vector.extract_strided_slice %get3A_79 {offsets = [16, 0], sizes = [128, 64], strides = [1, 1]} : vector<288x64xf32> to vector<128x64xf32>
    %convert_element_type3A = arith.truncf %add3A_99 : vector<10000x128xf32> to vector<10000x128xbf16>
    %convert_element_type3A_111 = arith.truncf %slice3A_110 : vector<128x64xf32> to vector<128x64xbf16>
    %dot_general3A = arith.constant dense<0.000000e+00> : vector<10000x64xf32>
    %dot_general3A_112 = tpu.matmul %convert_element_type3A, %convert_element_type3A_111, %dot_general3A {dimension_numbers = #tpu.dot_dimension_numbers<[1], [0], [0], [1], [0, 0, 1, 1], [], []>, transpose_lhs_hint = false} : vector<10000x128xbf16>, vector<128x64xbf16>, vector<10000x64xf32> -> vector<10000x64xf32>
    %swap3A = arith.constant 0 : index
    %swap3A_113 = arith.constant 0 : index
    %swap3A_114 = vector.load %arg7[%swap3A, %swap3A_113] : memref<10000x128xf32, #tpu.memory_space<vmem>>, vector<10000x64xf32>
    tpu.vector_store %arg7[%swap3A, %swap3A_113], %dot_general3A_112 {strides = array<i32>} : memref<10000x128xf32, #tpu.memory_space<vmem>>, vector<10000x64xf32>,
    %slice3A_115 = vector.extract_strided_slice %get3A_79 {offsets = [144, 0], sizes = [128, 64], strides = [1, 1]} : vector<288x64xf32> to vector<128x64xf32>
    %convert_element_type3A_116 = arith.truncf %add3A_109 : vector<10000x128xf32> to vector<10000x128xbf16>
    %convert_element_type3A_117 = arith.truncf %slice3A_115 : vector<128x64xf32> to vector<128x64xbf16>
    %dot_general3A_118 = arith.constant dense<0.000000e+00> : vector<10000x64xf32>
    %dot_general3A_119 = tpu.matmul %convert_element_type3A_116, %convert_element_type3A_117, %dot_general3A_118 {dimension_numbers = #tpu.dot_dimension_numbers<[1], [0], [0], [1], [0, 0, 1, 1], [], []>, transpose_lhs_hint = false} : vector<10000x128xbf16>, vector<128x64xbf16>, vector<10000x64xf32> -> vector<10000x64xf32>
    %swap3A_120 = arith.constant 0 : index
    %swap3A_121 = arith.constant 64 : index
    %swap3A_122 = vector.load %arg7[%swap3A_120, %swap3A_121] : memref<10000x128xf32, #tpu.memory_space<vmem>>, vector<10000x64xf32>
    tpu.vector_store %arg7[%swap3A_120, %swap3A_121], %dot_general3A_119 {strides = array<i32>} : memref<10000x128xf32, #tpu.memory_space<vmem>>, vector<10000x64xf32>,
    %get3A_123 = arith.constant 0 : index
    %get3A_124 = arith.constant 0 : index
    %get3A_125 = vector.load %arg6[%get3A_123, %get3A_124] : memref<1x64xf32, #tpu.memory_space<vmem>>, vector<1x64xf32>
    %slice3A_126 = vector.extract_strided_slice %get3A_76 {offsets = [0, 272], sizes = [1, 16], strides = [1, 1]} : vector<1x288xf32> to vector<1x16xf32>
    %slice3A_127 = vector.extract_strided_slice %get3A_79 {offsets = [272, 0], sizes = [16, 64], strides = [1, 1]} : vector<288x64xf32> to vector<16x64xf32>
    %convert_element_type3A_128 = arith.truncf %slice3A_126 : vector<1x16xf32> to vector<1x16xbf16>
    %convert_element_type3A_129 = arith.truncf %slice3A_127 : vector<16x64xf32> to vector<16x64xbf16>
    %dot_general3A_130 = arith.constant dense<0.000000e+00> : vector<1x64xf32>
    %dot_general3A_131 = tpu.matmul %convert_element_type3A_128, %convert_element_type3A_129, %dot_general3A_130 {dimension_numbers = #tpu.dot_dimension_numbers<[1], [0], [0], [1], [0, 0, 1, 1], [], []>, transpose_lhs_hint = false} : vector<1x16xbf16>, vector<16x64xbf16>, vector<1x64xf32> -> vector<1x64xf32>
    %add3A_132 = arith.addf %get3A_125, %dot_general3A_131 : vector<1x64xf32>
    %swap3A_133 = arith.constant 0 : index
    %swap3A_134 = arith.constant 0 : index
    %swap3A_135 = vector.load %arg8[%swap3A_133, %swap3A_134] : memref<1x64xf32, #tpu.memory_space<vmem>>, vector<1x64xf32>
    tpu.vector_store %arg8[%swap3A_133, %swap3A_134], %add3A_132 {strides = array<i32>} : memref<1x64xf32, #tpu.memory_space<vmem>>, vector<1x64xf32>,
    %mul3A_136 = arith.mulf %div3A_8, %div3A_8 : vector<1x16xf32>
    %sub3A_137 = arith.subf %div3A_16, %mul3A_136 : vector<1x16xf32>
    %add3A_138 = arith.constant 9.99999974E-6 : f32
    %add3A_139 = vector.broadcast %add3A_138 : f32 to vector<1x16xf32>
    %add3A_140 = arith.addf %sub3A_137, %add3A_139 : vector<1x16xf32>
    %sqrt3A_141 = math.sqrt %add3A_140 : vector<1x16xf32>
    %concatenate3A = tpu.concatenate %div3A_8, %sqrt3A_141 in 1 : vector<1x16xf32>, vector<1x16xf32> -> vector<1x32xf32>
    %swap3A_142 = arith.constant 0 : index
    %swap3A_143 = arith.constant 0 : index
    %swap3A_144 = vector.load %arg9[%swap3A_142, %swap3A_143] : memref<1x32xf32, #tpu.memory_space<vmem>>, vector<1x32xf32>
    tpu.vector_store %arg9[%swap3A_142, %swap3A_143], %concatenate3A {strides = array<i32>} : memref<1x32xf32, #tpu.memory_space<vmem>>, vector<1x32xf32>,
    return
  }
}

module attributes {stable_mosaic.version = 14 : i64} {
  func.func @_edge_body(%arg0: i32, %arg1: memref<2560x128xf32, #tpu.memory_space<vmem>>, %arg2: memref<2560x16xf32, #tpu.memory_space<vmem>>, %arg3: memref<16x64xf32, #tpu.memory_space<vmem>>, %arg4: memref<1x32xf32, #tpu.memory_space<vmem>>, %arg5: memref<1x32xf32, #tpu.memory_space<vmem>>, %arg6: memref<1x64xf32, #tpu.memory_space<vmem>>, %arg7: memref<64x32xf32, #tpu.memory_space<vmem>>, %arg8: memref<1x32xf32, #tpu.memory_space<vmem>>, %arg9: memref<32x1xf32, #tpu.memory_space<vmem>>, %arg10: memref<2560x128xf32, #tpu.memory_space<vmem>>, %arg11: memref<1x1x72xf32, #tpu.memory_space<vmem>>, %arg12: memref<2560x1xf32, #tpu.memory_space<vmem>>) attributes {dimension_semantics = [#tpu.dimension_semantics<arbitrary>], iteration_bounds = array<i64: 125>, scalar_prefetch = 0 : i64, scratch_operands = 0 : i64, tpu.core_type = #tpu.core_type<tc>, window_params = [{transform_indices = @transform_0, window_bounds = array<i64: 2560, 128>}, {transform_indices = @transform_1, window_bounds = array<i64: 2560, 16>}, {pipeline_mode = #tpu.pipeline_mode<synchronous>, transform_indices = @transform_2, window_bounds = array<i64: 16, 64>}, {pipeline_mode = #tpu.pipeline_mode<synchronous>, transform_indices = @transform_3, window_bounds = array<i64: 1, 32>}, {pipeline_mode = #tpu.pipeline_mode<synchronous>, transform_indices = @transform_4, window_bounds = array<i64: 1, 32>}, {pipeline_mode = #tpu.pipeline_mode<synchronous>, transform_indices = @transform_5, window_bounds = array<i64: 1, 64>}, {pipeline_mode = #tpu.pipeline_mode<synchronous>, transform_indices = @transform_6, window_bounds = array<i64: 64, 32>}, {pipeline_mode = #tpu.pipeline_mode<synchronous>, transform_indices = @transform_7, window_bounds = array<i64: 1, 32>}, {pipeline_mode = #tpu.pipeline_mode<synchronous>, transform_indices = @transform_8, window_bounds = array<i64: 32, 1>}, {transform_indices = @transform_9, window_bounds = array<i64: 2560, 128>}, {transform_indices = @transform_10, window_bounds = array<i64: 1, 1, 72>}, {transform_indices = @transform_11, window_bounds = array<i64: 2560, 1>}]} {
    %get3A = arith.constant 0 : index
    %get3A_0 = arith.constant 0 : index
    %get3A_1 = vector.load %arg1[%get3A, %get3A_0] : memref<2560x128xf32, #tpu.memory_space<vmem>>, vector<2560x64xf32>
    %get3A_2 = arith.constant 0 : index
    %get3A_3 = arith.constant 0 : index
    %get3A_4 = vector.load %arg2[%get3A_2, %get3A_3] : memref<2560x16xf32, #tpu.memory_space<vmem>>, vector<2560x16xf32>
    %get3A_5 = arith.constant 0 : index
    %get3A_6 = arith.constant 0 : index
    %get3A_7 = vector.load %arg5[%get3A_5, %get3A_6] : memref<1x32xf32, #tpu.memory_space<vmem>>, vector<1x16xf32>
    %get3A_8 = vector.shape_cast %get3A_7 : vector<1x16xf32> to vector<16xf32>
    %broadcast_in_dim3A = vector.shape_cast %get3A_8 : vector<16xf32> to vector<1x16xf32>
    %get3A_9 = arith.constant 0 : index
    %get3A_10 = arith.constant 16 : index
    %get3A_11 = vector.load %arg5[%get3A_9, %get3A_10] : memref<1x32xf32, #tpu.memory_space<vmem>>, vector<1x16xf32>
    %get3A_12 = vector.shape_cast %get3A_11 : vector<1x16xf32> to vector<16xf32>
    %broadcast_in_dim3A_13 = vector.shape_cast %get3A_12 : vector<16xf32> to vector<1x16xf32>
    %get3A_14 = arith.constant 0 : index
    %get3A_15 = arith.constant 0 : index
    %get3A_16 = vector.load %arg4[%get3A_14, %get3A_15] : memref<1x32xf32, #tpu.memory_space<vmem>>, vector<1x16xf32>
    %get3A_17 = vector.shape_cast %get3A_16 : vector<1x16xf32> to vector<16xf32>
    %broadcast_in_dim3A_18 = vector.shape_cast %get3A_17 : vector<16xf32> to vector<1x16xf32>
    %get3A_19 = arith.constant 0 : index
    %get3A_20 = arith.constant 16 : index
    %get3A_21 = vector.load %arg4[%get3A_19, %get3A_20] : memref<1x32xf32, #tpu.memory_space<vmem>>, vector<1x16xf32>
    %get3A_22 = vector.shape_cast %get3A_21 : vector<1x16xf32> to vector<16xf32>
    %broadcast_in_dim3A_23 = vector.shape_cast %get3A_22 : vector<16xf32> to vector<1x16xf32>
    %sub3A = vector.broadcast %broadcast_in_dim3A : vector<1x16xf32> to vector<2560x16xf32>
    %sub3A_24 = arith.subf %get3A_4, %sub3A : vector<2560x16xf32>
    %div3A = vector.broadcast %broadcast_in_dim3A_13 : vector<1x16xf32> to vector<2560x16xf32>
    %div3A_25 = arith.divf %sub3A_24, %div3A : vector<2560x16xf32>
    %mul3A = vector.broadcast %broadcast_in_dim3A_18 : vector<1x16xf32> to vector<2560x16xf32>
    %mul3A_26 = arith.mulf %div3A_25, %mul3A : vector<2560x16xf32>
    %add3A = vector.broadcast %broadcast_in_dim3A_23 : vector<1x16xf32> to vector<2560x16xf32>
    %add3A_27 = arith.addf %mul3A_26, %add3A : vector<2560x16xf32>
    %get3A_28 = arith.constant 0 : index
    %get3A_29 = arith.constant 0 : index
    %get3A_30 = vector.load %arg3[%get3A_28, %get3A_29] : memref<16x64xf32, #tpu.memory_space<vmem>>, vector<16x64xf32>
    %convert_element_type3A = arith.truncf %add3A_27 : vector<2560x16xf32> to vector<2560x16xbf16>
    %convert_element_type3A_31 = arith.truncf %get3A_30 : vector<16x64xf32> to vector<16x64xbf16>
    %dot_general3A = arith.constant dense<0.000000e+00> : vector<2560x64xf32>
    %dot_general3A_32 = tpu.matmul %convert_element_type3A, %convert_element_type3A_31, %dot_general3A {dimension_numbers = #tpu.dot_dimension_numbers<[1], [0], [0], [1], [0, 0, 1, 1], [], []>, transpose_lhs_hint = false} : vector<2560x16xbf16>, vector<16x64xbf16>, vector<2560x64xf32> -> vector<2560x64xf32>
    %add3A_33 = arith.addf %get3A_1, %dot_general3A_32 : vector<2560x64xf32>
    %get3A_34 = arith.constant 0 : index
    %get3A_35 = arith.constant 0 : index
    %get3A_36 = vector.load %arg6[%get3A_34, %get3A_35] : memref<1x64xf32, #tpu.memory_space<vmem>>, vector<1x64xf32>
    %add3A_37 = vector.broadcast %get3A_36 : vector<1x64xf32> to vector<2560x64xf32>
    %add3A_38 = arith.addf %add3A_33, %add3A_37 : vector<2560x64xf32>
    %max3A = arith.constant 0.000000e+00 : f32
    %max3A_39 = vector.broadcast %max3A : f32 to vector<2560x64xf32>
    %max3A_40 = arith.maximumf %add3A_38, %max3A_39 : vector<2560x64xf32>
    %get3A_41 = arith.constant 0 : index
    %get3A_42 = arith.constant 0 : index
    %get3A_43 = vector.load %arg7[%get3A_41, %get3A_42] : memref<64x32xf32, #tpu.memory_space<vmem>>, vector<64x32xf32>
    %convert_element_type3A_44 = arith.truncf %max3A_40 : vector<2560x64xf32> to vector<2560x64xbf16>
    %convert_element_type3A_45 = arith.truncf %get3A_43 : vector<64x32xf32> to vector<64x32xbf16>
    %dot_general3A_46 = arith.constant dense<0.000000e+00> : vector<2560x32xf32>
    %dot_general3A_47 = tpu.matmul %convert_element_type3A_44, %convert_element_type3A_45, %dot_general3A_46 {dimension_numbers = #tpu.dot_dimension_numbers<[1], [0], [0], [1], [0, 0, 1, 1], [], []>, transpose_lhs_hint = false} : vector<2560x64xbf16>, vector<64x32xbf16>, vector<2560x32xf32> -> vector<2560x32xf32>
    %get3A_48 = arith.constant 0 : index
    %get3A_49 = arith.constant 0 : index
    %get3A_50 = vector.load %arg8[%get3A_48, %get3A_49] : memref<1x32xf32, #tpu.memory_space<vmem>>, vector<1x32xf32>
    %add3A_51 = vector.broadcast %get3A_50 : vector<1x32xf32> to vector<2560x32xf32>
    %add3A_52 = arith.addf %dot_general3A_47, %add3A_51 : vector<2560x32xf32>
    %swap3A = arith.constant 0 : index
    %swap3A_53 = arith.constant 0 : index
    %swap3A_54 = vector.load %arg10[%swap3A, %swap3A_53] : memref<2560x128xf32, #tpu.memory_space<vmem>>, vector<2560x32xf32>
    tpu.vector_store %arg10[%swap3A, %swap3A_53], %add3A_52 {strides = array<i32>} : memref<2560x128xf32, #tpu.memory_space<vmem>>, vector<2560x32xf32>,
    %broadcast_in_dim3A_55 = arith.constant 0.000000e+00 : f32
    %broadcast_in_dim3A_56 = vector.broadcast %broadcast_in_dim3A_55 : f32 to vector<2560x96xf32>
    %swap3A_57 = arith.constant 0 : index
    %swap3A_58 = arith.constant 32 : index
    %swap3A_59 = vector.load %arg10[%swap3A_57, %swap3A_58] : memref<2560x128xf32, #tpu.memory_space<vmem>>, vector<2560x96xf32>
    tpu.vector_store %arg10[%swap3A_57, %swap3A_58], %broadcast_in_dim3A_56 {strides = array<i32>} : memref<2560x128xf32, #tpu.memory_space<vmem>>, vector<2560x96xf32>,
    %reduce_sum3A = arith.constant dense<0.000000e+00> : vector<32xf32>
    %reduce_sum3A_60 = vector.multi_reduction <add>, %add3A_52, %reduce_sum3A [0] : vector<2560x32xf32> to vector<32xf32>
    %mul3A_61 = arith.mulf %add3A_52, %add3A_52 : vector<2560x32xf32>
    %reduce_sum3A_62 = arith.constant dense<0.000000e+00> : vector<32xf32>
    %reduce_sum3A_63 = vector.multi_reduction <add>, %mul3A_61, %reduce_sum3A_62 [0] : vector<2560x32xf32> to vector<32xf32>
    %broadcast_in_dim3A_64 = arith.constant 0.000000e+00 : f32
    %broadcast_in_dim3A_65 = vector.broadcast %broadcast_in_dim3A_64 : f32 to vector<8xf32>
    %concatenate3A = tpu.concatenate %reduce_sum3A_60, %reduce_sum3A_63, %broadcast_in_dim3A_65 in 0 : vector<32xf32>, vector<32xf32>, vector<8xf32> -> vector<72xf32>
    %swap3A_66 = arith.constant 0 : index
    %swap3A_67 = arith.constant 0 : index
    %swap3A_68 = arith.constant 0 : index
    %swap3A_69 = vector.load %arg11[%swap3A_66, %swap3A_67, %swap3A_68] : memref<1x1x72xf32, #tpu.memory_space<vmem>>, vector<1x1x72xf32>
    %swap3A_70 = vector.shape_cast %swap3A_69 : vector<1x1x72xf32> to vector<72xf32>
    %swap3A_71 = vector.shape_cast %concatenate3A : vector<72xf32> to vector<1x1x72xf32>
    tpu.vector_store %arg11[%swap3A_66, %swap3A_67, %swap3A_68], %swap3A_71 {strides = array<i32>} : memref<1x1x72xf32, #tpu.memory_space<vmem>>, vector<1x1x72xf32>,
    return
  }
  func.func @transform_0(%arg0: i32) -> (i32, i32) {
    %c0_i32 = arith.constant 0 : i32
    %c0_i32_0 = arith.constant 0 : i32
    return %arg0, %c0_i32 : i32, i32
  }
  func.func @transform_1(%arg0: i32) -> (i32, i32) {
    %c0_i32 = arith.constant 0 : i32
    %c0_i32_0 = arith.constant 0 : i32
    return %arg0, %c0_i32 : i32, i32
  }
  func.func @transform_2(%arg0: i32) -> (i32, i32) {
    %c0_i32 = arith.constant 0 : i32
    %c0_i32_0 = arith.constant 0 : i32
    %c0_i32_1 = arith.constant 0 : i32
    return %c0_i32, %c0_i32_0 : i32, i32
  }
  func.func @transform_3(%arg0: i32) -> (i32, i32) {
    %c0_i32 = arith.constant 0 : i32
    %c0_i32_0 = arith.constant 0 : i32
    %c0_i32_1 = arith.constant 0 : i32
    return %c0_i32, %c0_i32_0 : i32, i32
  }
  func.func @transform_4(%arg0: i32) -> (i32, i32) {
    %c0_i32 = arith.constant 0 : i32
    %c0_i32_0 = arith.constant 0 : i32
    %c0_i32_1 = arith.constant 0 : i32
    return %c0_i32, %c0_i32_0 : i32, i32
  }
  func.func @transform_5(%arg0: i32) -> (i32, i32) {
    %c0_i32 = arith.constant 0 : i32
    %c0_i32_0 = arith.constant 0 : i32
    %c0_i32_1 = arith.constant 0 : i32
    return %c0_i32, %c0_i32_0 : i32, i32
  }
  func.func @transform_6(%arg0: i32) -> (i32, i32) {
    %c0_i32 = arith.constant 0 : i32
    %c0_i32_0 = arith.constant 0 : i32
    %c0_i32_1 = arith.constant 0 : i32
    return %c0_i32, %c0_i32_0 : i32, i32
  }
  func.func @transform_7(%arg0: i32) -> (i32, i32) {
    %c0_i32 = arith.constant 0 : i32
    %c0_i32_0 = arith.constant 0 : i32
    %c0_i32_1 = arith.constant 0 : i32
    return %c0_i32, %c0_i32_0 : i32, i32
  }
  func.func @transform_8(%arg0: i32) -> (i32, i32) {
    %c0_i32 = arith.constant 0 : i32
    %c0_i32_0 = arith.constant 0 : i32
    %c0_i32_1 = arith.constant 0 : i32
    return %c0_i32, %c0_i32_0 : i32, i32
  }
  func.func @transform_9(%arg0: i32) -> (i32, i32) {
    %c0_i32 = arith.constant 0 : i32
    %c0_i32_0 = arith.constant 0 : i32
    return %arg0, %c0_i32 : i32, i32
  }
  func.func @transform_10(%arg0: i32) -> (i32, i32, i32) {
    %c0_i32 = arith.constant 0 : i32
    %c0_i32_0 = arith.constant 0 : i32
    %c0_i32_1 = arith.constant 0 : i32
    return %arg0, %c0_i32, %c0_i32_0 : i32, i32, i32
  }
  func.func @transform_11(%arg0: i32) -> (i32, i32) {
    %c0_i32 = arith.constant 0 : i32
    %c0_i32_0 = arith.constant 0 : i32
    return %arg0, %c0_i32 : i32, i32
  }
}

module attributes {stable_mosaic.version = 14 : i64} {
  func.func @_node_body(%arg0: memref<10000x128xf32, #tpu.memory_space<vmem>>, %arg1: memref<2x10000x128xf32, #tpu.memory_space<vmem>>, %arg2: memref<1x176xf32, #tpu.memory_space<vmem>>, %arg3: memref<1x176xf32, #tpu.memory_space<vmem>>, %arg4: memref<176x64xf32, #tpu.memory_space<vmem>>, %arg5: memref<1x64xf32, #tpu.memory_space<vmem>>, %arg6: memref<64x32xf32, #tpu.memory_space<vmem>>, %arg7: memref<1x32xf32, #tpu.memory_space<vmem>>, %arg8: memref<32x1xf32, #tpu.memory_space<vmem>>, %arg9: memref<1x1xf32, #tpu.memory_space<vmem>>, %arg10: memref<10000x32xf32, #tpu.memory_space<vmem>>) attributes {dimension_semantics = [], scalar_prefetch = 0 : i64, scratch_operands = 0 : i64, tpu.core_type = #tpu.core_type<tc>} {
    %get3A = arith.constant 0 : index
    %get3A_0 = arith.constant 0 : index
    %get3A_1 = vector.load %arg0[%get3A, %get3A_0] : memref<10000x128xf32, #tpu.memory_space<vmem>>, vector<10000x128xf32>
    %get3A_2 = arith.constant 0 : index
    %get3A_3 = arith.constant 0 : index
    %get3A_4 = arith.constant 0 : index
    %get3A_5 = vector.load %arg1[%get3A_2, %get3A_3, %get3A_4] : memref<2x10000x128xf32, #tpu.memory_space<vmem>>, vector<1x10000x32xf32>
    %get3A_6 = vector.shape_cast %get3A_5 : vector<1x10000x32xf32> to vector<10000x32xf32>
    %get3A_7 = arith.constant 1 : index
    %get3A_8 = arith.constant 0 : index
    %get3A_9 = arith.constant 0 : index
    %get3A_10 = vector.load %arg1[%get3A_7, %get3A_8, %get3A_9] : memref<2x10000x128xf32, #tpu.memory_space<vmem>>, vector<1x10000x32xf32>
    %get3A_11 = vector.shape_cast %get3A_10 : vector<1x10000x32xf32> to vector<10000x32xf32>
    %add3A = arith.addf %get3A_6, %get3A_11 : vector<10000x32xf32>
    %reduce_sum3A = arith.constant dense<0.000000e+00> : vector<128xf32>
    %reduce_sum3A_12 = vector.multi_reduction <add>, %get3A_1, %reduce_sum3A [0] : vector<10000x128xf32> to vector<128xf32>
    %broadcast_in_dim3A = vector.shape_cast %reduce_sum3A_12 : vector<128xf32> to vector<1x128xf32>
    %div3A = arith.constant 1.000000e+04 : f32
    %div3A_13 = vector.broadcast %div3A : f32 to vector<1x128xf32>
    %div3A_14 = arith.divf %broadcast_in_dim3A, %div3A_13 : vector<1x128xf32>
    %mul3A = arith.mulf %get3A_1, %get3A_1 : vector<10000x128xf32>
    %reduce_sum3A_15 = arith.constant dense<0.000000e+00> : vector<128xf32>
    %reduce_sum3A_16 = vector.multi_reduction <add>, %mul3A, %reduce_sum3A_15 [0] : vector<10000x128xf32> to vector<128xf32>
    %broadcast_in_dim3A_17 = vector.shape_cast %reduce_sum3A_16 : vector<128xf32> to vector<1x128xf32>
    %div3A_18 = arith.constant 1.000000e+04 : f32
    %div3A_19 = vector.broadcast %div3A_18 : f32 to vector<1x128xf32>
    %div3A_20 = arith.divf %broadcast_in_dim3A_17, %div3A_19 : vector<1x128xf32>
    %reduce_sum3A_21 = arith.constant dense<0.000000e+00> : vector<32xf32>
    %reduce_sum3A_22 = vector.multi_reduction <add>, %add3A, %reduce_sum3A_21 [0] : vector<10000x32xf32> to vector<32xf32>
    %broadcast_in_dim3A_23 = vector.shape_cast %reduce_sum3A_22 : vector<32xf32> to vector<1x32xf32>
    %div3A_24 = arith.constant 1.000000e+04 : f32
    %div3A_25 = vector.broadcast %div3A_24 : f32 to vector<1x32xf32>
    %div3A_26 = arith.divf %broadcast_in_dim3A_23, %div3A_25 : vector<1x32xf32>
    %mul3A_27 = arith.mulf %add3A, %add3A : vector<10000x32xf32>
    %reduce_sum3A_28 = arith.constant dense<0.000000e+00> : vector<32xf32>
    %reduce_sum3A_29 = vector.multi_reduction <add>, %mul3A_27, %reduce_sum3A_28 [0] : vector<10000x32xf32> to vector<32xf32>
    %broadcast_in_dim3A_30 = vector.shape_cast %reduce_sum3A_29 : vector<32xf32> to vector<1x32xf32>
    %div3A_31 = arith.constant 1.000000e+04 : f32
    %div3A_32 = vector.broadcast %div3A_31 : f32 to vector<1x32xf32>
    %div3A_33 = arith.divf %broadcast_in_dim3A_30, %div3A_32 : vector<1x32xf32>
    %get3A_34 = arith.constant 0 : index
    %get3A_35 = arith.constant 0 : index
    %get3A_36 = vector.load %arg2[%get3A_34, %get3A_35] : memref<1x176xf32, #tpu.memory_space<vmem>>, vector<1x176xf32>
    %get3A_37 = arith.constant 0 : index
    %get3A_38 = arith.constant 0 : index
    %get3A_39 = vector.load %arg3[%get3A_37, %get3A_38] : memref<1x176xf32, #tpu.memory_space<vmem>>, vector<1x176xf32>
    %get3A_40 = arith.constant 0 : index
    %get3A_41 = arith.constant 0 : index
    %get3A_42 = vector.load %arg4[%get3A_40, %get3A_41] : memref<176x64xf32, #tpu.memory_space<vmem>>, vector<176x64xf32>
    %mul3A_43 = arith.mulf %div3A_14, %div3A_14 : vector<1x128xf32>
    %sub3A = arith.subf %div3A_20, %mul3A_43 : vector<1x128xf32>
    %add3A_44 = arith.constant 9.99999974E-6 : f32
    %add3A_45 = vector.broadcast %add3A_44 : f32 to vector<1x128xf32>
    %add3A_46 = arith.addf %sub3A, %add3A_45 : vector<1x128xf32>
    %sqrt3A = math.sqrt %add3A_46 : vector<1x128xf32>
    %mul3A_47 = arith.mulf %div3A_26, %div3A_26 : vector<1x32xf32>
    %sub3A_48 = arith.subf %div3A_33, %mul3A_47 : vector<1x32xf32>
    %add3A_49 = arith.constant 9.99999974E-6 : f32
    %add3A_50 = vector.broadcast %add3A_49 : f32 to vector<1x32xf32>
    %add3A_51 = arith.addf %sub3A_48, %add3A_50 : vector<1x32xf32>
    %sqrt3A_52 = math.sqrt %add3A_51 : vector<1x32xf32>
    %sub3A_53 = vector.broadcast %div3A_14 : vector<1x128xf32> to vector<10000x128xf32>
    %sub3A_54 = arith.subf %get3A_1, %sub3A_53 : vector<10000x128xf32>
    %div3A_55 = vector.broadcast %sqrt3A : vector<1x128xf32> to vector<10000x128xf32>
    %div3A_56 = arith.divf %sub3A_54, %div3A_55 : vector<10000x128xf32>
    %slice3A = vector.extract_strided_slice %get3A_36 {offsets = [0, 0], sizes = [1, 128], strides = [1, 1]} : vector<1x176xf32> to vector<1x128xf32>
    %mul3A_57 = vector.broadcast %slice3A : vector<1x128xf32> to vector<10000x128xf32>
    %mul3A_58 = arith.mulf %div3A_56, %mul3A_57 : vector<10000x128xf32>
    %slice3A_59 = vector.extract_strided_slice %get3A_39 {offsets = [0, 0], sizes = [1, 128], strides = [1, 1]} : vector<1x176xf32> to vector<1x128xf32>
    %add3A_60 = vector.broadcast %slice3A_59 : vector<1x128xf32> to vector<10000x128xf32>
    %add3A_61 = arith.addf %mul3A_58, %add3A_60 : vector<10000x128xf32>
    %sub3A_62 = vector.broadcast %div3A_26 : vector<1x32xf32> to vector<10000x32xf32>
    %sub3A_63 = arith.subf %add3A, %sub3A_62 : vector<10000x32xf32>
    %div3A_64 = vector.broadcast %sqrt3A_52 : vector<1x32xf32> to vector<10000x32xf32>
    %div3A_65 = arith.divf %sub3A_63, %div3A_64 : vector<10000x32xf32>
    %slice3A_66 = vector.extract_strided_slice %get3A_36 {offsets = [0, 128], sizes = [1, 32], strides = [1, 1]} : vector<1x176xf32> to vector<1x32xf32>
    %mul3A_67 = vector.broadcast %slice3A_66 : vector<1x32xf32> to vector<10000x32xf32>
    %mul3A_68 = arith.mulf %div3A_65, %mul3A_67 : vector<10000x32xf32>
    %slice3A_69 = vector.extract_strided_slice %get3A_39 {offsets = [0, 128], sizes = [1, 32], strides = [1, 1]} : vector<1x176xf32> to vector<1x32xf32>
    %add3A_70 = vector.broadcast %slice3A_69 : vector<1x32xf32> to vector<10000x32xf32>
    %add3A_71 = arith.addf %mul3A_68, %add3A_70 : vector<10000x32xf32>
    %get3A_72 = arith.constant 0 : index
    %get3A_73 = arith.constant 0 : index
    %get3A_74 = vector.load %arg5[%get3A_72, %get3A_73] : memref<1x64xf32, #tpu.memory_space<vmem>>, vector<1x64xf32>
    %slice3A_75 = vector.extract_strided_slice %get3A_39 {offsets = [0, 160], sizes = [1, 16], strides = [1, 1]} : vector<1x176xf32> to vector<1x16xf32>
    %slice3A_76 = vector.extract_strided_slice %get3A_42 {offsets = [160, 0], sizes = [16, 64], strides = [1, 1]} : vector<176x64xf32> to vector<16x64xf32>
    %convert_element_type3A = arith.truncf %slice3A_75 : vector<1x16xf32> to vector<1x16xbf16>
    %convert_element_type3A_77 = arith.truncf %slice3A_76 : vector<16x64xf32> to vector<16x64xbf16>
    %dot_general3A = arith.constant dense<0.000000e+00> : vector<1x64xf32>
    %dot_general3A_78 = tpu.matmul %convert_element_type3A, %convert_element_type3A_77, %dot_general3A {dimension_numbers = #tpu.dot_dimension_numbers<[1], [0], [0], [1], [0, 0, 1, 1], [], []>, transpose_lhs_hint = false} : vector<1x16xbf16>, vector<16x64xbf16>, vector<1x64xf32> -> vector<1x64xf32>
    %add3A_79 = arith.addf %get3A_74, %dot_general3A_78 : vector<1x64xf32>
    %slice3A_80 = vector.extract_strided_slice %get3A_42 {offsets = [0, 0], sizes = [128, 64], strides = [1, 1]} : vector<176x64xf32> to vector<128x64xf32>
    %convert_element_type3A_81 = arith.truncf %add3A_61 : vector<10000x128xf32> to vector<10000x128xbf16>
    %convert_element_type3A_82 = arith.truncf %slice3A_80 : vector<128x64xf32> to vector<128x64xbf16>
    %dot_general3A_83 = arith.constant dense<0.000000e+00> : vector<10000x64xf32>
    %dot_general3A_84 = tpu.matmul %convert_element_type3A_81, %convert_element_type3A_82, %dot_general3A_83 {dimension_numbers = #tpu.dot_dimension_numbers<[1], [0], [0], [1], [0, 0, 1, 1], [], []>, transpose_lhs_hint = false} : vector<10000x128xbf16>, vector<128x64xbf16>, vector<10000x64xf32> -> vector<10000x64xf32>
    %slice3A_85 = vector.extract_strided_slice %get3A_42 {offsets = [128, 0], sizes = [32, 64], strides = [1, 1]} : vector<176x64xf32> to vector<32x64xf32>
    %convert_element_type3A_86 = arith.truncf %add3A_71 : vector<10000x32xf32> to vector<10000x32xbf16>
    %convert_element_type3A_87 = arith.truncf %slice3A_85 : vector<32x64xf32> to vector<32x64xbf16>
    %dot_general3A_88 = arith.constant dense<0.000000e+00> : vector<10000x64xf32>
    %dot_general3A_89 = tpu.matmul %convert_element_type3A_86, %convert_element_type3A_87, %dot_general3A_88 {dimension_numbers = #tpu.dot_dimension_numbers<[1], [0], [0], [1], [0, 0, 1, 1], [], []>, transpose_lhs_hint = false} : vector<10000x32xbf16>, vector<32x64xbf16>, vector<10000x64xf32> -> vector<10000x64xf32>
    %add3A_90 = arith.addf %dot_general3A_84, %dot_general3A_89 : vector<10000x64xf32>
    %add3A_91 = vector.broadcast %add3A_79 : vector<1x64xf32> to vector<10000x64xf32>
    %add3A_92 = arith.addf %add3A_90, %add3A_91 : vector<10000x64xf32>
    %max3A = arith.constant 0.000000e+00 : f32
    %max3A_93 = vector.broadcast %max3A : f32 to vector<10000x64xf32>
    %max3A_94 = arith.maximumf %add3A_92, %max3A_93 : vector<10000x64xf32>
    %get3A_95 = arith.constant 0 : index
    %get3A_96 = arith.constant 0 : index
    %get3A_97 = vector.load %arg6[%get3A_95, %get3A_96] : memref<64x32xf32, #tpu.memory_space<vmem>>, vector<64x32xf32>
    %convert_element_type3A_98 = arith.truncf %max3A_94 : vector<10000x64xf32> to vector<10000x64xbf16>
    %convert_element_type3A_99 = arith.truncf %get3A_97 : vector<64x32xf32> to vector<64x32xbf16>
    %dot_general3A_100 = arith.constant dense<0.000000e+00> : vector<10000x32xf32>
    %dot_general3A_101 = tpu.matmul %convert_element_type3A_98, %convert_element_type3A_99, %dot_general3A_100 {dimension_numbers = #tpu.dot_dimension_numbers<[1], [0], [0], [1], [0, 0, 1, 1], [], []>, transpose_lhs_hint = false} : vector<10000x64xbf16>, vector<64x32xbf16>, vector<10000x32xf32> -> vector<10000x32xf32>
    %get3A_102 = arith.constant 0 : index
    %get3A_103 = arith.constant 0 : index
    %get3A_104 = vector.load %arg7[%get3A_102, %get3A_103] : memref<1x32xf32, #tpu.memory_space<vmem>>, vector<1x32xf32>
    %add3A_105 = vector.broadcast %get3A_104 : vector<1x32xf32> to vector<10000x32xf32>
    %add3A_106 = arith.addf %dot_general3A_101, %add3A_105 : vector<10000x32xf32>
    %swap3A = arith.constant 0 : index
    %swap3A_107 = arith.constant 0 : index
    %swap3A_108 = vector.load %arg10[%swap3A, %swap3A_107] : memref<10000x32xf32, #tpu.memory_space<vmem>>, vector<10000x32xf32>
    tpu.vector_store %arg10[%swap3A, %swap3A_107], %add3A_106 {strides = array<i32>} : memref<10000x32xf32, #tpu.memory_space<vmem>>, vector<10000x32xf32>,
    return
  }
}

module attributes {stable_mosaic.version = 14 : i64} {
  func.func @_edge_prep_body(%arg0: memref<10000x32xf32, #tpu.memory_space<vmem>>, %arg1: memref<2x10000x128xf32, #tpu.memory_space<vmem>>, %arg2: memref<125x1x72xf32, #tpu.memory_space<vmem>>, %arg3: memref<1x128xf32, #tpu.memory_space<vmem>>, %arg4: memref<1x128xf32, #tpu.memory_space<vmem>>, %arg5: memref<128x64xf32, #tpu.memory_space<vmem>>, %arg6: memref<1x64xf32, #tpu.memory_space<vmem>>, %arg7: memref<10000x128xf32, #tpu.memory_space<vmem>>, %arg8: memref<1x64xf32, #tpu.memory_space<vmem>>, %arg9: memref<1x64xf32, #tpu.memory_space<vmem>>) attributes {dimension_semantics = [], scalar_prefetch = 0 : i64, scratch_operands = 0 : i64, tpu.core_type = #tpu.core_type<tc>} {
    %get3A = arith.constant 0 : index
    %get3A_0 = arith.constant 0 : index
    %get3A_1 = vector.load %arg0[%get3A, %get3A_0] : memref<10000x32xf32, #tpu.memory_space<vmem>>, vector<10000x32xf32>
    %get3A_2 = arith.constant 0 : index
    %get3A_3 = arith.constant 0 : index
    %get3A_4 = arith.constant 0 : index
    %get3A_5 = vector.load %arg2[%get3A_2, %get3A_3, %get3A_4] : memref<125x1x72xf32, #tpu.memory_space<vmem>>, vector<125x1x72xf32>
    %slice3A = vector.extract_strided_slice %get3A_5 {offsets = [0, 0, 0], sizes = [125, 1, 32], strides = [1, 1, 1]} : vector<125x1x72xf32> to vector<125x1x32xf32>
    %squeeze3A = vector.shape_cast %slice3A : vector<125x1x32xf32> to vector<125x32xf32>
    %reduce_sum3A = arith.constant dense<0.000000e+00> : vector<32xf32>
    %reduce_sum3A_6 = vector.multi_reduction <add>, %squeeze3A, %reduce_sum3A [0] : vector<125x32xf32> to vector<32xf32>
    %broadcast_in_dim3A = vector.shape_cast %reduce_sum3A_6 : vector<32xf32> to vector<1x32xf32>
    %div3A = arith.constant 3.200000e+05 : f32
    %div3A_7 = vector.broadcast %div3A : f32 to vector<1x32xf32>
    %div3A_8 = arith.divf %broadcast_in_dim3A, %div3A_7 : vector<1x32xf32>
    %slice3A_9 = vector.extract_strided_slice %get3A_5 {offsets = [0, 0, 32], sizes = [125, 1, 32], strides = [1, 1, 1]} : vector<125x1x72xf32> to vector<125x1x32xf32>
    %squeeze3A_10 = vector.shape_cast %slice3A_9 : vector<125x1x32xf32> to vector<125x32xf32>
    %reduce_sum3A_11 = arith.constant dense<0.000000e+00> : vector<32xf32>
    %reduce_sum3A_12 = vector.multi_reduction <add>, %squeeze3A_10, %reduce_sum3A_11 [0] : vector<125x32xf32> to vector<32xf32>
    %broadcast_in_dim3A_13 = vector.shape_cast %reduce_sum3A_12 : vector<32xf32> to vector<1x32xf32>
    %div3A_14 = arith.constant 3.200000e+05 : f32
    %div3A_15 = vector.broadcast %div3A_14 : f32 to vector<1x32xf32>
    %div3A_16 = arith.divf %broadcast_in_dim3A_13, %div3A_15 : vector<1x32xf32>
    %get3A_17 = arith.constant 0 : index
    %get3A_18 = arith.constant 0 : index
    %get3A_19 = arith.constant 0 : index
    %get3A_20 = vector.load %arg1[%get3A_17, %get3A_18, %get3A_19] : memref<2x10000x128xf32, #tpu.memory_space<vmem>>, vector<1x10000x1xf32>
    %get3A_21 = vector.shape_cast %get3A_20 : vector<1x10000x1xf32> to vector<10000x1xf32>
    %get3A_22 = arith.constant 1 : index
    %get3A_23 = arith.constant 0 : index
    %get3A_24 = arith.constant 0 : index
    %get3A_25 = vector.load %arg1[%get3A_22, %get3A_23, %get3A_24] : memref<2x10000x128xf32, #tpu.memory_space<vmem>>, vector<1x10000x1xf32>
    %get3A_26 = vector.shape_cast %get3A_25 : vector<1x10000x1xf32> to vector<10000x1xf32>
    %add3A = arith.addf %get3A_21, %get3A_26 : vector<10000x1xf32>
    %get3A_27 = arith.constant 0 : index
    %get3A_28 = arith.constant 0 : index
    %get3A_29 = arith.constant 1 : index
    %get3A_30 = vector.load %arg1[%get3A_27, %get3A_28, %get3A_29] : memref<2x10000x128xf32, #tpu.memory_space<vmem>>, vector<1x10000x1xf32>
    %get3A_31 = vector.shape_cast %get3A_30 : vector<1x10000x1xf32> to vector<10000x1xf32>
    %get3A_32 = arith.constant 1 : index
    %get3A_33 = arith.constant 0 : index
    %get3A_34 = arith.constant 1 : index
    %get3A_35 = vector.load %arg1[%get3A_32, %get3A_33, %get3A_34] : memref<2x10000x128xf32, #tpu.memory_space<vmem>>, vector<1x10000x1xf32>
    %get3A_36 = vector.shape_cast %get3A_35 : vector<1x10000x1xf32> to vector<10000x1xf32>
    %add3A_37 = arith.addf %get3A_31, %get3A_36 : vector<10000x1xf32>
    %mul3A = vector.broadcast %add3A : vector<10000x1xf32> to vector<10000x32xf32>
    %mul3A_38 = arith.mulf %get3A_1, %mul3A : vector<10000x32xf32>
    %reduce_sum3A_39 = arith.constant dense<0.000000e+00> : vector<32xf32>
    %reduce_sum3A_40 = vector.multi_reduction <add>, %mul3A_38, %reduce_sum3A_39 [0] : vector<10000x32xf32> to vector<32xf32>
    %broadcast_in_dim3A_41 = vector.shape_cast %reduce_sum3A_40 : vector<32xf32> to vector<1x32xf32>
    %div3A_42 = arith.constant 3.200000e+05 : f32
    %div3A_43 = vector.broadcast %div3A_42 : f32 to vector<1x32xf32>
    %div3A_44 = arith.divf %broadcast_in_dim3A_41, %div3A_43 : vector<1x32xf32>
    %mul3A_45 = arith.mulf %get3A_1, %get3A_1 : vector<10000x32xf32>
    %mul3A_46 = vector.broadcast %add3A : vector<10000x1xf32> to vector<10000x32xf32>
    %mul3A_47 = arith.mulf %mul3A_45, %mul3A_46 : vector<10000x32xf32>
    %reduce_sum3A_48 = arith.constant dense<0.000000e+00> : vector<32xf32>
    %reduce_sum3A_49 = vector.multi_reduction <add>, %mul3A_47, %reduce_sum3A_48 [0] : vector<10000x32xf32> to vector<32xf32>
    %broadcast_in_dim3A_50 = vector.shape_cast %reduce_sum3A_49 : vector<32xf32> to vector<1x32xf32>
    %div3A_51 = arith.constant 3.200000e+05 : f32
    %div3A_52 = vector.broadcast %div3A_51 : f32 to vector<1x32xf32>
    %div3A_53 = arith.divf %broadcast_in_dim3A_50, %div3A_52 : vector<1x32xf32>
    %mul3A_54 = vector.broadcast %add3A_37 : vector<10000x1xf32> to vector<10000x32xf32>
    %mul3A_55 = arith.mulf %get3A_1, %mul3A_54 : vector<10000x32xf32>
    %reduce_sum3A_56 = arith.constant dense<0.000000e+00> : vector<32xf32>
    %reduce_sum3A_57 = vector.multi_reduction <add>, %mul3A_55, %reduce_sum3A_56 [0] : vector<10000x32xf32> to vector<32xf32>
    %broadcast_in_dim3A_58 = vector.shape_cast %reduce_sum3A_57 : vector<32xf32> to vector<1x32xf32>
    %div3A_59 = arith.constant 3.200000e+05 : f32
    %div3A_60 = vector.broadcast %div3A_59 : f32 to vector<1x32xf32>
    %div3A_61 = arith.divf %broadcast_in_dim3A_58, %div3A_60 : vector<1x32xf32>
    %mul3A_62 = arith.mulf %get3A_1, %get3A_1 : vector<10000x32xf32>
    %mul3A_63 = vector.broadcast %add3A_37 : vector<10000x1xf32> to vector<10000x32xf32>
    %mul3A_64 = arith.mulf %mul3A_62, %mul3A_63 : vector<10000x32xf32>
    %reduce_sum3A_65 = arith.constant dense<0.000000e+00> : vector<32xf32>
    %reduce_sum3A_66 = vector.multi_reduction <add>, %mul3A_64, %reduce_sum3A_65 [0] : vector<10000x32xf32> to vector<32xf32>
    %broadcast_in_dim3A_67 = vector.shape_cast %reduce_sum3A_66 : vector<32xf32> to vector<1x32xf32>
    %div3A_68 = arith.constant 3.200000e+05 : f32
    %div3A_69 = vector.broadcast %div3A_68 : f32 to vector<1x32xf32>
    %div3A_70 = arith.divf %broadcast_in_dim3A_67, %div3A_69 : vector<1x32xf32>
    %get3A_71 = arith.constant 0 : index
    %get3A_72 = arith.constant 0 : index
    %get3A_73 = vector.load %arg3[%get3A_71, %get3A_72] : memref<1x128xf32, #tpu.memory_space<vmem>>, vector<1x128xf32>
    %get3A_74 = arith.constant 0 : index
    %get3A_75 = arith.constant 0 : index
    %get3A_76 = vector.load %arg4[%get3A_74, %get3A_75] : memref<1x128xf32, #tpu.memory_space<vmem>>, vector<1x128xf32>
    %get3A_77 = arith.constant 0 : index
    %get3A_78 = arith.constant 0 : index
    %get3A_79 = vector.load %arg5[%get3A_77, %get3A_78] : memref<128x64xf32, #tpu.memory_space<vmem>>, vector<128x64xf32>
    %mul3A_80 = arith.mulf %div3A_44, %div3A_44 : vector<1x32xf32>
    %sub3A = arith.subf %div3A_53, %mul3A_80 : vector<1x32xf32>
    %add3A_81 = arith.constant 9.99999974E-6 : f32
    %add3A_82 = vector.broadcast %add3A_81 : f32 to vector<1x32xf32>
    %add3A_83 = arith.addf %sub3A, %add3A_82 : vector<1x32xf32>
    %sqrt3A = math.sqrt %add3A_83 : vector<1x32xf32>
    %mul3A_84 = arith.mulf %div3A_61, %div3A_61 : vector<1x32xf32>
    %sub3A_85 = arith.subf %div3A_70, %mul3A_84 : vector<1x32xf32>
    %add3A_86 = arith.constant 9.99999974E-6 : f32
    %add3A_87 = vector.broadcast %add3A_86 : f32 to vector<1x32xf32>
    %add3A_88 = arith.addf %sub3A_85, %add3A_87 : vector<1x32xf32>
    %sqrt3A_89 = math.sqrt %add3A_88 : vector<1x32xf32>
    %sub3A_90 = vector.broadcast %div3A_44 : vector<1x32xf32> to vector<10000x32xf32>
    %sub3A_91 = arith.subf %get3A_1, %sub3A_90 : vector<10000x32xf32>
    %div3A_92 = vector.broadcast %sqrt3A : vector<1x32xf32> to vector<10000x32xf32>
    %div3A_93 = arith.divf %sub3A_91, %div3A_92 : vector<10000x32xf32>
    %slice3A_94 = vector.extract_strided_slice %get3A_73 {offsets = [0, 32], sizes = [1, 32], strides = [1, 1]} : vector<1x128xf32> to vector<1x32xf32>
    %mul3A_95 = vector.broadcast %slice3A_94 : vector<1x32xf32> to vector<10000x32xf32>
    %mul3A_96 = arith.mulf %div3A_93, %mul3A_95 : vector<10000x32xf32>
    %slice3A_97 = vector.extract_strided_slice %get3A_76 {offsets = [0, 32], sizes = [1, 32], strides = [1, 1]} : vector<1x128xf32> to vector<1x32xf32>
    %add3A_98 = vector.broadcast %slice3A_97 : vector<1x32xf32> to vector<10000x32xf32>
    %add3A_99 = arith.addf %mul3A_96, %add3A_98 : vector<10000x32xf32>
    %sub3A_100 = vector.broadcast %div3A_61 : vector<1x32xf32> to vector<10000x32xf32>
    %sub3A_101 = arith.subf %get3A_1, %sub3A_100 : vector<10000x32xf32>
    %div3A_102 = vector.broadcast %sqrt3A_89 : vector<1x32xf32> to vector<10000x32xf32>
    %div3A_103 = arith.divf %sub3A_101, %div3A_102 : vector<10000x32xf32>
    %slice3A_104 = vector.extract_strided_slice %get3A_73 {offsets = [0, 64], sizes = [1, 32], strides = [1, 1]} : vector<1x128xf32> to vector<1x32xf32>
    %mul3A_105 = vector.broadcast %slice3A_104 : vector<1x32xf32> to vector<10000x32xf32>
    %mul3A_106 = arith.mulf %div3A_103, %mul3A_105 : vector<10000x32xf32>
    %slice3A_107 = vector.extract_strided_slice %get3A_76 {offsets = [0, 64], sizes = [1, 32], strides = [1, 1]} : vector<1x128xf32> to vector<1x32xf32>
    %add3A_108 = vector.broadcast %slice3A_107 : vector<1x32xf32> to vector<10000x32xf32>
    %add3A_109 = arith.addf %mul3A_106, %add3A_108 : vector<10000x32xf32>
    %slice3A_110 = vector.extract_strided_slice %get3A_79 {offsets = [32, 0], sizes = [32, 64], strides = [1, 1]} : vector<128x64xf32> to vector<32x64xf32>
    %convert_element_type3A = arith.truncf %add3A_99 : vector<10000x32xf32> to vector<10000x32xbf16>
    %convert_element_type3A_111 = arith.truncf %slice3A_110 : vector<32x64xf32> to vector<32x64xbf16>
    %dot_general3A = arith.constant dense<0.000000e+00> : vector<10000x64xf32>
    %dot_general3A_112 = tpu.matmul %convert_element_type3A, %convert_element_type3A_111, %dot_general3A {dimension_numbers = #tpu.dot_dimension_numbers<[1], [0], [0], [1], [0, 0, 1, 1], [], []>, transpose_lhs_hint = false} : vector<10000x32xbf16>, vector<32x64xbf16>, vector<10000x64xf32> -> vector<10000x64xf32>
    %swap3A = arith.constant 0 : index
    %swap3A_113 = arith.constant 0 : index
    %swap3A_114 = vector.load %arg7[%swap3A, %swap3A_113] : memref<10000x128xf32, #tpu.memory_space<vmem>>, vector<10000x64xf32>
    tpu.vector_store %arg7[%swap3A, %swap3A_113], %dot_general3A_112 {strides = array<i32>} : memref<10000x128xf32, #tpu.memory_space<vmem>>, vector<10000x64xf32>,
    %slice3A_115 = vector.extract_strided_slice %get3A_79 {offsets = [64, 0], sizes = [32, 64], strides = [1, 1]} : vector<128x64xf32> to vector<32x64xf32>
    %convert_element_type3A_116 = arith.truncf %add3A_109 : vector<10000x32xf32> to vector<10000x32xbf16>
    %convert_element_type3A_117 = arith.truncf %slice3A_115 : vector<32x64xf32> to vector<32x64xbf16>
    %dot_general3A_118 = arith.constant dense<0.000000e+00> : vector<10000x64xf32>
    %dot_general3A_119 = tpu.matmul %convert_element_type3A_116, %convert_element_type3A_117, %dot_general3A_118 {dimension_numbers = #tpu.dot_dimension_numbers<[1], [0], [0], [1], [0, 0, 1, 1], [], []>, transpose_lhs_hint = false} : vector<10000x32xbf16>, vector<32x64xbf16>, vector<10000x64xf32> -> vector<10000x64xf32>
    %swap3A_120 = arith.constant 0 : index
    %swap3A_121 = arith.constant 64 : index
    %swap3A_122 = vector.load %arg7[%swap3A_120, %swap3A_121] : memref<10000x128xf32, #tpu.memory_space<vmem>>, vector<10000x64xf32>
    tpu.vector_store %arg7[%swap3A_120, %swap3A_121], %dot_general3A_119 {strides = array<i32>} : memref<10000x128xf32, #tpu.memory_space<vmem>>, vector<10000x64xf32>,
    %get3A_123 = arith.constant 0 : index
    %get3A_124 = arith.constant 0 : index
    %get3A_125 = vector.load %arg6[%get3A_123, %get3A_124] : memref<1x64xf32, #tpu.memory_space<vmem>>, vector<1x64xf32>
    %slice3A_126 = vector.extract_strided_slice %get3A_76 {offsets = [0, 96], sizes = [1, 32], strides = [1, 1]} : vector<1x128xf32> to vector<1x32xf32>
    %slice3A_127 = vector.extract_strided_slice %get3A_79 {offsets = [96, 0], sizes = [32, 64], strides = [1, 1]} : vector<128x64xf32> to vector<32x64xf32>
    %convert_element_type3A_128 = arith.truncf %slice3A_126 : vector<1x32xf32> to vector<1x32xbf16>
    %convert_element_type3A_129 = arith.truncf %slice3A_127 : vector<32x64xf32> to vector<32x64xbf16>
    %dot_general3A_130 = arith.constant dense<0.000000e+00> : vector<1x64xf32>
    %dot_general3A_131 = tpu.matmul %convert_element_type3A_128, %convert_element_type3A_129, %dot_general3A_130 {dimension_numbers = #tpu.dot_dimension_numbers<[1], [0], [0], [1], [0, 0, 1, 1], [], []>, transpose_lhs_hint = false} : vector<1x32xbf16>, vector<32x64xbf16>, vector<1x64xf32> -> vector<1x64xf32>
    %add3A_132 = arith.addf %get3A_125, %dot_general3A_131 : vector<1x64xf32>
    %swap3A_133 = arith.constant 0 : index
    %swap3A_134 = arith.constant 0 : index
    %swap3A_135 = vector.load %arg8[%swap3A_133, %swap3A_134] : memref<1x64xf32, #tpu.memory_space<vmem>>, vector<1x64xf32>
    tpu.vector_store %arg8[%swap3A_133, %swap3A_134], %add3A_132 {strides = array<i32>} : memref<1x64xf32, #tpu.memory_space<vmem>>, vector<1x64xf32>,
    %mul3A_136 = arith.mulf %div3A_8, %div3A_8 : vector<1x32xf32>
    %sub3A_137 = arith.subf %div3A_16, %mul3A_136 : vector<1x32xf32>
    %add3A_138 = arith.constant 9.99999974E-6 : f32
    %add3A_139 = vector.broadcast %add3A_138 : f32 to vector<1x32xf32>
    %add3A_140 = arith.addf %sub3A_137, %add3A_139 : vector<1x32xf32>
    %sqrt3A_141 = math.sqrt %add3A_140 : vector<1x32xf32>
    %concatenate3A = tpu.concatenate %div3A_8, %sqrt3A_141 in 1 : vector<1x32xf32>, vector<1x32xf32> -> vector<1x64xf32>
    %swap3A_142 = arith.constant 0 : index
    %swap3A_143 = arith.constant 0 : index
    %swap3A_144 = vector.load %arg9[%swap3A_142, %swap3A_143] : memref<1x64xf32, #tpu.memory_space<vmem>>, vector<1x64xf32>
    tpu.vector_store %arg9[%swap3A_142, %swap3A_143], %concatenate3A {strides = array<i32>} : memref<1x64xf32, #tpu.memory_space<vmem>>, vector<1x64xf32>,
    return
  }
}

module attributes {stable_mosaic.version = 14 : i64} {
  func.func @_edge_body(%arg0: i32, %arg1: memref<2560x128xf32, #tpu.memory_space<vmem>>, %arg2: memref<2560x128xf32, #tpu.memory_space<vmem>>, %arg3: memref<32x64xf32, #tpu.memory_space<vmem>>, %arg4: memref<1x64xf32, #tpu.memory_space<vmem>>, %arg5: memref<1x64xf32, #tpu.memory_space<vmem>>, %arg6: memref<1x64xf32, #tpu.memory_space<vmem>>, %arg7: memref<64x32xf32, #tpu.memory_space<vmem>>, %arg8: memref<1x32xf32, #tpu.memory_space<vmem>>, %arg9: memref<32x1xf32, #tpu.memory_space<vmem>>, %arg10: memref<2560x128xf32, #tpu.memory_space<vmem>>, %arg11: memref<1x1x72xf32, #tpu.memory_space<vmem>>, %arg12: memref<2560x1xf32, #tpu.memory_space<vmem>>) attributes {dimension_semantics = [#tpu.dimension_semantics<arbitrary>], iteration_bounds = array<i64: 125>, scalar_prefetch = 0 : i64, scratch_operands = 0 : i64, tpu.core_type = #tpu.core_type<tc>, window_params = [{transform_indices = @transform_0, window_bounds = array<i64: 2560, 128>}, {transform_indices = @transform_1, window_bounds = array<i64: 2560, 128>}, {pipeline_mode = #tpu.pipeline_mode<synchronous>, transform_indices = @transform_2, window_bounds = array<i64: 32, 64>}, {pipeline_mode = #tpu.pipeline_mode<synchronous>, transform_indices = @transform_3, window_bounds = array<i64: 1, 64>}, {pipeline_mode = #tpu.pipeline_mode<synchronous>, transform_indices = @transform_4, window_bounds = array<i64: 1, 64>}, {pipeline_mode = #tpu.pipeline_mode<synchronous>, transform_indices = @transform_5, window_bounds = array<i64: 1, 64>}, {pipeline_mode = #tpu.pipeline_mode<synchronous>, transform_indices = @transform_6, window_bounds = array<i64: 64, 32>}, {pipeline_mode = #tpu.pipeline_mode<synchronous>, transform_indices = @transform_7, window_bounds = array<i64: 1, 32>}, {pipeline_mode = #tpu.pipeline_mode<synchronous>, transform_indices = @transform_8, window_bounds = array<i64: 32, 1>}, {transform_indices = @transform_9, window_bounds = array<i64: 2560, 128>}, {transform_indices = @transform_10, window_bounds = array<i64: 1, 1, 72>}, {transform_indices = @transform_11, window_bounds = array<i64: 2560, 1>}]} {
    %get3A = arith.constant 0 : index
    %get3A_0 = arith.constant 0 : index
    %get3A_1 = vector.load %arg1[%get3A, %get3A_0] : memref<2560x128xf32, #tpu.memory_space<vmem>>, vector<2560x64xf32>
    %get3A_2 = arith.constant 0 : index
    %get3A_3 = arith.constant 0 : index
    %get3A_4 = vector.load %arg2[%get3A_2, %get3A_3] : memref<2560x128xf32, #tpu.memory_space<vmem>>, vector<2560x32xf32>
    %get3A_5 = arith.constant 0 : index
    %get3A_6 = arith.constant 0 : index
    %get3A_7 = vector.load %arg5[%get3A_5, %get3A_6] : memref<1x64xf32, #tpu.memory_space<vmem>>, vector<1x32xf32>
    %get3A_8 = vector.shape_cast %get3A_7 : vector<1x32xf32> to vector<32xf32>
    %broadcast_in_dim3A = vector.shape_cast %get3A_8 : vector<32xf32> to vector<1x32xf32>
    %get3A_9 = arith.constant 0 : index
    %get3A_10 = arith.constant 32 : index
    %get3A_11 = vector.load %arg5[%get3A_9, %get3A_10] : memref<1x64xf32, #tpu.memory_space<vmem>>, vector<1x32xf32>
    %get3A_12 = vector.shape_cast %get3A_11 : vector<1x32xf32> to vector<32xf32>
    %broadcast_in_dim3A_13 = vector.shape_cast %get3A_12 : vector<32xf32> to vector<1x32xf32>
    %get3A_14 = arith.constant 0 : index
    %get3A_15 = arith.constant 0 : index
    %get3A_16 = vector.load %arg4[%get3A_14, %get3A_15] : memref<1x64xf32, #tpu.memory_space<vmem>>, vector<1x32xf32>
    %get3A_17 = vector.shape_cast %get3A_16 : vector<1x32xf32> to vector<32xf32>
    %broadcast_in_dim3A_18 = vector.shape_cast %get3A_17 : vector<32xf32> to vector<1x32xf32>
    %get3A_19 = arith.constant 0 : index
    %get3A_20 = arith.constant 32 : index
    %get3A_21 = vector.load %arg4[%get3A_19, %get3A_20] : memref<1x64xf32, #tpu.memory_space<vmem>>, vector<1x32xf32>
    %get3A_22 = vector.shape_cast %get3A_21 : vector<1x32xf32> to vector<32xf32>
    %broadcast_in_dim3A_23 = vector.shape_cast %get3A_22 : vector<32xf32> to vector<1x32xf32>
    %sub3A = vector.broadcast %broadcast_in_dim3A : vector<1x32xf32> to vector<2560x32xf32>
    %sub3A_24 = arith.subf %get3A_4, %sub3A : vector<2560x32xf32>
    %div3A = vector.broadcast %broadcast_in_dim3A_13 : vector<1x32xf32> to vector<2560x32xf32>
    %div3A_25 = arith.divf %sub3A_24, %div3A : vector<2560x32xf32>
    %mul3A = vector.broadcast %broadcast_in_dim3A_18 : vector<1x32xf32> to vector<2560x32xf32>
    %mul3A_26 = arith.mulf %div3A_25, %mul3A : vector<2560x32xf32>
    %add3A = vector.broadcast %broadcast_in_dim3A_23 : vector<1x32xf32> to vector<2560x32xf32>
    %add3A_27 = arith.addf %mul3A_26, %add3A : vector<2560x32xf32>
    %get3A_28 = arith.constant 0 : index
    %get3A_29 = arith.constant 0 : index
    %get3A_30 = vector.load %arg3[%get3A_28, %get3A_29] : memref<32x64xf32, #tpu.memory_space<vmem>>, vector<32x64xf32>
    %convert_element_type3A = arith.truncf %add3A_27 : vector<2560x32xf32> to vector<2560x32xbf16>
    %convert_element_type3A_31 = arith.truncf %get3A_30 : vector<32x64xf32> to vector<32x64xbf16>
    %dot_general3A = arith.constant dense<0.000000e+00> : vector<2560x64xf32>
    %dot_general3A_32 = tpu.matmul %convert_element_type3A, %convert_element_type3A_31, %dot_general3A {dimension_numbers = #tpu.dot_dimension_numbers<[1], [0], [0], [1], [0, 0, 1, 1], [], []>, transpose_lhs_hint = false} : vector<2560x32xbf16>, vector<32x64xbf16>, vector<2560x64xf32> -> vector<2560x64xf32>
    %add3A_33 = arith.addf %get3A_1, %dot_general3A_32 : vector<2560x64xf32>
    %get3A_34 = arith.constant 0 : index
    %get3A_35 = arith.constant 0 : index
    %get3A_36 = vector.load %arg6[%get3A_34, %get3A_35] : memref<1x64xf32, #tpu.memory_space<vmem>>, vector<1x64xf32>
    %add3A_37 = vector.broadcast %get3A_36 : vector<1x64xf32> to vector<2560x64xf32>
    %add3A_38 = arith.addf %add3A_33, %add3A_37 : vector<2560x64xf32>
    %max3A = arith.constant 0.000000e+00 : f32
    %max3A_39 = vector.broadcast %max3A : f32 to vector<2560x64xf32>
    %max3A_40 = arith.maximumf %add3A_38, %max3A_39 : vector<2560x64xf32>
    %get3A_41 = arith.constant 0 : index
    %get3A_42 = arith.constant 0 : index
    %get3A_43 = vector.load %arg7[%get3A_41, %get3A_42] : memref<64x32xf32, #tpu.memory_space<vmem>>, vector<64x32xf32>
    %convert_element_type3A_44 = arith.truncf %max3A_40 : vector<2560x64xf32> to vector<2560x64xbf16>
    %convert_element_type3A_45 = arith.truncf %get3A_43 : vector<64x32xf32> to vector<64x32xbf16>
    %dot_general3A_46 = arith.constant dense<0.000000e+00> : vector<2560x32xf32>
    %dot_general3A_47 = tpu.matmul %convert_element_type3A_44, %convert_element_type3A_45, %dot_general3A_46 {dimension_numbers = #tpu.dot_dimension_numbers<[1], [0], [0], [1], [0, 0, 1, 1], [], []>, transpose_lhs_hint = false} : vector<2560x64xbf16>, vector<64x32xbf16>, vector<2560x32xf32> -> vector<2560x32xf32>
    %get3A_48 = arith.constant 0 : index
    %get3A_49 = arith.constant 0 : index
    %get3A_50 = vector.load %arg8[%get3A_48, %get3A_49] : memref<1x32xf32, #tpu.memory_space<vmem>>, vector<1x32xf32>
    %add3A_51 = vector.broadcast %get3A_50 : vector<1x32xf32> to vector<2560x32xf32>
    %add3A_52 = arith.addf %dot_general3A_47, %add3A_51 : vector<2560x32xf32>
    %add3A_53 = arith.addf %add3A_52, %get3A_4 : vector<2560x32xf32>
    %swap3A = arith.constant 0 : index
    %swap3A_54 = arith.constant 0 : index
    %swap3A_55 = vector.load %arg10[%swap3A, %swap3A_54] : memref<2560x128xf32, #tpu.memory_space<vmem>>, vector<2560x32xf32>
    tpu.vector_store %arg10[%swap3A, %swap3A_54], %add3A_53 {strides = array<i32>} : memref<2560x128xf32, #tpu.memory_space<vmem>>, vector<2560x32xf32>,
    %broadcast_in_dim3A_56 = arith.constant 0.000000e+00 : f32
    %broadcast_in_dim3A_57 = vector.broadcast %broadcast_in_dim3A_56 : f32 to vector<2560x96xf32>
    %swap3A_58 = arith.constant 0 : index
    %swap3A_59 = arith.constant 32 : index
    %swap3A_60 = vector.load %arg10[%swap3A_58, %swap3A_59] : memref<2560x128xf32, #tpu.memory_space<vmem>>, vector<2560x96xf32>
    tpu.vector_store %arg10[%swap3A_58, %swap3A_59], %broadcast_in_dim3A_57 {strides = array<i32>} : memref<2560x128xf32, #tpu.memory_space<vmem>>, vector<2560x96xf32>,
    %reduce_sum3A = arith.constant dense<0.000000e+00> : vector<32xf32>
    %reduce_sum3A_61 = vector.multi_reduction <add>, %add3A_53, %reduce_sum3A [0] : vector<2560x32xf32> to vector<32xf32>
    %mul3A_62 = arith.mulf %add3A_53, %add3A_53 : vector<2560x32xf32>
    %reduce_sum3A_63 = arith.constant dense<0.000000e+00> : vector<32xf32>
    %reduce_sum3A_64 = vector.multi_reduction <add>, %mul3A_62, %reduce_sum3A_63 [0] : vector<2560x32xf32> to vector<32xf32>
    %broadcast_in_dim3A_65 = arith.constant 0.000000e+00 : f32
    %broadcast_in_dim3A_66 = vector.broadcast %broadcast_in_dim3A_65 : f32 to vector<8xf32>
    %concatenate3A = tpu.concatenate %reduce_sum3A_61, %reduce_sum3A_64, %broadcast_in_dim3A_66 in 0 : vector<32xf32>, vector<32xf32>, vector<8xf32> -> vector<72xf32>
    %swap3A_67 = arith.constant 0 : index
    %swap3A_68 = arith.constant 0 : index
    %swap3A_69 = arith.constant 0 : index
    %swap3A_70 = vector.load %arg11[%swap3A_67, %swap3A_68, %swap3A_69] : memref<1x1x72xf32, #tpu.memory_space<vmem>>, vector<1x1x72xf32>
    %swap3A_71 = vector.shape_cast %swap3A_70 : vector<1x1x72xf32> to vector<72xf32>
    %swap3A_72 = vector.shape_cast %concatenate3A : vector<72xf32> to vector<1x1x72xf32>
    tpu.vector_store %arg11[%swap3A_67, %swap3A_68, %swap3A_69], %swap3A_72 {strides = array<i32>} : memref<1x1x72xf32, #tpu.memory_space<vmem>>, vector<1x1x72xf32>,
    return
  }
  func.func @transform_0(%arg0: i32) -> (i32, i32) {
    %c0_i32 = arith.constant 0 : i32
    %c0_i32_0 = arith.constant 0 : i32
    return %arg0, %c0_i32 : i32, i32
  }
  func.func @transform_1(%arg0: i32) -> (i32, i32) {
    %c0_i32 = arith.constant 0 : i32
    %c0_i32_0 = arith.constant 0 : i32
    return %arg0, %c0_i32 : i32, i32
  }
  func.func @transform_2(%arg0: i32) -> (i32, i32) {
    %c0_i32 = arith.constant 0 : i32
    %c0_i32_0 = arith.constant 0 : i32
    %c0_i32_1 = arith.constant 0 : i32
    return %c0_i32, %c0_i32_0 : i32, i32
  }
  func.func @transform_3(%arg0: i32) -> (i32, i32) {
    %c0_i32 = arith.constant 0 : i32
    %c0_i32_0 = arith.constant 0 : i32
    %c0_i32_1 = arith.constant 0 : i32
    return %c0_i32, %c0_i32_0 : i32, i32
  }
  func.func @transform_4(%arg0: i32) -> (i32, i32) {
    %c0_i32 = arith.constant 0 : i32
    %c0_i32_0 = arith.constant 0 : i32
    %c0_i32_1 = arith.constant 0 : i32
    return %c0_i32, %c0_i32_0 : i32, i32
  }
  func.func @transform_5(%arg0: i32) -> (i32, i32) {
    %c0_i32 = arith.constant 0 : i32
    %c0_i32_0 = arith.constant 0 : i32
    %c0_i32_1 = arith.constant 0 : i32
    return %c0_i32, %c0_i32_0 : i32, i32
  }
  func.func @transform_6(%arg0: i32) -> (i32, i32) {
    %c0_i32 = arith.constant 0 : i32
    %c0_i32_0 = arith.constant 0 : i32
    %c0_i32_1 = arith.constant 0 : i32
    return %c0_i32, %c0_i32_0 : i32, i32
  }
  func.func @transform_7(%arg0: i32) -> (i32, i32) {
    %c0_i32 = arith.constant 0 : i32
    %c0_i32_0 = arith.constant 0 : i32
    %c0_i32_1 = arith.constant 0 : i32
    return %c0_i32, %c0_i32_0 : i32, i32
  }
  func.func @transform_8(%arg0: i32) -> (i32, i32) {
    %c0_i32 = arith.constant 0 : i32
    %c0_i32_0 = arith.constant 0 : i32
    %c0_i32_1 = arith.constant 0 : i32
    return %c0_i32, %c0_i32_0 : i32, i32
  }
  func.func @transform_9(%arg0: i32) -> (i32, i32) {
    %c0_i32 = arith.constant 0 : i32
    %c0_i32_0 = arith.constant 0 : i32
    return %arg0, %c0_i32 : i32, i32
  }
  func.func @transform_10(%arg0: i32) -> (i32, i32, i32) {
    %c0_i32 = arith.constant 0 : i32
    %c0_i32_0 = arith.constant 0 : i32
    %c0_i32_1 = arith.constant 0 : i32
    return %arg0, %c0_i32, %c0_i32_0 : i32, i32, i32
  }
  func.func @transform_11(%arg0: i32) -> (i32, i32) {
    %c0_i32 = arith.constant 0 : i32
    %c0_i32_0 = arith.constant 0 : i32
    return %arg0, %c0_i32 : i32, i32
  }
}

module attributes {stable_mosaic.version = 14 : i64} {
  func.func @_node_body(%arg0: memref<10000x32xf32, #tpu.memory_space<vmem>>, %arg1: memref<2x10000x128xf32, #tpu.memory_space<vmem>>, %arg2: memref<1x96xf32, #tpu.memory_space<vmem>>, %arg3: memref<1x96xf32, #tpu.memory_space<vmem>>, %arg4: memref<96x64xf32, #tpu.memory_space<vmem>>, %arg5: memref<1x64xf32, #tpu.memory_space<vmem>>, %arg6: memref<64x32xf32, #tpu.memory_space<vmem>>, %arg7: memref<1x32xf32, #tpu.memory_space<vmem>>, %arg8: memref<32x1xf32, #tpu.memory_space<vmem>>, %arg9: memref<1x1xf32, #tpu.memory_space<vmem>>, %arg10: memref<10000x32xf32, #tpu.memory_space<vmem>>) attributes {dimension_semantics = [], scalar_prefetch = 0 : i64, scratch_operands = 0 : i64, tpu.core_type = #tpu.core_type<tc>} {
    %get3A = arith.constant 0 : index
    %get3A_0 = arith.constant 0 : index
    %get3A_1 = vector.load %arg0[%get3A, %get3A_0] : memref<10000x32xf32, #tpu.memory_space<vmem>>, vector<10000x32xf32>
    %get3A_2 = arith.constant 0 : index
    %get3A_3 = arith.constant 0 : index
    %get3A_4 = arith.constant 0 : index
    %get3A_5 = vector.load %arg1[%get3A_2, %get3A_3, %get3A_4] : memref<2x10000x128xf32, #tpu.memory_space<vmem>>, vector<1x10000x32xf32>
    %get3A_6 = vector.shape_cast %get3A_5 : vector<1x10000x32xf32> to vector<10000x32xf32>
    %get3A_7 = arith.constant 1 : index
    %get3A_8 = arith.constant 0 : index
    %get3A_9 = arith.constant 0 : index
    %get3A_10 = vector.load %arg1[%get3A_7, %get3A_8, %get3A_9] : memref<2x10000x128xf32, #tpu.memory_space<vmem>>, vector<1x10000x32xf32>
    %get3A_11 = vector.shape_cast %get3A_10 : vector<1x10000x32xf32> to vector<10000x32xf32>
    %add3A = arith.addf %get3A_6, %get3A_11 : vector<10000x32xf32>
    %reduce_sum3A = arith.constant dense<0.000000e+00> : vector<32xf32>
    %reduce_sum3A_12 = vector.multi_reduction <add>, %get3A_1, %reduce_sum3A [0] : vector<10000x32xf32> to vector<32xf32>
    %broadcast_in_dim3A = vector.shape_cast %reduce_sum3A_12 : vector<32xf32> to vector<1x32xf32>
    %div3A = arith.constant 1.000000e+04 : f32
    %div3A_13 = vector.broadcast %div3A : f32 to vector<1x32xf32>
    %div3A_14 = arith.divf %broadcast_in_dim3A, %div3A_13 : vector<1x32xf32>
    %mul3A = arith.mulf %get3A_1, %get3A_1 : vector<10000x32xf32>
    %reduce_sum3A_15 = arith.constant dense<0.000000e+00> : vector<32xf32>
    %reduce_sum3A_16 = vector.multi_reduction <add>, %mul3A, %reduce_sum3A_15 [0] : vector<10000x32xf32> to vector<32xf32>
    %broadcast_in_dim3A_17 = vector.shape_cast %reduce_sum3A_16 : vector<32xf32> to vector<1x32xf32>
    %div3A_18 = arith.constant 1.000000e+04 : f32
    %div3A_19 = vector.broadcast %div3A_18 : f32 to vector<1x32xf32>
    %div3A_20 = arith.divf %broadcast_in_dim3A_17, %div3A_19 : vector<1x32xf32>
    %reduce_sum3A_21 = arith.constant dense<0.000000e+00> : vector<32xf32>
    %reduce_sum3A_22 = vector.multi_reduction <add>, %add3A, %reduce_sum3A_21 [0] : vector<10000x32xf32> to vector<32xf32>
    %broadcast_in_dim3A_23 = vector.shape_cast %reduce_sum3A_22 : vector<32xf32> to vector<1x32xf32>
    %div3A_24 = arith.constant 1.000000e+04 : f32
    %div3A_25 = vector.broadcast %div3A_24 : f32 to vector<1x32xf32>
    %div3A_26 = arith.divf %broadcast_in_dim3A_23, %div3A_25 : vector<1x32xf32>
    %mul3A_27 = arith.mulf %add3A, %add3A : vector<10000x32xf32>
    %reduce_sum3A_28 = arith.constant dense<0.000000e+00> : vector<32xf32>
    %reduce_sum3A_29 = vector.multi_reduction <add>, %mul3A_27, %reduce_sum3A_28 [0] : vector<10000x32xf32> to vector<32xf32>
    %broadcast_in_dim3A_30 = vector.shape_cast %reduce_sum3A_29 : vector<32xf32> to vector<1x32xf32>
    %div3A_31 = arith.constant 1.000000e+04 : f32
    %div3A_32 = vector.broadcast %div3A_31 : f32 to vector<1x32xf32>
    %div3A_33 = arith.divf %broadcast_in_dim3A_30, %div3A_32 : vector<1x32xf32>
    %get3A_34 = arith.constant 0 : index
    %get3A_35 = arith.constant 0 : index
    %get3A_36 = vector.load %arg2[%get3A_34, %get3A_35] : memref<1x96xf32, #tpu.memory_space<vmem>>, vector<1x96xf32>
    %get3A_37 = arith.constant 0 : index
    %get3A_38 = arith.constant 0 : index
    %get3A_39 = vector.load %arg3[%get3A_37, %get3A_38] : memref<1x96xf32, #tpu.memory_space<vmem>>, vector<1x96xf32>
    %get3A_40 = arith.constant 0 : index
    %get3A_41 = arith.constant 0 : index
    %get3A_42 = vector.load %arg4[%get3A_40, %get3A_41] : memref<96x64xf32, #tpu.memory_space<vmem>>, vector<96x64xf32>
    %mul3A_43 = arith.mulf %div3A_14, %div3A_14 : vector<1x32xf32>
    %sub3A = arith.subf %div3A_20, %mul3A_43 : vector<1x32xf32>
    %add3A_44 = arith.constant 9.99999974E-6 : f32
    %add3A_45 = vector.broadcast %add3A_44 : f32 to vector<1x32xf32>
    %add3A_46 = arith.addf %sub3A, %add3A_45 : vector<1x32xf32>
    %sqrt3A = math.sqrt %add3A_46 : vector<1x32xf32>
    %mul3A_47 = arith.mulf %div3A_26, %div3A_26 : vector<1x32xf32>
    %sub3A_48 = arith.subf %div3A_33, %mul3A_47 : vector<1x32xf32>
    %add3A_49 = arith.constant 9.99999974E-6 : f32
    %add3A_50 = vector.broadcast %add3A_49 : f32 to vector<1x32xf32>
    %add3A_51 = arith.addf %sub3A_48, %add3A_50 : vector<1x32xf32>
    %sqrt3A_52 = math.sqrt %add3A_51 : vector<1x32xf32>
    %sub3A_53 = vector.broadcast %div3A_14 : vector<1x32xf32> to vector<10000x32xf32>
    %sub3A_54 = arith.subf %get3A_1, %sub3A_53 : vector<10000x32xf32>
    %div3A_55 = vector.broadcast %sqrt3A : vector<1x32xf32> to vector<10000x32xf32>
    %div3A_56 = arith.divf %sub3A_54, %div3A_55 : vector<10000x32xf32>
    %slice3A = vector.extract_strided_slice %get3A_36 {offsets = [0, 0], sizes = [1, 32], strides = [1, 1]} : vector<1x96xf32> to vector<1x32xf32>
    %mul3A_57 = vector.broadcast %slice3A : vector<1x32xf32> to vector<10000x32xf32>
    %mul3A_58 = arith.mulf %div3A_56, %mul3A_57 : vector<10000x32xf32>
    %slice3A_59 = vector.extract_strided_slice %get3A_39 {offsets = [0, 0], sizes = [1, 32], strides = [1, 1]} : vector<1x96xf32> to vector<1x32xf32>
    %add3A_60 = vector.broadcast %slice3A_59 : vector<1x32xf32> to vector<10000x32xf32>
    %add3A_61 = arith.addf %mul3A_58, %add3A_60 : vector<10000x32xf32>
    %sub3A_62 = vector.broadcast %div3A_26 : vector<1x32xf32> to vector<10000x32xf32>
    %sub3A_63 = arith.subf %add3A, %sub3A_62 : vector<10000x32xf32>
    %div3A_64 = vector.broadcast %sqrt3A_52 : vector<1x32xf32> to vector<10000x32xf32>
    %div3A_65 = arith.divf %sub3A_63, %div3A_64 : vector<10000x32xf32>
    %slice3A_66 = vector.extract_strided_slice %get3A_36 {offsets = [0, 32], sizes = [1, 32], strides = [1, 1]} : vector<1x96xf32> to vector<1x32xf32>
    %mul3A_67 = vector.broadcast %slice3A_66 : vector<1x32xf32> to vector<10000x32xf32>
    %mul3A_68 = arith.mulf %div3A_65, %mul3A_67 : vector<10000x32xf32>
    %slice3A_69 = vector.extract_strided_slice %get3A_39 {offsets = [0, 32], sizes = [1, 32], strides = [1, 1]} : vector<1x96xf32> to vector<1x32xf32>
    %add3A_70 = vector.broadcast %slice3A_69 : vector<1x32xf32> to vector<10000x32xf32>
    %add3A_71 = arith.addf %mul3A_68, %add3A_70 : vector<10000x32xf32>
    %get3A_72 = arith.constant 0 : index
    %get3A_73 = arith.constant 0 : index
    %get3A_74 = vector.load %arg5[%get3A_72, %get3A_73] : memref<1x64xf32, #tpu.memory_space<vmem>>, vector<1x64xf32>
    %slice3A_75 = vector.extract_strided_slice %get3A_39 {offsets = [0, 64], sizes = [1, 32], strides = [1, 1]} : vector<1x96xf32> to vector<1x32xf32>
    %slice3A_76 = vector.extract_strided_slice %get3A_42 {offsets = [64, 0], sizes = [32, 64], strides = [1, 1]} : vector<96x64xf32> to vector<32x64xf32>
    %convert_element_type3A = arith.truncf %slice3A_75 : vector<1x32xf32> to vector<1x32xbf16>
    %convert_element_type3A_77 = arith.truncf %slice3A_76 : vector<32x64xf32> to vector<32x64xbf16>
    %dot_general3A = arith.constant dense<0.000000e+00> : vector<1x64xf32>
    %dot_general3A_78 = tpu.matmul %convert_element_type3A, %convert_element_type3A_77, %dot_general3A {dimension_numbers = #tpu.dot_dimension_numbers<[1], [0], [0], [1], [0, 0, 1, 1], [], []>, transpose_lhs_hint = false} : vector<1x32xbf16>, vector<32x64xbf16>, vector<1x64xf32> -> vector<1x64xf32>
    %add3A_79 = arith.addf %get3A_74, %dot_general3A_78 : vector<1x64xf32>
    %slice3A_80 = vector.extract_strided_slice %get3A_42 {offsets = [0, 0], sizes = [32, 64], strides = [1, 1]} : vector<96x64xf32> to vector<32x64xf32>
    %convert_element_type3A_81 = arith.truncf %add3A_61 : vector<10000x32xf32> to vector<10000x32xbf16>
    %convert_element_type3A_82 = arith.truncf %slice3A_80 : vector<32x64xf32> to vector<32x64xbf16>
    %dot_general3A_83 = arith.constant dense<0.000000e+00> : vector<10000x64xf32>
    %dot_general3A_84 = tpu.matmul %convert_element_type3A_81, %convert_element_type3A_82, %dot_general3A_83 {dimension_numbers = #tpu.dot_dimension_numbers<[1], [0], [0], [1], [0, 0, 1, 1], [], []>, transpose_lhs_hint = false} : vector<10000x32xbf16>, vector<32x64xbf16>, vector<10000x64xf32> -> vector<10000x64xf32>
    %slice3A_85 = vector.extract_strided_slice %get3A_42 {offsets = [32, 0], sizes = [32, 64], strides = [1, 1]} : vector<96x64xf32> to vector<32x64xf32>
    %convert_element_type3A_86 = arith.truncf %add3A_71 : vector<10000x32xf32> to vector<10000x32xbf16>
    %convert_element_type3A_87 = arith.truncf %slice3A_85 : vector<32x64xf32> to vector<32x64xbf16>
    %dot_general3A_88 = arith.constant dense<0.000000e+00> : vector<10000x64xf32>
    %dot_general3A_89 = tpu.matmul %convert_element_type3A_86, %convert_element_type3A_87, %dot_general3A_88 {dimension_numbers = #tpu.dot_dimension_numbers<[1], [0], [0], [1], [0, 0, 1, 1], [], []>, transpose_lhs_hint = false} : vector<10000x32xbf16>, vector<32x64xbf16>, vector<10000x64xf32> -> vector<10000x64xf32>
    %add3A_90 = arith.addf %dot_general3A_84, %dot_general3A_89 : vector<10000x64xf32>
    %add3A_91 = vector.broadcast %add3A_79 : vector<1x64xf32> to vector<10000x64xf32>
    %add3A_92 = arith.addf %add3A_90, %add3A_91 : vector<10000x64xf32>
    %max3A = arith.constant 0.000000e+00 : f32
    %max3A_93 = vector.broadcast %max3A : f32 to vector<10000x64xf32>
    %max3A_94 = arith.maximumf %add3A_92, %max3A_93 : vector<10000x64xf32>
    %get3A_95 = arith.constant 0 : index
    %get3A_96 = arith.constant 0 : index
    %get3A_97 = vector.load %arg6[%get3A_95, %get3A_96] : memref<64x32xf32, #tpu.memory_space<vmem>>, vector<64x32xf32>
    %convert_element_type3A_98 = arith.truncf %max3A_94 : vector<10000x64xf32> to vector<10000x64xbf16>
    %convert_element_type3A_99 = arith.truncf %get3A_97 : vector<64x32xf32> to vector<64x32xbf16>
    %dot_general3A_100 = arith.constant dense<0.000000e+00> : vector<10000x32xf32>
    %dot_general3A_101 = tpu.matmul %convert_element_type3A_98, %convert_element_type3A_99, %dot_general3A_100 {dimension_numbers = #tpu.dot_dimension_numbers<[1], [0], [0], [1], [0, 0, 1, 1], [], []>, transpose_lhs_hint = false} : vector<10000x64xbf16>, vector<64x32xbf16>, vector<10000x32xf32> -> vector<10000x32xf32>
    %get3A_102 = arith.constant 0 : index
    %get3A_103 = arith.constant 0 : index
    %get3A_104 = vector.load %arg7[%get3A_102, %get3A_103] : memref<1x32xf32, #tpu.memory_space<vmem>>, vector<1x32xf32>
    %add3A_105 = vector.broadcast %get3A_104 : vector<1x32xf32> to vector<10000x32xf32>
    %add3A_106 = arith.addf %dot_general3A_101, %add3A_105 : vector<10000x32xf32>
    %add3A_107 = arith.addf %add3A_106, %get3A_1 : vector<10000x32xf32>
    %swap3A = arith.constant 0 : index
    %swap3A_108 = arith.constant 0 : index
    %swap3A_109 = vector.load %arg10[%swap3A, %swap3A_108] : memref<10000x32xf32, #tpu.memory_space<vmem>>, vector<10000x32xf32>
    tpu.vector_store %arg10[%swap3A, %swap3A_108], %add3A_107 {strides = array<i32>} : memref<10000x32xf32, #tpu.memory_space<vmem>>, vector<10000x32xf32>,
    return
  }
}

module attributes {stable_mosaic.version = 14 : i64} {
  func.func @_edge_body(%arg0: i32, %arg1: memref<2560x128xf32, #tpu.memory_space<vmem>>, %arg2: memref<2560x128xf32, #tpu.memory_space<vmem>>, %arg3: memref<32x64xf32, #tpu.memory_space<vmem>>, %arg4: memref<1x64xf32, #tpu.memory_space<vmem>>, %arg5: memref<1x64xf32, #tpu.memory_space<vmem>>, %arg6: memref<1x64xf32, #tpu.memory_space<vmem>>, %arg7: memref<64x32xf32, #tpu.memory_space<vmem>>, %arg8: memref<1x32xf32, #tpu.memory_space<vmem>>, %arg9: memref<32x1xf32, #tpu.memory_space<vmem>>, %arg10: memref<2560x128xf32, #tpu.memory_space<vmem>>, %arg11: memref<1x1x72xf32, #tpu.memory_space<vmem>>, %arg12: memref<2560x1xf32, #tpu.memory_space<vmem>>) attributes {dimension_semantics = [#tpu.dimension_semantics<arbitrary>], iteration_bounds = array<i64: 125>, scalar_prefetch = 0 : i64, scratch_operands = 0 : i64, tpu.core_type = #tpu.core_type<tc>, window_params = [{transform_indices = @transform_0, window_bounds = array<i64: 2560, 128>}, {transform_indices = @transform_1, window_bounds = array<i64: 2560, 128>}, {pipeline_mode = #tpu.pipeline_mode<synchronous>, transform_indices = @transform_2, window_bounds = array<i64: 32, 64>}, {pipeline_mode = #tpu.pipeline_mode<synchronous>, transform_indices = @transform_3, window_bounds = array<i64: 1, 64>}, {pipeline_mode = #tpu.pipeline_mode<synchronous>, transform_indices = @transform_4, window_bounds = array<i64: 1, 64>}, {pipeline_mode = #tpu.pipeline_mode<synchronous>, transform_indices = @transform_5, window_bounds = array<i64: 1, 64>}, {pipeline_mode = #tpu.pipeline_mode<synchronous>, transform_indices = @transform_6, window_bounds = array<i64: 64, 32>}, {pipeline_mode = #tpu.pipeline_mode<synchronous>, transform_indices = @transform_7, window_bounds = array<i64: 1, 32>}, {pipeline_mode = #tpu.pipeline_mode<synchronous>, transform_indices = @transform_8, window_bounds = array<i64: 32, 1>}, {transform_indices = @transform_9, window_bounds = array<i64: 2560, 128>}, {transform_indices = @transform_10, window_bounds = array<i64: 1, 1, 72>}, {transform_indices = @transform_11, window_bounds = array<i64: 2560, 1>}]} {
    %get3A = arith.constant 0 : index
    %get3A_0 = arith.constant 0 : index
    %get3A_1 = vector.load %arg1[%get3A, %get3A_0] : memref<2560x128xf32, #tpu.memory_space<vmem>>, vector<2560x64xf32>
    %get3A_2 = arith.constant 0 : index
    %get3A_3 = arith.constant 0 : index
    %get3A_4 = vector.load %arg2[%get3A_2, %get3A_3] : memref<2560x128xf32, #tpu.memory_space<vmem>>, vector<2560x32xf32>
    %get3A_5 = arith.constant 0 : index
    %get3A_6 = arith.constant 0 : index
    %get3A_7 = vector.load %arg5[%get3A_5, %get3A_6] : memref<1x64xf32, #tpu.memory_space<vmem>>, vector<1x32xf32>
    %get3A_8 = vector.shape_cast %get3A_7 : vector<1x32xf32> to vector<32xf32>
    %broadcast_in_dim3A = vector.shape_cast %get3A_8 : vector<32xf32> to vector<1x32xf32>
    %get3A_9 = arith.constant 0 : index
    %get3A_10 = arith.constant 32 : index
    %get3A_11 = vector.load %arg5[%get3A_9, %get3A_10] : memref<1x64xf32, #tpu.memory_space<vmem>>, vector<1x32xf32>
    %get3A_12 = vector.shape_cast %get3A_11 : vector<1x32xf32> to vector<32xf32>
    %broadcast_in_dim3A_13 = vector.shape_cast %get3A_12 : vector<32xf32> to vector<1x32xf32>
    %get3A_14 = arith.constant 0 : index
    %get3A_15 = arith.constant 0 : index
    %get3A_16 = vector.load %arg4[%get3A_14, %get3A_15] : memref<1x64xf32, #tpu.memory_space<vmem>>, vector<1x32xf32>
    %get3A_17 = vector.shape_cast %get3A_16 : vector<1x32xf32> to vector<32xf32>
    %broadcast_in_dim3A_18 = vector.shape_cast %get3A_17 : vector<32xf32> to vector<1x32xf32>
    %get3A_19 = arith.constant 0 : index
    %get3A_20 = arith.constant 32 : index
    %get3A_21 = vector.load %arg4[%get3A_19, %get3A_20] : memref<1x64xf32, #tpu.memory_space<vmem>>, vector<1x32xf32>
    %get3A_22 = vector.shape_cast %get3A_21 : vector<1x32xf32> to vector<32xf32>
    %broadcast_in_dim3A_23 = vector.shape_cast %get3A_22 : vector<32xf32> to vector<1x32xf32>
    %sub3A = vector.broadcast %broadcast_in_dim3A : vector<1x32xf32> to vector<2560x32xf32>
    %sub3A_24 = arith.subf %get3A_4, %sub3A : vector<2560x32xf32>
    %div3A = vector.broadcast %broadcast_in_dim3A_13 : vector<1x32xf32> to vector<2560x32xf32>
    %div3A_25 = arith.divf %sub3A_24, %div3A : vector<2560x32xf32>
    %mul3A = vector.broadcast %broadcast_in_dim3A_18 : vector<1x32xf32> to vector<2560x32xf32>
    %mul3A_26 = arith.mulf %div3A_25, %mul3A : vector<2560x32xf32>
    %add3A = vector.broadcast %broadcast_in_dim3A_23 : vector<1x32xf32> to vector<2560x32xf32>
    %add3A_27 = arith.addf %mul3A_26, %add3A : vector<2560x32xf32>
    %get3A_28 = arith.constant 0 : index
    %get3A_29 = arith.constant 0 : index
    %get3A_30 = vector.load %arg3[%get3A_28, %get3A_29] : memref<32x64xf32, #tpu.memory_space<vmem>>, vector<32x64xf32>
    %convert_element_type3A = arith.truncf %add3A_27 : vector<2560x32xf32> to vector<2560x32xbf16>
    %convert_element_type3A_31 = arith.truncf %get3A_30 : vector<32x64xf32> to vector<32x64xbf16>
    %dot_general3A = arith.constant dense<0.000000e+00> : vector<2560x64xf32>
    %dot_general3A_32 = tpu.matmul %convert_element_type3A, %convert_element_type3A_31, %dot_general3A {dimension_numbers = #tpu.dot_dimension_numbers<[1], [0], [0], [1], [0, 0, 1, 1], [], []>, transpose_lhs_hint = false} : vector<2560x32xbf16>, vector<32x64xbf16>, vector<2560x64xf32> -> vector<2560x64xf32>
    %add3A_33 = arith.addf %get3A_1, %dot_general3A_32 : vector<2560x64xf32>
    %get3A_34 = arith.constant 0 : index
    %get3A_35 = arith.constant 0 : index
    %get3A_36 = vector.load %arg6[%get3A_34, %get3A_35] : memref<1x64xf32, #tpu.memory_space<vmem>>, vector<1x64xf32>
    %add3A_37 = vector.broadcast %get3A_36 : vector<1x64xf32> to vector<2560x64xf32>
    %add3A_38 = arith.addf %add3A_33, %add3A_37 : vector<2560x64xf32>
    %max3A = arith.constant 0.000000e+00 : f32
    %max3A_39 = vector.broadcast %max3A : f32 to vector<2560x64xf32>
    %max3A_40 = arith.maximumf %add3A_38, %max3A_39 : vector<2560x64xf32>
    %get3A_41 = arith.constant 0 : index
    %get3A_42 = arith.constant 0 : index
    %get3A_43 = vector.load %arg7[%get3A_41, %get3A_42] : memref<64x32xf32, #tpu.memory_space<vmem>>, vector<64x32xf32>
    %convert_element_type3A_44 = arith.truncf %max3A_40 : vector<2560x64xf32> to vector<2560x64xbf16>
    %convert_element_type3A_45 = arith.truncf %get3A_43 : vector<64x32xf32> to vector<64x32xbf16>
    %dot_general3A_46 = arith.constant dense<0.000000e+00> : vector<2560x32xf32>
    %dot_general3A_47 = tpu.matmul %convert_element_type3A_44, %convert_element_type3A_45, %dot_general3A_46 {dimension_numbers = #tpu.dot_dimension_numbers<[1], [0], [0], [1], [0, 0, 1, 1], [], []>, transpose_lhs_hint = false} : vector<2560x64xbf16>, vector<64x32xbf16>, vector<2560x32xf32> -> vector<2560x32xf32>
    %get3A_48 = arith.constant 0 : index
    %get3A_49 = arith.constant 0 : index
    %get3A_50 = vector.load %arg8[%get3A_48, %get3A_49] : memref<1x32xf32, #tpu.memory_space<vmem>>, vector<1x32xf32>
    %add3A_51 = vector.broadcast %get3A_50 : vector<1x32xf32> to vector<2560x32xf32>
    %add3A_52 = arith.addf %dot_general3A_47, %add3A_51 : vector<2560x32xf32>
    %add3A_53 = arith.addf %add3A_52, %get3A_4 : vector<2560x32xf32>
    %swap3A = arith.constant 0 : index
    %swap3A_54 = arith.constant 0 : index
    %swap3A_55 = vector.load %arg10[%swap3A, %swap3A_54] : memref<2560x128xf32, #tpu.memory_space<vmem>>, vector<2560x32xf32>
    tpu.vector_store %arg10[%swap3A, %swap3A_54], %add3A_53 {strides = array<i32>} : memref<2560x128xf32, #tpu.memory_space<vmem>>, vector<2560x32xf32>,
    %broadcast_in_dim3A_56 = arith.constant 0.000000e+00 : f32
    %broadcast_in_dim3A_57 = vector.broadcast %broadcast_in_dim3A_56 : f32 to vector<2560x96xf32>
    %swap3A_58 = arith.constant 0 : index
    %swap3A_59 = arith.constant 32 : index
    %swap3A_60 = vector.load %arg10[%swap3A_58, %swap3A_59] : memref<2560x128xf32, #tpu.memory_space<vmem>>, vector<2560x96xf32>
    tpu.vector_store %arg10[%swap3A_58, %swap3A_59], %broadcast_in_dim3A_57 {strides = array<i32>} : memref<2560x128xf32, #tpu.memory_space<vmem>>, vector<2560x96xf32>,
    %reduce_sum3A = arith.constant dense<0.000000e+00> : vector<32xf32>
    %reduce_sum3A_61 = vector.multi_reduction <add>, %add3A_53, %reduce_sum3A [0] : vector<2560x32xf32> to vector<32xf32>
    %mul3A_62 = arith.mulf %add3A_53, %add3A_53 : vector<2560x32xf32>
    %reduce_sum3A_63 = arith.constant dense<0.000000e+00> : vector<32xf32>
    %reduce_sum3A_64 = vector.multi_reduction <add>, %mul3A_62, %reduce_sum3A_63 [0] : vector<2560x32xf32> to vector<32xf32>
    %get3A_65 = arith.constant 0 : index
    %get3A_66 = arith.constant 0 : index
    %get3A_67 = vector.load %arg9[%get3A_65, %get3A_66] : memref<32x1xf32, #tpu.memory_space<vmem>>, vector<32x1xf32>
    %convert_element_type3A_68 = arith.truncf %add3A_53 : vector<2560x32xf32> to vector<2560x32xbf16>
    %convert_element_type3A_69 = arith.truncf %get3A_67 : vector<32x1xf32> to vector<32x1xbf16>
    %dot_general3A_70 = arith.constant dense<0.000000e+00> : vector<2560x1xf32>
    %dot_general3A_71 = tpu.matmul %convert_element_type3A_68, %convert_element_type3A_69, %dot_general3A_70 {dimension_numbers = #tpu.dot_dimension_numbers<[1], [0], [0], [1], [0, 0, 1, 1], [], []>, transpose_lhs_hint = false} : vector<2560x32xbf16>, vector<32x1xbf16>, vector<2560x1xf32> -> vector<2560x1xf32>
    %swap3A_72 = arith.constant 0 : index
    %swap3A_73 = arith.constant 0 : index
    %swap3A_74 = vector.load %arg12[%swap3A_72, %swap3A_73] : memref<2560x1xf32, #tpu.memory_space<vmem>>, vector<2560x1xf32>
    tpu.vector_store %arg12[%swap3A_72, %swap3A_73], %dot_general3A_71 {strides = array<i32>} : memref<2560x1xf32, #tpu.memory_space<vmem>>, vector<2560x1xf32>,
    %reduce_max3A = vector.shape_cast %dot_general3A_71 : vector<2560x1xf32> to vector<1x2560x1xf32>
    %reduce_max3A_75 = arith.constant dense<0xFF800000> : vector<1xf32>
    %reduce_max3A_76 = vector.multi_reduction <maximumf>, %reduce_max3A, %reduce_max3A_75 [1, 2] : vector<1x2560x1xf32> to vector<1xf32>
    %reduce_max3A_77 = vector.shape_cast %reduce_max3A_76 : vector<1xf32> to vector<1x1x1xf32>
    %reduce_max3A_78 = vector.extract %reduce_max3A_77[0, 0, 0] : f32 from vector<1x1x1xf32>
    %broadcast_in_dim3A_79 = vector.broadcast %reduce_max3A_78 : f32 to vector<8xf32>
    %concatenate3A = tpu.concatenate %reduce_sum3A_61, %reduce_sum3A_64, %broadcast_in_dim3A_79 in 0 : vector<32xf32>, vector<32xf32>, vector<8xf32> -> vector<72xf32>
    %swap3A_80 = arith.constant 0 : index
    %swap3A_81 = arith.constant 0 : index
    %swap3A_82 = arith.constant 0 : index
    %swap3A_83 = vector.load %arg11[%swap3A_80, %swap3A_81, %swap3A_82] : memref<1x1x72xf32, #tpu.memory_space<vmem>>, vector<1x1x72xf32>
    %swap3A_84 = vector.shape_cast %swap3A_83 : vector<1x1x72xf32> to vector<72xf32>
    %swap3A_85 = vector.shape_cast %concatenate3A : vector<72xf32> to vector<1x1x72xf32>
    tpu.vector_store %arg11[%swap3A_80, %swap3A_81, %swap3A_82], %swap3A_85 {strides = array<i32>} : memref<1x1x72xf32, #tpu.memory_space<vmem>>, vector<1x1x72xf32>,
    return
  }
  func.func @transform_0(%arg0: i32) -> (i32, i32) {
    %c0_i32 = arith.constant 0 : i32
    %c0_i32_0 = arith.constant 0 : i32
    return %arg0, %c0_i32 : i32, i32
  }
  func.func @transform_1(%arg0: i32) -> (i32, i32) {
    %c0_i32 = arith.constant 0 : i32
    %c0_i32_0 = arith.constant 0 : i32
    return %arg0, %c0_i32 : i32, i32
  }
  func.func @transform_2(%arg0: i32) -> (i32, i32) {
    %c0_i32 = arith.constant 0 : i32
    %c0_i32_0 = arith.constant 0 : i32
    %c0_i32_1 = arith.constant 0 : i32
    return %c0_i32, %c0_i32_0 : i32, i32
  }
  func.func @transform_3(%arg0: i32) -> (i32, i32) {
    %c0_i32 = arith.constant 0 : i32
    %c0_i32_0 = arith.constant 0 : i32
    %c0_i32_1 = arith.constant 0 : i32
    return %c0_i32, %c0_i32_0 : i32, i32
  }
  func.func @transform_4(%arg0: i32) -> (i32, i32) {
    %c0_i32 = arith.constant 0 : i32
    %c0_i32_0 = arith.constant 0 : i32
    %c0_i32_1 = arith.constant 0 : i32
    return %c0_i32, %c0_i32_0 : i32, i32
  }
  func.func @transform_5(%arg0: i32) -> (i32, i32) {
    %c0_i32 = arith.constant 0 : i32
    %c0_i32_0 = arith.constant 0 : i32
    %c0_i32_1 = arith.constant 0 : i32
    return %c0_i32, %c0_i32_0 : i32, i32
  }
  func.func @transform_6(%arg0: i32) -> (i32, i32) {
    %c0_i32 = arith.constant 0 : i32
    %c0_i32_0 = arith.constant 0 : i32
    %c0_i32_1 = arith.constant 0 : i32
    return %c0_i32, %c0_i32_0 : i32, i32
  }
  func.func @transform_7(%arg0: i32) -> (i32, i32) {
    %c0_i32 = arith.constant 0 : i32
    %c0_i32_0 = arith.constant 0 : i32
    %c0_i32_1 = arith.constant 0 : i32
    return %c0_i32, %c0_i32_0 : i32, i32
  }
  func.func @transform_8(%arg0: i32) -> (i32, i32) {
    %c0_i32 = arith.constant 0 : i32
    %c0_i32_0 = arith.constant 0 : i32
    %c0_i32_1 = arith.constant 0 : i32
    return %c0_i32, %c0_i32_0 : i32, i32
  }
  func.func @transform_9(%arg0: i32) -> (i32, i32) {
    %c0_i32 = arith.constant 0 : i32
    %c0_i32_0 = arith.constant 0 : i32
    return %arg0, %c0_i32 : i32, i32
  }
  func.func @transform_10(%arg0: i32) -> (i32, i32, i32) {
    %c0_i32 = arith.constant 0 : i32
    %c0_i32_0 = arith.constant 0 : i32
    %c0_i32_1 = arith.constant 0 : i32
    return %arg0, %c0_i32, %c0_i32_0 : i32, i32, i32
  }
  func.func @transform_11(%arg0: i32) -> (i32, i32) {
    %c0_i32 = arith.constant 0 : i32
    %c0_i32_0 = arith.constant 0 : i32
    return %arg0, %c0_i32 : i32, i32
  }
}

module attributes {stable_mosaic.version = 14 : i64} {
  func.func @_att_exp_body(%arg0: i32, %arg1: memref<2560x128xf32, #tpu.memory_space<vmem>>, %arg2: memref<2560x1xf32, #tpu.memory_space<vmem>>, %arg3: memref<125x1x72xf32, #tpu.memory_space<vmem>>, %arg4: memref<2560x128xf32, #tpu.memory_space<vmem>>) attributes {dimension_semantics = [#tpu.dimension_semantics<arbitrary>], iteration_bounds = array<i64: 125>, scalar_prefetch = 0 : i64, scratch_operands = 0 : i64, tpu.core_type = #tpu.core_type<tc>, window_params = [{transform_indices = @transform_0, window_bounds = array<i64: 2560, 128>}, {transform_indices = @transform_1, window_bounds = array<i64: 2560, 1>}, {pipeline_mode = #tpu.pipeline_mode<synchronous>, transform_indices = @transform_2, window_bounds = array<i64: 125, 1, 72>}, {transform_indices = @transform_3, window_bounds = array<i64: 2560, 128>}]} {
    %get3A = arith.constant 0 : index
    %get3A_0 = arith.constant 0 : index
    %get3A_1 = arith.constant 64 : index
    %get3A_2 = vector.load %arg3[%get3A, %get3A_0, %get3A_1] : memref<125x1x72xf32, #tpu.memory_space<vmem>>, vector<125x1x8xf32>
    %get3A_3 = vector.shape_cast %get3A_2 : vector<125x1x8xf32> to vector<125x8xf32>
    %reduce_max3A = vector.shape_cast %get3A_3 : vector<125x8xf32> to vector<1x125x8xf32>
    %reduce_max3A_4 = arith.constant dense<0xFF800000> : vector<1xf32>
    %reduce_max3A_5 = vector.multi_reduction <maximumf>, %reduce_max3A, %reduce_max3A_4 [1, 2] : vector<1x125x8xf32> to vector<1xf32>
    %reduce_max3A_6 = vector.shape_cast %reduce_max3A_5 : vector<1xf32> to vector<1x1x1xf32>
    %reduce_max3A_7 = vector.extract %reduce_max3A_6[0, 0, 0] : f32 from vector<1x1x1xf32>
    %get3A_8 = arith.constant 0 : index
    %get3A_9 = arith.constant 0 : index
    %get3A_10 = vector.load %arg2[%get3A_8, %get3A_9] : memref<2560x1xf32, #tpu.memory_space<vmem>>, vector<2560x1xf32>
    %sub3A = vector.broadcast %reduce_max3A_7 : f32 to vector<2560x1xf32>
    %sub3A_11 = arith.subf %get3A_10, %sub3A : vector<2560x1xf32>
    %exp3A = math.exp %sub3A_11 : vector<2560x1xf32>
    %get3A_12 = arith.constant 0 : index
    %get3A_13 = arith.constant 0 : index
    %get3A_14 = vector.load %arg1[%get3A_12, %get3A_13] : memref<2560x128xf32, #tpu.memory_space<vmem>>, vector<2560x32xf32>
    %mul3A = vector.broadcast %exp3A : vector<2560x1xf32> to vector<2560x32xf32>
    %mul3A_15 = arith.mulf %get3A_14, %mul3A : vector<2560x32xf32>
    %swap3A = arith.constant 0 : index
    %swap3A_16 = arith.constant 0 : index
    %swap3A_17 = vector.load %arg4[%swap3A, %swap3A_16] : memref<2560x128xf32, #tpu.memory_space<vmem>>, vector<2560x32xf32>
    tpu.vector_store %arg4[%swap3A, %swap3A_16], %mul3A_15 {strides = array<i32>} : memref<2560x128xf32, #tpu.memory_space<vmem>>, vector<2560x32xf32>,
    %broadcast_in_dim3A = arith.constant 0.000000e+00 : f32
    %broadcast_in_dim3A_18 = vector.broadcast %broadcast_in_dim3A : f32 to vector<2560x95xf32>
    %concatenate3A = tpu.concatenate %exp3A, %broadcast_in_dim3A_18 in 1 : vector<2560x1xf32>, vector<2560x95xf32> -> vector<2560x96xf32>
    %swap3A_19 = arith.constant 0 : index
    %swap3A_20 = arith.constant 32 : index
    %swap3A_21 = vector.load %arg4[%swap3A_19, %swap3A_20] : memref<2560x128xf32, #tpu.memory_space<vmem>>, vector<2560x96xf32>
    tpu.vector_store %arg4[%swap3A_19, %swap3A_20], %concatenate3A {strides = array<i32>} : memref<2560x128xf32, #tpu.memory_space<vmem>>, vector<2560x96xf32>,
    return
  }
  func.func @transform_0(%arg0: i32) -> (i32, i32) {
    %c0_i32 = arith.constant 0 : i32
    %c0_i32_0 = arith.constant 0 : i32
    return %arg0, %c0_i32 : i32, i32
  }
  func.func @transform_1(%arg0: i32) -> (i32, i32) {
    %c0_i32 = arith.constant 0 : i32
    %c0_i32_0 = arith.constant 0 : i32
    return %arg0, %c0_i32 : i32, i32
  }
  func.func @transform_2(%arg0: i32) -> (i32, i32, i32) {
    %c0_i32 = arith.constant 0 : i32
    %c0_i32_0 = arith.constant 0 : i32
    %c0_i32_1 = arith.constant 0 : i32
    %c0_i32_2 = arith.constant 0 : i32
    return %c0_i32, %c0_i32_0, %c0_i32_1 : i32, i32, i32
  }
  func.func @transform_3(%arg0: i32) -> (i32, i32) {
    %c0_i32 = arith.constant 0 : i32
    %c0_i32_0 = arith.constant 0 : i32
    return %arg0, %c0_i32 : i32, i32
  }
}

module attributes {stable_mosaic.version = 14 : i64} {
  func.func @_node_body(%arg0: memref<10000x32xf32, #tpu.memory_space<vmem>>, %arg1: memref<2x10000x128xf32, #tpu.memory_space<vmem>>, %arg2: memref<1x96xf32, #tpu.memory_space<vmem>>, %arg3: memref<1x96xf32, #tpu.memory_space<vmem>>, %arg4: memref<96x64xf32, #tpu.memory_space<vmem>>, %arg5: memref<1x64xf32, #tpu.memory_space<vmem>>, %arg6: memref<64x32xf32, #tpu.memory_space<vmem>>, %arg7: memref<1x32xf32, #tpu.memory_space<vmem>>, %arg8: memref<32x1xf32, #tpu.memory_space<vmem>>, %arg9: memref<1x1xf32, #tpu.memory_space<vmem>>, %arg10: memref<10000x1xf32, #tpu.memory_space<vmem>>) attributes {dimension_semantics = [], scalar_prefetch = 0 : i64, scratch_operands = 0 : i64, tpu.core_type = #tpu.core_type<tc>} {
    %get3A = arith.constant 0 : index
    %get3A_0 = arith.constant 0 : index
    %get3A_1 = vector.load %arg0[%get3A, %get3A_0] : memref<10000x32xf32, #tpu.memory_space<vmem>>, vector<10000x32xf32>
    %get3A_2 = arith.constant 0 : index
    %get3A_3 = arith.constant 0 : index
    %get3A_4 = arith.constant 0 : index
    %get3A_5 = vector.load %arg1[%get3A_2, %get3A_3, %get3A_4] : memref<2x10000x128xf32, #tpu.memory_space<vmem>>, vector<1x10000x32xf32>
    %get3A_6 = vector.shape_cast %get3A_5 : vector<1x10000x32xf32> to vector<10000x32xf32>
    %get3A_7 = arith.constant 1 : index
    %get3A_8 = arith.constant 0 : index
    %get3A_9 = arith.constant 0 : index
    %get3A_10 = vector.load %arg1[%get3A_7, %get3A_8, %get3A_9] : memref<2x10000x128xf32, #tpu.memory_space<vmem>>, vector<1x10000x32xf32>
    %get3A_11 = vector.shape_cast %get3A_10 : vector<1x10000x32xf32> to vector<10000x32xf32>
    %add3A = arith.addf %get3A_6, %get3A_11 : vector<10000x32xf32>
    %get3A_12 = arith.constant 0 : index
    %get3A_13 = arith.constant 0 : index
    %get3A_14 = arith.constant 32 : index
    %get3A_15 = vector.load %arg1[%get3A_12, %get3A_13, %get3A_14] : memref<2x10000x128xf32, #tpu.memory_space<vmem>>, vector<1x10000x1xf32>
    %get3A_16 = vector.shape_cast %get3A_15 : vector<1x10000x1xf32> to vector<10000x1xf32>
    %get3A_17 = arith.constant 1 : index
    %get3A_18 = arith.constant 0 : index
    %get3A_19 = arith.constant 32 : index
    %get3A_20 = vector.load %arg1[%get3A_17, %get3A_18, %get3A_19] : memref<2x10000x128xf32, #tpu.memory_space<vmem>>, vector<1x10000x1xf32>
    %get3A_21 = vector.shape_cast %get3A_20 : vector<1x10000x1xf32> to vector<10000x1xf32>
    %add3A_22 = arith.addf %get3A_16, %get3A_21 : vector<10000x1xf32>
    %add3A_23 = arith.constant 1.000000e-16 : f32
    %add3A_24 = vector.broadcast %add3A_23 : f32 to vector<10000x1xf32>
    %add3A_25 = arith.addf %add3A_22, %add3A_24 : vector<10000x1xf32>
    %div3A = vector.broadcast %add3A_25 : vector<10000x1xf32> to vector<10000x32xf32>
    %div3A_26 = arith.divf %add3A, %div3A : vector<10000x32xf32>
    %reduce_sum3A = arith.constant dense<0.000000e+00> : vector<32xf32>
    %reduce_sum3A_27 = vector.multi_reduction <add>, %get3A_1, %reduce_sum3A [0] : vector<10000x32xf32> to vector<32xf32>
    %broadcast_in_dim3A = vector.shape_cast %reduce_sum3A_27 : vector<32xf32> to vector<1x32xf32>
    %div3A_28 = arith.constant 1.000000e+04 : f32
    %div3A_29 = vector.broadcast %div3A_28 : f32 to vector<1x32xf32>
    %div3A_30 = arith.divf %broadcast_in_dim3A, %div3A_29 : vector<1x32xf32>
    %mul3A = arith.mulf %get3A_1, %get3A_1 : vector<10000x32xf32>
    %reduce_sum3A_31 = arith.constant dense<0.000000e+00> : vector<32xf32>
    %reduce_sum3A_32 = vector.multi_reduction <add>, %mul3A, %reduce_sum3A_31 [0] : vector<10000x32xf32> to vector<32xf32>
    %broadcast_in_dim3A_33 = vector.shape_cast %reduce_sum3A_32 : vector<32xf32> to vector<1x32xf32>
    %div3A_34 = arith.constant 1.000000e+04 : f32
    %div3A_35 = vector.broadcast %div3A_34 : f32 to vector<1x32xf32>
    %div3A_36 = arith.divf %broadcast_in_dim3A_33, %div3A_35 : vector<1x32xf32>
    %reduce_sum3A_37 = arith.constant dense<0.000000e+00> : vector<32xf32>
    %reduce_sum3A_38 = vector.multi_reduction <add>, %div3A_26, %reduce_sum3A_37 [0] : vector<10000x32xf32> to vector<32xf32>
    %broadcast_in_dim3A_39 = vector.shape_cast %reduce_sum3A_38 : vector<32xf32> to vector<1x32xf32>
    %div3A_40 = arith.constant 1.000000e+04 : f32
    %div3A_41 = vector.broadcast %div3A_40 : f32 to vector<1x32xf32>
    %div3A_42 = arith.divf %broadcast_in_dim3A_39, %div3A_41 : vector<1x32xf32>
    %mul3A_43 = arith.mulf %div3A_26, %div3A_26 : vector<10000x32xf32>
    %reduce_sum3A_44 = arith.constant dense<0.000000e+00> : vector<32xf32>
    %reduce_sum3A_45 = vector.multi_reduction <add>, %mul3A_43, %reduce_sum3A_44 [0] : vector<10000x32xf32> to vector<32xf32>
    %broadcast_in_dim3A_46 = vector.shape_cast %reduce_sum3A_45 : vector<32xf32> to vector<1x32xf32>
    %div3A_47 = arith.constant 1.000000e+04 : f32
    %div3A_48 = vector.broadcast %div3A_47 : f32 to vector<1x32xf32>
    %div3A_49 = arith.divf %broadcast_in_dim3A_46, %div3A_48 : vector<1x32xf32>
    %get3A_50 = arith.constant 0 : index
    %get3A_51 = arith.constant 0 : index
    %get3A_52 = vector.load %arg2[%get3A_50, %get3A_51] : memref<1x96xf32, #tpu.memory_space<vmem>>, vector<1x96xf32>
    %get3A_53 = arith.constant 0 : index
    %get3A_54 = arith.constant 0 : index
    %get3A_55 = vector.load %arg3[%get3A_53, %get3A_54] : memref<1x96xf32, #tpu.memory_space<vmem>>, vector<1x96xf32>
    %get3A_56 = arith.constant 0 : index
    %get3A_57 = arith.constant 0 : index
    %get3A_58 = vector.load %arg4[%get3A_56, %get3A_57] : memref<96x64xf32, #tpu.memory_space<vmem>>, vector<96x64xf32>
    %mul3A_59 = arith.mulf %div3A_30, %div3A_30 : vector<1x32xf32>
    %sub3A = arith.subf %div3A_36, %mul3A_59 : vector<1x32xf32>
    %add3A_60 = arith.constant 9.99999974E-6 : f32
    %add3A_61 = vector.broadcast %add3A_60 : f32 to vector<1x32xf32>
    %add3A_62 = arith.addf %sub3A, %add3A_61 : vector<1x32xf32>
    %sqrt3A = math.sqrt %add3A_62 : vector<1x32xf32>
    %mul3A_63 = arith.mulf %div3A_42, %div3A_42 : vector<1x32xf32>
    %sub3A_64 = arith.subf %div3A_49, %mul3A_63 : vector<1x32xf32>
    %add3A_65 = arith.constant 9.99999974E-6 : f32
    %add3A_66 = vector.broadcast %add3A_65 : f32 to vector<1x32xf32>
    %add3A_67 = arith.addf %sub3A_64, %add3A_66 : vector<1x32xf32>
    %sqrt3A_68 = math.sqrt %add3A_67 : vector<1x32xf32>
    %sub3A_69 = vector.broadcast %div3A_30 : vector<1x32xf32> to vector<10000x32xf32>
    %sub3A_70 = arith.subf %get3A_1, %sub3A_69 : vector<10000x32xf32>
    %div3A_71 = vector.broadcast %sqrt3A : vector<1x32xf32> to vector<10000x32xf32>
    %div3A_72 = arith.divf %sub3A_70, %div3A_71 : vector<10000x32xf32>
    %slice3A = vector.extract_strided_slice %get3A_52 {offsets = [0, 0], sizes = [1, 32], strides = [1, 1]} : vector<1x96xf32> to vector<1x32xf32>
    %mul3A_73 = vector.broadcast %slice3A : vector<1x32xf32> to vector<10000x32xf32>
    %mul3A_74 = arith.mulf %div3A_72, %mul3A_73 : vector<10000x32xf32>
    %slice3A_75 = vector.extract_strided_slice %get3A_55 {offsets = [0, 0], sizes = [1, 32], strides = [1, 1]} : vector<1x96xf32> to vector<1x32xf32>
    %add3A_76 = vector.broadcast %slice3A_75 : vector<1x32xf32> to vector<10000x32xf32>
    %add3A_77 = arith.addf %mul3A_74, %add3A_76 : vector<10000x32xf32>
    %sub3A_78 = vector.broadcast %div3A_42 : vector<1x32xf32> to vector<10000x32xf32>
    %sub3A_79 = arith.subf %div3A_26, %sub3A_78 : vector<10000x32xf32>
    %div3A_80 = vector.broadcast %sqrt3A_68 : vector<1x32xf32> to vector<10000x32xf32>
    %div3A_81 = arith.divf %sub3A_79, %div3A_80 : vector<10000x32xf32>
    %slice3A_82 = vector.extract_strided_slice %get3A_52 {offsets = [0, 32], sizes = [1, 32], strides = [1, 1]} : vector<1x96xf32> to vector<1x32xf32>
    %mul3A_83 = vector.broadcast %slice3A_82 : vector<1x32xf32> to vector<10000x32xf32>
    %mul3A_84 = arith.mulf %div3A_81, %mul3A_83 : vector<10000x32xf32>
    %slice3A_85 = vector.extract_strided_slice %get3A_55 {offsets = [0, 32], sizes = [1, 32], strides = [1, 1]} : vector<1x96xf32> to vector<1x32xf32>
    %add3A_86 = vector.broadcast %slice3A_85 : vector<1x32xf32> to vector<10000x32xf32>
    %add3A_87 = arith.addf %mul3A_84, %add3A_86 : vector<10000x32xf32>
    %get3A_88 = arith.constant 0 : index
    %get3A_89 = arith.constant 0 : index
    %get3A_90 = vector.load %arg5[%get3A_88, %get3A_89] : memref<1x64xf32, #tpu.memory_space<vmem>>, vector<1x64xf32>
    %slice3A_91 = vector.extract_strided_slice %get3A_55 {offsets = [0, 64], sizes = [1, 32], strides = [1, 1]} : vector<1x96xf32> to vector<1x32xf32>
    %slice3A_92 = vector.extract_strided_slice %get3A_58 {offsets = [64, 0], sizes = [32, 64], strides = [1, 1]} : vector<96x64xf32> to vector<32x64xf32>
    %convert_element_type3A = arith.truncf %slice3A_91 : vector<1x32xf32> to vector<1x32xbf16>
    %convert_element_type3A_93 = arith.truncf %slice3A_92 : vector<32x64xf32> to vector<32x64xbf16>
    %dot_general3A = arith.constant dense<0.000000e+00> : vector<1x64xf32>
    %dot_general3A_94 = tpu.matmul %convert_element_type3A, %convert_element_type3A_93, %dot_general3A {dimension_numbers = #tpu.dot_dimension_numbers<[1], [0], [0], [1], [0, 0, 1, 1], [], []>, transpose_lhs_hint = false} : vector<1x32xbf16>, vector<32x64xbf16>, vector<1x64xf32> -> vector<1x64xf32>
    %add3A_95 = arith.addf %get3A_90, %dot_general3A_94 : vector<1x64xf32>
    %slice3A_96 = vector.extract_strided_slice %get3A_58 {offsets = [0, 0], sizes = [32, 64], strides = [1, 1]} : vector<96x64xf32> to vector<32x64xf32>
    %convert_element_type3A_97 = arith.truncf %add3A_77 : vector<10000x32xf32> to vector<10000x32xbf16>
    %convert_element_type3A_98 = arith.truncf %slice3A_96 : vector<32x64xf32> to vector<32x64xbf16>
    %dot_general3A_99 = arith.constant dense<0.000000e+00> : vector<10000x64xf32>
    %dot_general3A_100 = tpu.matmul %convert_element_type3A_97, %convert_element_type3A_98, %dot_general3A_99 {dimension_numbers = #tpu.dot_dimension_numbers<[1], [0], [0], [1], [0, 0, 1, 1], [], []>, transpose_lhs_hint = false} : vector<10000x32xbf16>, vector<32x64xbf16>, vector<10000x64xf32> -> vector<10000x64xf32>
    %slice3A_101 = vector.extract_strided_slice %get3A_58 {offsets = [32, 0], sizes = [32, 64], strides = [1, 1]} : vector<96x64xf32> to vector<32x64xf32>
    %convert_element_type3A_102 = arith.truncf %add3A_87 : vector<10000x32xf32> to vector<10000x32xbf16>
    %convert_element_type3A_103 = arith.truncf %slice3A_101 : vector<32x64xf32> to vector<32x64xbf16>
    %dot_general3A_104 = arith.constant dense<0.000000e+00> : vector<10000x64xf32>
    %dot_general3A_105 = tpu.matmul %convert_element_type3A_102, %convert_element_type3A_103, %dot_general3A_104 {dimension_numbers = #tpu.dot_dimension_numbers<[1], [0], [0], [1], [0, 0, 1, 1], [], []>, transpose_lhs_hint = false} : vector<10000x32xbf16>, vector<32x64xbf16>, vector<10000x64xf32> -> vector<10000x64xf32>
    %add3A_106 = arith.addf %dot_general3A_100, %dot_general3A_105 : vector<10000x64xf32>
    %add3A_107 = vector.broadcast %add3A_95 : vector<1x64xf32> to vector<10000x64xf32>
    %add3A_108 = arith.addf %add3A_106, %add3A_107 : vector<10000x64xf32>
    %max3A = arith.constant 0.000000e+00 : f32
    %max3A_109 = vector.broadcast %max3A : f32 to vector<10000x64xf32>
    %max3A_110 = arith.maximumf %add3A_108, %max3A_109 : vector<10000x64xf32>
    %get3A_111 = arith.constant 0 : index
    %get3A_112 = arith.constant 0 : index
    %get3A_113 = vector.load %arg6[%get3A_111, %get3A_112] : memref<64x32xf32, #tpu.memory_space<vmem>>, vector<64x32xf32>
    %convert_element_type3A_114 = arith.truncf %max3A_110 : vector<10000x64xf32> to vector<10000x64xbf16>
    %convert_element_type3A_115 = arith.truncf %get3A_113 : vector<64x32xf32> to vector<64x32xbf16>
    %dot_general3A_116 = arith.constant dense<0.000000e+00> : vector<10000x32xf32>
    %dot_general3A_117 = tpu.matmul %convert_element_type3A_114, %convert_element_type3A_115, %dot_general3A_116 {dimension_numbers = #tpu.dot_dimension_numbers<[1], [0], [0], [1], [0, 0, 1, 1], [], []>, transpose_lhs_hint = false} : vector<10000x64xbf16>, vector<64x32xbf16>, vector<10000x32xf32> -> vector<10000x32xf32>
    %get3A_118 = arith.constant 0 : index
    %get3A_119 = arith.constant 0 : index
    %get3A_120 = vector.load %arg7[%get3A_118, %get3A_119] : memref<1x32xf32, #tpu.memory_space<vmem>>, vector<1x32xf32>
    %add3A_121 = vector.broadcast %get3A_120 : vector<1x32xf32> to vector<10000x32xf32>
    %add3A_122 = arith.addf %dot_general3A_117, %add3A_121 : vector<10000x32xf32>
    %add3A_123 = arith.addf %add3A_122, %get3A_1 : vector<10000x32xf32>
    %get3A_124 = arith.constant 0 : index
    %get3A_125 = arith.constant 0 : index
    %get3A_126 = vector.load %arg8[%get3A_124, %get3A_125] : memref<32x1xf32, #tpu.memory_space<vmem>>, vector<32x1xf32>
    %convert_element_type3A_127 = arith.truncf %add3A_123 : vector<10000x32xf32> to vector<10000x32xbf16>
    %convert_element_type3A_128 = arith.truncf %get3A_126 : vector<32x1xf32> to vector<32x1xbf16>
    %dot_general3A_129 = arith.constant dense<0.000000e+00> : vector<10000x1xf32>
    %dot_general3A_130 = tpu.matmul %convert_element_type3A_127, %convert_element_type3A_128, %dot_general3A_129 {dimension_numbers = #tpu.dot_dimension_numbers<[1], [0], [0], [1], [0, 0, 1, 1], [], []>, transpose_lhs_hint = false} : vector<10000x32xbf16>, vector<32x1xbf16>, vector<10000x1xf32> -> vector<10000x1xf32>
    %get3A_131 = arith.constant 0 : index
    %get3A_132 = arith.constant 0 : index
    %get3A_133 = vector.load %arg9[%get3A_131, %get3A_132] : memref<1x1xf32, #tpu.memory_space<vmem>>, vector<1x1xf32>
    %add3A_134 = vector.broadcast %get3A_133 : vector<1x1xf32> to vector<10000x1xf32>
    %add3A_135 = arith.addf %dot_general3A_130, %add3A_134 : vector<10000x1xf32>
    %jit3A = arith.constant 0.000000e+00 : f32
    %jit3A_136 = arith.constant 1.000000e+00 : f32
    %max3A_137 = vector.broadcast %jit3A : f32 to vector<10000x1xf32>
    %max3A_138 = arith.maximumf %max3A_137, %add3A_135 : vector<10000x1xf32>
    %min3A = vector.broadcast %jit3A_136 : f32 to vector<10000x1xf32>
    %min3A_139 = arith.minimumf %min3A, %max3A_138 : vector<10000x1xf32>
    %swap3A = arith.constant 0 : index
    %swap3A_140 = arith.constant 0 : index
    %swap3A_141 = vector.load %arg10[%swap3A, %swap3A_140] : memref<10000x1xf32, #tpu.memory_space<vmem>>, vector<10000x1xf32>
    tpu.vector_store %arg10[%swap3A, %swap3A_140], %min3A_139 {strides = array<i32>} : memref<10000x1xf32, #tpu.memory_space<vmem>>, vector<10000x1xf32>,
    return
  }
}

</mosaic_0001>

<sc_bundles>
// kernel: kernel.25.cloned.1.call-start
scs
__scs_entry_jumppad:
0x0: {  	(pc) =	sbr.rel $0x88, $3  }
0x1: {  	(tag) =	ssettag $0x0;
	lr =	simm.s32 $0x1  }
0x2: {  	[smem:$0x3F6B] =	sst lr;
	_ =	strace $0xD0000000  }
0x3: {  	_ = 	snop  }
0x4: {  	_ = 	snop  }
0x5: {  	_ = 	snop  }
0x6: {  	_ = 	snop  }
0x7: {  	_ = 	snop  }
__scs_overlays_trampoline_lowered:
0x8: {  	[smem:$0x3F7A] =	sst s0  }
0x9: {  	[smem:$0x3F7B] =	sst s1  }
0xa: {  	[smem:$0x3F7C] =	sst s2  }
0xb: {  	[smem:$0x3F7D] =	sst s3  }
0xc: {  	[smem:$0x3F7E] =	sst s4  }
0xd: {  	[smem:$0x3F7F] =	sst s5  }
0xe: {  	[smem:$0x3F80] =	sst s6  }
0xf: {  	[smem:$0x3F81] =	sst s7  }
0x10: {  	[smem:$0x3F82] =	sst s8  }
0x11: {  	[smem:$0x3F83] =	sst s9;
	s0 =	simm.s32 @!p0 $0x0  }
0x12: {  	s1 =	sld [smem:$0x3F69];
	s0 =	simm.s32 @p0 $0x1  }
0x13: {  	[smem:$0x3F84] =	sst s0;
	s0 =	simm.s32 @!p1 $0x0  }
0x14: {  	s2 =	sld [smem:$0x3F68];
	s0 =	simm.s32 @p1 $0x1  }
0x15: {  	[smem:$0x3F85] =	sst s0;
	s0 =	simm.s32 @!p2 $0x0  }
0x16: {  	s3 =	sld [smem:$0x3FDB];
	s0 =	simm.s32 @p2 $0x1  }
0x17: {  	s4 =	simm.s32 $0x1BF5;
	[smem:$0x3F87] =	sst s0  }
0x18: {  	s0 =	sld [smem:$0x3F6A];
	_ =	swait.ge [sflag:s4], $0x0  }
0x19: {  	s7 =	sld [smem:$0x3F6B]  }
0x1a: {  	s8 =	sadd.s32 $0xFFFFE003, lr  }
0x1b: {  	s9 =	sadd.s32 $0xFFFFFEF7, lr;
	s5 =	simm.s32 $0xFFFFFFFF;
	p2 =	slt.u32 s8, $0xFFFFF086  }
0x1c: {  	p1 =	slt.u32 s9, $0xF7A;
	s5 =	simm.s32 @!p2 $0x0  }
0x1d: {  	s5 =	simm.s32 @p1 $0x1;
	p0 =	seq.s32 s7, s2  }
0x1e: {  	s7 =	smul.u32 @!p0 $0xF7A, s2;
	p2 =	seq.s32 @!p0 s5, $0x0  }
0x1f: {  	s9 =	smul.u32 $0xF7A, s1;
	s8 =	simm.s32 @!p0 $0x1BF5;
	p2 =	por !p2, p0  }
0x20: {  	[sflag:s8] =	ssyncset.s32 @!p0 $0xFFFFF086;
	s6 =	sadd.s32 @!p0 s3, s7;
	s7 =	simm.s32 @!p0 $0x108  }
0x21: {  	s3 =	sadd.s32 s3, s9;
	s6 =	sadd.s32 @!p0 $0x88, s6;
	s7 =	simm.s32 @p2 $0x1082  }
0x22: {  	[simem:s7], [sflag:s8] =	dma.local @!p0 [hbm:s6], $0xF7A  }
0x23: {  	s9 =	sor.u32 $0xD0000000, s2;
	s6 =	simm.s32 $0x108;
	_ =	swait.ge @!p0 [sflag:s8], $0x0  }
0x24: {  	s3 =	sadd.s32 $0x88, s3;
	s6 =	simm.s32 @!p1 $0x1082;
	[sflag:s4] =	ssyncset.s32 $0xFFFFF086  }
0x25: {  	[simem:s6], [sflag:s4] =	dma.local [hbm:s3], $0xF7A  }
0x26: {  	[smem:$0x3F6B] =	sst s1;
	(tag) =	ssettag s2;
	_ =	strace s9  }
0x27: {  	s1 =	sld [smem:$0x3F7B]  }
0x28: {  	s2 =	sld [smem:$0x3F7C]  }
0x29: {  	s4 =	sld [smem:$0x3F7E]  }
0x2a: {  	p0 =	seq.s32 s5, $0x0;
	s5 =	sld [smem:$0x3F7F]  }
0x2b: {  	s6 =	sld [smem:$0x3F80]  }
0x2c: {  	s7 =	sld [smem:$0x3F81]  }
0x2d: {  	s3 =	simm.s32 $0x108;
	s8 =	sld [smem:$0x3F82]  }
0x2e: {  	s3 =	simm.s32 @!p0 $0x1082;
	s9 =	sld [smem:$0x3F83]  }
0x2f: {  	lr =	sadd.s32 s0, s3;
	s0 =	sld [smem:$0x3F7A]  }
0x30: {  	s3 =	sld [smem:$0x3F7D]  }
0x31: {  	[smem:$0x3F86] =	sst s10  }
0x32: {  	s10 =	sld [smem:$0x3F84];
	_ =	sdelay $0x3  }
0x33: {  	p0 =	seq.s32 s10, $0x1;
	s10 =	sld [smem:$0x3F86];
	_ =	sdelay $0x3  }
0x34: {  	[smem:$0x3F86] =	sst s10  }
0x35: {  	s10 =	sld [smem:$0x3F85];
	_ =	sdelay $0x3  }
0x36: {  	p1 =	seq.s32 s10, $0x1;
	s10 =	sld [smem:$0x3F86];
	_ =	sdelay $0x3  }
0x37: {  	[smem:$0x3F86] =	sst s10  }
0x38: {  	s10 =	sld [smem:$0x3F87]  }
0x39: {  	_ = 	snop;
	(pc) =	sbr.ind lr, $3  }
0x3a: {  	_ = 	snop  }
0x3b: {  	_ = 	snop  }
0x3c: {  	p2 =	seq.s32 s10, $0x1;
	s10 =	sld [smem:$0x3F86]  }
0x3d: {  	_ =	shalt  }
0x3e: {  	_ =	shalt  }
0x3f: {  	_ =	shalt  }
0x40: {  	_ =	shalt  }
0x41: {  	_ =	shalt  }
0x42: {  	_ =	shalt  }
0x43: {  	_ =	shalt  }
0x44: {  	_ =	shalt  }
0x45: {  	_ =	shalt  }
0x46: {  	_ =	shalt  }
0x47: {  	_ =	shalt  }
0x48: {  	_ =	shalt  }
0x49: {  	_ =	shalt  }
0x4a: {  	_ =	shalt  }
0x4b: {  	_ =	shalt  }
0x4c: {  	_ =	shalt  }
0x4d: {  	_ =	shalt  }
0x4e: {  	_ =	shalt  }
0x4f: {  	_ =	shalt  }
0x50: {  	_ =	shalt  }
0x51: {  	_ =	shalt  }
0x52: {  	_ =	shalt  }
0x53: {  	_ =	shalt  }
0x54: {  	_ =	shalt  }
0x55: {  	_ =	shalt  }
0x56: {  	_ =	shalt  }
0x57: {  	_ =	shalt  }
0x58: {  	_ =	shalt  }
0x59: {  	_ =	shalt  }
0x5a: {  	_ =	shalt  }
0x5b: {  	_ =	shalt  }
0x5c: {  	_ =	shalt  }
0x5d: {  	_ =	shalt  }
0x5e: {  	_ =	shalt  }
0x5f: {  	_ =	shalt  }
0x60: {  	_ =	shalt  }
0x61: {  	_ =	shalt  }
0x62: {  	_ =	shalt  }
0x63: {  	_ =	shalt  }
0x64: {  	_ =	shalt  }
0x65: {  	_ =	shalt  }
0x66: {  	_ =	shalt  }
0x67: {  	_ =	shalt  }
0x68: {  	_ =	shalt  }
0x69: {  	_ =	shalt  }
0x6a: {  	_ =	shalt  }
0x6b: {  	_ =	shalt  }
0x6c: {  	_ =	shalt  }
0x6d: {  	_ =	shalt  }
0x6e: {  	_ =	shalt  }
0x6f: {  	_ =	shalt  }
0x70: {  	_ =	shalt  }
0x71: {  	_ =	shalt  }
0x72: {  	_ =	shalt  }
0x73: {  	_ =	shalt  }
0x74: {  	_ =	shalt  }
0x75: {  	_ =	shalt  }
0x76: {  	_ =	shalt  }
0x77: {  	_ =	shalt  }
0x78: {  	_ =	shalt  }
0x79: {  	_ =	shalt  }
0x7a: {  	_ =	shalt  }
0x7b: {  	_ =	shalt  }
0x7c: {  	_ =	shalt  }
0x7d: {  	_ =	shalt  }
0x7e: {  	_ =	shalt  }
0x7f: {  	_ =	shalt  }
0x80: {  	_ =	shalt  }
0x81: {  	_ =	shalt  }
0x82: {  	_ =	shalt  }
0x83: {  	_ =	shalt  }
0x84: {  	_ =	shalt  }
0x85: {  	_ =	shalt  }
0x86: {  	_ =	shalt  }
0x87: {  	_ =	shalt  }
.Lfunc_end0:
.L_simem_size_0:
called_computation_lowered:
.L_overlay_start_0:
0x88: {  	s2 =	sld [smem:$0x3FD9]  }
0x89: {  	s3 =	sld [smem:$0x3FFE];
	_ =	sdelay $0x1  }
0x8a: {  	s1 =	srdreg.scid  }
0x8b: {  	s0 =	sand.u32 $0x1, s1  }
0x8c: {  	s16 =	sshll.u32 s0, $0xA;
	s2 =	sadd.s32 s3, s2  }
0x8d: {  	s2 =	sadd.s32 s2, s16  }
0x8e: {  	[smem:$0x3F92] =	sst s2  }
0x8f: {  	_ = 	snop  }
0x90: {  	(tm) =	ssettm $0x1  }
0x91: {  	s17 =	sld [smem:$0x3FFB];
	_ =	sdelay $0x3  }
0x92: {  	_ =	strace s17  }
0x93: {  	s2 =	sld [smem:$0x3FFC];
	_ =	sdelay $0x3  }
0x94: {  	_ =	strace s2  }
0x95: {  	s2 =	sld [smem:$0x3FFD];
	_ =	sdelay $0x3  }
0x96: {  	_ =	strace s2  }
0x97: {  	_ =	strace $0x8FFFFFFF  }
0x98: {  	s18 =	sld [smem:$0x3FDB];
	_ =	sdelay $0x1  }
0x99: {  	s19 =	simm.s32 $_scs_section_size  }
0x9a: {  	s4 =	simm.s32 $_size__tile_overlayer_lowered;
	s5 =	simm.s32 $_tile_overlayer_lowered  }
0x9b: {  	s22 =	simm.s32 $0x1BFF;
	s21 =	sshll.u32 s5, $0x1;
	s2 =	sadd.s32 s19, s18  }
0x9c: {  	s6 =	simm.s32 $0x0;
	s20 =	sshll.u32 s4, $0x1;
	s4 =	sadd.s32 s21, s2  }
0x9d: {  	[timem:s6], [sflag:s22] =	dma.local [hbm:s4], s20  }
0x9e: {  	_ =	swait.ge [sflag:s22], s20  }
0x9f: {  	s3 =	ssub.s32 $0x0, s20;
	[sflag:s22] =	ssyncset.done $0x0  }
0xa0: {  	[sflag:s22] =	ssyncadd.s32 s3;
	_ =	sdelay $0x1  }
0xa1: {  	s23 =	simm.s32 $0x1B8B  }
0xa2: {  	_ =	swait.ge [sflag:s23], $0x1  }
0xa3: {  	[sflag:s23] =	ssyncset.done $0x0  }
0xa4: {  	s25 =	simm.s32 $0x1B8E;
	s24 =	sld [smem:$0x3FFE];
	[sflag:s23] =	ssyncadd.s32 $0xFFFFFFFF  }
0xa5: {  	s26 =	simm.s32 $execute0_lowered;
	[smem:$0x3FD2] =	sst s25  }
0xa6: {  	s4 =	sshll.u32 s26, $0x1;
	_ =	strace $0x80000046;
	[dreg:$0x1] =	wrdreg $0xFFFFFFFF  }
0xa7: {  	s28 =	simm.s32 $_size_execute0_lowered;
	s2 =	sadd.s32 s2, s4;
	[dreg:$0x0] =	wrdreg $0x0  }
0xa8: {  	s4 =	sshll.u32 s28, $0x1;
	[dreg:$0x2] =	wrdreg s2  }
0xa9: {  	[dreg:$0x3] =	wrdreg s4  }
0xaa: {  	[dreg:$0x4] =	wrdreg $0xC0  }
0xab: {  	_ =	task [dreg:s6], $0x5FFFF  }
0xac: {  	[dreg:$0x1] =	wrdreg $0xFFFFFFFF  }
0xad: {  	[dreg:$0x0] =	wrdreg $0x60  }
0xae: {  	[dreg:$0x2] =	wrdreg s24  }
0xaf: {  	[dreg:$0x3] =	wrdreg $0x50800  }
0xb0: {  	[dreg:$0x4] =	wrdreg $0x9  }
0xb1: {  	_ =	task.clear_ibuf [dreg:s6], $0x5FFFF;
	_ =	strace $0x90000046  }
0xb2: {  	s29 =	simm.s32 $0x9;
	_ =	strace $0x80000048  }
0xb3: {  	_ =	swait.ge [sflag:s29], $0x1  }
0xb4: {  	[sflag:s29] =	ssyncadd.s32 $0xFFFFFFFF  }
0xb5: {  	_ =	strace $0x90000048  }
0xb6: {  	_ =	sfence  }
0xb7: {  	s30 =	sld [smem:$0x0];
	_ =	sdelay $0x2  }
0xb8: {  	s31 =	sshll.u32 s1, $0xD;
	s1 =	sshrl.u32 s1, $0x2  }
0xb9: {  	s3 =	sand.u32 $0x4000, s31;
	s1 =	sadd.s32 s1, s30  }
0xba: {  	s0 =	sor.u32 s3, s0;
	s1 =	sshll.u32 s1, $0x11  }
0xbb: {  	s0 =	sor.u32 s1, s0  }
0xbc: {  	s0 =	sadd.s32 $0x8F2B, s0  }
0xbd: {  	[sflag:s0] =	ssyncadd.remote.s32 $0x1  }
0xbe: {  	_ =	sfence.sel $0xFFFF  }
0xbf: {  	[dreg:$0x0] =	wrdreg $0xFFFFFFFF;
	(pc) =	sbr.abs _section_cstart, $3  }
0xc0: {  	[dreg:$0x1] =	wrdreg $0xFFFFFFFF  }
0xc1: {  	_ =	task.clear_ibuf [dreg:s6], $0x2FFFF;
	_ =	strace $0x9FFFFFFF  }
0xc2: {  	(tm) =	ssettm $0x7FFFFFFF  }
0xc3: {  	_ =	shalt  }
tec
execute0_lowered:
.L_overlay_start_1:
0x0: {  	(tag) =	ssettag $0x1  }
0x1: {  	s6 =	rddreg [dreg:$0x0]  }
0x2: {  	s2 =	rddreg [dreg:$0x1]  }
0x3: {  	s0 =	srdreg.scid;
	s1 =	rddreg [dreg:$0x2];
	s3 =	simm.s32 $0x0  }
0x4: {  	s15 =	simm.s32 $0x50;
	s16 =	simm.s32 $0x80;
	s5 =	sand.u32 $0x1, s0  }
0x5: {  	s17 =	simm.s32 $0x2880;
	s0 =	stileid.u32;
	s7 =	smul.u32 $0x27100, s5  }
0x6: {  	s19 =	simm.s32 $0x0;
	[smem:$0x7FF] =	sst s3;
	s4 =	smul.u32 $0x2710, s0  }
0x7: {  	s12 =	sadd.s32 $0x12C000, s2;
	s9 =	smul.u32 $0x50000, s0;
	s5 =	ssub.s32 $0x2, s5  }
0x8: {  	_ =	strace $0x80000047;
	p0 =	seq.s32 s0, $0xF;
	s11 =	sshrl.u32 s5, $0x1  }
0x9: {  	s14 =	sshll.u32 @!p0 s0, $0x6;
	s8 =	sadd.s32 s4, s7;
	s4 =	smul.u32 $0x2800, s0  }
0xa: {  	s9 =	sshrl.u32 s9, $0x2;
	s7 =	sadd.s32 s7, s6;
	s11 =	ssub.s32 s5, s11  }
0xb: {  	s8 =	sshrl.u32 s8, $0x3;
	s13 =	sadd.s32 s9, s2;
	s7 =	sadd.s32 $0x4F800, s7  }
0xc: {  	s10 =	sadd.s32 s8, s6;
	s31 =	sadd.s32 s4, s6;
	s6 =	sadd.s32 $0x4DE00, s6  }
0xd: {  	s8 =	smax.u32 s11, $0x1;
	s11 =	sshrl.u32 @p0 s12, $0x3;
	s12 =	sor.u32 @!p0 $0x1C01, s14  }
0xe: {  	vm0 =	vcmask $0x300;
	v0 =	vimm.f32 $0.0e+00;
	vm1 =	vcmask $0x704;
	s13 =	sshrl.u32 @!p0 s13, $0x3;
	s14 =	simm.s32 $0x1;
	s18 =	sadd.s32 @p0 $0x25800, s7  }
0xf: {  	v1 =	vsel vm0, $0x3F800000, v0;
	v2 =	vsel vm1, $0x3F800000, v0;
	s5 =	sadd.s32 $0x28600, s31;
	s9 =	sadd.s32 $0x1E800, s10;
	s10 =	sadd.s32 $0x14A00, s10  }
.LBB2_1:
0x10: {  	s20 =	simm.s32 $0x0;
	s21 =	simm.s32 $0x200  }
.LBB2_2:
0x11: {  	p1 =	sne.s32 s21, $0x9E00;
	[tilespmem:s20+$0x28F0] =	vst v0  }
0x12: {  	[tilespmem:s20+$0x80] =	vst v1  }
0x13: {  	[tilespmem:s20+$0x2880] =	vst v2  }
0x14: {  	[tilespmem:s20+$0x90] =	vst v0  }
0x15: {  	[tilespmem:s20+$0x2890] =	vst v0  }
0x16: {  	[tilespmem:s20+$0xA0] =	vst v0  }
0x17: {  	[tilespmem:s20+$0x28A0] =	vst v0  }
0x18: {  	[tilespmem:s20+$0xB0] =	vst v0  }
0x19: {  	[tilespmem:s20+$0x28B0] =	vst v0  }
0x1a: {  	[tilespmem:s20+$0xC0] =	vst v0  }
0x1b: {  	[tilespmem:s20+$0x28C0] =	vst v0  }
.Ltmp0:
0x1c: {  	[tilespmem:s20+$0xD0] =	vst v0;
	(pc) =	sbr.rel @p1 .LBB2_2-.Ltmp0, $4  }
0x1d: {  	[tilespmem:s20+$0x28D0] =	vst v0  }
0x1e: {  	[tilespmem:s20+$0xE0] =	vst v0  }
0x1f: {  	[tilespmem:s20+$0x28E0] =	vst v0  }
0x20: {  	[tilespmem:s20+$0xF0] =	vst v0;
	s20 =	sshra.s32 s21, $0x2;
	s21 =	sadd.s32 $0x200, s21  }
0x21: {  	[tilespmem:s20+$0x28F0] =	vst v0  }
0x22: {  	[tilespmem:s20+$0x80] =	vst v1  }
0x23: {  	[tilespmem:s20+$0x2880] =	vst v2  }
0x24: {  	[tilespmem:s20+$0x90] =	vst v0  }
0x25: {  	[tilespmem:s20+$0x2890] =	vst v0  }
0x26: {  	[tilespmem:s20+$0xA0] =	vst v0  }
0x27: {  	[tilespmem:s20+$0x28A0] =	vst v0  }
0x28: {  	[tilespmem:s20+$0xB0] =	vst v0  }
0x29: {  	[tilespmem:s20+$0x28B0] =	vst v0  }
0x2a: {  	[tilespmem:s20+$0xC0] =	vst v0  }
0x2b: {  	[tilespmem:s20+$0x28C0] =	vst v0  }
0x2c: {  	[tilespmem:s20+$0xD0] =	vst v0  }
0x2d: {  	[tilespmem:s20+$0x28D0] =	vst v0  }
0x2e: {  	[tilespmem:s20+$0xE0] =	vst v0  }
0x2f: {  	[tilespmem:s20+$0x28E0] =	vst v0  }
0x30: {  	[tilespmem:s20+$0xF0] =	vst v0;
	s20 =	simm.s32 @p0 $0x1FC1  }
0x31: {  	[spmem:s11], [sflag:s20] =	dma.local @p0 [hbm:s6], $0x1900  }
0x32: {  	s20 =	simm.s32 @p0 $0x1  }
0x33: {  	_ =	swait.ge @p0 [sflag:s20], $0x1900  }
0x34: {  	[sflag:s20] =	ssyncset.done @p0 $0x0  }
0x35: {  	[sflag:s20] =	ssyncadd.s32 @p0 $0xFFFFE700;
	s20 =	simm.s32 @!p0 $0x1  }
0x36: {  	[spmem:s13], [sflag:s12] =	dma.local @!p0 [hbm:s5], $0x2800  }
0x37: {  	_ =	swait.ge @!p0 [sflag:s20], $0x2800  }
0x38: {  	[sflag:s20] =	ssyncset.done @!p0 $0x0  }
0x39: {  	[sflag:s20] =	ssyncadd.s32 @!p0 $0xFFFFD800  }
0x3a: {  	s30 =	sadd.s32 $0x0, s10;
	[bflag:$0x0] =	sbarrier.arrive $0xFFFF  }
0x3b: {  	[tilespmem:s3], [sflag:$0x1] =	stream.linear.gather [hbm4b:s30+s3], $0x50, $0x38;
	[tilespmem:$0x18900] =	vst v63  }
0x3c: {  	_ =	swait.ge [sflag:s14], $0x50  }
0x3d: {  	[sflag:s14] =	ssyncset.done $0x0  }
0x3e: {  	[sflag:s14] =	ssyncadd.s32 $0xFFFFFFB0  }
0x3f: {  	[spmem:s2] =	stream.indirect.scatter.add.f32 [tilespmem:s16], [sflag:$0x1], $0x80, s3, s15, $0xb8;
	[tilespmem:$0x18900] =	vst v63  }
0x40: {  	_ =	swait.ge [sflag:s14], $0x2800  }
0x41: {  	[sflag:s14] =	ssyncset.done $0x0  }
0x42: {  	s31 =	sadd.s32 $0x0, s9;
	[sflag:s14] =	ssyncadd.s32 $0xFFFFD800  }
0x43: {  	[tilespmem:s3], [sflag:$0x1] =	stream.linear.gather [hbm4b:s31+s3], $0x50, $0x38;
	[tilespmem:$0x18900] =	vst v63  }
0x44: {  	_ =	swait.ge [sflag:s14], $0x50  }
0x45: {  	[sflag:s14] =	ssyncset.done $0x0  }
0x46: {  	[sflag:s14] =	ssyncadd.s32 $0xFFFFFFB0  }
0x47: {  	[spmem:s2] =	stream.indirect.scatter.add.f32 [tilespmem:s17], [sflag:$0x1], $0x80, s3, s15, $0xb8;
	[tilespmem:$0x18900] =	vst v63  }
0x48: {  	_ =	swait.ge [sflag:s14], $0x2800  }
0x49: {  	s21 =	simm.s32 $0x14;
	s20 =	simm.s32 $0xA;
	[sflag:s14] =	ssyncset.done $0x0  }
.LBB2_4:
0x4a: {  	s22 =	sadd.s32 s20, s10  }
0x4b: {  	[sflag:s14] =	ssyncadd.s32 $0xFFFFD800;
	s23 =	smov.u32 s21;
	s24 =	sadd.s32 $0xA, s21  }
0x4c: {  	[tilespmem:s3], [sflag:$0x1] =	stream.linear.gather [hbm4b:s22+s3], $0x50, $0x38;
	[tilespmem:$0x18900] =	vst v63  }
0x4d: {  	p1 =	sne.s32 s21, $0x4D8;
	_ =	swait.ge [sflag:s14], $0x50  }
0x4e: {  	[sflag:s14] =	ssyncset.done $0x0  }
0x4f: {  	[sflag:s14] =	ssyncadd.s32 $0xFFFFFFB0  }
0x50: {  	[spmem:s2] =	stream.indirect.scatter.add.f32 [tilespmem:s16], [sflag:$0x1], $0x80, s3, s15, $0xb8;
	[tilespmem:$0x18900] =	vst v63  }
0x51: {  	_ =	swait.ge [sflag:s14], $0x2800  }
0x52: {  	[sflag:s14] =	ssyncset.done $0x0  }
0x53: {  	s21 =	sadd.s32 s20, s9;
	s20 =	smov.u32 s23;
	[sflag:s14] =	ssyncadd.s32 $0xFFFFD800  }
0x54: {  	[tilespmem:s3], [sflag:$0x1] =	stream.linear.gather [hbm4b:s21+s3], $0x50, $0x38;
	[tilespmem:$0x18900] =	vst v63  }
0x55: {  	_ =	swait.ge [sflag:s14], $0x50  }
.Ltmp1:
0x56: {  	[sflag:s14] =	ssyncset.done $0x0;
	(pc) =	sbr.rel @p1 .LBB2_4-.Ltmp1, $4  }
0x57: {  	[sflag:s14] =	ssyncadd.s32 $0xFFFFFFB0  }
0x58: {  	[spmem:s2] =	stream.indirect.scatter.add.f32 [tilespmem:s17], [sflag:$0x1], $0x80, s3, s15, $0xb8;
	[tilespmem:$0x18900] =	vst v63  }
0x59: {  	_ =	swait.ge [sflag:s14], $0x2800  }
0x5a: {  	s21 =	smov.u32 s24;
	[sflag:s14] =	ssyncset.done $0x0  }
0x5b: {  	s21 =	sadd.s32 s20, s10;
	[sflag:s14] =	ssyncadd.s32 $0xFFFFD800  }
0x5c: {  	[tilespmem:s3], [sflag:$0x1] =	stream.linear.gather [hbm4b:s21+s3], $0x50, $0x38;
	[tilespmem:$0x18900] =	vst v63  }
0x5d: {  	_ =	swait.ge [sflag:s14], $0x50  }
0x5e: {  	[sflag:s14] =	ssyncset.done $0x0  }
0x5f: {  	[sflag:s14] =	ssyncadd.s32 $0xFFFFFFB0  }
0x60: {  	[spmem:s2] =	stream.indirect.scatter.add.f32 [tilespmem:s16], [sflag:$0x1], $0x80, s3, s15, $0xb8;
	[tilespmem:$0x18900] =	vst v63  }
0x61: {  	_ =	swait.ge [sflag:s14], $0x2800  }
0x62: {  	[sflag:s14] =	ssyncset.done $0x0  }
0x63: {  	s31 =	sadd.s32 s20, s9;
	[sflag:s14] =	ssyncadd.s32 $0xFFFFD800  }
0x64: {  	[tilespmem:s3], [sflag:$0x1] =	stream.linear.gather [hbm4b:s31+s3], $0x50, $0x38;
	[tilespmem:$0x18900] =	vst v63  }
0x65: {  	_ =	swait.ge [sflag:s14], $0x50  }
0x66: {  	[sflag:s14] =	ssyncset.done $0x0  }
0x67: {  	[sflag:s14] =	ssyncadd.s32 $0xFFFFFFB0  }
0x68: {  	[spmem:s2] =	stream.indirect.scatter.add.f32 [tilespmem:s17], [sflag:$0x1], $0x80, s3, s15, $0xb8;
	[tilespmem:$0x18900] =	vst v63  }
0x69: {  	_ =	swait.ge [sflag:s14], $0x2800  }
0x6a: {  	[sflag:s14] =	ssyncset.done $0x0  }
0x6b: {  	[sflag:s14] =	ssyncadd.s32 $0xFFFFD800  }
0x6c: {  	s20 =	simm.s32 @p0 $0x1FC1;
	[bflag:$0x0] =	sbarrier.arrive $0xFFFF  }
0x6d: {  	[hbm:s18], [sflag:s20] =	dma.local @p0 [spmem:s11], $0x1900  }
0x6e: {  	s20 =	simm.s32 @p0 $0x1  }
0x6f: {  	_ =	swait.ge @p0 [sflag:s20], $0x1900  }
0x70: {  	s19 =	sadd.s32 $0x1, s19;
	[sflag:s20] =	ssyncset.done @p0 $0x0  }
0x71: {  	p1 =	sne.s32 s19, s8;
	[sflag:s20] =	ssyncadd.s32 @p0 $0xFFFFE700;
	s20 =	sadd.s32 @!p0 s4, s7  }
0x72: {  	[hbm:s20], [sflag:s12] =	dma.local @!p0 [spmem:s13], $0x2800  }
.Ltmp2:
0x73: {  	_ = 	snop;
	(pc) =	sbr.rel @p1 .LBB2_1-.Ltmp2, $4  }
0x74: {  	s20 =	simm.s32 @!p0 $0x1  }
0x75: {  	_ =	swait.ge @!p0 [sflag:s20], $0x2800  }
0x76: {  	[sflag:s20] =	ssyncset.done @!p0 $0x0  }
0x77: {  	[sflag:s20] =	ssyncadd.s32 @!p0 $0xFFFFD800  }
0x78: {  	_ =	sfence.sel $0x180000  }
0x79: {  	[bflag:$0x0] =	sbarrier.arrive $0xFFFF  }
0x7a: {  	p0 =	sne.s32 s0, $0x0;
	_ =	strace $0x90000047  }
0x7b: {  	s0 =	sadd.s32 @!p0 $0x100000, s1;
	[bflag:$0x2] =	sbarrier.arrive $0xFFFF  }
0x7c: {  	[sflag:s0] =	ssyncadd.tile.s32 @!p0 $0x1;
	_ =	shalt  }
.Lfunc_end2:
_tile_overlayer_lowered:
.L_overlay_start_2:
0x7d: {  	(tag) =	ssettag $0x2  }
0x7e: {  	s0 =	rddreg [dreg:$0x0];
	s2 =	stileid.u32  }
0x7f: {  	s1 =	rddreg [dreg:$0x1];
	p0 =	sne.s32 s2, $0x0  }
0x80: {  	s3 =	rddreg [dreg:$0x2];
	[bflag:$0x3] =	sbarrier.arrive $0xFFFF;
	s2 =	simm.s32 @!p0 $0x1C01  }
0x81: {  	[timem:s3], [sflag:s2] =	dma.local @!p0 [hbm:s0], s1  }
0x82: {  	s0 =	simm.s32 @!p0 $0x1  }
0x83: {  	_ =	swait.ge @!p0 [sflag:s0], s1  }
0x84: {  	s1 =	ssub.s32 @!p0 $0x0, s1;
	[sflag:s0] =	ssyncset.done @!p0 $0x0  }
0x85: {  	[sflag:s0] =	ssyncadd.s32 @!p0 s1  }
0x86: {  	[bflag:$0x3] =	sbarrier.arrive $0xFFFF  }
0x87: {  	_ =	shalt  }

// kernel: kernel.28.cloned.1.call-start
scs
__scs_entry_jumppad:
0x0: {  	(pc) =	sbr.rel $0x88, $3  }
0x1: {  	(tag) =	ssettag $0x0;
	lr =	simm.s32 $0x1  }
0x2: {  	[smem:$0x3F6B] =	sst lr;
	_ =	strace $0xD0000000  }
0x3: {  	_ = 	snop  }
0x4: {  	_ = 	snop  }
0x5: {  	_ = 	snop  }
0x6: {  	_ = 	snop  }
0x7: {  	_ = 	snop  }
__scs_overlays_trampoline_lowered:
0x8: {  	[smem:$0x3F7A] =	sst s0  }
0x9: {  	[smem:$0x3F7B] =	sst s1  }
0xa: {  	[smem:$0x3F7C] =	sst s2  }
0xb: {  	[smem:$0x3F7D] =	sst s3  }
0xc: {  	[smem:$0x3F7E] =	sst s4  }
0xd: {  	[smem:$0x3F7F] =	sst s5  }
0xe: {  	[smem:$0x3F80] =	sst s6  }
0xf: {  	[smem:$0x3F81] =	sst s7  }
0x10: {  	[smem:$0x3F82] =	sst s8  }
0x11: {  	[smem:$0x3F83] =	sst s9;
	s0 =	simm.s32 @!p0 $0x0  }
0x12: {  	s1 =	sld [smem:$0x3F69];
	s0 =	simm.s32 @p0 $0x1  }
0x13: {  	[smem:$0x3F84] =	sst s0;
	s0 =	simm.s32 @!p1 $0x0  }
0x14: {  	s2 =	sld [smem:$0x3F68];
	s0 =	simm.s32 @p1 $0x1  }
0x15: {  	[smem:$0x3F85] =	sst s0;
	s0 =	simm.s32 @!p2 $0x0  }
0x16: {  	s3 =	sld [smem:$0x3FDB];
	s0 =	simm.s32 @p2 $0x1  }
0x17: {  	s4 =	simm.s32 $0x1BF5;
	[smem:$0x3F87] =	sst s0  }
0x18: {  	s0 =	sld [smem:$0x3F6A];
	_ =	swait.ge [sflag:s4], $0x0  }
0x19: {  	s7 =	sld [smem:$0x3F6B]  }
0x1a: {  	s8 =	sadd.s32 $0xFFFFE003, lr  }
0x1b: {  	s9 =	sadd.s32 $0xFFFFFEF7, lr;
	s5 =	simm.s32 $0xFFFFFFFF;
	p2 =	slt.u32 s8, $0xFFFFF086  }
0x1c: {  	p1 =	slt.u32 s9, $0xF7A;
	s5 =	simm.s32 @!p2 $0x0  }
0x1d: {  	s5 =	simm.s32 @p1 $0x1;
	p0 =	seq.s32 s7, s2  }
0x1e: {  	s7 =	smul.u32 @!p0 $0xF7A, s2;
	p2 =	seq.s32 @!p0 s5, $0x0  }
0x1f: {  	s9 =	smul.u32 $0xF7A, s1;
	s8 =	simm.s32 @!p0 $0x1BF5;
	p2 =	por !p2, p0  }
0x20: {  	[sflag:s8] =	ssyncset.s32 @!p0 $0xFFFFF086;
	s6 =	sadd.s32 @!p0 s3, s7;
	s7 =	simm.s32 @!p0 $0x108  }
0x21: {  	s3 =	sadd.s32 s3, s9;
	s6 =	sadd.s32 @!p0 $0x88, s6;
	s7 =	simm.s32 @p2 $0x1082  }
0x22: {  	[simem:s7], [sflag:s8] =	dma.local @!p0 [hbm:s6], $0xF7A  }
0x23: {  	s9 =	sor.u32 $0xD0000000, s2;
	s6 =	simm.s32 $0x108;
	_ =	swait.ge @!p0 [sflag:s8], $0x0  }
0x24: {  	s3 =	sadd.s32 $0x88, s3;
	s6 =	simm.s32 @!p1 $0x1082;
	[sflag:s4] =	ssyncset.s32 $0xFFFFF086  }
0x25: {  	[simem:s6], [sflag:s4] =	dma.local [hbm:s3], $0xF7A  }
0x26: {  	[smem:$0x3F6B] =	sst s1;
	(tag) =	ssettag s2;
	_ =	strace s9  }
0x27: {  	s1 =	sld [smem:$0x3F7B]  }
0x28: {  	s2 =	sld [smem:$0x3F7C]  }
0x29: {  	s4 =	sld [smem:$0x3F7E]  }
0x2a: {  	p0 =	seq.s32 s5, $0x0;
	s5 =	sld [smem:$0x3F7F]  }
0x2b: {  	s6 =	sld [smem:$0x3F80]  }
0x2c: {  	s7 =	sld [smem:$0x3F81]  }
0x2d: {  	s3 =	simm.s32 $0x108;
	s8 =	sld [smem:$0x3F82]  }
0x2e: {  	s3 =	simm.s32 @!p0 $0x1082;
	s9 =	sld [smem:$0x3F83]  }
0x2f: {  	lr =	sadd.s32 s0, s3;
	s0 =	sld [smem:$0x3F7A]  }
0x30: {  	s3 =	sld [smem:$0x3F7D]  }
0x31: {  	[smem:$0x3F86] =	sst s10  }
0x32: {  	s10 =	sld [smem:$0x3F84];
	_ =	sdelay $0x3  }
0x33: {  	p0 =	seq.s32 s10, $0x1;
	s10 =	sld [smem:$0x3F86];
	_ =	sdelay $0x3  }
0x34: {  	[smem:$0x3F86] =	sst s10  }
0x35: {  	s10 =	sld [smem:$0x3F85];
	_ =	sdelay $0x3  }
0x36: {  	p1 =	seq.s32 s10, $0x1;
	s10 =	sld [smem:$0x3F86];
	_ =	sdelay $0x3  }
0x37: {  	[smem:$0x3F86] =	sst s10  }
0x38: {  	s10 =	sld [smem:$0x3F87]  }
0x39: {  	_ = 	snop;
	(pc) =	sbr.ind lr, $3  }
0x3a: {  	_ = 	snop  }
0x3b: {  	_ = 	snop  }
0x3c: {  	p2 =	seq.s32 s10, $0x1;
	s10 =	sld [smem:$0x3F86]  }
0x3d: {  	_ =	shalt  }
0x3e: {  	_ =	shalt  }
0x3f: {  	_ =	shalt  }
0x40: {  	_ =	shalt  }
0x41: {  	_ =	shalt  }
0x42: {  	_ =	shalt  }
0x43: {  	_ =	shalt  }
0x44: {  	_ =	shalt  }
0x45: {  	_ =	shalt  }
0x46: {  	_ =	shalt  }
0x47: {  	_ =	shalt  }
0x48: {  	_ =	shalt  }
0x49: {  	_ =	shalt  }
0x4a: {  	_ =	shalt  }
0x4b: {  	_ =	shalt  }
0x4c: {  	_ =	shalt  }
0x4d: {  	_ =	shalt  }
0x4e: {  	_ =	shalt  }
0x4f: {  	_ =	shalt  }
0x50: {  	_ =	shalt  }
0x51: {  	_ =	shalt  }
0x52: {  	_ =	shalt  }
0x53: {  	_ =	shalt  }
0x54: {  	_ =	shalt  }
0x55: {  	_ =	shalt  }
0x56: {  	_ =	shalt  }
0x57: {  	_ =	shalt  }
0x58: {  	_ =	shalt  }
0x59: {  	_ =	shalt  }
0x5a: {  	_ =	shalt  }
0x5b: {  	_ =	shalt  }
0x5c: {  	_ =	shalt  }
0x5d: {  	_ =	shalt  }
0x5e: {  	_ =	shalt  }
0x5f: {  	_ =	shalt  }
0x60: {  	_ =	shalt  }
0x61: {  	_ =	shalt  }
0x62: {  	_ =	shalt  }
0x63: {  	_ =	shalt  }
0x64: {  	_ =	shalt  }
0x65: {  	_ =	shalt  }
0x66: {  	_ =	shalt  }
0x67: {  	_ =	shalt  }
0x68: {  	_ =	shalt  }
0x69: {  	_ =	shalt  }
0x6a: {  	_ =	shalt  }
0x6b: {  	_ =	shalt  }
0x6c: {  	_ =	shalt  }
0x6d: {  	_ =	shalt  }
0x6e: {  	_ =	shalt  }
0x6f: {  	_ =	shalt  }
0x70: {  	_ =	shalt  }
0x71: {  	_ =	shalt  }
0x72: {  	_ =	shalt  }
0x73: {  	_ =	shalt  }
0x74: {  	_ =	shalt  }
0x75: {  	_ =	shalt  }
0x76: {  	_ =	shalt  }
0x77: {  	_ =	shalt  }
0x78: {  	_ =	shalt  }
0x79: {  	_ =	shalt  }
0x7a: {  	_ =	shalt  }
0x7b: {  	_ =	shalt  }
0x7c: {  	_ =	shalt  }
0x7d: {  	_ =	shalt  }
0x7e: {  	_ =	shalt  }
0x7f: {  	_ =	shalt  }
0x80: {  	_ =	shalt  }
0x81: {  	_ =	shalt  }
0x82: {  	_ =	shalt  }
0x83: {  	_ =	shalt  }
0x84: {  	_ =	shalt  }
0x85: {  	_ =	shalt  }
0x86: {  	_ =	shalt  }
0x87: {  	_ =	shalt  }
.Lfunc_end0:
.L_simem_size_0:
called_computation.1_lowered:
.L_overlay_start_0:
0x88: {  	s2 =	sld [smem:$0x3FD9]  }
0x89: {  	s3 =	sld [smem:$0x3FFE];
	_ =	sdelay $0x1  }
0x8a: {  	s1 =	srdreg.scid  }
0x8b: {  	s0 =	sand.u32 $0x1, s1  }
0x8c: {  	s16 =	sshll.u32 s0, $0xA;
	s2 =	sadd.s32 s3, s2  }
0x8d: {  	s2 =	sadd.s32 s2, s16  }
0x8e: {  	[smem:$0x3F92] =	sst s2  }
0x8f: {  	_ = 	snop  }
0x90: {  	(tm) =	ssettm $0x1  }
0x91: {  	s17 =	sld [smem:$0x3FFB];
	_ =	sdelay $0x3  }
0x92: {  	_ =	strace s17  }
0x93: {  	s2 =	sld [smem:$0x3FFC];
	_ =	sdelay $0x3  }
0x94: {  	_ =	strace s2  }
0x95: {  	s2 =	sld [smem:$0x3FFD];
	_ =	sdelay $0x3  }
0x96: {  	_ =	strace s2  }
0x97: {  	_ =	strace $0x8FFFFFFF  }
0x98: {  	s18 =	sld [smem:$0x3FDB];
	_ =	sdelay $0x1  }
0x99: {  	s19 =	simm.s32 $_scs_section_size  }
0x9a: {  	s4 =	simm.s32 $_size__tile_overlayer_lowered;
	s5 =	simm.s32 $_tile_overlayer_lowered  }
0x9b: {  	s22 =	simm.s32 $0x1BFF;
	s21 =	sshll.u32 s5, $0x1;
	s2 =	sadd.s32 s19, s18  }
0x9c: {  	s6 =	simm.s32 $0x0;
	s20 =	sshll.u32 s4, $0x1;
	s4 =	sadd.s32 s21, s2  }
0x9d: {  	[timem:s6], [sflag:s22] =	dma.local [hbm:s4], s20  }
0x9e: {  	_ =	swait.ge [sflag:s22], s20  }
0x9f: {  	s3 =	ssub.s32 $0x0, s20;
	[sflag:s22] =	ssyncset.done $0x0  }
0xa0: {  	[sflag:s22] =	ssyncadd.s32 s3;
	_ =	sdelay $0x1  }
0xa1: {  	s23 =	simm.s32 $0x1B8B  }
0xa2: {  	_ =	swait.ge [sflag:s23], $0x1  }
0xa3: {  	[sflag:s23] =	ssyncset.done $0x0  }
0xa4: {  	s25 =	simm.s32 $0x1B8E;
	s24 =	sld [smem:$0x3FFE];
	[sflag:s23] =	ssyncadd.s32 $0xFFFFFFFF  }
0xa5: {  	s26 =	simm.s32 $execute0_lowered;
	[smem:$0x3FD2] =	sst s25  }
0xa6: {  	s4 =	sshll.u32 s26, $0x1;
	_ =	strace $0x80000049;
	[dreg:$0x1] =	wrdreg $0xFFFFFFFF  }
0xa7: {  	s28 =	simm.s32 $_size_execute0_lowered;
	s2 =	sadd.s32 s2, s4;
	[dreg:$0x0] =	wrdreg $0x0  }
0xa8: {  	s4 =	sshll.u32 s28, $0x1;
	[dreg:$0x2] =	wrdreg s2  }
0xa9: {  	[dreg:$0x3] =	wrdreg s4  }
0xaa: {  	[dreg:$0x4] =	wrdreg $0xC0  }
0xab: {  	_ =	task [dreg:s6], $0x5FFFF  }
0xac: {  	[dreg:$0x1] =	wrdreg $0xFFFFFFFF  }
0xad: {  	[dreg:$0x0] =	wrdreg $0x60  }
0xae: {  	[dreg:$0x2] =	wrdreg s24  }
0xaf: {  	[dreg:$0x3] =	wrdreg $0x9  }
0xb0: {  	_ =	task.clear_ibuf [dreg:s6], $0x4FFFF;
	_ =	strace $0x90000049  }
0xb1: {  	s29 =	simm.s32 $0x9;
	_ =	strace $0x8000004B  }
0xb2: {  	_ =	swait.ge [sflag:s29], $0x1  }
0xb3: {  	[sflag:s29] =	ssyncadd.s32 $0xFFFFFFFF  }
0xb4: {  	_ =	strace $0x9000004B  }
0xb5: {  	_ =	sfence  }
0xb6: {  	s30 =	sld [smem:$0x0];
	_ =	sdelay $0x2  }
0xb7: {  	s31 =	sshll.u32 s1, $0xD;
	s1 =	sshrl.u32 s1, $0x2  }
0xb8: {  	s3 =	sand.u32 $0x4000, s31;
	s1 =	sadd.s32 s1, s30  }
0xb9: {  	s0 =	sor.u32 s3, s0;
	s1 =	sshll.u32 s1, $0x11  }
0xba: {  	s0 =	sor.u32 s1, s0  }
0xbb: {  	s0 =	sadd.s32 $0x8F2B, s0  }
0xbc: {  	[sflag:s0] =	ssyncadd.remote.s32 $0x1  }
0xbd: {  	_ =	sfence.sel $0xFFFF  }
0xbe: {  	[dreg:$0x0] =	wrdreg $0xFFFFFFFF;
	(pc) =	sbr.abs _section_cstart, $3  }
0xbf: {  	[dreg:$0x1] =	wrdreg $0xFFFFFFFF  }
0xc0: {  	_ =	task.clear_ibuf [dreg:s6], $0x2FFFF;
	_ =	strace $0x9FFFFFFF  }
0xc1: {  	(tm) =	ssettm $0x7FFFFFFF  }
tec
execute0_lowered:
.L_overlay_start_1:
0x0: {  	(tag) =	ssettag $0x1  }
0x1: {  	s6 =	rddreg [dreg:$0x0]  }
0x2: {  	s0 =	rddreg [dreg:$0x1];
	s1 =	simm.s32 $0x0  }
0x3: {  	s4 =	srdreg.scid;
	s2 =	stileid.u32;
	s11 =	simm.s32 $0x190  }
0x4: {  	s12 =	simm.s32 $0x400;
	s13 =	simm.s32 $0xCC00;
	s14 =	simm.s32 $0x1  }
0x5: {  	s15 =	simm.s32 $0x2;
	s16 =	simm.s32 $0x0;
	[smem:$0x7FF] =	sst s1  }
0x6: {  	s3 =	sadd.s32 $0x580C00, s6;
	s7 =	sand.u32 $0x1, s4;
	s4 =	sadd.s32 $0x14A00, s6  }
0x7: {  	s9 =	sshll.u32 s2, $0x1;
	s5 =	sadd.s32 $0x1E800, s6;
	s8 =	ssub.s32 $0x2, s7  }
0x8: {  	s6 =	sadd.s32 $0x5A8000, s6;
	_ =	strace $0x8000004A;
	s10 =	sshrl.u32 s8, $0x1  }
0x9: {  	s7 =	sor.u32 s7, s9;
	s9 =	simm.s32 $0x3;
	s8 =	ssub.s32 s8, s10  }
0xa: {  	s7 =	smul.u32 $0x2710, s7;
	s10 =	simm.s32 $0x200;
	s8 =	smax.u32 s8, $0x1  }
.LBB2_1:
0xb: {  	s17 =	simm.s32 $0x0  }
.LBB2_2:
0xc: {  	s18 =	smul.u32 $0x190, s17;
	_ =	sdelay $0x1  }
0xd: {  	s18 =	sadd.s32 s7, s18  }
0xe: {  	s19 =	sshrl.u32 s18, $0x3  }
0xf: {  	s21 =	simm.s32 $0x0;
	s20 =	sadd.s32 s4, s19  }
0x10: {  	[tilespmem:s21], [sflag:$0x3] =	stream.linear.gather [hbm4b:s20+s21], $0x190, $0x38;
	[tilespmem:$0x19400] =	vst v63  }
0x11: {  	_ =	swait.ge [sflag:s9], $0x190  }
0x12: {  	[sflag:s9] =	ssyncset.done $0x0  }
0x13: {  	s19 =	sadd.s32 s5, s19;
	[sflag:s9] =	ssyncadd.s32 $0xFFFFFE70  }
0x14: {  	[tilespmem:s10], [sflag:$0x3] =	stream.linear.gather [hbm4b:s19+s21], $0x190, $0x38;
	[tilespmem:$0x19400] =	vst v63  }
0x15: {  	_ =	swait.ge [sflag:s9], $0x190  }
0x16: {  	[sflag:s9] =	ssyncset.done $0x0  }
0x17: {  	[sflag:s9] =	ssyncadd.s32 $0xFFFFFE70  }
0x18: {  	[tilespmem:s12], [sflag:$0x1] =	stream.indirect.gather [hbm4b:s3+s11], $0x80, s21, s11, $0xb8;
	[tilespmem:$0x19400] =	vst v63  }
0x19: {  	_ = 	snop  }
0x1a: {  	[tilespmem:s13], [sflag:$0x2] =	stream.indirect.gather [hbm4b:s3+s11], $0x80, s10, s11, $0xb8;
	[tilespmem:$0x19400] =	vst v63  }
0x1b: {  	_ =	swait.ge [sflag:s14], $0xC800  }
0x1c: {  	[sflag:s14] =	ssyncset.done $0x0  }
0x1d: {  	[sflag:s14] =	ssyncadd.s32 $0xFFFF3800  }
0x1e: {  	_ =	swait.ge [sflag:s15], $0xC800  }
0x1f: {  	[sflag:s15] =	ssyncset.done $0x0  }
0x20: {  	s19 =	simm.s32 $0x0;
	[sflag:s15] =	ssyncadd.s32 $0xFFFF3800  }
0x21: {  	v5 =	vld [tilespmem:s19+$0xCC40]  }
0x22: {  	v6 =	vld [tilespmem:s19+$0xCC50]  }
0x23: {  	v1 =	vld [tilespmem:s19+$0xCC60]  }
0x24: {  	v0 =	vld [tilespmem:s19+$0xCC70]  }
0x25: {  	v2 =	vld [tilespmem:s19+$0x400]  }
0x26: {  	v4 =	vld [tilespmem:s19+$0x410]  }
0x27: {  	s20 =	simm.s32 $0x200;
	v3 =	vld [tilespmem:s19+$0x420]  }
.LBB2_3:
0x28: {  	s21 =	sshra.s32 s20, $0x2;
	p0 =	sne.s32 s20, $0x31E00;
	v7 =	vld [tilespmem:s19+$0x430];
	v8 =	vmov v1  }
0x29: {  	v9 =	vld [tilespmem:s21+$0xCC40];
	v10 =	vmov v0  }
0x2a: {  	v11 =	vld [tilespmem:s21+$0xCC50];
	v2 =	vadd.f32 v5, v2  }
.Ltmp0:
0x2b: {  	v1 =	vld [tilespmem:s21+$0xCC60];
	v4 =	vadd.f32 v6, v4;
	(pc) =	sbr.rel @p0 .LBB2_3-.Ltmp0, $4  }
0x2c: {  	v0 =	vld [tilespmem:s21+$0xCC70];
	[tilespmem:s19+$0x400] =	vst v2;
	v3 =	vadd.f32 v8, v3  }
0x2d: {  	v2 =	vld [tilespmem:s21+$0x400];
	[tilespmem:s19+$0x410] =	vst v4;
	v7 =	vadd.f32 v10, v7  }
0x2e: {  	v4 =	vld [tilespmem:s21+$0x410];
	[tilespmem:s19+$0x420] =	vst v3;
	v5 =	vmov v9  }
0x2f: {  	s20 =	sadd.s32 $0x200, s20;
	v3 =	vld [tilespmem:s21+$0x420];
	[tilespmem:s19+$0x430] =	vst v7;
	v6 =	vmov v11;
	s19 =	smov.u32 s21  }
0x30: {  	v7 =	vld [tilespmem:s19+$0x430];
	_ =	sdelay $0x1  }
0x31: {  	v2 =	vadd.f32 v5, v2  }
0x32: {  	v4 =	vadd.f32 v6, v4  }
0x33: {  	[tilespmem:s19+$0x400] =	vst v2;
	v1 =	vadd.f32 v1, v3  }
0x34: {  	s17 =	sadd.s32 $0x1, s17;
	[tilespmem:s19+$0x410] =	vst v4;
	v0 =	vadd.f32 v0, v7  }
0x35: {  	s18 =	sshll.u32 s18, $0x4;
	p0 =	sne.s32 s17, $0x19;
	[tilespmem:s19+$0x420] =	vst v1  }
.Ltmp1:
0x36: {  	s18 =	sadd.s32 s6, s18;
	[tilespmem:s19+$0x430] =	vst v0;
	(pc) =	sbr.rel @p0 .LBB2_2-.Ltmp1, $4  }
0x37: {  	[hbm4b:s18+s1] =	stream.linear.scatter [tilespmem:s12], [sflag:$0x3], $0xC800, $0x38;
	[tilespmem:$0x19400] =	vst v63  }
0x38: {  	_ =	swait.ge [sflag:s9], $0xC800  }
0x39: {  	[sflag:s9] =	ssyncset.done $0x0  }
0x3a: {  	[sflag:s9] =	ssyncadd.s32 $0xFFFF3800  }
0x3b: {  	s16 =	sadd.s32 $0x1, s16  }
0x3c: {  	p0 =	sne.s32 s16, s8  }
.Ltmp2:
0x3d: {  	_ = 	snop;
	(pc) =	sbr.rel @p0 .LBB2_1-.Ltmp2, $1  }
0x3e: {  	_ =	sdelay $0x3  }
0x3f: {  	_ =	sfence.sel $0x180000  }
0x40: {  	[bflag:$0x0] =	sbarrier.arrive $0xFFFF  }
0x41: {  	p0 =	sne.s32 s2, $0x0;
	_ =	strace $0x9000004A  }
0x42: {  	s0 =	sadd.s32 @!p0 $0x100000, s0;
	[bflag:$0x2] =	sbarrier.arrive $0xFFFF  }
0x43: {  	[sflag:s0] =	ssyncadd.tile.s32 @!p0 $0x1;
	_ =	shalt  }
.Lfunc_end2:
_tile_overlayer_lowered:
.L_overlay_start_2:
0x44: {  	(tag) =	ssettag $0x2  }
0x45: {  	s0 =	rddreg [dreg:$0x0];
	s2 =	stileid.u32  }
0x46: {  	s1 =	rddreg [dreg:$0x1];
	p0 =	sne.s32 s2, $0x0  }
0x47: {  	s3 =	rddreg [dreg:$0x2];
	[bflag:$0x3] =	sbarrier.arrive $0xFFFF;
	s2 =	simm.s32 @!p0 $0x1C03  }
0x48: {  	[timem:s3], [sflag:s2] =	dma.local @!p0 [hbm:s0], s1  }
0x49: {  	s0 =	simm.s32 @!p0 $0x3  }
0x4a: {  	_ =	swait.ge @!p0 [sflag:s0], s1  }
0x4b: {  	s1 =	ssub.s32 @!p0 $0x0, s1;
	[sflag:s0] =	ssyncset.done @!p0 $0x0  }
0x4c: {  	[sflag:s0] =	ssyncadd.s32 @!p0 s1  }
0x4d: {  	[bflag:$0x3] =	sbarrier.arrive $0xFFFF  }
0x4e: {  	_ =	shalt  }

// kernel: kernel.31.cloned.1.call-start
scs
__scs_entry_jumppad:
0x0: {  	(pc) =	sbr.rel $0x88, $3  }
0x1: {  	(tag) =	ssettag $0x0;
	lr =	simm.s32 $0x1  }
0x2: {  	[smem:$0x3F6B] =	sst lr;
	_ =	strace $0xD0000000  }
0x3: {  	_ = 	snop  }
0x4: {  	_ = 	snop  }
0x5: {  	_ = 	snop  }
0x6: {  	_ = 	snop  }
0x7: {  	_ = 	snop  }
__scs_overlays_trampoline_lowered:
0x8: {  	[smem:$0x3F7A] =	sst s0  }
0x9: {  	[smem:$0x3F7B] =	sst s1  }
0xa: {  	[smem:$0x3F7C] =	sst s2  }
0xb: {  	[smem:$0x3F7D] =	sst s3  }
0xc: {  	[smem:$0x3F7E] =	sst s4  }
0xd: {  	[smem:$0x3F7F] =	sst s5  }
0xe: {  	[smem:$0x3F80] =	sst s6  }
0xf: {  	[smem:$0x3F81] =	sst s7  }
0x10: {  	[smem:$0x3F82] =	sst s8  }
0x11: {  	[smem:$0x3F83] =	sst s9;
	s0 =	simm.s32 @!p0 $0x0  }
0x12: {  	s1 =	sld [smem:$0x3F69];
	s0 =	simm.s32 @p0 $0x1  }
0x13: {  	[smem:$0x3F84] =	sst s0;
	s0 =	simm.s32 @!p1 $0x0  }
0x14: {  	s2 =	sld [smem:$0x3F68];
	s0 =	simm.s32 @p1 $0x1  }
0x15: {  	[smem:$0x3F85] =	sst s0;
	s0 =	simm.s32 @!p2 $0x0  }
0x16: {  	s3 =	sld [smem:$0x3FDB];
	s0 =	simm.s32 @p2 $0x1  }
0x17: {  	s4 =	simm.s32 $0x1BF5;
	[smem:$0x3F87] =	sst s0  }
0x18: {  	s0 =	sld [smem:$0x3F6A];
	_ =	swait.ge [sflag:s4], $0x0  }
0x19: {  	s7 =	sld [smem:$0x3F6B]  }
0x1a: {  	s8 =	sadd.s32 $0xFFFFE003, lr  }
0x1b: {  	s9 =	sadd.s32 $0xFFFFFEF7, lr;
	s5 =	simm.s32 $0xFFFFFFFF;
	p2 =	slt.u32 s8, $0xFFFFF086  }
0x1c: {  	p1 =	slt.u32 s9, $0xF7A;
	s5 =	simm.s32 @!p2 $0x0  }
0x1d: {  	s5 =	simm.s32 @p1 $0x1;
	p0 =	seq.s32 s7, s2  }
0x1e: {  	s7 =	smul.u32 @!p0 $0xF7A, s2;
	p2 =	seq.s32 @!p0 s5, $0x0  }
0x1f: {  	s9 =	smul.u32 $0xF7A, s1;
	s8 =	simm.s32 @!p0 $0x1BF5;
	p2 =	por !p2, p0  }
0x20: {  	[sflag:s8] =	ssyncset.s32 @!p0 $0xFFFFF086;
	s6 =	sadd.s32 @!p0 s3, s7;
	s7 =	simm.s32 @!p0 $0x108  }
0x21: {  	s3 =	sadd.s32 s3, s9;
	s6 =	sadd.s32 @!p0 $0x88, s6;
	s7 =	simm.s32 @p2 $0x1082  }
0x22: {  	[simem:s7], [sflag:s8] =	dma.local @!p0 [hbm:s6], $0xF7A  }
0x23: {  	s9 =	sor.u32 $0xD0000000, s2;
	s6 =	simm.s32 $0x108;
	_ =	swait.ge @!p0 [sflag:s8], $0x0  }
0x24: {  	s3 =	sadd.s32 $0x88, s3;
	s6 =	simm.s32 @!p1 $0x1082;
	[sflag:s4] =	ssyncset.s32 $0xFFFFF086  }
0x25: {  	[simem:s6], [sflag:s4] =	dma.local [hbm:s3], $0xF7A  }
0x26: {  	[smem:$0x3F6B] =	sst s1;
	(tag) =	ssettag s2;
	_ =	strace s9  }
0x27: {  	s1 =	sld [smem:$0x3F7B]  }
0x28: {  	s2 =	sld [smem:$0x3F7C]  }
0x29: {  	s4 =	sld [smem:$0x3F7E]  }
0x2a: {  	p0 =	seq.s32 s5, $0x0;
	s5 =	sld [smem:$0x3F7F]  }
0x2b: {  	s6 =	sld [smem:$0x3F80]  }
0x2c: {  	s7 =	sld [smem:$0x3F81]  }
0x2d: {  	s3 =	simm.s32 $0x108;
	s8 =	sld [smem:$0x3F82]  }
0x2e: {  	s3 =	simm.s32 @!p0 $0x1082;
	s9 =	sld [smem:$0x3F83]  }
0x2f: {  	lr =	sadd.s32 s0, s3;
	s0 =	sld [smem:$0x3F7A]  }
0x30: {  	s3 =	sld [smem:$0x3F7D]  }
0x31: {  	[smem:$0x3F86] =	sst s10  }
0x32: {  	s10 =	sld [smem:$0x3F84];
	_ =	sdelay $0x3  }
0x33: {  	p0 =	seq.s32 s10, $0x1;
	s10 =	sld [smem:$0x3F86];
	_ =	sdelay $0x3  }
0x34: {  	[smem:$0x3F86] =	sst s10  }
0x35: {  	s10 =	sld [smem:$0x3F85];
	_ =	sdelay $0x3  }
0x36: {  	p1 =	seq.s32 s10, $0x1;
	s10 =	sld [smem:$0x3F86];
	_ =	sdelay $0x3  }
0x37: {  	[smem:$0x3F86] =	sst s10  }
0x38: {  	s10 =	sld [smem:$0x3F87]  }
0x39: {  	_ = 	snop;
	(pc) =	sbr.ind lr, $3  }
0x3a: {  	_ = 	snop  }
0x3b: {  	_ = 	snop  }
0x3c: {  	p2 =	seq.s32 s10, $0x1;
	s10 =	sld [smem:$0x3F86]  }
0x3d: {  	_ =	shalt  }
0x3e: {  	_ =	shalt  }
0x3f: {  	_ =	shalt  }
0x40: {  	_ =	shalt  }
0x41: {  	_ =	shalt  }
0x42: {  	_ =	shalt  }
0x43: {  	_ =	shalt  }
0x44: {  	_ =	shalt  }
0x45: {  	_ =	shalt  }
0x46: {  	_ =	shalt  }
0x47: {  	_ =	shalt  }
0x48: {  	_ =	shalt  }
0x49: {  	_ =	shalt  }
0x4a: {  	_ =	shalt  }
0x4b: {  	_ =	shalt  }
0x4c: {  	_ =	shalt  }
0x4d: {  	_ =	shalt  }
0x4e: {  	_ =	shalt  }
0x4f: {  	_ =	shalt  }
0x50: {  	_ =	shalt  }
0x51: {  	_ =	shalt  }
0x52: {  	_ =	shalt  }
0x53: {  	_ =	shalt  }
0x54: {  	_ =	shalt  }
0x55: {  	_ =	shalt  }
0x56: {  	_ =	shalt  }
0x57: {  	_ =	shalt  }
0x58: {  	_ =	shalt  }
0x59: {  	_ =	shalt  }
0x5a: {  	_ =	shalt  }
0x5b: {  	_ =	shalt  }
0x5c: {  	_ =	shalt  }
0x5d: {  	_ =	shalt  }
0x5e: {  	_ =	shalt  }
0x5f: {  	_ =	shalt  }
0x60: {  	_ =	shalt  }
0x61: {  	_ =	shalt  }
0x62: {  	_ =	shalt  }
0x63: {  	_ =	shalt  }
0x64: {  	_ =	shalt  }
0x65: {  	_ =	shalt  }
0x66: {  	_ =	shalt  }
0x67: {  	_ =	shalt  }
0x68: {  	_ =	shalt  }
0x69: {  	_ =	shalt  }
0x6a: {  	_ =	shalt  }
0x6b: {  	_ =	shalt  }
0x6c: {  	_ =	shalt  }
0x6d: {  	_ =	shalt  }
0x6e: {  	_ =	shalt  }
0x6f: {  	_ =	shalt  }
0x70: {  	_ =	shalt  }
0x71: {  	_ =	shalt  }
0x72: {  	_ =	shalt  }
0x73: {  	_ =	shalt  }
0x74: {  	_ =	shalt  }
0x75: {  	_ =	shalt  }
0x76: {  	_ =	shalt  }
0x77: {  	_ =	shalt  }
0x78: {  	_ =	shalt  }
0x79: {  	_ =	shalt  }
0x7a: {  	_ =	shalt  }
0x7b: {  	_ =	shalt  }
0x7c: {  	_ =	shalt  }
0x7d: {  	_ =	shalt  }
0x7e: {  	_ =	shalt  }
0x7f: {  	_ =	shalt  }
0x80: {  	_ =	shalt  }
0x81: {  	_ =	shalt  }
0x82: {  	_ =	shalt  }
0x83: {  	_ =	shalt  }
0x84: {  	_ =	shalt  }
0x85: {  	_ =	shalt  }
0x86: {  	_ =	shalt  }
0x87: {  	_ =	shalt  }
.Lfunc_end0:
.L_simem_size_0:
called_computation.2_lowered:
.L_overlay_start_0:
0x88: {  	s2 =	sld [smem:$0x3FD9]  }
0x89: {  	s3 =	sld [smem:$0x3FFE];
	_ =	sdelay $0x1  }
0x8a: {  	s1 =	srdreg.scid  }
0x8b: {  	s0 =	sand.u32 $0x1, s1  }
0x8c: {  	s16 =	sshll.u32 s0, $0xA;
	s2 =	sadd.s32 s3, s2  }
0x8d: {  	s2 =	sadd.s32 s2, s16  }
0x8e: {  	[smem:$0x3F92] =	sst s2  }
0x8f: {  	_ = 	snop  }
0x90: {  	(tm) =	ssettm $0x1  }
0x91: {  	s17 =	sld [smem:$0x3FFB];
	_ =	sdelay $0x3  }
0x92: {  	_ =	strace s17  }
0x93: {  	s2 =	sld [smem:$0x3FFC];
	_ =	sdelay $0x3  }
0x94: {  	_ =	strace s2  }
0x95: {  	s2 =	sld [smem:$0x3FFD];
	_ =	sdelay $0x3  }
0x96: {  	_ =	strace s2  }
0x97: {  	_ =	strace $0x8FFFFFFF  }
0x98: {  	s18 =	sld [smem:$0x3FDB];
	_ =	sdelay $0x1  }
0x99: {  	s19 =	simm.s32 $_scs_section_size  }
0x9a: {  	s4 =	simm.s32 $_size__tile_overlayer_lowered;
	s5 =	simm.s32 $_tile_overlayer_lowered  }
0x9b: {  	s22 =	simm.s32 $0x1BFF;
	s21 =	sshll.u32 s5, $0x1;
	s2 =	sadd.s32 s19, s18  }
0x9c: {  	s6 =	simm.s32 $0x0;
	s20 =	sshll.u32 s4, $0x1;
	s4 =	sadd.s32 s21, s2  }
0x9d: {  	[timem:s6], [sflag:s22] =	dma.local [hbm:s4], s20  }
0x9e: {  	_ =	swait.ge [sflag:s22], s20  }
0x9f: {  	s3 =	ssub.s32 $0x0, s20;
	[sflag:s22] =	ssyncset.done $0x0  }
0xa0: {  	[sflag:s22] =	ssyncadd.s32 s3;
	_ =	sdelay $0x1  }
0xa1: {  	s23 =	simm.s32 $0x1B8B  }
0xa2: {  	_ =	swait.ge [sflag:s23], $0x1  }
0xa3: {  	[sflag:s23] =	ssyncset.done $0x0  }
0xa4: {  	s25 =	simm.s32 $0x1B8E;
	s24 =	sld [smem:$0x3FFE];
	[sflag:s23] =	ssyncadd.s32 $0xFFFFFFFF  }
0xa5: {  	s26 =	simm.s32 $execute0_lowered;
	[smem:$0x3FD2] =	sst s25  }
0xa6: {  	s4 =	sshll.u32 s26, $0x1;
	_ =	strace $0x8000004C;
	[dreg:$0x1] =	wrdreg $0xFFFFFFFF  }
0xa7: {  	s28 =	simm.s32 $_size_execute0_lowered;
	s2 =	sadd.s32 s2, s4;
	[dreg:$0x0] =	wrdreg $0x0  }
0xa8: {  	s4 =	sshll.u32 s28, $0x1;
	[dreg:$0x2] =	wrdreg s2  }
0xa9: {  	[dreg:$0x3] =	wrdreg s4  }
0xaa: {  	[dreg:$0x4] =	wrdreg $0xC0  }
0xab: {  	_ =	task [dreg:s6], $0x5FFFF  }
0xac: {  	[dreg:$0x1] =	wrdreg $0xFFFFFFFF  }
0xad: {  	[dreg:$0x0] =	wrdreg $0x60  }
0xae: {  	[dreg:$0x2] =	wrdreg s24  }
0xaf: {  	[dreg:$0x3] =	wrdreg $0x65000  }
0xb0: {  	[dreg:$0x4] =	wrdreg $0x9  }
0xb1: {  	_ =	task.clear_ibuf [dreg:s6], $0x5FFFF;
	_ =	strace $0x9000004C  }
0xb2: {  	s29 =	simm.s32 $0x9;
	_ =	strace $0x8000004E  }
0xb3: {  	_ =	swait.ge [sflag:s29], $0x1  }
0xb4: {  	[sflag:s29] =	ssyncadd.s32 $0xFFFFFFFF  }
0xb5: {  	_ =	strace $0x9000004E  }
0xb6: {  	_ =	sfence  }
0xb7: {  	s30 =	sld [smem:$0x0];
	_ =	sdelay $0x2  }
0xb8: {  	s31 =	sshll.u32 s1, $0xD;
	s1 =	sshrl.u32 s1, $0x2  }
0xb9: {  	s3 =	sand.u32 $0x4000, s31;
	s1 =	sadd.s32 s1, s30  }
0xba: {  	s0 =	sor.u32 s3, s0;
	s1 =	sshll.u32 s1, $0x11  }
0xbb: {  	s0 =	sor.u32 s1, s0  }
0xbc: {  	s0 =	sadd.s32 $0x8F2B, s0  }
0xbd: {  	[sflag:s0] =	ssyncadd.remote.s32 $0x1  }
0xbe: {  	_ =	sfence.sel $0xFFFF  }
0xbf: {  	[dreg:$0x0] =	wrdreg $0xFFFFFFFF;
	(pc) =	sbr.abs _section_cstart, $3  }
0xc0: {  	[dreg:$0x1] =	wrdreg $0xFFFFFFFF  }
0xc1: {  	_ =	task.clear_ibuf [dreg:s6], $0x2FFFF;
	_ =	strace $0x9FFFFFFF  }
0xc2: {  	(tm) =	ssettm $0x7FFFFFFF  }
0xc3: {  	_ =	shalt  }
tec
execute0_lowered:
.L_overlay_start_1:
0x0: {  	(tag) =	ssettag $0x1  }
0x1: {  	s5 =	rddreg [dreg:$0x0];
	s2 =	stileid.u32  }
0x2: {  	s0 =	srdreg.scid;
	s8 =	smul.u32 $0x2710, s2  }
0x3: {  	s1 =	rddreg [dreg:$0x1];
	s16 =	smul.u32 $0x2800, s2  }
0x4: {  	s3 =	simm.s32 $0x0;
	s14 =	simm.s32 $0xC8;
	s26 =	smul.u32 $0x50000, s2  }
0x5: {  	s4 =	sand.u32 $0x1, s0;
	s0 =	rddreg [dreg:$0x2];
	s30 =	smul.u32 $0x27100, s2  }
0x6: {  	[smem:$0x7FF] =	sst s3;
	s13 =	sadd.s32 $0x12C000, s1;
	s6 =	smul.u32 $0x271000, s4  }
0x7: {  	p0 =	seq.s32 s2, $0xF;
	s7 =	smul.u32 $0x27100, s4;
	s4 =	ssub.s32 $0x2, s4  }
0x8: {  	_ =	strace $0x8000004D;
	s28 =	sadd.s32 s16, s5;
	s11 =	sshrl.u32 s4, $0x1  }
0x9: {  	s29 =	sshrl.u32 s26, $0x2;
	s9 =	sadd.s32 s6, s5;
	s25 =	sadd.s32 s8, s7  }
0xa: {  	s7 =	sadd.s32 s7, s5;
	s11 =	ssub.s32 s4, s11;
	s12 =	sadd.s32 s29, s1  }
0xb: {  	s4 =	sadd.s32 $0x28600, s28;
	s6 =	sshrl.u32 s25, $0x3;
	s17 =	sadd.s32 $0x9E200, s7  }
0xc: {  	s31 =	sadd.s32 s30, s9;
	s9 =	sshrl.u32 @p0 s13, $0x3;
	s13 =	simm.s32 $0x100  }
0xd: {  	s10 =	sadd.s32 s6, s5;
	s5 =	sadd.s32 $0x4DE00, s5;
	s6 =	smax.u32 s11, $0x1  }
0xe: {  	s7 =	sadd.s32 $0xF6C000, s31;
	s11 =	sshrl.u32 @!p0 s12, $0x3;
	s12 =	simm.s32 $0x1  }
0xf: {  	s15 =	sadd.s32 @p0 $0x25800, s17;
	s8 =	sadd.s32 $0x1E800, s10;
	s10 =	sshll.u32 @!p0 s2, $0x6  }
0x10: {  	s16 =	sadd.s32 @!p0 s16, s17;
	s17 =	simm.s32 $0x0;
	s10 =	sor.u32 @!p0 $0x1C01, s10  }
.LBB2_1:
0x11: {  	s18 =	simm.s32 @p0 $0x1FC1  }
0x12: {  	[spmem:s9], [sflag:s18] =	dma.local @p0 [hbm:s5], $0x1900  }
0x13: {  	s18 =	simm.s32 @p0 $0x1  }
0x14: {  	_ =	swait.ge @p0 [sflag:s18], $0x1900  }
0x15: {  	[sflag:s18] =	ssyncset.done @p0 $0x0  }
0x16: {  	[sflag:s18] =	ssyncadd.s32 @p0 $0xFFFFE700;
	s18 =	simm.s32 @!p0 $0x1  }
0x17: {  	[spmem:s11], [sflag:s10] =	dma.local @!p0 [hbm:s4], $0x2800  }
0x18: {  	_ =	swait.ge @!p0 [sflag:s18], $0x2800  }
0x19: {  	[sflag:s18] =	ssyncset.done @!p0 $0x0  }
0x1a: {  	[sflag:s18] =	ssyncadd.s32 @!p0 $0xFFFFD800  }
0x1b: {  	s31 =	sadd.s32 $0x0, s8;
	[bflag:$0x0] =	sbarrier.arrive $0xFFFF  }
0x1c: {  	[tilespmem:s3], [sflag:$0x1] =	stream.linear.gather [hbm4b:s31+s3], $0xC8, $0x38;
	[tilespmem:$0x19D80] =	vst v63  }
0x1d: {  	_ =	swait.ge [sflag:s12], $0xC8  }
0x1e: {  	[sflag:s12] =	ssyncset.done $0x0  }
0x1f: {  	[sflag:s12] =	ssyncadd.s32 $0xFFFFFF38  }
0x20: {  	[tilespmem:s13], [sflag:$0x1] =	stream.linear.gather [hbm4b:s7+s3], $0x6400, $0x38;
	[tilespmem:$0x19D80] =	vst v63  }
0x21: {  	_ =	swait.ge [sflag:s12], $0x6400  }
0x22: {  	[sflag:s12] =	ssyncset.done $0x0  }
0x23: {  	[sflag:s12] =	ssyncadd.s32 $0xFFFF9C00  }
0x24: {  	[spmem:s1] =	stream.indirect.scatter.add.f32 [tilespmem:s13], [sflag:$0x1], $0x80, s3, s14, $0xb8;
	[tilespmem:$0x19D80] =	vst v63  }
0x25: {  	s19 =	simm.s32 $0x19;
	_ =	swait.ge [sflag:s12], $0x6400  }
0x26: {  	s20 =	simm.s32 $0x32;
	s18 =	sadd.s32 $0xC80, s7;
	[sflag:s12] =	ssyncset.done $0x0  }
.LBB2_2:
0x27: {  	s21 =	sadd.s32 s19, s8  }
0x28: {  	[sflag:s12] =	ssyncadd.s32 $0xFFFF9C00;
	s19 =	smov.u32 s20;
	s22 =	sadd.s32 $0x19, s20  }
0x29: {  	[tilespmem:s3], [sflag:$0x1] =	stream.linear.gather [hbm4b:s21+s3], $0xC8, $0x38;
	[tilespmem:$0x19D80] =	vst v63  }
0x2a: {  	p1 =	sne.s32 s20, $0x4C9;
	_ =	swait.ge [sflag:s12], $0xC8  }
0x2b: {  	[sflag:s12] =	ssyncset.done $0x0  }
0x2c: {  	[sflag:s12] =	ssyncadd.s32 $0xFFFFFF38  }
0x2d: {  	[tilespmem:s13], [sflag:$0x1] =	stream.linear.gather [hbm4b:s18+s3], $0x6400, $0x38;
	[tilespmem:$0x19D80] =	vst v63  }
0x2e: {  	_ =	swait.ge [sflag:s12], $0x6400  }
.Ltmp0:
0x2f: {  	[sflag:s12] =	ssyncset.done $0x0;
	(pc) =	sbr.rel @p1 .LBB2_2-.Ltmp0, $4  }
0x30: {  	[sflag:s12] =	ssyncadd.s32 $0xFFFF9C00  }
0x31: {  	[spmem:s1] =	stream.indirect.scatter.add.f32 [tilespmem:s13], [sflag:$0x1], $0x80, s3, s14, $0xb8;
	[tilespmem:$0x19D80] =	vst v63  }
0x32: {  	_ =	swait.ge [sflag:s12], $0x6400  }
0x33: {  	s20 =	smov.u32 s22;
	s18 =	sadd.s32 $0xC80, s18;
	[sflag:s12] =	ssyncset.done $0x0  }
0x34: {  	s19 =	sadd.s32 s19, s8;
	[sflag:s12] =	ssyncadd.s32 $0xFFFF9C00  }
0x35: {  	[tilespmem:s3], [sflag:$0x1] =	stream.linear.gather [hbm4b:s19+s3], $0xC8, $0x38;
	[tilespmem:$0x19D80] =	vst v63  }
0x36: {  	_ =	swait.ge [sflag:s12], $0xC8  }
0x37: {  	[sflag:s12] =	ssyncset.done $0x0  }
0x38: {  	[sflag:s12] =	ssyncadd.s32 $0xFFFFFF38  }
0x39: {  	[tilespmem:s13], [sflag:$0x1] =	stream.linear.gather [hbm4b:s18+s3], $0x6400, $0x38;
	[tilespmem:$0x19D80] =	vst v63  }
0x3a: {  	_ =	swait.ge [sflag:s12], $0x6400  }
0x3b: {  	[sflag:s12] =	ssyncset.done $0x0  }
0x3c: {  	[sflag:s12] =	ssyncadd.s32 $0xFFFF9C00  }
0x3d: {  	[spmem:s1] =	stream.indirect.scatter.add.f32 [tilespmem:s13], [sflag:$0x1], $0x80, s3, s14, $0xb8;
	[tilespmem:$0x19D80] =	vst v63  }
0x3e: {  	_ =	swait.ge [sflag:s12], $0x6400  }
0x3f: {  	[sflag:s12] =	ssyncset.done $0x0  }
0x40: {  	[sflag:s12] =	ssyncadd.s32 $0xFFFF9C00  }
0x41: {  	s18 =	simm.s32 @p0 $0x1FC1;
	[bflag:$0x0] =	sbarrier.arrive $0xFFFF  }
0x42: {  	[hbm:s15], [sflag:s18] =	dma.local @p0 [spmem:s9], $0x1900  }
0x43: {  	s18 =	simm.s32 @p0 $0x1  }
0x44: {  	s17 =	sadd.s32 $0x1, s17;
	_ =	swait.ge @p0 [sflag:s18], $0x1900  }
0x45: {  	p1 =	sne.s32 s17, s6;
	[sflag:s18] =	ssyncset.done @p0 $0x0  }
.Ltmp1:
0x46: {  	[sflag:s18] =	ssyncadd.s32 @p0 $0xFFFFE700;
	s18 =	simm.s32 @!p0 $0x1;
	(pc) =	sbr.rel @p1 .LBB2_1-.Ltmp1, $4  }
0x47: {  	[hbm:s16], [sflag:s10] =	dma.local @!p0 [spmem:s11], $0x2800  }
0x48: {  	_ =	swait.ge @!p0 [sflag:s18], $0x2800  }
0x49: {  	[sflag:s18] =	ssyncset.done @!p0 $0x0  }
0x4a: {  	[sflag:s18] =	ssyncadd.s32 @!p0 $0xFFFFD800  }
0x4b: {  	_ =	sfence.sel $0x180000  }
0x4c: {  	[bflag:$0x0] =	sbarrier.arrive $0xFFFF  }
0x4d: {  	p0 =	sne.s32 s2, $0x0;
	_ =	strace $0x9000004D  }
0x4e: {  	s0 =	sadd.s32 @!p0 $0x100000, s0;
	[bflag:$0x2] =	sbarrier.arrive $0xFFFF  }
0x4f: {  	[sflag:s0] =	ssyncadd.tile.s32 @!p0 $0x1;
	_ =	shalt  }
.Lfunc_end2:
_tile_overlayer_lowered:
.L_overlay_start_2:
0x50: {  	(tag) =	ssettag $0x2  }
0x51: {  	s0 =	rddreg [dreg:$0x0];
	s2 =	stileid.u32  }
0x52: {  	s1 =	rddreg [dreg:$0x1];
	p0 =	sne.s32 s2, $0x0  }
0x53: {  	s3 =	rddreg [dreg:$0x2];
	[bflag:$0x3] =	sbarrier.arrive $0xFFFF;
	s2 =	simm.s32 @!p0 $0x1C01  }
0x54: {  	[timem:s3], [sflag:s2] =	dma.local @!p0 [hbm:s0], s1  }
0x55: {  	s0 =	simm.s32 @!p0 $0x1  }
0x56: {  	_ =	swait.ge @!p0 [sflag:s0], s1  }
0x57: {  	s1 =	ssub.s32 @!p0 $0x0, s1;
	[sflag:s0] =	ssyncset.done @!p0 $0x0  }
0x58: {  	[sflag:s0] =	ssyncadd.s32 @!p0 s1  }
0x59: {  	[bflag:$0x3] =	sbarrier.arrive $0xFFFF  }
0x5a: {  	_ =	shalt  }

// kernel: kernel.34.cloned.1.call-start
scs
__scs_entry_jumppad:
0x0: {  	(pc) =	sbr.rel $0x88, $3  }
0x1: {  	(tag) =	ssettag $0x0;
	lr =	simm.s32 $0x1  }
0x2: {  	[smem:$0x3F6B] =	sst lr;
	_ =	strace $0xD0000000  }
0x3: {  	_ = 	snop  }
0x4: {  	_ = 	snop  }
0x5: {  	_ = 	snop  }
0x6: {  	_ = 	snop  }
0x7: {  	_ = 	snop  }
__scs_overlays_trampoline_lowered:
0x8: {  	[smem:$0x3F7A] =	sst s0  }
0x9: {  	[smem:$0x3F7B] =	sst s1  }
0xa: {  	[smem:$0x3F7C] =	sst s2  }
0xb: {  	[smem:$0x3F7D] =	sst s3  }
0xc: {  	[smem:$0x3F7E] =	sst s4  }
0xd: {  	[smem:$0x3F7F] =	sst s5  }
0xe: {  	[smem:$0x3F80] =	sst s6  }
0xf: {  	[smem:$0x3F81] =	sst s7  }
0x10: {  	[smem:$0x3F82] =	sst s8  }
0x11: {  	[smem:$0x3F83] =	sst s9;
	s0 =	simm.s32 @!p0 $0x0  }
0x12: {  	s1 =	sld [smem:$0x3F69];
	s0 =	simm.s32 @p0 $0x1  }
0x13: {  	[smem:$0x3F84] =	sst s0;
	s0 =	simm.s32 @!p1 $0x0  }
0x14: {  	s2 =	sld [smem:$0x3F68];
	s0 =	simm.s32 @p1 $0x1  }
0x15: {  	[smem:$0x3F85] =	sst s0;
	s0 =	simm.s32 @!p2 $0x0  }
0x16: {  	s3 =	sld [smem:$0x3FDB];
	s0 =	simm.s32 @p2 $0x1  }
0x17: {  	s4 =	simm.s32 $0x1BF5;
	[smem:$0x3F87] =	sst s0  }
0x18: {  	s0 =	sld [smem:$0x3F6A];
	_ =	swait.ge [sflag:s4], $0x0  }
0x19: {  	s7 =	sld [smem:$0x3F6B]  }
0x1a: {  	s8 =	sadd.s32 $0xFFFFE003, lr  }
0x1b: {  	s9 =	sadd.s32 $0xFFFFFEF7, lr;
	s5 =	simm.s32 $0xFFFFFFFF;
	p2 =	slt.u32 s8, $0xFFFFF086  }
0x1c: {  	p1 =	slt.u32 s9, $0xF7A;
	s5 =	simm.s32 @!p2 $0x0  }
0x1d: {  	s5 =	simm.s32 @p1 $0x1;
	p0 =	seq.s32 s7, s2  }
0x1e: {  	s7 =	smul.u32 @!p0 $0xF7A, s2;
	p2 =	seq.s32 @!p0 s5, $0x0  }
0x1f: {  	s9 =	smul.u32 $0xF7A, s1;
	s8 =	simm.s32 @!p0 $0x1BF5;
	p2 =	por !p2, p0  }
0x20: {  	[sflag:s8] =	ssyncset.s32 @!p0 $0xFFFFF086;
	s6 =	sadd.s32 @!p0 s3, s7;
	s7 =	simm.s32 @!p0 $0x108  }
0x21: {  	s3 =	sadd.s32 s3, s9;
	s6 =	sadd.s32 @!p0 $0x88, s6;
	s7 =	simm.s32 @p2 $0x1082  }
0x22: {  	[simem:s7], [sflag:s8] =	dma.local @!p0 [hbm:s6], $0xF7A  }
0x23: {  	s9 =	sor.u32 $0xD0000000, s2;
	s6 =	simm.s32 $0x108;
	_ =	swait.ge @!p0 [sflag:s8], $0x0  }
0x24: {  	s3 =	sadd.s32 $0x88, s3;
	s6 =	simm.s32 @!p1 $0x1082;
	[sflag:s4] =	ssyncset.s32 $0xFFFFF086  }
0x25: {  	[simem:s6], [sflag:s4] =	dma.local [hbm:s3], $0xF7A  }
0x26: {  	[smem:$0x3F6B] =	sst s1;
	(tag) =	ssettag s2;
	_ =	strace s9  }
0x27: {  	s1 =	sld [smem:$0x3F7B]  }
0x28: {  	s2 =	sld [smem:$0x3F7C]  }
0x29: {  	s4 =	sld [smem:$0x3F7E]  }
0x2a: {  	p0 =	seq.s32 s5, $0x0;
	s5 =	sld [smem:$0x3F7F]  }
0x2b: {  	s6 =	sld [smem:$0x3F80]  }
0x2c: {  	s7 =	sld [smem:$0x3F81]  }
0x2d: {  	s3 =	simm.s32 $0x108;
	s8 =	sld [smem:$0x3F82]  }
0x2e: {  	s3 =	simm.s32 @!p0 $0x1082;
	s9 =	sld [smem:$0x3F83]  }
0x2f: {  	lr =	sadd.s32 s0, s3;
	s0 =	sld [smem:$0x3F7A]  }
0x30: {  	s3 =	sld [smem:$0x3F7D]  }
0x31: {  	[smem:$0x3F86] =	sst s10  }
0x32: {  	s10 =	sld [smem:$0x3F84];
	_ =	sdelay $0x3  }
0x33: {  	p0 =	seq.s32 s10, $0x1;
	s10 =	sld [smem:$0x3F86];
	_ =	sdelay $0x3  }
0x34: {  	[smem:$0x3F86] =	sst s10  }
0x35: {  	s10 =	sld [smem:$0x3F85];
	_ =	sdelay $0x3  }
0x36: {  	p1 =	seq.s32 s10, $0x1;
	s10 =	sld [smem:$0x3F86];
	_ =	sdelay $0x3  }
0x37: {  	[smem:$0x3F86] =	sst s10  }
0x38: {  	s10 =	sld [smem:$0x3F87]  }
0x39: {  	_ = 	snop;
	(pc) =	sbr.ind lr, $3  }
0x3a: {  	_ = 	snop  }
0x3b: {  	_ = 	snop  }
0x3c: {  	p2 =	seq.s32 s10, $0x1;
	s10 =	sld [smem:$0x3F86]  }
0x3d: {  	_ =	shalt  }
0x3e: {  	_ =	shalt  }
0x3f: {  	_ =	shalt  }
0x40: {  	_ =	shalt  }
0x41: {  	_ =	shalt  }
0x42: {  	_ =	shalt  }
0x43: {  	_ =	shalt  }
0x44: {  	_ =	shalt  }
0x45: {  	_ =	shalt  }
0x46: {  	_ =	shalt  }
0x47: {  	_ =	shalt  }
0x48: {  	_ =	shalt  }
0x49: {  	_ =	shalt  }
0x4a: {  	_ =	shalt  }
0x4b: {  	_ =	shalt  }
0x4c: {  	_ =	shalt  }
0x4d: {  	_ =	shalt  }
0x4e: {  	_ =	shalt  }
0x4f: {  	_ =	shalt  }
0x50: {  	_ =	shalt  }
0x51: {  	_ =	shalt  }
0x52: {  	_ =	shalt  }
0x53: {  	_ =	shalt  }
0x54: {  	_ =	shalt  }
0x55: {  	_ =	shalt  }
0x56: {  	_ =	shalt  }
0x57: {  	_ =	shalt  }
0x58: {  	_ =	shalt  }
0x59: {  	_ =	shalt  }
0x5a: {  	_ =	shalt  }
0x5b: {  	_ =	shalt  }
0x5c: {  	_ =	shalt  }
0x5d: {  	_ =	shalt  }
0x5e: {  	_ =	shalt  }
0x5f: {  	_ =	shalt  }
0x60: {  	_ =	shalt  }
0x61: {  	_ =	shalt  }
0x62: {  	_ =	shalt  }
0x63: {  	_ =	shalt  }
0x64: {  	_ =	shalt  }
0x65: {  	_ =	shalt  }
0x66: {  	_ =	shalt  }
0x67: {  	_ =	shalt  }
0x68: {  	_ =	shalt  }
0x69: {  	_ =	shalt  }
0x6a: {  	_ =	shalt  }
0x6b: {  	_ =	shalt  }
0x6c: {  	_ =	shalt  }
0x6d: {  	_ =	shalt  }
0x6e: {  	_ =	shalt  }
0x6f: {  	_ =	shalt  }
0x70: {  	_ =	shalt  }
0x71: {  	_ =	shalt  }
0x72: {  	_ =	shalt  }
0x73: {  	_ =	shalt  }
0x74: {  	_ =	shalt  }
0x75: {  	_ =	shalt  }
0x76: {  	_ =	shalt  }
0x77: {  	_ =	shalt  }
0x78: {  	_ =	shalt  }
0x79: {  	_ =	shalt  }
0x7a: {  	_ =	shalt  }
0x7b: {  	_ =	shalt  }
0x7c: {  	_ =	shalt  }
0x7d: {  	_ =	shalt  }
0x7e: {  	_ =	shalt  }
0x7f: {  	_ =	shalt  }
0x80: {  	_ =	shalt  }
0x81: {  	_ =	shalt  }
0x82: {  	_ =	shalt  }
0x83: {  	_ =	shalt  }
0x84: {  	_ =	shalt  }
0x85: {  	_ =	shalt  }
0x86: {  	_ =	shalt  }
0x87: {  	_ =	shalt  }
.Lfunc_end0:
.L_simem_size_0:
called_computation.3_lowered:
.L_overlay_start_0:
0x88: {  	s2 =	sld [smem:$0x3FD9]  }
0x89: {  	s3 =	sld [smem:$0x3FFE];
	_ =	sdelay $0x1  }
0x8a: {  	s1 =	srdreg.scid  }
0x8b: {  	s0 =	sand.u32 $0x1, s1  }
0x8c: {  	s16 =	sshll.u32 s0, $0xA;
	s2 =	sadd.s32 s3, s2  }
0x8d: {  	s2 =	sadd.s32 s2, s16  }
0x8e: {  	[smem:$0x3F92] =	sst s2  }
0x8f: {  	_ = 	snop  }
0x90: {  	(tm) =	ssettm $0x1  }
0x91: {  	s17 =	sld [smem:$0x3FFB];
	_ =	sdelay $0x3  }
0x92: {  	_ =	strace s17  }
0x93: {  	s2 =	sld [smem:$0x3FFC];
	_ =	sdelay $0x3  }
0x94: {  	_ =	strace s2  }
0x95: {  	s2 =	sld [smem:$0x3FFD];
	_ =	sdelay $0x3  }
0x96: {  	_ =	strace s2  }
0x97: {  	_ =	strace $0x8FFFFFFF  }
0x98: {  	s18 =	sld [smem:$0x3FDB];
	_ =	sdelay $0x1  }
0x99: {  	s19 =	simm.s32 $_scs_section_size  }
0x9a: {  	s4 =	simm.s32 $_size__tile_overlayer_lowered;
	s5 =	simm.s32 $_tile_overlayer_lowered  }
0x9b: {  	s22 =	simm.s32 $0x1BFF;
	s21 =	sshll.u32 s5, $0x1;
	s2 =	sadd.s32 s19, s18  }
0x9c: {  	s6 =	simm.s32 $0x0;
	s20 =	sshll.u32 s4, $0x1;
	s4 =	sadd.s32 s21, s2  }
0x9d: {  	[timem:s6], [sflag:s22] =	dma.local [hbm:s4], s20  }
0x9e: {  	_ =	swait.ge [sflag:s22], s20  }
0x9f: {  	s3 =	ssub.s32 $0x0, s20;
	[sflag:s22] =	ssyncset.done $0x0  }
0xa0: {  	[sflag:s22] =	ssyncadd.s32 s3;
	_ =	sdelay $0x1  }
0xa1: {  	s23 =	simm.s32 $0x1B8B  }
0xa2: {  	_ =	swait.ge [sflag:s23], $0x1  }
0xa3: {  	[sflag:s23] =	ssyncset.done $0x0  }
0xa4: {  	s25 =	simm.s32 $0x1B8E;
	s24 =	sld [smem:$0x3FFE];
	[sflag:s23] =	ssyncadd.s32 $0xFFFFFFFF  }
0xa5: {  	s26 =	simm.s32 $execute0_lowered;
	[smem:$0x3FD2] =	sst s25  }
0xa6: {  	s4 =	sshll.u32 s26, $0x1;
	_ =	strace $0x8000004F;
	[dreg:$0x1] =	wrdreg $0xFFFFFFFF  }
0xa7: {  	s28 =	simm.s32 $_size_execute0_lowered;
	s2 =	sadd.s32 s2, s4;
	[dreg:$0x0] =	wrdreg $0x0  }
0xa8: {  	s4 =	sshll.u32 s28, $0x1;
	[dreg:$0x2] =	wrdreg s2  }
0xa9: {  	[dreg:$0x3] =	wrdreg s4  }
0xaa: {  	[dreg:$0x4] =	wrdreg $0xC0  }
0xab: {  	_ =	task [dreg:s6], $0x5FFFF  }
0xac: {  	[dreg:$0x1] =	wrdreg $0xFFFFFFFF  }
0xad: {  	[dreg:$0x0] =	wrdreg $0x60  }
0xae: {  	[dreg:$0x2] =	wrdreg s24  }
0xaf: {  	[dreg:$0x3] =	wrdreg $0x9  }
0xb0: {  	_ =	task.clear_ibuf [dreg:s6], $0x4FFFF;
	_ =	strace $0x9000004F  }
0xb1: {  	s29 =	simm.s32 $0x9;
	_ =	strace $0x80000051  }
0xb2: {  	_ =	swait.ge [sflag:s29], $0x1  }
0xb3: {  	[sflag:s29] =	ssyncadd.s32 $0xFFFFFFFF  }
0xb4: {  	_ =	strace $0x90000051  }
0xb5: {  	_ =	sfence  }
0xb6: {  	s30 =	sld [smem:$0x0];
	_ =	sdelay $0x2  }
0xb7: {  	s31 =	sshll.u32 s1, $0xD;
	s1 =	sshrl.u32 s1, $0x2  }
0xb8: {  	s3 =	sand.u32 $0x4000, s31;
	s1 =	sadd.s32 s1, s30  }
0xb9: {  	s0 =	sor.u32 s3, s0;
	s1 =	sshll.u32 s1, $0x11  }
0xba: {  	s0 =	sor.u32 s1, s0  }
0xbb: {  	s0 =	sadd.s32 $0x8F2B, s0  }
0xbc: {  	[sflag:s0] =	ssyncadd.remote.s32 $0x1  }
0xbd: {  	_ =	sfence.sel $0xFFFF  }
0xbe: {  	[dreg:$0x0] =	wrdreg $0xFFFFFFFF;
	(pc) =	sbr.abs _section_cstart, $3  }
0xbf: {  	[dreg:$0x1] =	wrdreg $0xFFFFFFFF  }
0xc0: {  	_ =	task.clear_ibuf [dreg:s6], $0x2FFFF;
	_ =	strace $0x9FFFFFFF  }
0xc1: {  	(tm) =	ssettm $0x7FFFFFFF  }
tec
execute0_lowered:
.L_overlay_start_1:
0x0: {  	(tag) =	ssettag $0x1  }
0x1: {  	s6 =	rddreg [dreg:$0x0]  }
0x2: {  	s0 =	rddreg [dreg:$0x1];
	s1 =	simm.s32 $0x0  }
0x3: {  	s4 =	srdreg.scid;
	s2 =	stileid.u32;
	s11 =	simm.s32 $0x190  }
0x4: {  	s12 =	simm.s32 $0x400;
	s13 =	simm.s32 $0xCC00;
	s14 =	simm.s32 $0x1  }
0x5: {  	s15 =	simm.s32 $0x2;
	s16 =	simm.s32 $0x0;
	[smem:$0x7FF] =	sst s1  }
0x6: {  	s3 =	sadd.s32 $0xECC00, s6;
	s7 =	sand.u32 $0x1, s4;
	s4 =	sadd.s32 $0x14A00, s6  }
0x7: {  	s9 =	sshll.u32 s2, $0x1;
	s5 =	sadd.s32 $0x1E800, s6;
	s8 =	ssub.s32 $0x2, s7  }
0x8: {  	s6 =	sadd.s32 $0x113E00, s6;
	_ =	strace $0x80000050;
	s10 =	sshrl.u32 s8, $0x1  }
0x9: {  	s7 =	sor.u32 s7, s9;
	s9 =	simm.s32 $0x3;
	s8 =	ssub.s32 s8, s10  }
0xa: {  	s7 =	smul.u32 $0x2710, s7;
	s10 =	simm.s32 $0x200;
	s8 =	smax.u32 s8, $0x1  }
.LBB2_1:
0xb: {  	s17 =	simm.s32 $0x0  }
.LBB2_2:
0xc: {  	s18 =	smul.u32 $0x190, s17;
	_ =	sdelay $0x1  }
0xd: {  	s18 =	sadd.s32 s7, s18  }
0xe: {  	s19 =	sshrl.u32 s18, $0x3  }
0xf: {  	s21 =	simm.s32 $0x0;
	s20 =	sadd.s32 s4, s19  }
0x10: {  	[tilespmem:s21], [sflag:$0x3] =	stream.linear.gather [hbm4b:s20+s21], $0x190, $0x38;
	[tilespmem:$0x19400] =	vst v63  }
0x11: {  	_ =	swait.ge [sflag:s9], $0x190  }
0x12: {  	[sflag:s9] =	ssyncset.done $0x0  }
0x13: {  	s19 =	sadd.s32 s5, s19;
	[sflag:s9] =	ssyncadd.s32 $0xFFFFFE70  }
0x14: {  	[tilespmem:s10], [sflag:$0x3] =	stream.linear.gather [hbm4b:s19+s21], $0x190, $0x38;
	[tilespmem:$0x19400] =	vst v63  }
0x15: {  	_ =	swait.ge [sflag:s9], $0x190  }
0x16: {  	[sflag:s9] =	ssyncset.done $0x0  }
0x17: {  	[sflag:s9] =	ssyncadd.s32 $0xFFFFFE70  }
0x18: {  	[tilespmem:s12], [sflag:$0x1] =	stream.indirect.gather [hbm4b:s3+s11], $0x80, s21, s11, $0xb8;
	[tilespmem:$0x19400] =	vst v63  }
0x19: {  	_ = 	snop  }
0x1a: {  	[tilespmem:s13], [sflag:$0x2] =	stream.indirect.gather [hbm4b:s3+s11], $0x80, s10, s11, $0xb8;
	[tilespmem:$0x19400] =	vst v63  }
0x1b: {  	_ =	swait.ge [sflag:s14], $0xC800  }
0x1c: {  	[sflag:s14] =	ssyncset.done $0x0  }
0x1d: {  	[sflag:s14] =	ssyncadd.s32 $0xFFFF3800  }
0x1e: {  	_ =	swait.ge [sflag:s15], $0xC800  }
0x1f: {  	[sflag:s15] =	ssyncset.done $0x0  }
0x20: {  	s19 =	simm.s32 $0x0;
	[sflag:s15] =	ssyncadd.s32 $0xFFFF3800  }
0x21: {  	v5 =	vld [tilespmem:s19+$0xCC40]  }
0x22: {  	v6 =	vld [tilespmem:s19+$0xCC50]  }
0x23: {  	v1 =	vld [tilespmem:s19+$0xCC60]  }
0x24: {  	v0 =	vld [tilespmem:s19+$0xCC70]  }
0x25: {  	v2 =	vld [tilespmem:s19+$0x400]  }
0x26: {  	v4 =	vld [tilespmem:s19+$0x410]  }
0x27: {  	s20 =	simm.s32 $0x200;
	v3 =	vld [tilespmem:s19+$0x420]  }
.LBB2_3:
0x28: {  	s21 =	sshra.s32 s20, $0x2;
	p0 =	sne.s32 s20, $0x31E00;
	v7 =	vld [tilespmem:s19+$0x430];
	v8 =	vmov v1  }
0x29: {  	v9 =	vld [tilespmem:s21+$0xCC40];
	v10 =	vmov v0  }
0x2a: {  	v11 =	vld [tilespmem:s21+$0xCC50];
	v2 =	vadd.f32 v5, v2  }
.Ltmp0:
0x2b: {  	v1 =	vld [tilespmem:s21+$0xCC60];
	v4 =	vadd.f32 v6, v4;
	(pc) =	sbr.rel @p0 .LBB2_3-.Ltmp0, $4  }
0x2c: {  	v0 =	vld [tilespmem:s21+$0xCC70];
	[tilespmem:s19+$0x400] =	vst v2;
	v3 =	vadd.f32 v8, v3  }
0x2d: {  	v2 =	vld [tilespmem:s21+$0x400];
	[tilespmem:s19+$0x410] =	vst v4;
	v7 =	vadd.f32 v10, v7  }
0x2e: {  	v4 =	vld [tilespmem:s21+$0x410];
	[tilespmem:s19+$0x420] =	vst v3;
	v5 =	vmov v9  }
0x2f: {  	s20 =	sadd.s32 $0x200, s20;
	v3 =	vld [tilespmem:s21+$0x420];
	[tilespmem:s19+$0x430] =	vst v7;
	v6 =	vmov v11;
	s19 =	smov.u32 s21  }
0x30: {  	v7 =	vld [tilespmem:s19+$0x430];
	_ =	sdelay $0x1  }
0x31: {  	v2 =	vadd.f32 v5, v2  }
0x32: {  	v4 =	vadd.f32 v6, v4  }
0x33: {  	[tilespmem:s19+$0x400] =	vst v2;
	v1 =	vadd.f32 v1, v3  }
0x34: {  	s17 =	sadd.s32 $0x1, s17;
	[tilespmem:s19+$0x410] =	vst v4;
	v0 =	vadd.f32 v0, v7  }
0x35: {  	s18 =	sshll.u32 s18, $0x4;
	p0 =	sne.s32 s17, $0x19;
	[tilespmem:s19+$0x420] =	vst v1  }
.Ltmp1:
0x36: {  	s18 =	sadd.s32 s6, s18;
	[tilespmem:s19+$0x430] =	vst v0;
	(pc) =	sbr.rel @p0 .LBB2_2-.Ltmp1, $4  }
0x37: {  	[hbm4b:s18+s1] =	stream.linear.scatter [tilespmem:s12], [sflag:$0x3], $0xC800, $0x38;
	[tilespmem:$0x19400] =	vst v63  }
0x38: {  	_ =	swait.ge [sflag:s9], $0xC800  }
0x39: {  	[sflag:s9] =	ssyncset.done $0x0  }
0x3a: {  	[sflag:s9] =	ssyncadd.s32 $0xFFFF3800  }
0x3b: {  	s16 =	sadd.s32 $0x1, s16  }
0x3c: {  	p0 =	sne.s32 s16, s8  }
.Ltmp2:
0x3d: {  	_ = 	snop;
	(pc) =	sbr.rel @p0 .LBB2_1-.Ltmp2, $1  }
0x3e: {  	_ =	sdelay $0x3  }
0x3f: {  	_ =	sfence.sel $0x180000  }
0x40: {  	[bflag:$0x0] =	sbarrier.arrive $0xFFFF  }
0x41: {  	p0 =	sne.s32 s2, $0x0;
	_ =	strace $0x90000050  }
0x42: {  	s0 =	sadd.s32 @!p0 $0x100000, s0;
	[bflag:$0x2] =	sbarrier.arrive $0xFFFF  }
0x43: {  	[sflag:s0] =	ssyncadd.tile.s32 @!p0 $0x1;
	_ =	shalt  }
.Lfunc_end2:
_tile_overlayer_lowered:
.L_overlay_start_2:
0x44: {  	(tag) =	ssettag $0x2  }
0x45: {  	s0 =	rddreg [dreg:$0x0];
	s2 =	stileid.u32  }
0x46: {  	s1 =	rddreg [dreg:$0x1];
	p0 =	sne.s32 s2, $0x0  }
0x47: {  	s3 =	rddreg [dreg:$0x2];
	[bflag:$0x3] =	sbarrier.arrive $0xFFFF;
	s2 =	simm.s32 @!p0 $0x1C03  }
0x48: {  	[timem:s3], [sflag:s2] =	dma.local @!p0 [hbm:s0], s1  }
0x49: {  	s0 =	simm.s32 @!p0 $0x3  }
0x4a: {  	_ =	swait.ge @!p0 [sflag:s0], s1  }
0x4b: {  	s1 =	ssub.s32 @!p0 $0x0, s1;
	[sflag:s0] =	ssyncset.done @!p0 $0x0  }
0x4c: {  	[sflag:s0] =	ssyncadd.s32 @!p0 s1  }
0x4d: {  	[bflag:$0x3] =	sbarrier.arrive $0xFFFF  }
0x4e: {  	_ =	shalt  }

// kernel: kernel.37.cloned.1.call-start
scs
__scs_entry_jumppad:
0x0: {  	(pc) =	sbr.rel $0x88, $3  }
0x1: {  	(tag) =	ssettag $0x0;
	lr =	simm.s32 $0x1  }
0x2: {  	[smem:$0x3F6B] =	sst lr;
	_ =	strace $0xD0000000  }
0x3: {  	_ = 	snop  }
0x4: {  	_ = 	snop  }
0x5: {  	_ = 	snop  }
0x6: {  	_ = 	snop  }
0x7: {  	_ = 	snop  }
__scs_overlays_trampoline_lowered:
0x8: {  	[smem:$0x3F7A] =	sst s0  }
0x9: {  	[smem:$0x3F7B] =	sst s1  }
0xa: {  	[smem:$0x3F7C] =	sst s2  }
0xb: {  	[smem:$0x3F7D] =	sst s3  }
0xc: {  	[smem:$0x3F7E] =	sst s4  }
0xd: {  	[smem:$0x3F7F] =	sst s5  }
0xe: {  	[smem:$0x3F80] =	sst s6  }
0xf: {  	[smem:$0x3F81] =	sst s7  }
0x10: {  	[smem:$0x3F82] =	sst s8  }
0x11: {  	[smem:$0x3F83] =	sst s9;
	s0 =	simm.s32 @!p0 $0x0  }
0x12: {  	s1 =	sld [smem:$0x3F69];
	s0 =	simm.s32 @p0 $0x1  }
0x13: {  	[smem:$0x3F84] =	sst s0;
	s0 =	simm.s32 @!p1 $0x0  }
0x14: {  	s2 =	sld [smem:$0x3F68];
	s0 =	simm.s32 @p1 $0x1  }
0x15: {  	[smem:$0x3F85] =	sst s0;
	s0 =	simm.s32 @!p2 $0x0  }
0x16: {  	s3 =	sld [smem:$0x3FDB];
	s0 =	simm.s32 @p2 $0x1  }
0x17: {  	s4 =	simm.s32 $0x1BF5;
	[smem:$0x3F87] =	sst s0  }
0x18: {  	s0 =	sld [smem:$0x3F6A];
	_ =	swait.ge [sflag:s4], $0x0  }
0x19: {  	s7 =	sld [smem:$0x3F6B]  }
0x1a: {  	s8 =	sadd.s32 $0xFFFFE003, lr  }
0x1b: {  	s9 =	sadd.s32 $0xFFFFFEF7, lr;
	s5 =	simm.s32 $0xFFFFFFFF;
	p2 =	slt.u32 s8, $0xFFFFF086  }
0x1c: {  	p1 =	slt.u32 s9, $0xF7A;
	s5 =	simm.s32 @!p2 $0x0  }
0x1d: {  	s5 =	simm.s32 @p1 $0x1;
	p0 =	seq.s32 s7, s2  }
0x1e: {  	s7 =	smul.u32 @!p0 $0xF7A, s2;
	p2 =	seq.s32 @!p0 s5, $0x0  }
0x1f: {  	s9 =	smul.u32 $0xF7A, s1;
	s8 =	simm.s32 @!p0 $0x1BF5;
	p2 =	por !p2, p0  }
0x20: {  	[sflag:s8] =	ssyncset.s32 @!p0 $0xFFFFF086;
	s6 =	sadd.s32 @!p0 s3, s7;
	s7 =	simm.s32 @!p0 $0x108  }
0x21: {  	s3 =	sadd.s32 s3, s9;
	s6 =	sadd.s32 @!p0 $0x88, s6;
	s7 =	simm.s32 @p2 $0x1082  }
0x22: {  	[simem:s7], [sflag:s8] =	dma.local @!p0 [hbm:s6], $0xF7A  }
0x23: {  	s9 =	sor.u32 $0xD0000000, s2;
	s6 =	simm.s32 $0x108;
	_ =	swait.ge @!p0 [sflag:s8], $0x0  }
0x24: {  	s3 =	sadd.s32 $0x88, s3;
	s6 =	simm.s32 @!p1 $0x1082;
	[sflag:s4] =	ssyncset.s32 $0xFFFFF086  }
0x25: {  	[simem:s6], [sflag:s4] =	dma.local [hbm:s3], $0xF7A  }
0x26: {  	[smem:$0x3F6B] =	sst s1;
	(tag) =	ssettag s2;
	_ =	strace s9  }
0x27: {  	s1 =	sld [smem:$0x3F7B]  }
0x28: {  	s2 =	sld [smem:$0x3F7C]  }
0x29: {  	s4 =	sld [smem:$0x3F7E]  }
0x2a: {  	p0 =	seq.s32 s5, $0x0;
	s5 =	sld [smem:$0x3F7F]  }
0x2b: {  	s6 =	sld [smem:$0x3F80]  }
0x2c: {  	s7 =	sld [smem:$0x3F81]  }
0x2d: {  	s3 =	simm.s32 $0x108;
	s8 =	sld [smem:$0x3F82]  }
0x2e: {  	s3 =	simm.s32 @!p0 $0x1082;
	s9 =	sld [smem:$0x3F83]  }
0x2f: {  	lr =	sadd.s32 s0, s3;
	s0 =	sld [smem:$0x3F7A]  }
0x30: {  	s3 =	sld [smem:$0x3F7D]  }
0x31: {  	[smem:$0x3F86] =	sst s10  }
0x32: {  	s10 =	sld [smem:$0x3F84];
	_ =	sdelay $0x3  }
0x33: {  	p0 =	seq.s32 s10, $0x1;
	s10 =	sld [smem:$0x3F86];
	_ =	sdelay $0x3  }
0x34: {  	[smem:$0x3F86] =	sst s10  }
0x35: {  	s10 =	sld [smem:$0x3F85];
	_ =	sdelay $0x3  }
0x36: {  	p1 =	seq.s32 s10, $0x1;
	s10 =	sld [smem:$0x3F86];
	_ =	sdelay $0x3  }
0x37: {  	[smem:$0x3F86] =	sst s10  }
0x38: {  	s10 =	sld [smem:$0x3F87]  }
0x39: {  	_ = 	snop;
	(pc) =	sbr.ind lr, $3  }
0x3a: {  	_ = 	snop  }
0x3b: {  	_ = 	snop  }
0x3c: {  	p2 =	seq.s32 s10, $0x1;
	s10 =	sld [smem:$0x3F86]  }
0x3d: {  	_ =	shalt  }
0x3e: {  	_ =	shalt  }
0x3f: {  	_ =	shalt  }
0x40: {  	_ =	shalt  }
0x41: {  	_ =	shalt  }
0x42: {  	_ =	shalt  }
0x43: {  	_ =	shalt  }
0x44: {  	_ =	shalt  }
0x45: {  	_ =	shalt  }
0x46: {  	_ =	shalt  }
0x47: {  	_ =	shalt  }
0x48: {  	_ =	shalt  }
0x49: {  	_ =	shalt  }
0x4a: {  	_ =	shalt  }
0x4b: {  	_ =	shalt  }
0x4c: {  	_ =	shalt  }
0x4d: {  	_ =	shalt  }
0x4e: {  	_ =	shalt  }
0x4f: {  	_ =	shalt  }
0x50: {  	_ =	shalt  }
0x51: {  	_ =	shalt  }
0x52: {  	_ =	shalt  }
0x53: {  	_ =	shalt  }
0x54: {  	_ =	shalt  }
0x55: {  	_ =	shalt  }
0x56: {  	_ =	shalt  }
0x57: {  	_ =	shalt  }
0x58: {  	_ =	shalt  }
0x59: {  	_ =	shalt  }
0x5a: {  	_ =	shalt  }
0x5b: {  	_ =	shalt  }
0x5c: {  	_ =	shalt  }
0x5d: {  	_ =	shalt  }
0x5e: {  	_ =	shalt  }
0x5f: {  	_ =	shalt  }
0x60: {  	_ =	shalt  }
0x61: {  	_ =	shalt  }
0x62: {  	_ =	shalt  }
0x63: {  	_ =	shalt  }
0x64: {  	_ =	shalt  }
0x65: {  	_ =	shalt  }
0x66: {  	_ =	shalt  }
0x67: {  	_ =	shalt  }
0x68: {  	_ =	shalt  }
0x69: {  	_ =	shalt  }
0x6a: {  	_ =	shalt  }
0x6b: {  	_ =	shalt  }
0x6c: {  	_ =	shalt  }
0x6d: {  	_ =	shalt  }
0x6e: {  	_ =	shalt  }
0x6f: {  	_ =	shalt  }
0x70: {  	_ =	shalt  }
0x71: {  	_ =	shalt  }
0x72: {  	_ =	shalt  }
0x73: {  	_ =	shalt  }
0x74: {  	_ =	shalt  }
0x75: {  	_ =	shalt  }
0x76: {  	_ =	shalt  }
0x77: {  	_ =	shalt  }
0x78: {  	_ =	shalt  }
0x79: {  	_ =	shalt  }
0x7a: {  	_ =	shalt  }
0x7b: {  	_ =	shalt  }
0x7c: {  	_ =	shalt  }
0x7d: {  	_ =	shalt  }
0x7e: {  	_ =	shalt  }
0x7f: {  	_ =	shalt  }
0x80: {  	_ =	shalt  }
0x81: {  	_ =	shalt  }
0x82: {  	_ =	shalt  }
0x83: {  	_ =	shalt  }
0x84: {  	_ =	shalt  }
0x85: {  	_ =	shalt  }
0x86: {  	_ =	shalt  }
0x87: {  	_ =	shalt  }
.Lfunc_end0:
.L_simem_size_0:
called_computation.4_lowered:
.L_overlay_start_0:
0x88: {  	s2 =	sld [smem:$0x3FD9]  }
0x89: {  	s3 =	sld [smem:$0x3FFE];
	_ =	sdelay $0x1  }
0x8a: {  	s1 =	srdreg.scid  }
0x8b: {  	s0 =	sand.u32 $0x1, s1  }
0x8c: {  	s16 =	sshll.u32 s0, $0xA;
	s2 =	sadd.s32 s3, s2  }
0x8d: {  	s2 =	sadd.s32 s2, s16  }
0x8e: {  	[smem:$0x3F92] =	sst s2  }
0x8f: {  	_ = 	snop  }
0x90: {  	(tm) =	ssettm $0x1  }
0x91: {  	s17 =	sld [smem:$0x3FFB];
	_ =	sdelay $0x3  }
0x92: {  	_ =	strace s17  }
0x93: {  	s2 =	sld [smem:$0x3FFC];
	_ =	sdelay $0x3  }
0x94: {  	_ =	strace s2  }
0x95: {  	s2 =	sld [smem:$0x3FFD];
	_ =	sdelay $0x3  }
0x96: {  	_ =	strace s2  }
0x97: {  	_ =	strace $0x8FFFFFFF  }
0x98: {  	s18 =	sld [smem:$0x3FDB];
	_ =	sdelay $0x1  }
0x99: {  	s19 =	simm.s32 $_scs_section_size  }
0x9a: {  	s4 =	simm.s32 $_size__tile_overlayer_lowered;
	s5 =	simm.s32 $_tile_overlayer_lowered  }
0x9b: {  	s22 =	simm.s32 $0x1BFF;
	s21 =	sshll.u32 s5, $0x1;
	s2 =	sadd.s32 s19, s18  }
0x9c: {  	s6 =	simm.s32 $0x0;
	s20 =	sshll.u32 s4, $0x1;
	s4 =	sadd.s32 s21, s2  }
0x9d: {  	[timem:s6], [sflag:s22] =	dma.local [hbm:s4], s20  }
0x9e: {  	_ =	swait.ge [sflag:s22], s20  }
0x9f: {  	s3 =	ssub.s32 $0x0, s20;
	[sflag:s22] =	ssyncset.done $0x0  }
0xa0: {  	[sflag:s22] =	ssyncadd.s32 s3;
	_ =	sdelay $0x1  }
0xa1: {  	s23 =	simm.s32 $0x1B8B  }
0xa2: {  	_ =	swait.ge [sflag:s23], $0x1  }
0xa3: {  	[sflag:s23] =	ssyncset.done $0x0  }
0xa4: {  	s25 =	simm.s32 $0x1B8E;
	s24 =	sld [smem:$0x3FFE];
	[sflag:s23] =	ssyncadd.s32 $0xFFFFFFFF  }
0xa5: {  	s26 =	simm.s32 $execute0_lowered;
	[smem:$0x3FD2] =	sst s25  }
0xa6: {  	s4 =	sshll.u32 s26, $0x1;
	_ =	strace $0x80000052;
	[dreg:$0x1] =	wrdreg $0xFFFFFFFF  }
0xa7: {  	s28 =	simm.s32 $_size_execute0_lowered;
	s2 =	sadd.s32 s2, s4;
	[dreg:$0x0] =	wrdreg $0x0  }
0xa8: {  	s4 =	sshll.u32 s28, $0x1;
	[dreg:$0x2] =	wrdreg s2  }
0xa9: {  	[dreg:$0x3] =	wrdreg s4  }
0xaa: {  	[dreg:$0x4] =	wrdreg $0xC0  }
0xab: {  	_ =	task [dreg:s6], $0x5FFFF  }
0xac: {  	[dreg:$0x1] =	wrdreg $0xFFFFFFFF  }
0xad: {  	[dreg:$0x0] =	wrdreg $0x60  }
0xae: {  	[dreg:$0x2] =	wrdreg s24  }
0xaf: {  	[dreg:$0x3] =	wrdreg $0x65000  }
0xb0: {  	[dreg:$0x4] =	wrdreg $0x9  }
0xb1: {  	_ =	task.clear_ibuf [dreg:s6], $0x5FFFF;
	_ =	strace $0x90000052  }
0xb2: {  	s29 =	simm.s32 $0x9;
	_ =	strace $0x80000054  }
0xb3: {  	_ =	swait.ge [sflag:s29], $0x1  }
0xb4: {  	[sflag:s29] =	ssyncadd.s32 $0xFFFFFFFF  }
0xb5: {  	_ =	strace $0x90000054  }
0xb6: {  	_ =	sfence  }
0xb7: {  	s30 =	sld [smem:$0x0];
	_ =	sdelay $0x2  }
0xb8: {  	s31 =	sshll.u32 s1, $0xD;
	s1 =	sshrl.u32 s1, $0x2  }
0xb9: {  	s3 =	sand.u32 $0x4000, s31;
	s1 =	sadd.s32 s1, s30  }
0xba: {  	s0 =	sor.u32 s3, s0;
	s1 =	sshll.u32 s1, $0x11  }
0xbb: {  	s0 =	sor.u32 s1, s0  }
0xbc: {  	s0 =	sadd.s32 $0x8F2B, s0  }
0xbd: {  	[sflag:s0] =	ssyncadd.remote.s32 $0x1  }
0xbe: {  	_ =	sfence.sel $0xFFFF  }
0xbf: {  	[dreg:$0x0] =	wrdreg $0xFFFFFFFF;
	(pc) =	sbr.abs _section_cstart, $3  }
0xc0: {  	[dreg:$0x1] =	wrdreg $0xFFFFFFFF  }
0xc1: {  	_ =	task.clear_ibuf [dreg:s6], $0x2FFFF;
	_ =	strace $0x9FFFFFFF  }
0xc2: {  	(tm) =	ssettm $0x7FFFFFFF  }
0xc3: {  	_ =	shalt  }
tec
execute0_lowered:
.L_overlay_start_1:
0x0: {  	(tag) =	ssettag $0x1  }
0x1: {  	s5 =	rddreg [dreg:$0x0];
	s2 =	stileid.u32  }
0x2: {  	s0 =	srdreg.scid;
	s8 =	smul.u32 $0x2710, s2  }
0x3: {  	s1 =	rddreg [dreg:$0x1];
	s16 =	smul.u32 $0x2800, s2  }
0x4: {  	s3 =	simm.s32 $0x0;
	s14 =	simm.s32 $0xC8;
	s26 =	smul.u32 $0x50000, s2  }
0x5: {  	s4 =	sand.u32 $0x1, s0;
	s0 =	rddreg [dreg:$0x2];
	s30 =	smul.u32 $0x27100, s2  }
0x6: {  	[smem:$0x7FF] =	sst s3;
	s13 =	sadd.s32 $0x12C000, s1;
	s6 =	smul.u32 $0x271000, s4  }
0x7: {  	p0 =	seq.s32 s2, $0xF;
	s7 =	smul.u32 $0x27100, s4;
	s4 =	ssub.s32 $0x2, s4  }
0x8: {  	_ =	strace $0x80000053;
	s28 =	sadd.s32 s16, s5;
	s11 =	sshrl.u32 s4, $0x1  }
0x9: {  	s29 =	sshrl.u32 s26, $0x2;
	s9 =	sadd.s32 s6, s5;
	s25 =	sadd.s32 s8, s7  }
0xa: {  	s7 =	sadd.s32 s7, s5;
	s11 =	ssub.s32 s4, s11;
	s12 =	sadd.s32 s29, s1  }
0xb: {  	s4 =	sadd.s32 $0x28600, s28;
	s6 =	sshrl.u32 s25, $0x3;
	s17 =	sadd.s32 $0xC5400, s7  }
0xc: {  	s31 =	sadd.s32 s30, s9;
	s9 =	sshrl.u32 @p0 s13, $0x3;
	s13 =	simm.s32 $0x100  }
0xd: {  	s10 =	sadd.s32 s6, s5;
	s5 =	sadd.s32 $0x4DE00, s5;
	s6 =	smax.u32 s11, $0x1  }
0xe: {  	s7 =	sadd.s32 $0x144E000, s31;
	s11 =	sshrl.u32 @!p0 s12, $0x3;
	s12 =	simm.s32 $0x1  }
0xf: {  	s15 =	sadd.s32 @p0 $0x25800, s17;
	s8 =	sadd.s32 $0x1E800, s10;
	s10 =	sshll.u32 @!p0 s2, $0x6  }
0x10: {  	s16 =	sadd.s32 @!p0 s16, s17;
	s17 =	simm.s32 $0x0;
	s10 =	sor.u32 @!p0 $0x1C01, s10  }
.LBB2_1:
0x11: {  	s18 =	simm.s32 @p0 $0x1FC1  }
0x12: {  	[spmem:s9], [sflag:s18] =	dma.local @p0 [hbm:s5], $0x1900  }
0x13: {  	s18 =	simm.s32 @p0 $0x1  }
0x14: {  	_ =	swait.ge @p0 [sflag:s18], $0x1900  }
0x15: {  	[sflag:s18] =	ssyncset.done @p0 $0x0  }
0x16: {  	[sflag:s18] =	ssyncadd.s32 @p0 $0xFFFFE700;
	s18 =	simm.s32 @!p0 $0x1  }
0x17: {  	[spmem:s11], [sflag:s10] =	dma.local @!p0 [hbm:s4], $0x2800  }
0x18: {  	_ =	swait.ge @!p0 [sflag:s18], $0x2800  }
0x19: {  	[sflag:s18] =	ssyncset.done @!p0 $0x0  }
0x1a: {  	[sflag:s18] =	ssyncadd.s32 @!p0 $0xFFFFD800  }
0x1b: {  	s31 =	sadd.s32 $0x0, s8;
	[bflag:$0x0] =	sbarrier.arrive $0xFFFF  }
0x1c: {  	[tilespmem:s3], [sflag:$0x1] =	stream.linear.gather [hbm4b:s31+s3], $0xC8, $0x38;
	[tilespmem:$0x19D80] =	vst v63  }
0x1d: {  	_ =	swait.ge [sflag:s12], $0xC8  }
0x1e: {  	[sflag:s12] =	ssyncset.done $0x0  }
0x1f: {  	[sflag:s12] =	ssyncadd.s32 $0xFFFFFF38  }
0x20: {  	[tilespmem:s13], [sflag:$0x1] =	stream.linear.gather [hbm4b:s7+s3], $0x6400, $0x38;
	[tilespmem:$0x19D80] =	vst v63  }
0x21: {  	_ =	swait.ge [sflag:s12], $0x6400  }
0x22: {  	[sflag:s12] =	ssyncset.done $0x0  }
0x23: {  	[sflag:s12] =	ssyncadd.s32 $0xFFFF9C00  }
0x24: {  	[spmem:s1] =	stream.indirect.scatter.add.f32 [tilespmem:s13], [sflag:$0x1], $0x80, s3, s14, $0xb8;
	[tilespmem:$0x19D80] =	vst v63  }
0x25: {  	s19 =	simm.s32 $0x19;
	_ =	swait.ge [sflag:s12], $0x6400  }
0x26: {  	s20 =	simm.s32 $0x32;
	s18 =	sadd.s32 $0xC80, s7;
	[sflag:s12] =	ssyncset.done $0x0  }
.LBB2_2:
0x27: {  	s21 =	sadd.s32 s19, s8  }
0x28: {  	[sflag:s12] =	ssyncadd.s32 $0xFFFF9C00;
	s19 =	smov.u32 s20;
	s22 =	sadd.s32 $0x19, s20  }
0x29: {  	[tilespmem:s3], [sflag:$0x1] =	stream.linear.gather [hbm4b:s21+s3], $0xC8, $0x38;
	[tilespmem:$0x19D80] =	vst v63  }
0x2a: {  	p1 =	sne.s32 s20, $0x4C9;
	_ =	swait.ge [sflag:s12], $0xC8  }
0x2b: {  	[sflag:s12] =	ssyncset.done $0x0  }
0x2c: {  	[sflag:s12] =	ssyncadd.s32 $0xFFFFFF38  }
0x2d: {  	[tilespmem:s13], [sflag:$0x1] =	stream.linear.gather [hbm4b:s18+s3], $0x6400, $0x38;
	[tilespmem:$0x19D80] =	vst v63  }
0x2e: {  	_ =	swait.ge [sflag:s12], $0x6400  }
.Ltmp0:
0x2f: {  	[sflag:s12] =	ssyncset.done $0x0;
	(pc) =	sbr.rel @p1 .LBB2_2-.Ltmp0, $4  }
0x30: {  	[sflag:s12] =	ssyncadd.s32 $0xFFFF9C00  }
0x31: {  	[spmem:s1] =	stream.indirect.scatter.add.f32 [tilespmem:s13], [sflag:$0x1], $0x80, s3, s14, $0xb8;
	[tilespmem:$0x19D80] =	vst v63  }
0x32: {  	_ =	swait.ge [sflag:s12], $0x6400  }
0x33: {  	s20 =	smov.u32 s22;
	s18 =	sadd.s32 $0xC80, s18;
	[sflag:s12] =	ssyncset.done $0x0  }
0x34: {  	s19 =	sadd.s32 s19, s8;
	[sflag:s12] =	ssyncadd.s32 $0xFFFF9C00  }
0x35: {  	[tilespmem:s3], [sflag:$0x1] =	stream.linear.gather [hbm4b:s19+s3], $0xC8, $0x38;
	[tilespmem:$0x19D80] =	vst v63  }
0x36: {  	_ =	swait.ge [sflag:s12], $0xC8  }
0x37: {  	[sflag:s12] =	ssyncset.done $0x0  }
0x38: {  	[sflag:s12] =	ssyncadd.s32 $0xFFFFFF38  }
0x39: {  	[tilespmem:s13], [sflag:$0x1] =	stream.linear.gather [hbm4b:s18+s3], $0x6400, $0x38;
	[tilespmem:$0x19D80] =	vst v63  }
0x3a: {  	_ =	swait.ge [sflag:s12], $0x6400  }
0x3b: {  	[sflag:s12] =	ssyncset.done $0x0  }
0x3c: {  	[sflag:s12] =	ssyncadd.s32 $0xFFFF9C00  }
0x3d: {  	[spmem:s1] =	stream.indirect.scatter.add.f32 [tilespmem:s13], [sflag:$0x1], $0x80, s3, s14, $0xb8;
	[tilespmem:$0x19D80] =	vst v63  }
0x3e: {  	_ =	swait.ge [sflag:s12], $0x6400  }
0x3f: {  	[sflag:s12] =	ssyncset.done $0x0  }
0x40: {  	[sflag:s12] =	ssyncadd.s32 $0xFFFF9C00  }
0x41: {  	s18 =	simm.s32 @p0 $0x1FC1;
	[bflag:$0x0] =	sbarrier.arrive $0xFFFF  }
0x42: {  	[hbm:s15], [sflag:s18] =	dma.local @p0 [spmem:s9], $0x1900  }
0x43: {  	s18 =	simm.s32 @p0 $0x1  }
0x44: {  	s17 =	sadd.s32 $0x1, s17;
	_ =	swait.ge @p0 [sflag:s18], $0x1900  }
0x45: {  	p1 =	sne.s32 s17, s6;
	[sflag:s18] =	ssyncset.done @p0 $0x0  }
.Ltmp1:
0x46: {  	[sflag:s18] =	ssyncadd.s32 @p0 $0xFFFFE700;
	s18 =	simm.s32 @!p0 $0x1;
	(pc) =	sbr.rel @p1 .LBB2_1-.Ltmp1, $4  }
0x47: {  	[hbm:s16], [sflag:s10] =	dma.local @!p0 [spmem:s11], $0x2800  }
0x48: {  	_ =	swait.ge @!p0 [sflag:s18], $0x2800  }
0x49: {  	[sflag:s18] =	ssyncset.done @!p0 $0x0  }
0x4a: {  	[sflag:s18] =	ssyncadd.s32 @!p0 $0xFFFFD800  }
0x4b: {  	_ =	sfence.sel $0x180000  }
0x4c: {  	[bflag:$0x0] =	sbarrier.arrive $0xFFFF  }
0x4d: {  	p0 =	sne.s32 s2, $0x0;
	_ =	strace $0x90000053  }
0x4e: {  	s0 =	sadd.s32 @!p0 $0x100000, s0;
	[bflag:$0x2] =	sbarrier.arrive $0xFFFF  }
0x4f: {  	[sflag:s0] =	ssyncadd.tile.s32 @!p0 $0x1;
	_ =	shalt  }
.Lfunc_end2:
_tile_overlayer_lowered:
.L_overlay_start_2:
0x50: {  	(tag) =	ssettag $0x2  }
0x51: {  	s0 =	rddreg [dreg:$0x0];
	s2 =	stileid.u32  }
0x52: {  	s1 =	rddreg [dreg:$0x1];
	p0 =	sne.s32 s2, $0x0  }
0x53: {  	s3 =	rddreg [dreg:$0x2];
	[bflag:$0x3] =	sbarrier.arrive $0xFFFF;
	s2 =	simm.s32 @!p0 $0x1C01  }
0x54: {  	[timem:s3], [sflag:s2] =	dma.local @!p0 [hbm:s0], s1  }
0x55: {  	s0 =	simm.s32 @!p0 $0x1  }
0x56: {  	_ =	swait.ge @!p0 [sflag:s0], s1  }
0x57: {  	s1 =	ssub.s32 @!p0 $0x0, s1;
	[sflag:s0] =	ssyncset.done @!p0 $0x0  }
0x58: {  	[sflag:s0] =	ssyncadd.s32 @!p0 s1  }
0x59: {  	[bflag:$0x3] =	sbarrier.arrive $0xFFFF  }
0x5a: {  	_ =	shalt  }

// kernel: kernel.40.cloned.1.call-start
scs
__scs_entry_jumppad:
0x0: {  	(pc) =	sbr.rel $0x88, $3  }
0x1: {  	(tag) =	ssettag $0x0;
	lr =	simm.s32 $0x1  }
0x2: {  	[smem:$0x3F6B] =	sst lr;
	_ =	strace $0xD0000000  }
0x3: {  	_ = 	snop  }
0x4: {  	_ = 	snop  }
0x5: {  	_ = 	snop  }
0x6: {  	_ = 	snop  }
0x7: {  	_ = 	snop  }
__scs_overlays_trampoline_lowered:
0x8: {  	[smem:$0x3F7A] =	sst s0  }
0x9: {  	[smem:$0x3F7B] =	sst s1  }
0xa: {  	[smem:$0x3F7C] =	sst s2  }
0xb: {  	[smem:$0x3F7D] =	sst s3  }
0xc: {  	[smem:$0x3F7E] =	sst s4  }
0xd: {  	[smem:$0x3F7F] =	sst s5  }
0xe: {  	[smem:$0x3F80] =	sst s6  }
0xf: {  	[smem:$0x3F81] =	sst s7  }
0x10: {  	[smem:$0x3F82] =	sst s8  }
0x11: {  	[smem:$0x3F83] =	sst s9;
	s0 =	simm.s32 @!p0 $0x0  }
0x12: {  	s1 =	sld [smem:$0x3F69];
	s0 =	simm.s32 @p0 $0x1  }
0x13: {  	[smem:$0x3F84] =	sst s0;
	s0 =	simm.s32 @!p1 $0x0  }
0x14: {  	s2 =	sld [smem:$0x3F68];
	s0 =	simm.s32 @p1 $0x1  }
0x15: {  	[smem:$0x3F85] =	sst s0;
	s0 =	simm.s32 @!p2 $0x0  }
0x16: {  	s3 =	sld [smem:$0x3FDB];
	s0 =	simm.s32 @p2 $0x1  }
0x17: {  	s4 =	simm.s32 $0x1BF5;
	[smem:$0x3F87] =	sst s0  }
0x18: {  	s0 =	sld [smem:$0x3F6A];
	_ =	swait.ge [sflag:s4], $0x0  }
0x19: {  	s7 =	sld [smem:$0x3F6B]  }
0x1a: {  	s8 =	sadd.s32 $0xFFFFE003, lr  }
0x1b: {  	s9 =	sadd.s32 $0xFFFFFEF7, lr;
	s5 =	simm.s32 $0xFFFFFFFF;
	p2 =	slt.u32 s8, $0xFFFFF086  }
0x1c: {  	p1 =	slt.u32 s9, $0xF7A;
	s5 =	simm.s32 @!p2 $0x0  }
0x1d: {  	s5 =	simm.s32 @p1 $0x1;
	p0 =	seq.s32 s7, s2  }
0x1e: {  	s7 =	smul.u32 @!p0 $0xF7A, s2;
	p2 =	seq.s32 @!p0 s5, $0x0  }
0x1f: {  	s9 =	smul.u32 $0xF7A, s1;
	s8 =	simm.s32 @!p0 $0x1BF5;
	p2 =	por !p2, p0  }
0x20: {  	[sflag:s8] =	ssyncset.s32 @!p0 $0xFFFFF086;
	s6 =	sadd.s32 @!p0 s3, s7;
	s7 =	simm.s32 @!p0 $0x108  }
0x21: {  	s3 =	sadd.s32 s3, s9;
	s6 =	sadd.s32 @!p0 $0x88, s6;
	s7 =	simm.s32 @p2 $0x1082  }
0x22: {  	[simem:s7], [sflag:s8] =	dma.local @!p0 [hbm:s6], $0xF7A  }
0x23: {  	s9 =	sor.u32 $0xD0000000, s2;
	s6 =	simm.s32 $0x108;
	_ =	swait.ge @!p0 [sflag:s8], $0x0  }
0x24: {  	s3 =	sadd.s32 $0x88, s3;
	s6 =	simm.s32 @!p1 $0x1082;
	[sflag:s4] =	ssyncset.s32 $0xFFFFF086  }
0x25: {  	[simem:s6], [sflag:s4] =	dma.local [hbm:s3], $0xF7A  }
0x26: {  	[smem:$0x3F6B] =	sst s1;
	(tag) =	ssettag s2;
	_ =	strace s9  }
0x27: {  	s1 =	sld [smem:$0x3F7B]  }
0x28: {  	s2 =	sld [smem:$0x3F7C]  }
0x29: {  	s4 =	sld [smem:$0x3F7E]  }
0x2a: {  	p0 =	seq.s32 s5, $0x0;
	s5 =	sld [smem:$0x3F7F]  }
0x2b: {  	s6 =	sld [smem:$0x3F80]  }
0x2c: {  	s7 =	sld [smem:$0x3F81]  }
0x2d: {  	s3 =	simm.s32 $0x108;
	s8 =	sld [smem:$0x3F82]  }
0x2e: {  	s3 =	simm.s32 @!p0 $0x1082;
	s9 =	sld [smem:$0x3F83]  }
0x2f: {  	lr =	sadd.s32 s0, s3;
	s0 =	sld [smem:$0x3F7A]  }
0x30: {  	s3 =	sld [smem:$0x3F7D]  }
0x31: {  	[smem:$0x3F86] =	sst s10  }
0x32: {  	s10 =	sld [smem:$0x3F84];
	_ =	sdelay $0x3  }
0x33: {  	p0 =	seq.s32 s10, $0x1;
	s10 =	sld [smem:$0x3F86];
	_ =	sdelay $0x3  }
0x34: {  	[smem:$0x3F86] =	sst s10  }
0x35: {  	s10 =	sld [smem:$0x3F85];
	_ =	sdelay $0x3  }
0x36: {  	p1 =	seq.s32 s10, $0x1;
	s10 =	sld [smem:$0x3F86];
	_ =	sdelay $0x3  }
0x37: {  	[smem:$0x3F86] =	sst s10  }
0x38: {  	s10 =	sld [smem:$0x3F87]  }
0x39: {  	_ = 	snop;
	(pc) =	sbr.ind lr, $3  }
0x3a: {  	_ = 	snop  }
0x3b: {  	_ = 	snop  }
0x3c: {  	p2 =	seq.s32 s10, $0x1;
	s10 =	sld [smem:$0x3F86]  }
0x3d: {  	_ =	shalt  }
0x3e: {  	_ =	shalt  }
0x3f: {  	_ =	shalt  }
0x40: {  	_ =	shalt  }
0x41: {  	_ =	shalt  }
0x42: {  	_ =	shalt  }
0x43: {  	_ =	shalt  }
0x44: {  	_ =	shalt  }
0x45: {  	_ =	shalt  }
0x46: {  	_ =	shalt  }
0x47: {  	_ =	shalt  }
0x48: {  	_ =	shalt  }
0x49: {  	_ =	shalt  }
0x4a: {  	_ =	shalt  }
0x4b: {  	_ =	shalt  }
0x4c: {  	_ =	shalt  }
0x4d: {  	_ =	shalt  }
0x4e: {  	_ =	shalt  }
0x4f: {  	_ =	shalt  }
0x50: {  	_ =	shalt  }
0x51: {  	_ =	shalt  }
0x52: {  	_ =	shalt  }
0x53: {  	_ =	shalt  }
0x54: {  	_ =	shalt  }
0x55: {  	_ =	shalt  }
0x56: {  	_ =	shalt  }
0x57: {  	_ =	shalt  }
0x58: {  	_ =	shalt  }
0x59: {  	_ =	shalt  }
0x5a: {  	_ =	shalt  }
0x5b: {  	_ =	shalt  }
0x5c: {  	_ =	shalt  }
0x5d: {  	_ =	shalt  }
0x5e: {  	_ =	shalt  }
0x5f: {  	_ =	shalt  }
0x60: {  	_ =	shalt  }
0x61: {  	_ =	shalt  }
0x62: {  	_ =	shalt  }
0x63: {  	_ =	shalt  }
0x64: {  	_ =	shalt  }
0x65: {  	_ =	shalt  }
0x66: {  	_ =	shalt  }
0x67: {  	_ =	shalt  }
0x68: {  	_ =	shalt  }
0x69: {  	_ =	shalt  }
0x6a: {  	_ =	shalt  }
0x6b: {  	_ =	shalt  }
0x6c: {  	_ =	shalt  }
0x6d: {  	_ =	shalt  }
0x6e: {  	_ =	shalt  }
0x6f: {  	_ =	shalt  }
0x70: {  	_ =	shalt  }
0x71: {  	_ =	shalt  }
0x72: {  	_ =	shalt  }
0x73: {  	_ =	shalt  }
0x74: {  	_ =	shalt  }
0x75: {  	_ =	shalt  }
0x76: {  	_ =	shalt  }
0x77: {  	_ =	shalt  }
0x78: {  	_ =	shalt  }
0x79: {  	_ =	shalt  }
0x7a: {  	_ =	shalt  }
0x7b: {  	_ =	shalt  }
0x7c: {  	_ =	shalt  }
0x7d: {  	_ =	shalt  }
0x7e: {  	_ =	shalt  }
0x7f: {  	_ =	shalt  }
0x80: {  	_ =	shalt  }
0x81: {  	_ =	shalt  }
0x82: {  	_ =	shalt  }
0x83: {  	_ =	shalt  }
0x84: {  	_ =	shalt  }
0x85: {  	_ =	shalt  }
0x86: {  	_ =	shalt  }
0x87: {  	_ =	shalt  }
.Lfunc_end0:
.L_simem_size_0:
called_computation.5_lowered:
.L_overlay_start_0:
0x88: {  	s2 =	sld [smem:$0x3FD9]  }
0x89: {  	s3 =	sld [smem:$0x3FFE];
	_ =	sdelay $0x1  }
0x8a: {  	s1 =	srdreg.scid  }
0x8b: {  	s0 =	sand.u32 $0x1, s1  }
0x8c: {  	s16 =	sshll.u32 s0, $0xA;
	s2 =	sadd.s32 s3, s2  }
0x8d: {  	s2 =	sadd.s32 s2, s16  }
0x8e: {  	[smem:$0x3F92] =	sst s2  }
0x8f: {  	_ = 	snop  }
0x90: {  	(tm) =	ssettm $0x1  }
0x91: {  	s17 =	sld [smem:$0x3FFB];
	_ =	sdelay $0x3  }
0x92: {  	_ =	strace s17  }
0x93: {  	s2 =	sld [smem:$0x3FFC];
	_ =	sdelay $0x3  }
0x94: {  	_ =	strace s2  }
0x95: {  	s2 =	sld [smem:$0x3FFD];
	_ =	sdelay $0x3  }
0x96: {  	_ =	strace s2  }
0x97: {  	_ =	strace $0x8FFFFFFF  }
0x98: {  	s18 =	sld [smem:$0x3FDB];
	_ =	sdelay $0x1  }
0x99: {  	s19 =	simm.s32 $_scs_section_size  }
0x9a: {  	s4 =	simm.s32 $_size__tile_overlayer_lowered;
	s5 =	simm.s32 $_tile_overlayer_lowered  }
0x9b: {  	s22 =	simm.s32 $0x1BFF;
	s21 =	sshll.u32 s5, $0x1;
	s2 =	sadd.s32 s19, s18  }
0x9c: {  	s6 =	simm.s32 $0x0;
	s20 =	sshll.u32 s4, $0x1;
	s4 =	sadd.s32 s21, s2  }
0x9d: {  	[timem:s6], [sflag:s22] =	dma.local [hbm:s4], s20  }
0x9e: {  	_ =	swait.ge [sflag:s22], s20  }
0x9f: {  	s3 =	ssub.s32 $0x0, s20;
	[sflag:s22] =	ssyncset.done $0x0  }
0xa0: {  	[sflag:s22] =	ssyncadd.s32 s3;
	_ =	sdelay $0x1  }
0xa1: {  	s23 =	simm.s32 $0x1B8B  }
0xa2: {  	_ =	swait.ge [sflag:s23], $0x1  }
0xa3: {  	[sflag:s23] =	ssyncset.done $0x0  }
0xa4: {  	s25 =	simm.s32 $0x1B8E;
	s24 =	sld [smem:$0x3FFE];
	[sflag:s23] =	ssyncadd.s32 $0xFFFFFFFF  }
0xa5: {  	s26 =	simm.s32 $execute0_lowered;
	[smem:$0x3FD2] =	sst s25  }
0xa6: {  	s4 =	sshll.u32 s26, $0x1;
	_ =	strace $0x80000055;
	[dreg:$0x1] =	wrdreg $0xFFFFFFFF  }
0xa7: {  	s28 =	simm.s32 $_size_execute0_lowered;
	s2 =	sadd.s32 s2, s4;
	[dreg:$0x0] =	wrdreg $0x0  }
0xa8: {  	s4 =	sshll.u32 s28, $0x1;
	[dreg:$0x2] =	wrdreg s2  }
0xa9: {  	[dreg:$0x3] =	wrdreg s4  }
0xaa: {  	[dreg:$0x4] =	wrdreg $0xC0  }
0xab: {  	_ =	task [dreg:s6], $0x5FFFF  }
0xac: {  	[dreg:$0x1] =	wrdreg $0xFFFFFFFF  }
0xad: {  	[dreg:$0x0] =	wrdreg $0x60  }
0xae: {  	[dreg:$0x2] =	wrdreg s24  }
0xaf: {  	[dreg:$0x3] =	wrdreg $0x9  }
0xb0: {  	_ =	task.clear_ibuf [dreg:s6], $0x4FFFF;
	_ =	strace $0x90000055  }
0xb1: {  	s29 =	simm.s32 $0x9;
	_ =	strace $0x80000057  }
0xb2: {  	_ =	swait.ge [sflag:s29], $0x1  }
0xb3: {  	[sflag:s29] =	ssyncadd.s32 $0xFFFFFFFF  }
0xb4: {  	_ =	strace $0x90000057  }
0xb5: {  	_ =	sfence  }
0xb6: {  	s30 =	sld [smem:$0x0];
	_ =	sdelay $0x2  }
0xb7: {  	s31 =	sshll.u32 s1, $0xD;
	s1 =	sshrl.u32 s1, $0x2  }
0xb8: {  	s3 =	sand.u32 $0x4000, s31;
	s1 =	sadd.s32 s1, s30  }
0xb9: {  	s0 =	sor.u32 s3, s0;
	s1 =	sshll.u32 s1, $0x11  }
0xba: {  	s0 =	sor.u32 s1, s0  }
0xbb: {  	s0 =	sadd.s32 $0x8F2B, s0  }
0xbc: {  	[sflag:s0] =	ssyncadd.remote.s32 $0x1  }
0xbd: {  	_ =	sfence.sel $0xFFFF  }
0xbe: {  	[dreg:$0x0] =	wrdreg $0xFFFFFFFF;
	(pc) =	sbr.abs _section_cstart, $3  }
0xbf: {  	[dreg:$0x1] =	wrdreg $0xFFFFFFFF  }
0xc0: {  	_ =	task.clear_ibuf [dreg:s6], $0x2FFFF;
	_ =	strace $0x9FFFFFFF  }
0xc1: {  	(tm) =	ssettm $0x7FFFFFFF  }
tec
execute0_lowered:
.L_overlay_start_1:
0x0: {  	(tag) =	ssettag $0x1  }
0x1: {  	s6 =	rddreg [dreg:$0x0]  }
0x2: {  	s0 =	rddreg [dreg:$0x1];
	s1 =	simm.s32 $0x0  }
0x3: {  	s4 =	srdreg.scid;
	s2 =	stileid.u32;
	s11 =	simm.s32 $0x190  }
0x4: {  	s12 =	simm.s32 $0x400;
	s13 =	simm.s32 $0xCC00;
	s14 =	simm.s32 $0x1  }
0x5: {  	s15 =	simm.s32 $0x2;
	s16 =	simm.s32 $0x0;
	[smem:$0x7FF] =	sst s1  }
0x6: {  	s3 =	sadd.s32 $0xC5400, s6;
	s7 =	sand.u32 $0x1, s4;
	s4 =	sadd.s32 $0x14A00, s6  }
0x7: {  	s9 =	sshll.u32 s2, $0x1;
	s5 =	sadd.s32 $0x1E800, s6;
	s8 =	ssub.s32 $0x2, s7  }
0x8: {  	s6 =	sadd.s32 $0x113E00, s6;
	_ =	strace $0x80000056;
	s10 =	sshrl.u32 s8, $0x1  }
0x9: {  	s7 =	sor.u32 s7, s9;
	s9 =	simm.s32 $0x3;
	s8 =	ssub.s32 s8, s10  }
0xa: {  	s7 =	smul.u32 $0x2710, s7;
	s10 =	simm.s32 $0x200;
	s8 =	smax.u32 s8, $0x1  }
.LBB2_1:
0xb: {  	s17 =	simm.s32 $0x0  }
.LBB2_2:
0xc: {  	s18 =	smul.u32 $0x190, s17;
	_ =	sdelay $0x1  }
0xd: {  	s18 =	sadd.s32 s7, s18  }
0xe: {  	s19 =	sshrl.u32 s18, $0x3  }
0xf: {  	s21 =	simm.s32 $0x0;
	s20 =	sadd.s32 s4, s19  }
0x10: {  	[tilespmem:s21], [sflag:$0x3] =	stream.linear.gather [hbm4b:s20+s21], $0x190, $0x38;
	[tilespmem:$0x19400] =	vst v63  }
0x11: {  	_ =	swait.ge [sflag:s9], $0x190  }
0x12: {  	[sflag:s9] =	ssyncset.done $0x0  }
0x13: {  	s19 =	sadd.s32 s5, s19;
	[sflag:s9] =	ssyncadd.s32 $0xFFFFFE70  }
0x14: {  	[tilespmem:s10], [sflag:$0x3] =	stream.linear.gather [hbm4b:s19+s21], $0x190, $0x38;
	[tilespmem:$0x19400] =	vst v63  }
0x15: {  	_ =	swait.ge [sflag:s9], $0x190  }
0x16: {  	[sflag:s9] =	ssyncset.done $0x0  }
0x17: {  	[sflag:s9] =	ssyncadd.s32 $0xFFFFFE70  }
0x18: {  	[tilespmem:s12], [sflag:$0x1] =	stream.indirect.gather [hbm4b:s3+s11], $0x80, s21, s11, $0xb8;
	[tilespmem:$0x19400] =	vst v63  }
0x19: {  	_ = 	snop  }
0x1a: {  	[tilespmem:s13], [sflag:$0x2] =	stream.indirect.gather [hbm4b:s3+s11], $0x80, s10, s11, $0xb8;
	[tilespmem:$0x19400] =	vst v63  }
0x1b: {  	_ =	swait.ge [sflag:s14], $0xC800  }
0x1c: {  	[sflag:s14] =	ssyncset.done $0x0  }
0x1d: {  	[sflag:s14] =	ssyncadd.s32 $0xFFFF3800  }
0x1e: {  	_ =	swait.ge [sflag:s15], $0xC800  }
0x1f: {  	[sflag:s15] =	ssyncset.done $0x0  }
0x20: {  	s19 =	simm.s32 $0x0;
	[sflag:s15] =	ssyncadd.s32 $0xFFFF3800  }
0x21: {  	v5 =	vld [tilespmem:s19+$0xCC40]  }
0x22: {  	v6 =	vld [tilespmem:s19+$0xCC50]  }
0x23: {  	v1 =	vld [tilespmem:s19+$0xCC60]  }
0x24: {  	v0 =	vld [tilespmem:s19+$0xCC70]  }
0x25: {  	v2 =	vld [tilespmem:s19+$0x400]  }
0x26: {  	v4 =	vld [tilespmem:s19+$0x410]  }
0x27: {  	s20 =	simm.s32 $0x200;
	v3 =	vld [tilespmem:s19+$0x420]  }
.LBB2_3:
0x28: {  	s21 =	sshra.s32 s20, $0x2;
	p0 =	sne.s32 s20, $0x31E00;
	v7 =	vld [tilespmem:s19+$0x430];
	v8 =	vmov v1  }
0x29: {  	v9 =	vld [tilespmem:s21+$0xCC40];
	v10 =	vmov v0  }
0x2a: {  	v11 =	vld [tilespmem:s21+$0xCC50];
	v2 =	vadd.f32 v5, v2  }
.Ltmp0:
0x2b: {  	v1 =	vld [tilespmem:s21+$0xCC60];
	v4 =	vadd.f32 v6, v4;
	(pc) =	sbr.rel @p0 .LBB2_3-.Ltmp0, $4  }
0x2c: {  	v0 =	vld [tilespmem:s21+$0xCC70];
	[tilespmem:s19+$0x400] =	vst v2;
	v3 =	vadd.f32 v8, v3  }
0x2d: {  	v2 =	vld [tilespmem:s21+$0x400];
	[tilespmem:s19+$0x410] =	vst v4;
	v7 =	vadd.f32 v10, v7  }
0x2e: {  	v4 =	vld [tilespmem:s21+$0x410];
	[tilespmem:s19+$0x420] =	vst v3;
	v5 =	vmov v9  }
0x2f: {  	s20 =	sadd.s32 $0x200, s20;
	v3 =	vld [tilespmem:s21+$0x420];
	[tilespmem:s19+$0x430] =	vst v7;
	v6 =	vmov v11;
	s19 =	smov.u32 s21  }
0x30: {  	v7 =	vld [tilespmem:s19+$0x430];
	_ =	sdelay $0x1  }
0x31: {  	v2 =	vadd.f32 v5, v2  }
0x32: {  	v4 =	vadd.f32 v6, v4  }
0x33: {  	[tilespmem:s19+$0x400] =	vst v2;
	v1 =	vadd.f32 v1, v3  }
0x34: {  	s17 =	sadd.s32 $0x1, s17;
	[tilespmem:s19+$0x410] =	vst v4;
	v0 =	vadd.f32 v0, v7  }
0x35: {  	s18 =	sshll.u32 s18, $0x4;
	p0 =	sne.s32 s17, $0x19;
	[tilespmem:s19+$0x420] =	vst v1  }
.Ltmp1:
0x36: {  	s18 =	sadd.s32 s6, s18;
	[tilespmem:s19+$0x430] =	vst v0;
	(pc) =	sbr.rel @p0 .LBB2_2-.Ltmp1, $4  }
0x37: {  	[hbm4b:s18+s1] =	stream.linear.scatter [tilespmem:s12], [sflag:$0x3], $0xC800, $0x38;
	[tilespmem:$0x19400] =	vst v63  }
0x38: {  	_ =	swait.ge [sflag:s9], $0xC800  }
0x39: {  	[sflag:s9] =	ssyncset.done $0x0  }
0x3a: {  	[sflag:s9] =	ssyncadd.s32 $0xFFFF3800  }
0x3b: {  	s16 =	sadd.s32 $0x1, s16  }
0x3c: {  	p0 =	sne.s32 s16, s8  }
.Ltmp2:
0x3d: {  	_ = 	snop;
	(pc) =	sbr.rel @p0 .LBB2_1-.Ltmp2, $1  }
0x3e: {  	_ =	sdelay $0x3  }
0x3f: {  	_ =	sfence.sel $0x180000  }
0x40: {  	[bflag:$0x0] =	sbarrier.arrive $0xFFFF  }
0x41: {  	p0 =	sne.s32 s2, $0x0;
	_ =	strace $0x90000056  }
0x42: {  	s0 =	sadd.s32 @!p0 $0x100000, s0;
	[bflag:$0x2] =	sbarrier.arrive $0xFFFF  }
0x43: {  	[sflag:s0] =	ssyncadd.tile.s32 @!p0 $0x1;
	_ =	shalt  }
.Lfunc_end2:
_tile_overlayer_lowered:
.L_overlay_start_2:
0x44: {  	(tag) =	ssettag $0x2  }
0x45: {  	s0 =	rddreg [dreg:$0x0];
	s2 =	stileid.u32  }
0x46: {  	s1 =	rddreg [dreg:$0x1];
	p0 =	sne.s32 s2, $0x0  }
0x47: {  	s3 =	rddreg [dreg:$0x2];
	[bflag:$0x3] =	sbarrier.arrive $0xFFFF;
	s2 =	simm.s32 @!p0 $0x1C03  }
0x48: {  	[timem:s3], [sflag:s2] =	dma.local @!p0 [hbm:s0], s1  }
0x49: {  	s0 =	simm.s32 @!p0 $0x3  }
0x4a: {  	_ =	swait.ge @!p0 [sflag:s0], s1  }
0x4b: {  	s1 =	ssub.s32 @!p0 $0x0, s1;
	[sflag:s0] =	ssyncset.done @!p0 $0x0  }
0x4c: {  	[sflag:s0] =	ssyncadd.s32 @!p0 s1  }
0x4d: {  	[bflag:$0x3] =	sbarrier.arrive $0xFFFF  }
0x4e: {  	_ =	shalt  }

// kernel: kernel.43.cloned.1.call-start
scs
__scs_entry_jumppad:
0x0: {  	(pc) =	sbr.rel $0x88, $3  }
0x1: {  	(tag) =	ssettag $0x0;
	lr =	simm.s32 $0x1  }
0x2: {  	[smem:$0x3F6B] =	sst lr;
	_ =	strace $0xD0000000  }
0x3: {  	_ = 	snop  }
0x4: {  	_ = 	snop  }
0x5: {  	_ = 	snop  }
0x6: {  	_ = 	snop  }
0x7: {  	_ = 	snop  }
__scs_overlays_trampoline_lowered:
0x8: {  	[smem:$0x3F7A] =	sst s0  }
0x9: {  	[smem:$0x3F7B] =	sst s1  }
0xa: {  	[smem:$0x3F7C] =	sst s2  }
0xb: {  	[smem:$0x3F7D] =	sst s3  }
0xc: {  	[smem:$0x3F7E] =	sst s4  }
0xd: {  	[smem:$0x3F7F] =	sst s5  }
0xe: {  	[smem:$0x3F80] =	sst s6  }
0xf: {  	[smem:$0x3F81] =	sst s7  }
0x10: {  	[smem:$0x3F82] =	sst s8  }
0x11: {  	[smem:$0x3F83] =	sst s9;
	s0 =	simm.s32 @!p0 $0x0  }
0x12: {  	s1 =	sld [smem:$0x3F69];
	s0 =	simm.s32 @p0 $0x1  }
0x13: {  	[smem:$0x3F84] =	sst s0;
	s0 =	simm.s32 @!p1 $0x0  }
0x14: {  	s2 =	sld [smem:$0x3F68];
	s0 =	simm.s32 @p1 $0x1  }
0x15: {  	[smem:$0x3F85] =	sst s0;
	s0 =	simm.s32 @!p2 $0x0  }
0x16: {  	s3 =	sld [smem:$0x3FDB];
	s0 =	simm.s32 @p2 $0x1  }
0x17: {  	s4 =	simm.s32 $0x1BF5;
	[smem:$0x3F87] =	sst s0  }
0x18: {  	s0 =	sld [smem:$0x3F6A];
	_ =	swait.ge [sflag:s4], $0x0  }
0x19: {  	s7 =	sld [smem:$0x3F6B]  }
0x1a: {  	s8 =	sadd.s32 $0xFFFFE003, lr  }
0x1b: {  	s9 =	sadd.s32 $0xFFFFFEF7, lr;
	s5 =	simm.s32 $0xFFFFFFFF;
	p2 =	slt.u32 s8, $0xFFFFF086  }
0x1c: {  	p1 =	slt.u32 s9, $0xF7A;
	s5 =	simm.s32 @!p2 $0x0  }
0x1d: {  	s5 =	simm.s32 @p1 $0x1;
	p0 =	seq.s32 s7, s2  }
0x1e: {  	s7 =	smul.u32 @!p0 $0xF7A, s2;
	p2 =	seq.s32 @!p0 s5, $0x0  }
0x1f: {  	s9 =	smul.u32 $0xF7A, s1;
	s8 =	simm.s32 @!p0 $0x1BF5;
	p2 =	por !p2, p0  }
0x20: {  	[sflag:s8] =	ssyncset.s32 @!p0 $0xFFFFF086;
	s6 =	sadd.s32 @!p0 s3, s7;
	s7 =	simm.s32 @!p0 $0x108  }
0x21: {  	s3 =	sadd.s32 s3, s9;
	s6 =	sadd.s32 @!p0 $0x88, s6;
	s7 =	simm.s32 @p2 $0x1082  }
0x22: {  	[simem:s7], [sflag:s8] =	dma.local @!p0 [hbm:s6], $0xF7A  }
0x23: {  	s9 =	sor.u32 $0xD0000000, s2;
	s6 =	simm.s32 $0x108;
	_ =	swait.ge @!p0 [sflag:s8], $0x0  }
0x24: {  	s3 =	sadd.s32 $0x88, s3;
	s6 =	simm.s32 @!p1 $0x1082;
	[sflag:s4] =	ssyncset.s32 $0xFFFFF086  }
0x25: {  	[simem:s6], [sflag:s4] =	dma.local [hbm:s3], $0xF7A  }
0x26: {  	[smem:$0x3F6B] =	sst s1;
	(tag) =	ssettag s2;
	_ =	strace s9  }
0x27: {  	s1 =	sld [smem:$0x3F7B]  }
0x28: {  	s2 =	sld [smem:$0x3F7C]  }
0x29: {  	s4 =	sld [smem:$0x3F7E]  }
0x2a: {  	p0 =	seq.s32 s5, $0x0;
	s5 =	sld [smem:$0x3F7F]  }
0x2b: {  	s6 =	sld [smem:$0x3F80]  }
0x2c: {  	s7 =	sld [smem:$0x3F81]  }
0x2d: {  	s3 =	simm.s32 $0x108;
	s8 =	sld [smem:$0x3F82]  }
0x2e: {  	s3 =	simm.s32 @!p0 $0x1082;
	s9 =	sld [smem:$0x3F83]  }
0x2f: {  	lr =	sadd.s32 s0, s3;
	s0 =	sld [smem:$0x3F7A]  }
0x30: {  	s3 =	sld [smem:$0x3F7D]  }
0x31: {  	[smem:$0x3F86] =	sst s10  }
0x32: {  	s10 =	sld [smem:$0x3F84];
	_ =	sdelay $0x3  }
0x33: {  	p0 =	seq.s32 s10, $0x1;
	s10 =	sld [smem:$0x3F86];
	_ =	sdelay $0x3  }
0x34: {  	[smem:$0x3F86] =	sst s10  }
0x35: {  	s10 =	sld [smem:$0x3F85];
	_ =	sdelay $0x3  }
0x36: {  	p1 =	seq.s32 s10, $0x1;
	s10 =	sld [smem:$0x3F86];
	_ =	sdelay $0x3  }
0x37: {  	[smem:$0x3F86] =	sst s10  }
0x38: {  	s10 =	sld [smem:$0x3F87]  }
0x39: {  	_ = 	snop;
	(pc) =	sbr.ind lr, $3  }
0x3a: {  	_ = 	snop  }
0x3b: {  	_ = 	snop  }
0x3c: {  	p2 =	seq.s32 s10, $0x1;
	s10 =	sld [smem:$0x3F86]  }
0x3d: {  	_ =	shalt  }
0x3e: {  	_ =	shalt  }
0x3f: {  	_ =	shalt  }
0x40: {  	_ =	shalt  }
0x41: {  	_ =	shalt  }
0x42: {  	_ =	shalt  }
0x43: {  	_ =	shalt  }
0x44: {  	_ =	shalt  }
0x45: {  	_ =	shalt  }
0x46: {  	_ =	shalt  }
0x47: {  	_ =	shalt  }
0x48: {  	_ =	shalt  }
0x49: {  	_ =	shalt  }
0x4a: {  	_ =	shalt  }
0x4b: {  	_ =	shalt  }
0x4c: {  	_ =	shalt  }
0x4d: {  	_ =	shalt  }
0x4e: {  	_ =	shalt  }
0x4f: {  	_ =	shalt  }
0x50: {  	_ =	shalt  }
0x51: {  	_ =	shalt  }
0x52: {  	_ =	shalt  }
0x53: {  	_ =	shalt  }
0x54: {  	_ =	shalt  }
0x55: {  	_ =	shalt  }
0x56: {  	_ =	shalt  }
0x57: {  	_ =	shalt  }
0x58: {  	_ =	shalt  }
0x59: {  	_ =	shalt  }
0x5a: {  	_ =	shalt  }
0x5b: {  	_ =	shalt  }
0x5c: {  	_ =	shalt  }
0x5d: {  	_ =	shalt  }
0x5e: {  	_ =	shalt  }
0x5f: {  	_ =	shalt  }
0x60: {  	_ =	shalt  }
0x61: {  	_ =	shalt  }
0x62: {  	_ =	shalt  }
0x63: {  	_ =	shalt  }
0x64: {  	_ =	shalt  }
0x65: {  	_ =	shalt  }
0x66: {  	_ =	shalt  }
0x67: {  	_ =	shalt  }
0x68: {  	_ =	shalt  }
0x69: {  	_ =	shalt  }
0x6a: {  	_ =	shalt  }
0x6b: {  	_ =	shalt  }
0x6c: {  	_ =	shalt  }
0x6d: {  	_ =	shalt  }
0x6e: {  	_ =	shalt  }
0x6f: {  	_ =	shalt  }
0x70: {  	_ =	shalt  }
0x71: {  	_ =	shalt  }
0x72: {  	_ =	shalt  }
0x73: {  	_ =	shalt  }
0x74: {  	_ =	shalt  }
0x75: {  	_ =	shalt  }
0x76: {  	_ =	shalt  }
0x77: {  	_ =	shalt  }
0x78: {  	_ =	shalt  }
0x79: {  	_ =	shalt  }
0x7a: {  	_ =	shalt  }
0x7b: {  	_ =	shalt  }
0x7c: {  	_ =	shalt  }
0x7d: {  	_ =	shalt  }
0x7e: {  	_ =	shalt  }
0x7f: {  	_ =	shalt  }
0x80: {  	_ =	shalt  }
0x81: {  	_ =	shalt  }
0x82: {  	_ =	shalt  }
0x83: {  	_ =	shalt  }
0x84: {  	_ =	shalt  }
0x85: {  	_ =	shalt  }
0x86: {  	_ =	shalt  }
0x87: {  	_ =	shalt  }
.Lfunc_end0:
.L_simem_size_0:
called_computation.6_lowered:
.L_overlay_start_0:
0x88: {  	s2 =	sld [smem:$0x3FD9]  }
0x89: {  	s3 =	sld [smem:$0x3FFE];
	_ =	sdelay $0x1  }
0x8a: {  	s1 =	srdreg.scid  }
0x8b: {  	s0 =	sand.u32 $0x1, s1  }
0x8c: {  	s16 =	sshll.u32 s0, $0xA;
	s2 =	sadd.s32 s3, s2  }
0x8d: {  	s2 =	sadd.s32 s2, s16  }
0x8e: {  	[smem:$0x3F92] =	sst s2  }
0x8f: {  	_ = 	snop  }
0x90: {  	(tm) =	ssettm $0x1  }
0x91: {  	s17 =	sld [smem:$0x3FFB];
	_ =	sdelay $0x3  }
0x92: {  	_ =	strace s17  }
0x93: {  	s2 =	sld [smem:$0x3FFC];
	_ =	sdelay $0x3  }
0x94: {  	_ =	strace s2  }
0x95: {  	s2 =	sld [smem:$0x3FFD];
	_ =	sdelay $0x3  }
0x96: {  	_ =	strace s2  }
0x97: {  	_ =	strace $0x8FFFFFFF  }
0x98: {  	s18 =	sld [smem:$0x3FDB];
	_ =	sdelay $0x1  }
0x99: {  	s19 =	simm.s32 $_scs_section_size  }
0x9a: {  	s4 =	simm.s32 $_size__tile_overlayer_lowered;
	s5 =	simm.s32 $_tile_overlayer_lowered  }
0x9b: {  	s22 =	simm.s32 $0x1BFF;
	s21 =	sshll.u32 s5, $0x1;
	s2 =	sadd.s32 s19, s18  }
0x9c: {  	s6 =	simm.s32 $0x0;
	s20 =	sshll.u32 s4, $0x1;
	s4 =	sadd.s32 s21, s2  }
0x9d: {  	[timem:s6], [sflag:s22] =	dma.local [hbm:s4], s20  }
0x9e: {  	_ =	swait.ge [sflag:s22], s20  }
0x9f: {  	s3 =	ssub.s32 $0x0, s20;
	[sflag:s22] =	ssyncset.done $0x0  }
0xa0: {  	[sflag:s22] =	ssyncadd.s32 s3;
	_ =	sdelay $0x1  }
0xa1: {  	s23 =	simm.s32 $0x1B8B  }
0xa2: {  	_ =	swait.ge [sflag:s23], $0x1  }
0xa3: {  	[sflag:s23] =	ssyncset.done $0x0  }
0xa4: {  	s25 =	simm.s32 $0x1B8E;
	s24 =	sld [smem:$0x3FFE];
	[sflag:s23] =	ssyncadd.s32 $0xFFFFFFFF  }
0xa5: {  	s26 =	simm.s32 $execute0_lowered;
	[smem:$0x3FD2] =	sst s25  }
0xa6: {  	s4 =	sshll.u32 s26, $0x1;
	_ =	strace $0x80000058;
	[dreg:$0x1] =	wrdreg $0xFFFFFFFF  }
0xa7: {  	s28 =	simm.s32 $_size_execute0_lowered;
	s2 =	sadd.s32 s2, s4;
	[dreg:$0x0] =	wrdreg $0x0  }
0xa8: {  	s4 =	sshll.u32 s28, $0x1;
	[dreg:$0x2] =	wrdreg s2  }
0xa9: {  	[dreg:$0x3] =	wrdreg s4  }
0xaa: {  	[dreg:$0x4] =	wrdreg $0xC0  }
0xab: {  	_ =	task [dreg:s6], $0x5FFFF  }
0xac: {  	[dreg:$0x1] =	wrdreg $0xFFFFFFFF  }
0xad: {  	[dreg:$0x0] =	wrdreg $0x60  }
0xae: {  	[dreg:$0x2] =	wrdreg s24  }
0xaf: {  	[dreg:$0x3] =	wrdreg $0x65000  }
0xb0: {  	[dreg:$0x4] =	wrdreg $0x9  }
0xb1: {  	_ =	task.clear_ibuf [dreg:s6], $0x5FFFF;
	_ =	strace $0x90000058  }
0xb2: {  	s29 =	simm.s32 $0x9;
	_ =	strace $0x8000005A  }
0xb3: {  	_ =	swait.ge [sflag:s29], $0x1  }
0xb4: {  	[sflag:s29] =	ssyncadd.s32 $0xFFFFFFFF  }
0xb5: {  	_ =	strace $0x9000005A  }
0xb6: {  	_ =	sfence  }
0xb7: {  	s30 =	sld [smem:$0x0];
	_ =	sdelay $0x2  }
0xb8: {  	s31 =	sshll.u32 s1, $0xD;
	s1 =	sshrl.u32 s1, $0x2  }
0xb9: {  	s3 =	sand.u32 $0x4000, s31;
	s1 =	sadd.s32 s1, s30  }
0xba: {  	s0 =	sor.u32 s3, s0;
	s1 =	sshll.u32 s1, $0x11  }
0xbb: {  	s0 =	sor.u32 s1, s0  }
0xbc: {  	s0 =	sadd.s32 $0x8F2B, s0  }
0xbd: {  	[sflag:s0] =	ssyncadd.remote.s32 $0x1  }
0xbe: {  	_ =	sfence.sel $0xFFFF  }
0xbf: {  	[dreg:$0x0] =	wrdreg $0xFFFFFFFF;
	(pc) =	sbr.abs _section_cstart, $3  }
0xc0: {  	[dreg:$0x1] =	wrdreg $0xFFFFFFFF  }
0xc1: {  	_ =	task.clear_ibuf [dreg:s6], $0x2FFFF;
	_ =	strace $0x9FFFFFFF  }
0xc2: {  	(tm) =	ssettm $0x7FFFFFFF  }
0xc3: {  	_ =	shalt  }
tec
execute0_lowered:
.L_overlay_start_1:
0x0: {  	(tag) =	ssettag $0x1  }
0x1: {  	s5 =	rddreg [dreg:$0x0];
	s2 =	stileid.u32  }
0x2: {  	s0 =	srdreg.scid;
	s8 =	smul.u32 $0x2710, s2  }
0x3: {  	s1 =	rddreg [dreg:$0x1];
	s16 =	smul.u32 $0x2800, s2  }
0x4: {  	s3 =	simm.s32 $0x0;
	s14 =	simm.s32 $0xC8;
	s26 =	smul.u32 $0x50000, s2  }
0x5: {  	s4 =	sand.u32 $0x1, s0;
	s0 =	rddreg [dreg:$0x2];
	s30 =	smul.u32 $0x27100, s2  }
0x6: {  	[smem:$0x7FF] =	sst s3;
	s13 =	sadd.s32 $0x12C000, s1;
	s6 =	smul.u32 $0x271000, s4  }
0x7: {  	p0 =	seq.s32 s2, $0xF;
	s7 =	smul.u32 $0x27100, s4;
	s4 =	ssub.s32 $0x2, s4  }
0x8: {  	_ =	strace $0x80000059;
	s28 =	sadd.s32 s16, s5;
	s11 =	sshrl.u32 s4, $0x1  }
0x9: {  	s29 =	sshrl.u32 s26, $0x2;
	s9 =	sadd.s32 s6, s5;
	s25 =	sadd.s32 s8, s7  }
0xa: {  	s7 =	sadd.s32 s7, s5;
	s11 =	ssub.s32 s4, s11;
	s12 =	sadd.s32 s29, s1  }
0xb: {  	s4 =	sadd.s32 $0x28600, s28;
	s6 =	sshrl.u32 s25, $0x3;
	s17 =	sadd.s32 $0xC5400, s7  }
0xc: {  	s31 =	sadd.s32 s30, s9;
	s9 =	sshrl.u32 @p0 s13, $0x3;
	s13 =	simm.s32 $0x100  }
0xd: {  	s10 =	sadd.s32 s6, s5;
	s5 =	sadd.s32 $0x4DE00, s5;
	s6 =	smax.u32 s11, $0x1  }
0xe: {  	s7 =	sadd.s32 $0xAD7E00, s31;
	s11 =	sshrl.u32 @!p0 s12, $0x3;
	s12 =	simm.s32 $0x1  }
0xf: {  	s15 =	sadd.s32 @p0 $0x25800, s17;
	s8 =	sadd.s32 $0x1E800, s10;
	s10 =	sshll.u32 @!p0 s2, $0x6  }
0x10: {  	s16 =	sadd.s32 @!p0 s16, s17;
	s17 =	simm.s32 $0x0;
	s10 =	sor.u32 @!p0 $0x1C01, s10  }
.LBB2_1:
0x11: {  	s18 =	simm.s32 @p0 $0x1FC1  }
0x12: {  	[spmem:s9], [sflag:s18] =	dma.local @p0 [hbm:s5], $0x1900  }
0x13: {  	s18 =	simm.s32 @p0 $0x1  }
0x14: {  	_ =	swait.ge @p0 [sflag:s18], $0x1900  }
0x15: {  	[sflag:s18] =	ssyncset.done @p0 $0x0  }
0x16: {  	[sflag:s18] =	ssyncadd.s32 @p0 $0xFFFFE700;
	s18 =	simm.s32 @!p0 $0x1  }
0x17: {  	[spmem:s11], [sflag:s10] =	dma.local @!p0 [hbm:s4], $0x2800  }
0x18: {  	_ =	swait.ge @!p0 [sflag:s18], $0x2800  }
0x19: {  	[sflag:s18] =	ssyncset.done @!p0 $0x0  }
0x1a: {  	[sflag:s18] =	ssyncadd.s32 @!p0 $0xFFFFD800  }
0x1b: {  	s31 =	sadd.s32 $0x0, s8;
	[bflag:$0x0] =	sbarrier.arrive $0xFFFF  }
0x1c: {  	[tilespmem:s3], [sflag:$0x1] =	stream.linear.gather [hbm4b:s31+s3], $0xC8, $0x38;
	[tilespmem:$0x19D80] =	vst v63  }
0x1d: {  	_ =	swait.ge [sflag:s12], $0xC8  }
0x1e: {  	[sflag:s12] =	ssyncset.done $0x0  }
0x1f: {  	[sflag:s12] =	ssyncadd.s32 $0xFFFFFF38  }
0x20: {  	[tilespmem:s13], [sflag:$0x1] =	stream.linear.gather [hbm4b:s7+s3], $0x6400, $0x38;
	[tilespmem:$0x19D80] =	vst v63  }
0x21: {  	_ =	swait.ge [sflag:s12], $0x6400  }
0x22: {  	[sflag:s12] =	ssyncset.done $0x0  }
0x23: {  	[sflag:s12] =	ssyncadd.s32 $0xFFFF9C00  }
0x24: {  	[spmem:s1] =	stream.indirect.scatter.add.f32 [tilespmem:s13], [sflag:$0x1], $0x80, s3, s14, $0xb8;
	[tilespmem:$0x19D80] =	vst v63  }
0x25: {  	s19 =	simm.s32 $0x19;
	_ =	swait.ge [sflag:s12], $0x6400  }
0x26: {  	s20 =	simm.s32 $0x32;
	s18 =	sadd.s32 $0xC80, s7;
	[sflag:s12] =	ssyncset.done $0x0  }
.LBB2_2:
0x27: {  	s21 =	sadd.s32 s19, s8  }
0x28: {  	[sflag:s12] =	ssyncadd.s32 $0xFFFF9C00;
	s19 =	smov.u32 s20;
	s22 =	sadd.s32 $0x19, s20  }
0x29: {  	[tilespmem:s3], [sflag:$0x1] =	stream.linear.gather [hbm4b:s21+s3], $0xC8, $0x38;
	[tilespmem:$0x19D80] =	vst v63  }
0x2a: {  	p1 =	sne.s32 s20, $0x4C9;
	_ =	swait.ge [sflag:s12], $0xC8  }
0x2b: {  	[sflag:s12] =	ssyncset.done $0x0  }
0x2c: {  	[sflag:s12] =	ssyncadd.s32 $0xFFFFFF38  }
0x2d: {  	[tilespmem:s13], [sflag:$0x1] =	stream.linear.gather [hbm4b:s18+s3], $0x6400, $0x38;
	[tilespmem:$0x19D80] =	vst v63  }
0x2e: {  	_ =	swait.ge [sflag:s12], $0x6400  }
.Ltmp0:
0x2f: {  	[sflag:s12] =	ssyncset.done $0x0;
	(pc) =	sbr.rel @p1 .LBB2_2-.Ltmp0, $4  }
0x30: {  	[sflag:s12] =	ssyncadd.s32 $0xFFFF9C00  }
0x31: {  	[spmem:s1] =	stream.indirect.scatter.add.f32 [tilespmem:s13], [sflag:$0x1], $0x80, s3, s14, $0xb8;
	[tilespmem:$0x19D80] =	vst v63  }
0x32: {  	_ =	swait.ge [sflag:s12], $0x6400  }
0x33: {  	s20 =	smov.u32 s22;
	s18 =	sadd.s32 $0xC80, s18;
	[sflag:s12] =	ssyncset.done $0x0  }
0x34: {  	s19 =	sadd.s32 s19, s8;
	[sflag:s12] =	ssyncadd.s32 $0xFFFF9C00  }
0x35: {  	[tilespmem:s3], [sflag:$0x1] =	stream.linear.gather [hbm4b:s19+s3], $0xC8, $0x38;
	[tilespmem:$0x19D80] =	vst v63  }
0x36: {  	_ =	swait.ge [sflag:s12], $0xC8  }
0x37: {  	[sflag:s12] =	ssyncset.done $0x0  }
0x38: {  	[sflag:s12] =	ssyncadd.s32 $0xFFFFFF38  }
0x39: {  	[tilespmem:s13], [sflag:$0x1] =	stream.linear.gather [hbm4b:s18+s3], $0x6400, $0x38;
	[tilespmem:$0x19D80] =	vst v63  }
0x3a: {  	_ =	swait.ge [sflag:s12], $0x6400  }
0x3b: {  	[sflag:s12] =	ssyncset.done $0x0  }
0x3c: {  	[sflag:s12] =	ssyncadd.s32 $0xFFFF9C00  }
0x3d: {  	[spmem:s1] =	stream.indirect.scatter.add.f32 [tilespmem:s13], [sflag:$0x1], $0x80, s3, s14, $0xb8;
	[tilespmem:$0x19D80] =	vst v63  }
0x3e: {  	_ =	swait.ge [sflag:s12], $0x6400  }
0x3f: {  	[sflag:s12] =	ssyncset.done $0x0  }
0x40: {  	[sflag:s12] =	ssyncadd.s32 $0xFFFF9C00  }
0x41: {  	s18 =	simm.s32 @p0 $0x1FC1;
	[bflag:$0x0] =	sbarrier.arrive $0xFFFF  }
0x42: {  	[hbm:s15], [sflag:s18] =	dma.local @p0 [spmem:s9], $0x1900  }
0x43: {  	s18 =	simm.s32 @p0 $0x1  }
0x44: {  	s17 =	sadd.s32 $0x1, s17;
	_ =	swait.ge @p0 [sflag:s18], $0x1900  }
0x45: {  	p1 =	sne.s32 s17, s6;
	[sflag:s18] =	ssyncset.done @p0 $0x0  }
.Ltmp1:
0x46: {  	[sflag:s18] =	ssyncadd.s32 @p0 $0xFFFFE700;
	s18 =	simm.s32 @!p0 $0x1;
	(pc) =	sbr.rel @p1 .LBB2_1-.Ltmp1, $4  }
0x47: {  	[hbm:s16], [sflag:s10] =	dma.local @!p0 [spmem:s11], $0x2800  }
0x48: {  	_ =	swait.ge @!p0 [sflag:s18], $0x2800  }
0x49: {  	[sflag:s18] =	ssyncset.done @!p0 $0x0  }
0x4a: {  	[sflag:s18] =	ssyncadd.s32 @!p0 $0xFFFFD800  }
0x4b: {  	_ =	sfence.sel $0x180000  }
0x4c: {  	[bflag:$0x0] =	sbarrier.arrive $0xFFFF  }
0x4d: {  	p0 =	sne.s32 s2, $0x0;
	_ =	strace $0x90000059  }
0x4e: {  	s0 =	sadd.s32 @!p0 $0x100000, s0;
	[bflag:$0x2] =	sbarrier.arrive $0xFFFF  }
0x4f: {  	[sflag:s0] =	ssyncadd.tile.s32 @!p0 $0x1;
	_ =	shalt  }
.Lfunc_end2:
_tile_overlayer_lowered:
.L_overlay_start_2:
0x50: {  	(tag) =	ssettag $0x2  }
0x51: {  	s0 =	rddreg [dreg:$0x0];
	s2 =	stileid.u32  }
0x52: {  	s1 =	rddreg [dreg:$0x1];
	p0 =	sne.s32 s2, $0x0  }
0x53: {  	s3 =	rddreg [dreg:$0x2];
	[bflag:$0x3] =	sbarrier.arrive $0xFFFF;
	s2 =	simm.s32 @!p0 $0x1C01  }
0x54: {  	[timem:s3], [sflag:s2] =	dma.local @!p0 [hbm:s0], s1  }
0x55: {  	s0 =	simm.s32 @!p0 $0x1  }
0x56: {  	_ =	swait.ge @!p0 [sflag:s0], s1  }
0x57: {  	s1 =	ssub.s32 @!p0 $0x0, s1;
	[sflag:s0] =	ssyncset.done @!p0 $0x0  }
0x58: {  	[sflag:s0] =	ssyncadd.s32 @!p0 s1  }
0x59: {  	[bflag:$0x3] =	sbarrier.arrive $0xFFFF  }
0x5a: {  	_ =	shalt  }

// kernel: kernel.46.cloned.1.call-start
scs
__scs_entry_jumppad:
0x0: {  	(pc) =	sbr.rel $0x88, $3  }
0x1: {  	(tag) =	ssettag $0x0;
	lr =	simm.s32 $0x1  }
0x2: {  	[smem:$0x3F6B] =	sst lr;
	_ =	strace $0xD0000000  }
0x3: {  	_ = 	snop  }
0x4: {  	_ = 	snop  }
0x5: {  	_ = 	snop  }
0x6: {  	_ = 	snop  }
0x7: {  	_ = 	snop  }
__scs_overlays_trampoline_lowered:
0x8: {  	[smem:$0x3F7A] =	sst s0  }
0x9: {  	[smem:$0x3F7B] =	sst s1  }
0xa: {  	[smem:$0x3F7C] =	sst s2  }
0xb: {  	[smem:$0x3F7D] =	sst s3  }
0xc: {  	[smem:$0x3F7E] =	sst s4  }
0xd: {  	[smem:$0x3F7F] =	sst s5  }
0xe: {  	[smem:$0x3F80] =	sst s6  }
0xf: {  	[smem:$0x3F81] =	sst s7  }
0x10: {  	[smem:$0x3F82] =	sst s8  }
0x11: {  	[smem:$0x3F83] =	sst s9;
	s0 =	simm.s32 @!p0 $0x0  }
0x12: {  	s1 =	sld [smem:$0x3F69];
	s0 =	simm.s32 @p0 $0x1  }
0x13: {  	[smem:$0x3F84] =	sst s0;
	s0 =	simm.s32 @!p1 $0x0  }
0x14: {  	s2 =	sld [smem:$0x3F68];
	s0 =	simm.s32 @p1 $0x1  }
0x15: {  	[smem:$0x3F85] =	sst s0;
	s0 =	simm.s32 @!p2 $0x0  }
0x16: {  	s3 =	sld [smem:$0x3FDB];
	s0 =	simm.s32 @p2 $0x1  }
0x17: {  	s4 =	simm.s32 $0x1BF5;
	[smem:$0x3F87] =	sst s0  }
0x18: {  	s0 =	sld [smem:$0x3F6A];
	_ =	swait.ge [sflag:s4], $0x0  }
0x19: {  	s7 =	sld [smem:$0x3F6B]  }
0x1a: {  	s8 =	sadd.s32 $0xFFFFE003, lr  }
0x1b: {  	s9 =	sadd.s32 $0xFFFFFEF7, lr;
	s5 =	simm.s32 $0xFFFFFFFF;
	p2 =	slt.u32 s8, $0xFFFFF086  }
0x1c: {  	p1 =	slt.u32 s9, $0xF7A;
	s5 =	simm.s32 @!p2 $0x0  }
0x1d: {  	s5 =	simm.s32 @p1 $0x1;
	p0 =	seq.s32 s7, s2  }
0x1e: {  	s7 =	smul.u32 @!p0 $0xF7A, s2;
	p2 =	seq.s32 @!p0 s5, $0x0  }
0x1f: {  	s9 =	smul.u32 $0xF7A, s1;
	s8 =	simm.s32 @!p0 $0x1BF5;
	p2 =	por !p2, p0  }
0x20: {  	[sflag:s8] =	ssyncset.s32 @!p0 $0xFFFFF086;
	s6 =	sadd.s32 @!p0 s3, s7;
	s7 =	simm.s32 @!p0 $0x108  }
0x21: {  	s3 =	sadd.s32 s3, s9;
	s6 =	sadd.s32 @!p0 $0x88, s6;
	s7 =	simm.s32 @p2 $0x1082  }
0x22: {  	[simem:s7], [sflag:s8] =	dma.local @!p0 [hbm:s6], $0xF7A  }
0x23: {  	s9 =	sor.u32 $0xD0000000, s2;
	s6 =	simm.s32 $0x108;
	_ =	swait.ge @!p0 [sflag:s8], $0x0  }
0x24: {  	s3 =	sadd.s32 $0x88, s3;
	s6 =	simm.s32 @!p1 $0x1082;
	[sflag:s4] =	ssyncset.s32 $0xFFFFF086  }
0x25: {  	[simem:s6], [sflag:s4] =	dma.local [hbm:s3], $0xF7A  }
0x26: {  	[smem:$0x3F6B] =	sst s1;
	(tag) =	ssettag s2;
	_ =	strace s9  }
0x27: {  	s1 =	sld [smem:$0x3F7B]  }
0x28: {  	s2 =	sld [smem:$0x3F7C]  }
0x29: {  	s4 =	sld [smem:$0x3F7E]  }
0x2a: {  	p0 =	seq.s32 s5, $0x0;
	s5 =	sld [smem:$0x3F7F]  }
0x2b: {  	s6 =	sld [smem:$0x3F80]  }
0x2c: {  	s7 =	sld [smem:$0x3F81]  }
0x2d: {  	s3 =	simm.s32 $0x108;
	s8 =	sld [smem:$0x3F82]  }
0x2e: {  	s3 =	simm.s32 @!p0 $0x1082;
	s9 =	sld [smem:$0x3F83]  }
0x2f: {  	lr =	sadd.s32 s0, s3;
	s0 =	sld [smem:$0x3F7A]  }
0x30: {  	s3 =	sld [smem:$0x3F7D]  }
0x31: {  	[smem:$0x3F86] =	sst s10  }
0x32: {  	s10 =	sld [smem:$0x3F84];
	_ =	sdelay $0x3  }
0x33: {  	p0 =	seq.s32 s10, $0x1;
	s10 =	sld [smem:$0x3F86];
	_ =	sdelay $0x3  }
0x34: {  	[smem:$0x3F86] =	sst s10  }
0x35: {  	s10 =	sld [smem:$0x3F85];
	_ =	sdelay $0x3  }
0x36: {  	p1 =	seq.s32 s10, $0x1;
	s10 =	sld [smem:$0x3F86];
	_ =	sdelay $0x3  }
0x37: {  	[smem:$0x3F86] =	sst s10  }
0x38: {  	s10 =	sld [smem:$0x3F87]  }
0x39: {  	_ = 	snop;
	(pc) =	sbr.ind lr, $3  }
0x3a: {  	_ = 	snop  }
0x3b: {  	_ = 	snop  }
0x3c: {  	p2 =	seq.s32 s10, $0x1;
	s10 =	sld [smem:$0x3F86]  }
0x3d: {  	_ =	shalt  }
0x3e: {  	_ =	shalt  }
0x3f: {  	_ =	shalt  }
0x40: {  	_ =	shalt  }
0x41: {  	_ =	shalt  }
0x42: {  	_ =	shalt  }
0x43: {  	_ =	shalt  }
0x44: {  	_ =	shalt  }
0x45: {  	_ =	shalt  }
0x46: {  	_ =	shalt  }
0x47: {  	_ =	shalt  }
0x48: {  	_ =	shalt  }
0x49: {  	_ =	shalt  }
0x4a: {  	_ =	shalt  }
0x4b: {  	_ =	shalt  }
0x4c: {  	_ =	shalt  }
0x4d: {  	_ =	shalt  }
0x4e: {  	_ =	shalt  }
0x4f: {  	_ =	shalt  }
0x50: {  	_ =	shalt  }
0x51: {  	_ =	shalt  }
0x52: {  	_ =	shalt  }
0x53: {  	_ =	shalt  }
0x54: {  	_ =	shalt  }
0x55: {  	_ =	shalt  }
0x56: {  	_ =	shalt  }
0x57: {  	_ =	shalt  }
0x58: {  	_ =	shalt  }
0x59: {  	_ =	shalt  }
0x5a: {  	_ =	shalt  }
0x5b: {  	_ =	shalt  }
0x5c: {  	_ =	shalt  }
0x5d: {  	_ =	shalt  }
0x5e: {  	_ =	shalt  }
0x5f: {  	_ =	shalt  }
0x60: {  	_ =	shalt  }
0x61: {  	_ =	shalt  }
0x62: {  	_ =	shalt  }
0x63: {  	_ =	shalt  }
0x64: {  	_ =	shalt  }
0x65: {  	_ =	shalt  }
0x66: {  	_ =	shalt  }
0x67: {  	_ =	shalt  }
0x68: {  	_ =	shalt  }
0x69: {  	_ =	shalt  }
0x6a: {  	_ =	shalt  }
0x6b: {  	_ =	shalt  }
0x6c: {  	_ =	shalt  }
0x6d: {  	_ =	shalt  }
0x6e: {  	_ =	shalt  }
0x6f: {  	_ =	shalt  }
0x70: {  	_ =	shalt  }
0x71: {  	_ =	shalt  }
0x72: {  	_ =	shalt  }
0x73: {  	_ =	shalt  }
0x74: {  	_ =	shalt  }
0x75: {  	_ =	shalt  }
0x76: {  	_ =	shalt  }
0x77: {  	_ =	shalt  }
0x78: {  	_ =	shalt  }
0x79: {  	_ =	shalt  }
0x7a: {  	_ =	shalt  }
0x7b: {  	_ =	shalt  }
0x7c: {  	_ =	shalt  }
0x7d: {  	_ =	shalt  }
0x7e: {  	_ =	shalt  }
0x7f: {  	_ =	shalt  }
0x80: {  	_ =	shalt  }
0x81: {  	_ =	shalt  }
0x82: {  	_ =	shalt  }
0x83: {  	_ =	shalt  }
0x84: {  	_ =	shalt  }
0x85: {  	_ =	shalt  }
0x86: {  	_ =	shalt  }
0x87: {  	_ =	shalt  }
.Lfunc_end0:
.L_simem_size_0:
called_computation.7_lowered:
.L_overlay_start_0:
0x88: {  	s2 =	sld [smem:$0x3FD9]  }
0x89: {  	s3 =	sld [smem:$0x3FFE];
	_ =	sdelay $0x1  }
0x8a: {  	s1 =	srdreg.scid  }
0x8b: {  	s0 =	sand.u32 $0x1, s1  }
0x8c: {  	s16 =	sshll.u32 s0, $0xA;
	s2 =	sadd.s32 s3, s2  }
0x8d: {  	s2 =	sadd.s32 s2, s16  }
0x8e: {  	[smem:$0x3F92] =	sst s2  }
0x8f: {  	_ = 	snop  }
0x90: {  	(tm) =	ssettm $0x1  }
0x91: {  	s17 =	sld [smem:$0x3FFB];
	_ =	sdelay $0x3  }
0x92: {  	_ =	strace s17  }
0x93: {  	s2 =	sld [smem:$0x3FFC];
	_ =	sdelay $0x3  }
0x94: {  	_ =	strace s2  }
0x95: {  	s2 =	sld [smem:$0x3FFD];
	_ =	sdelay $0x3  }
0x96: {  	_ =	strace s2  }
0x97: {  	_ =	strace $0x8FFFFFFF  }
0x98: {  	s18 =	sld [smem:$0x3FDB];
	_ =	sdelay $0x1  }
0x99: {  	s19 =	simm.s32 $_scs_section_size  }
0x9a: {  	s4 =	simm.s32 $_size__tile_overlayer_lowered;
	s5 =	simm.s32 $_tile_overlayer_lowered  }
0x9b: {  	s22 =	simm.s32 $0x1BFF;
	s21 =	sshll.u32 s5, $0x1;
	s2 =	sadd.s32 s19, s18  }
0x9c: {  	s6 =	simm.s32 $0x0;
	s20 =	sshll.u32 s4, $0x1;
	s4 =	sadd.s32 s21, s2  }
0x9d: {  	[timem:s6], [sflag:s22] =	dma.local [hbm:s4], s20  }
0x9e: {  	_ =	swait.ge [sflag:s22], s20  }
0x9f: {  	s3 =	ssub.s32 $0x0, s20;
	[sflag:s22] =	ssyncset.done $0x0  }
0xa0: {  	[sflag:s22] =	ssyncadd.s32 s3;
	_ =	sdelay $0x1  }
0xa1: {  	s23 =	simm.s32 $0x1B8B  }
0xa2: {  	_ =	swait.ge [sflag:s23], $0x1  }
0xa3: {  	[sflag:s23] =	ssyncset.done $0x0  }
0xa4: {  	s25 =	simm.s32 $0x1B8E;
	s24 =	sld [smem:$0x3FFE];
	[sflag:s23] =	ssyncadd.s32 $0xFFFFFFFF  }
0xa5: {  	s26 =	simm.s32 $execute0_lowered;
	[smem:$0x3FD2] =	sst s25  }
0xa6: {  	s4 =	sshll.u32 s26, $0x1;
	_ =	strace $0x8000005B;
	[dreg:$0x1] =	wrdreg $0xFFFFFFFF  }
0xa7: {  	s28 =	simm.s32 $_size_execute0_lowered;
	s2 =	sadd.s32 s2, s4;
	[dreg:$0x0] =	wrdreg $0x0  }
0xa8: {  	s4 =	sshll.u32 s28, $0x1;
	[dreg:$0x2] =	wrdreg s2  }
0xa9: {  	[dreg:$0x3] =	wrdreg s4  }
0xaa: {  	[dreg:$0x4] =	wrdreg $0xC0  }
0xab: {  	_ =	task [dreg:s6], $0x5FFFF  }
0xac: {  	[dreg:$0x1] =	wrdreg $0xFFFFFFFF  }
0xad: {  	[dreg:$0x0] =	wrdreg $0x60  }
0xae: {  	[dreg:$0x2] =	wrdreg s24  }
0xaf: {  	[dreg:$0x3] =	wrdreg $0x9  }
0xb0: {  	_ =	task.clear_ibuf [dreg:s6], $0x4FFFF;
	_ =	strace $0x9000005B  }
0xb1: {  	s29 =	simm.s32 $0x9;
	_ =	strace $0x8000005D  }
0xb2: {  	_ =	swait.ge [sflag:s29], $0x1  }
0xb3: {  	[sflag:s29] =	ssyncadd.s32 $0xFFFFFFFF  }
0xb4: {  	_ =	strace $0x9000005D  }
0xb5: {  	_ =	sfence  }
0xb6: {  	s30 =	sld [smem:$0x0];
	_ =	sdelay $0x2  }
0xb7: {  	s31 =	sshll.u32 s1, $0xD;
	s1 =	sshrl.u32 s1, $0x2  }
0xb8: {  	s3 =	sand.u32 $0x4000, s31;
	s1 =	sadd.s32 s1, s30  }
0xb9: {  	s0 =	sor.u32 s3, s0;
	s1 =	sshll.u32 s1, $0x11  }
0xba: {  	s0 =	sor.u32 s1, s0  }
0xbb: {  	s0 =	sadd.s32 $0x8F2B, s0  }
0xbc: {  	[sflag:s0] =	ssyncadd.remote.s32 $0x1  }
0xbd: {  	_ =	sfence.sel $0xFFFF  }
0xbe: {  	[dreg:$0x0] =	wrdreg $0xFFFFFFFF;
	(pc) =	sbr.abs _section_cstart, $3  }
0xbf: {  	[dreg:$0x1] =	wrdreg $0xFFFFFFFF  }
0xc0: {  	_ =	task.clear_ibuf [dreg:s6], $0x2FFFF;
	_ =	strace $0x9FFFFFFF  }
0xc1: {  	(tm) =	ssettm $0x7FFFFFFF  }
tec
execute0_lowered:
.L_overlay_start_1:
0x0: {  	(tag) =	ssettag $0x1  }
0x1: {  	s6 =	rddreg [dreg:$0x0]  }
0x2: {  	s0 =	rddreg [dreg:$0x1];
	s1 =	simm.s32 $0x0  }
0x3: {  	s4 =	srdreg.scid;
	s2 =	stileid.u32;
	s11 =	simm.s32 $0x190  }
0x4: {  	s12 =	simm.s32 $0x400;
	s13 =	simm.s32 $0xCC00;
	s14 =	simm.s32 $0x1  }
0x5: {  	s15 =	simm.s32 $0x2;
	s16 =	simm.s32 $0x0;
	[smem:$0x7FF] =	sst s1  }
0x6: {  	s3 =	sadd.s32 $0xC5400, s6;
	s7 =	sand.u32 $0x1, s4;
	s4 =	sadd.s32 $0x14A00, s6  }
0x7: {  	s9 =	sshll.u32 s2, $0x1;
	s5 =	sadd.s32 $0x1E800, s6;
	s8 =	ssub.s32 $0x2, s7  }
0x8: {  	s6 =	sadd.s32 $0x113E00, s6;
	_ =	strace $0x8000005C;
	s10 =	sshrl.u32 s8, $0x1  }
0x9: {  	s7 =	sor.u32 s7, s9;
	s9 =	simm.s32 $0x3;
	s8 =	ssub.s32 s8, s10  }
0xa: {  	s7 =	smul.u32 $0x2710, s7;
	s10 =	simm.s32 $0x200;
	s8 =	smax.u32 s8, $0x1  }
.LBB2_1:
0xb: {  	s17 =	simm.s32 $0x0  }
.LBB2_2:
0xc: {  	s18 =	smul.u32 $0x190, s17;
	_ =	sdelay $0x1  }
0xd: {  	s18 =	sadd.s32 s7, s18  }
0xe: {  	s19 =	sshrl.u32 s18, $0x3  }
0xf: {  	s21 =	simm.s32 $0x0;
	s20 =	sadd.s32 s4, s19  }
0x10: {  	[tilespmem:s21], [sflag:$0x3] =	stream.linear.gather [hbm4b:s20+s21], $0x190, $0x38;
	[tilespmem:$0x19400] =	vst v63  }
0x11: {  	_ =	swait.ge [sflag:s9], $0x190  }
0x12: {  	[sflag:s9] =	ssyncset.done $0x0  }
0x13: {  	s19 =	sadd.s32 s5, s19;
	[sflag:s9] =	ssyncadd.s32 $0xFFFFFE70  }
0x14: {  	[tilespmem:s10], [sflag:$0x3] =	stream.linear.gather [hbm4b:s19+s21], $0x190, $0x38;
	[tilespmem:$0x19400] =	vst v63  }
0x15: {  	_ =	swait.ge [sflag:s9], $0x190  }
0x16: {  	[sflag:s9] =	ssyncset.done $0x0  }
0x17: {  	[sflag:s9] =	ssyncadd.s32 $0xFFFFFE70  }
0x18: {  	[tilespmem:s12], [sflag:$0x1] =	stream.indirect.gather [hbm4b:s3+s11], $0x80, s21, s11, $0xb8;
	[tilespmem:$0x19400] =	vst v63  }
0x19: {  	_ = 	snop  }
0x1a: {  	[tilespmem:s13], [sflag:$0x2] =	stream.indirect.gather [hbm4b:s3+s11], $0x80, s10, s11, $0xb8;
	[tilespmem:$0x19400] =	vst v63  }
0x1b: {  	_ =	swait.ge [sflag:s14], $0xC800  }
0x1c: {  	[sflag:s14] =	ssyncset.done $0x0  }
0x1d: {  	[sflag:s14] =	ssyncadd.s32 $0xFFFF3800  }
0x1e: {  	_ =	swait.ge [sflag:s15], $0xC800  }
0x1f: {  	[sflag:s15] =	ssyncset.done $0x0  }
0x20: {  	s19 =	simm.s32 $0x0;
	[sflag:s15] =	ssyncadd.s32 $0xFFFF3800  }
0x21: {  	v5 =	vld [tilespmem:s19+$0xCC40]  }
0x22: {  	v6 =	vld [tilespmem:s19+$0xCC50]  }
0x23: {  	v1 =	vld [tilespmem:s19+$0xCC60]  }
0x24: {  	v0 =	vld [tilespmem:s19+$0xCC70]  }
0x25: {  	v2 =	vld [tilespmem:s19+$0x400]  }
0x26: {  	v4 =	vld [tilespmem:s19+$0x410]  }
0x27: {  	s20 =	simm.s32 $0x200;
	v3 =	vld [tilespmem:s19+$0x420]  }
.LBB2_3:
0x28: {  	s21 =	sshra.s32 s20, $0x2;
	p0 =	sne.s32 s20, $0x31E00;
	v7 =	vld [tilespmem:s19+$0x430];
	v8 =	vmov v1  }
0x29: {  	v9 =	vld [tilespmem:s21+$0xCC40];
	v10 =	vmov v0  }
0x2a: {  	v11 =	vld [tilespmem:s21+$0xCC50];
	v2 =	vadd.f32 v5, v2  }
.Ltmp0:
0x2b: {  	v1 =	vld [tilespmem:s21+$0xCC60];
	v4 =	vadd.f32 v6, v4;
	(pc) =	sbr.rel @p0 .LBB2_3-.Ltmp0, $4  }
0x2c: {  	v0 =	vld [tilespmem:s21+$0xCC70];
	[tilespmem:s19+$0x400] =	vst v2;
	v3 =	vadd.f32 v8, v3  }
0x2d: {  	v2 =	vld [tilespmem:s21+$0x400];
	[tilespmem:s19+$0x410] =	vst v4;
	v7 =	vadd.f32 v10, v7  }
0x2e: {  	v4 =	vld [tilespmem:s21+$0x410];
	[tilespmem:s19+$0x420] =	vst v3;
	v5 =	vmov v9  }
0x2f: {  	s20 =	sadd.s32 $0x200, s20;
	v3 =	vld [tilespmem:s21+$0x420];
	[tilespmem:s19+$0x430] =	vst v7;
	v6 =	vmov v11;
	s19 =	smov.u32 s21  }
0x30: {  	v7 =	vld [tilespmem:s19+$0x430];
	_ =	sdelay $0x1  }
0x31: {  	v2 =	vadd.f32 v5, v2  }
0x32: {  	v4 =	vadd.f32 v6, v4  }
0x33: {  	[tilespmem:s19+$0x400] =	vst v2;
	v1 =	vadd.f32 v1, v3  }
0x34: {  	s17 =	sadd.s32 $0x1, s17;
	[tilespmem:s19+$0x410] =	vst v4;
	v0 =	vadd.f32 v0, v7  }
0x35: {  	s18 =	sshll.u32 s18, $0x4;
	p0 =	sne.s32 s17, $0x19;
	[tilespmem:s19+$0x420] =	vst v1  }
.Ltmp1:
0x36: {  	s18 =	sadd.s32 s6, s18;
	[tilespmem:s19+$0x430] =	vst v0;
	(pc) =	sbr.rel @p0 .LBB2_2-.Ltmp1, $4  }
0x37: {  	[hbm4b:s18+s1] =	stream.linear.scatter [tilespmem:s12], [sflag:$0x3], $0xC800, $0x38;
	[tilespmem:$0x19400] =	vst v63  }
0x38: {  	_ =	swait.ge [sflag:s9], $0xC800  }
0x39: {  	[sflag:s9] =	ssyncset.done $0x0  }
0x3a: {  	[sflag:s9] =	ssyncadd.s32 $0xFFFF3800  }
0x3b: {  	s16 =	sadd.s32 $0x1, s16  }
0x3c: {  	p0 =	sne.s32 s16, s8  }
.Ltmp2:
0x3d: {  	_ = 	snop;
	(pc) =	sbr.rel @p0 .LBB2_1-.Ltmp2, $1  }
0x3e: {  	_ =	sdelay $0x3  }
0x3f: {  	_ =	sfence.sel $0x180000  }
0x40: {  	[bflag:$0x0] =	sbarrier.arrive $0xFFFF  }
0x41: {  	p0 =	sne.s32 s2, $0x0;
	_ =	strace $0x9000005C  }
0x42: {  	s0 =	sadd.s32 @!p0 $0x100000, s0;
	[bflag:$0x2] =	sbarrier.arrive $0xFFFF  }
0x43: {  	[sflag:s0] =	ssyncadd.tile.s32 @!p0 $0x1;
	_ =	shalt  }
.Lfunc_end2:
_tile_overlayer_lowered:
.L_overlay_start_2:
0x44: {  	(tag) =	ssettag $0x2  }
0x45: {  	s0 =	rddreg [dreg:$0x0];
	s2 =	stileid.u32  }
0x46: {  	s1 =	rddreg [dreg:$0x1];
	p0 =	sne.s32 s2, $0x0  }
0x47: {  	s3 =	rddreg [dreg:$0x2];
	[bflag:$0x3] =	sbarrier.arrive $0xFFFF;
	s2 =	simm.s32 @!p0 $0x1C03  }
0x48: {  	[timem:s3], [sflag:s2] =	dma.local @!p0 [hbm:s0], s1  }
0x49: {  	s0 =	simm.s32 @!p0 $0x3  }
0x4a: {  	_ =	swait.ge @!p0 [sflag:s0], s1  }
0x4b: {  	s1 =	ssub.s32 @!p0 $0x0, s1;
	[sflag:s0] =	ssyncset.done @!p0 $0x0  }
0x4c: {  	[sflag:s0] =	ssyncadd.s32 @!p0 s1  }
0x4d: {  	[bflag:$0x3] =	sbarrier.arrive $0xFFFF  }
0x4e: {  	_ =	shalt  }

// kernel: kernel.49.cloned.1.call-start
scs
__scs_entry_jumppad:
0x0: {  	(pc) =	sbr.rel $0x88, $3  }
0x1: {  	(tag) =	ssettag $0x0;
	lr =	simm.s32 $0x1  }
0x2: {  	[smem:$0x3F6B] =	sst lr;
	_ =	strace $0xD0000000  }
0x3: {  	_ = 	snop  }
0x4: {  	_ = 	snop  }
0x5: {  	_ = 	snop  }
0x6: {  	_ = 	snop  }
0x7: {  	_ = 	snop  }
__scs_overlays_trampoline_lowered:
0x8: {  	[smem:$0x3F7A] =	sst s0  }
0x9: {  	[smem:$0x3F7B] =	sst s1  }
0xa: {  	[smem:$0x3F7C] =	sst s2  }
0xb: {  	[smem:$0x3F7D] =	sst s3  }
0xc: {  	[smem:$0x3F7E] =	sst s4  }
0xd: {  	[smem:$0x3F7F] =	sst s5  }
0xe: {  	[smem:$0x3F80] =	sst s6  }
0xf: {  	[smem:$0x3F81] =	sst s7  }
0x10: {  	[smem:$0x3F82] =	sst s8  }
0x11: {  	[smem:$0x3F83] =	sst s9;
	s0 =	simm.s32 @!p0 $0x0  }
0x12: {  	s1 =	sld [smem:$0x3F69];
	s0 =	simm.s32 @p0 $0x1  }
0x13: {  	[smem:$0x3F84] =	sst s0;
	s0 =	simm.s32 @!p1 $0x0  }
0x14: {  	s2 =	sld [smem:$0x3F68];
	s0 =	simm.s32 @p1 $0x1  }
0x15: {  	[smem:$0x3F85] =	sst s0;
	s0 =	simm.s32 @!p2 $0x0  }
0x16: {  	s3 =	sld [smem:$0x3FDB];
	s0 =	simm.s32 @p2 $0x1  }
0x17: {  	s4 =	simm.s32 $0x1BF5;
	[smem:$0x3F87] =	sst s0  }
0x18: {  	s0 =	sld [smem:$0x3F6A];
	_ =	swait.ge [sflag:s4], $0x0  }
0x19: {  	s7 =	sld [smem:$0x3F6B]  }
0x1a: {  	s8 =	sadd.s32 $0xFFFFE003, lr  }
0x1b: {  	s9 =	sadd.s32 $0xFFFFFEF7, lr;
	s5 =	simm.s32 $0xFFFFFFFF;
	p2 =	slt.u32 s8, $0xFFFFF086  }
0x1c: {  	p1 =	slt.u32 s9, $0xF7A;
	s5 =	simm.s32 @!p2 $0x0  }
0x1d: {  	s5 =	simm.s32 @p1 $0x1;
	p0 =	seq.s32 s7, s2  }
0x1e: {  	s7 =	smul.u32 @!p0 $0xF7A, s2;
	p2 =	seq.s32 @!p0 s5, $0x0  }
0x1f: {  	s9 =	smul.u32 $0xF7A, s1;
	s8 =	simm.s32 @!p0 $0x1BF5;
	p2 =	por !p2, p0  }
0x20: {  	[sflag:s8] =	ssyncset.s32 @!p0 $0xFFFFF086;
	s6 =	sadd.s32 @!p0 s3, s7;
	s7 =	simm.s32 @!p0 $0x108  }
0x21: {  	s3 =	sadd.s32 s3, s9;
	s6 =	sadd.s32 @!p0 $0x88, s6;
	s7 =	simm.s32 @p2 $0x1082  }
0x22: {  	[simem:s7], [sflag:s8] =	dma.local @!p0 [hbm:s6], $0xF7A  }
0x23: {  	s9 =	sor.u32 $0xD0000000, s2;
	s6 =	simm.s32 $0x108;
	_ =	swait.ge @!p0 [sflag:s8], $0x0  }
0x24: {  	s3 =	sadd.s32 $0x88, s3;
	s6 =	simm.s32 @!p1 $0x1082;
	[sflag:s4] =	ssyncset.s32 $0xFFFFF086  }
0x25: {  	[simem:s6], [sflag:s4] =	dma.local [hbm:s3], $0xF7A  }
0x26: {  	[smem:$0x3F6B] =	sst s1;
	(tag) =	ssettag s2;
	_ =	strace s9  }
0x27: {  	s1 =	sld [smem:$0x3F7B]  }
0x28: {  	s2 =	sld [smem:$0x3F7C]  }
0x29: {  	s4 =	sld [smem:$0x3F7E]  }
0x2a: {  	p0 =	seq.s32 s5, $0x0;
	s5 =	sld [smem:$0x3F7F]  }
0x2b: {  	s6 =	sld [smem:$0x3F80]  }
0x2c: {  	s7 =	sld [smem:$0x3F81]  }
0x2d: {  	s3 =	simm.s32 $0x108;
	s8 =	sld [smem:$0x3F82]  }
0x2e: {  	s3 =	simm.s32 @!p0 $0x1082;
	s9 =	sld [smem:$0x3F83]  }
0x2f: {  	lr =	sadd.s32 s0, s3;
	s0 =	sld [smem:$0x3F7A]  }
0x30: {  	s3 =	sld [smem:$0x3F7D]  }
0x31: {  	[smem:$0x3F86] =	sst s10  }
0x32: {  	s10 =	sld [smem:$0x3F84];
	_ =	sdelay $0x3  }
0x33: {  	p0 =	seq.s32 s10, $0x1;
	s10 =	sld [smem:$0x3F86];
	_ =	sdelay $0x3  }
0x34: {  	[smem:$0x3F86] =	sst s10  }
0x35: {  	s10 =	sld [smem:$0x3F85];
	_ =	sdelay $0x3  }
0x36: {  	p1 =	seq.s32 s10, $0x1;
	s10 =	sld [smem:$0x3F86];
	_ =	sdelay $0x3  }
0x37: {  	[smem:$0x3F86] =	sst s10  }
0x38: {  	s10 =	sld [smem:$0x3F87]  }
0x39: {  	_ = 	snop;
	(pc) =	sbr.ind lr, $3  }
0x3a: {  	_ = 	snop  }
0x3b: {  	_ = 	snop  }
0x3c: {  	p2 =	seq.s32 s10, $0x1;
	s10 =	sld [smem:$0x3F86]  }
0x3d: {  	_ =	shalt  }
0x3e: {  	_ =	shalt  }
0x3f: {  	_ =	shalt  }
0x40: {  	_ =	shalt  }
0x41: {  	_ =	shalt  }
0x42: {  	_ =	shalt  }
0x43: {  	_ =	shalt  }
0x44: {  	_ =	shalt  }
0x45: {  	_ =	shalt  }
0x46: {  	_ =	shalt  }
0x47: {  	_ =	shalt  }
0x48: {  	_ =	shalt  }
0x49: {  	_ =	shalt  }
0x4a: {  	_ =	shalt  }
0x4b: {  	_ =	shalt  }
0x4c: {  	_ =	shalt  }
0x4d: {  	_ =	shalt  }
0x4e: {  	_ =	shalt  }
0x4f: {  	_ =	shalt  }
0x50: {  	_ =	shalt  }
0x51: {  	_ =	shalt  }
0x52: {  	_ =	shalt  }
0x53: {  	_ =	shalt  }
0x54: {  	_ =	shalt  }
0x55: {  	_ =	shalt  }
0x56: {  	_ =	shalt  }
0x57: {  	_ =	shalt  }
0x58: {  	_ =	shalt  }
0x59: {  	_ =	shalt  }
0x5a: {  	_ =	shalt  }
0x5b: {  	_ =	shalt  }
0x5c: {  	_ =	shalt  }
0x5d: {  	_ =	shalt  }
0x5e: {  	_ =	shalt  }
0x5f: {  	_ =	shalt  }
0x60: {  	_ =	shalt  }
0x61: {  	_ =	shalt  }
0x62: {  	_ =	shalt  }
0x63: {  	_ =	shalt  }
0x64: {  	_ =	shalt  }
0x65: {  	_ =	shalt  }
0x66: {  	_ =	shalt  }
0x67: {  	_ =	shalt  }
0x68: {  	_ =	shalt  }
0x69: {  	_ =	shalt  }
0x6a: {  	_ =	shalt  }
0x6b: {  	_ =	shalt  }
0x6c: {  	_ =	shalt  }
0x6d: {  	_ =	shalt  }
0x6e: {  	_ =	shalt  }
0x6f: {  	_ =	shalt  }
0x70: {  	_ =	shalt  }
0x71: {  	_ =	shalt  }
0x72: {  	_ =	shalt  }
0x73: {  	_ =	shalt  }
0x74: {  	_ =	shalt  }
0x75: {  	_ =	shalt  }
0x76: {  	_ =	shalt  }
0x77: {  	_ =	shalt  }
0x78: {  	_ =	shalt  }
0x79: {  	_ =	shalt  }
0x7a: {  	_ =	shalt  }
0x7b: {  	_ =	shalt  }
0x7c: {  	_ =	shalt  }
0x7d: {  	_ =	shalt  }
0x7e: {  	_ =	shalt  }
0x7f: {  	_ =	shalt  }
0x80: {  	_ =	shalt  }
0x81: {  	_ =	shalt  }
0x82: {  	_ =	shalt  }
0x83: {  	_ =	shalt  }
0x84: {  	_ =	shalt  }
0x85: {  	_ =	shalt  }
0x86: {  	_ =	shalt  }
0x87: {  	_ =	shalt  }
.Lfunc_end0:
.L_simem_size_0:
called_computation.8_lowered:
.L_overlay_start_0:
0x88: {  	s2 =	sld [smem:$0x3FD9]  }
0x89: {  	s3 =	sld [smem:$0x3FFE];
	_ =	sdelay $0x1  }
0x8a: {  	s1 =	srdreg.scid  }
0x8b: {  	s0 =	sand.u32 $0x1, s1  }
0x8c: {  	s16 =	sshll.u32 s0, $0xA;
	s2 =	sadd.s32 s3, s2  }
0x8d: {  	s2 =	sadd.s32 s2, s16  }
0x8e: {  	[smem:$0x3F92] =	sst s2  }
0x8f: {  	_ = 	snop  }
0x90: {  	(tm) =	ssettm $0x1  }
0x91: {  	s17 =	sld [smem:$0x3FFB];
	_ =	sdelay $0x3  }
0x92: {  	_ =	strace s17  }
0x93: {  	s2 =	sld [smem:$0x3FFC];
	_ =	sdelay $0x3  }
0x94: {  	_ =	strace s2  }
0x95: {  	s2 =	sld [smem:$0x3FFD];
	_ =	sdelay $0x3  }
0x96: {  	_ =	strace s2  }
0x97: {  	_ =	strace $0x8FFFFFFF  }
0x98: {  	s18 =	sld [smem:$0x3FDB];
	_ =	sdelay $0x1  }
0x99: {  	s19 =	simm.s32 $_scs_section_size  }
0x9a: {  	s4 =	simm.s32 $_size__tile_overlayer_lowered;
	s5 =	simm.s32 $_tile_overlayer_lowered  }
0x9b: {  	s22 =	simm.s32 $0x1BFF;
	s21 =	sshll.u32 s5, $0x1;
	s2 =	sadd.s32 s19, s18  }
0x9c: {  	s6 =	simm.s32 $0x0;
	s20 =	sshll.u32 s4, $0x1;
	s4 =	sadd.s32 s21, s2  }
0x9d: {  	[timem:s6], [sflag:s22] =	dma.local [hbm:s4], s20  }
0x9e: {  	_ =	swait.ge [sflag:s22], s20  }
0x9f: {  	s3 =	ssub.s32 $0x0, s20;
	[sflag:s22] =	ssyncset.done $0x0  }
0xa0: {  	[sflag:s22] =	ssyncadd.s32 s3;
	_ =	sdelay $0x1  }
0xa1: {  	s23 =	simm.s32 $0x1B8B  }
0xa2: {  	_ =	swait.ge [sflag:s23], $0x1  }
0xa3: {  	[sflag:s23] =	ssyncset.done $0x0  }
0xa4: {  	s25 =	simm.s32 $0x1B8E;
	s24 =	sld [smem:$0x3FFE];
	[sflag:s23] =	ssyncadd.s32 $0xFFFFFFFF  }
0xa5: {  	s26 =	simm.s32 $execute0_lowered;
	[smem:$0x3FD2] =	sst s25  }
0xa6: {  	s4 =	sshll.u32 s26, $0x1;
	_ =	strace $0x8000005E;
	[dreg:$0x1] =	wrdreg $0xFFFFFFFF  }
0xa7: {  	s28 =	simm.s32 $_size_execute0_lowered;
	s2 =	sadd.s32 s2, s4;
	[dreg:$0x0] =	wrdreg $0x0  }
0xa8: {  	s4 =	sshll.u32 s28, $0x1;
	[dreg:$0x2] =	wrdreg s2  }
0xa9: {  	[dreg:$0x3] =	wrdreg s4  }
0xaa: {  	[dreg:$0x4] =	wrdreg $0xC0  }
0xab: {  	_ =	task [dreg:s6], $0x5FFFF  }
0xac: {  	[dreg:$0x1] =	wrdreg $0xFFFFFFFF  }
0xad: {  	[dreg:$0x0] =	wrdreg $0x60  }
0xae: {  	[dreg:$0x2] =	wrdreg s24  }
0xaf: {  	[dreg:$0x3] =	wrdreg $0x65000  }
0xb0: {  	[dreg:$0x4] =	wrdreg $0x9  }
0xb1: {  	_ =	task.clear_ibuf [dreg:s6], $0x5FFFF;
	_ =	strace $0x9000005E  }
0xb2: {  	s29 =	simm.s32 $0x9;
	_ =	strace $0x80000060  }
0xb3: {  	_ =	swait.ge [sflag:s29], $0x1  }
0xb4: {  	[sflag:s29] =	ssyncadd.s32 $0xFFFFFFFF  }
0xb5: {  	_ =	strace $0x90000060  }
0xb6: {  	_ =	sfence  }
0xb7: {  	s30 =	sld [smem:$0x0];
	_ =	sdelay $0x2  }
0xb8: {  	s31 =	sshll.u32 s1, $0xD;
	s1 =	sshrl.u32 s1, $0x2  }
0xb9: {  	s3 =	sand.u32 $0x4000, s31;
	s1 =	sadd.s32 s1, s30  }
0xba: {  	s0 =	sor.u32 s3, s0;
	s1 =	sshll.u32 s1, $0x11  }
0xbb: {  	s0 =	sor.u32 s1, s0  }
0xbc: {  	s0 =	sadd.s32 $0x8F2B, s0  }
0xbd: {  	[sflag:s0] =	ssyncadd.remote.s32 $0x1  }
0xbe: {  	_ =	sfence.sel $0xFFFF  }
0xbf: {  	[dreg:$0x0] =	wrdreg $0xFFFFFFFF;
	(pc) =	sbr.abs _section_cstart, $3  }
0xc0: {  	[dreg:$0x1] =	wrdreg $0xFFFFFFFF  }
0xc1: {  	_ =	task.clear_ibuf [dreg:s6], $0x2FFFF;
	_ =	strace $0x9FFFFFFF  }
0xc2: {  	(tm) =	ssettm $0x7FFFFFFF  }
0xc3: {  	_ =	shalt  }
tec
execute0_lowered:
.L_overlay_start_1:
0x0: {  	(tag) =	ssettag $0x1  }
0x1: {  	s5 =	rddreg [dreg:$0x0];
	s2 =	stileid.u32  }
0x2: {  	s0 =	srdreg.scid;
	s8 =	smul.u32 $0x2710, s2  }
0x3: {  	s1 =	rddreg [dreg:$0x1];
	s16 =	smul.u32 $0x2800, s2  }
0x4: {  	s3 =	simm.s32 $0x0;
	s14 =	simm.s32 $0xC8;
	s26 =	smul.u32 $0x50000, s2  }
0x5: {  	s4 =	sand.u32 $0x1, s0;
	s0 =	rddreg [dreg:$0x2];
	s30 =	smul.u32 $0x27100, s2  }
0x6: {  	[smem:$0x7FF] =	sst s3;
	s13 =	sadd.s32 $0x12C000, s1;
	s6 =	smul.u32 $0x271000, s4  }
0x7: {  	p0 =	seq.s32 s2, $0xF;
	s7 =	smul.u32 $0x27100, s4;
	s4 =	ssub.s32 $0x2, s4  }
0x8: {  	_ =	strace $0x8000005F;
	s28 =	sadd.s32 s16, s5;
	s11 =	sshrl.u32 s4, $0x1  }
0x9: {  	s29 =	sshrl.u32 s26, $0x2;
	s9 =	sadd.s32 s6, s5;
	s25 =	sadd.s32 s8, s7  }
0xa: {  	s7 =	sadd.s32 s7, s5;
	s11 =	ssub.s32 s4, s11;
	s12 =	sadd.s32 s29, s1  }
0xb: {  	s4 =	sadd.s32 $0x28600, s28;
	s6 =	sshrl.u32 s25, $0x3;
	s17 =	sadd.s32 $0x4F800, s7  }
0xc: {  	s31 =	sadd.s32 s30, s9;
	s9 =	sshrl.u32 @p0 s13, $0x3;
	s13 =	simm.s32 $0x100  }
0xd: {  	s10 =	sadd.s32 s6, s5;
	s5 =	sadd.s32 $0x4DE00, s5;
	s6 =	smax.u32 s11, $0x1  }
0xe: {  	s7 =	sadd.s32 $0xAD7E00, s31;
	s11 =	sshrl.u32 @!p0 s12, $0x3;
	s12 =	simm.s32 $0x1  }
0xf: {  	s15 =	sadd.s32 @p0 $0x25800, s17;
	s8 =	sadd.s32 $0x1E800, s10;
	s10 =	sshll.u32 @!p0 s2, $0x6  }
0x10: {  	s16 =	sadd.s32 @!p0 s16, s17;
	s17 =	simm.s32 $0x0;
	s10 =	sor.u32 @!p0 $0x1C01, s10  }
.LBB2_1:
0x11: {  	s18 =	simm.s32 @p0 $0x1FC1  }
0x12: {  	[spmem:s9], [sflag:s18] =	dma.local @p0 [hbm:s5], $0x1900  }
0x13: {  	s18 =	simm.s32 @p0 $0x1  }
0x14: {  	_ =	swait.ge @p0 [sflag:s18], $0x1900  }
0x15: {  	[sflag:s18] =	ssyncset.done @p0 $0x0  }
0x16: {  	[sflag:s18] =	ssyncadd.s32 @p0 $0xFFFFE700;
	s18 =	simm.s32 @!p0 $0x1  }
0x17: {  	[spmem:s11], [sflag:s10] =	dma.local @!p0 [hbm:s4], $0x2800  }
0x18: {  	_ =	swait.ge @!p0 [sflag:s18], $0x2800  }
0x19: {  	[sflag:s18] =	ssyncset.done @!p0 $0x0  }
0x1a: {  	[sflag:s18] =	ssyncadd.s32 @!p0 $0xFFFFD800  }
0x1b: {  	s31 =	sadd.s32 $0x0, s8;
	[bflag:$0x0] =	sbarrier.arrive $0xFFFF  }
0x1c: {  	[tilespmem:s3], [sflag:$0x1] =	stream.linear.gather [hbm4b:s31+s3], $0xC8, $0x38;
	[tilespmem:$0x19D80] =	vst v63  }
0x1d: {  	_ =	swait.ge [sflag:s12], $0xC8  }
0x1e: {  	[sflag:s12] =	ssyncset.done $0x0  }
0x1f: {  	[sflag:s12] =	ssyncadd.s32 $0xFFFFFF38  }
0x20: {  	[tilespmem:s13], [sflag:$0x1] =	stream.linear.gather [hbm4b:s7+s3], $0x6400, $0x38;
	[tilespmem:$0x19D80] =	vst v63  }
0x21: {  	_ =	swait.ge [sflag:s12], $0x6400  }
0x22: {  	[sflag:s12] =	ssyncset.done $0x0  }
0x23: {  	[sflag:s12] =	ssyncadd.s32 $0xFFFF9C00  }
0x24: {  	[spmem:s1] =	stream.indirect.scatter.add.f32 [tilespmem:s13], [sflag:$0x1], $0x80, s3, s14, $0xb8;
	[tilespmem:$0x19D80] =	vst v63  }
0x25: {  	s19 =	simm.s32 $0x19;
	_ =	swait.ge [sflag:s12], $0x6400  }
0x26: {  	s20 =	simm.s32 $0x32;
	s18 =	sadd.s32 $0xC80, s7;
	[sflag:s12] =	ssyncset.done $0x0  }
.LBB2_2:
0x27: {  	s21 =	sadd.s32 s19, s8  }
0x28: {  	[sflag:s12] =	ssyncadd.s32 $0xFFFF9C00;
	s19 =	smov.u32 s20;
	s22 =	sadd.s32 $0x19, s20  }
0x29: {  	[tilespmem:s3], [sflag:$0x1] =	stream.linear.gather [hbm4b:s21+s3], $0xC8, $0x38;
	[tilespmem:$0x19D80] =	vst v63  }
0x2a: {  	p1 =	sne.s32 s20, $0x4C9;
	_ =	swait.ge [sflag:s12], $0xC8  }
0x2b: {  	[sflag:s12] =	ssyncset.done $0x0  }
0x2c: {  	[sflag:s12] =	ssyncadd.s32 $0xFFFFFF38  }
0x2d: {  	[tilespmem:s13], [sflag:$0x1] =	stream.linear.gather [hbm4b:s18+s3], $0x6400, $0x38;
	[tilespmem:$0x19D80] =	vst v63  }
0x2e: {  	_ =	swait.ge [sflag:s12], $0x6400  }
.Ltmp0:
0x2f: {  	[sflag:s12] =	ssyncset.done $0x0;
	(pc) =	sbr.rel @p1 .LBB2_2-.Ltmp0, $4  }
0x30: {  	[sflag:s12] =	ssyncadd.s32 $0xFFFF9C00  }
0x31: {  	[spmem:s1] =	stream.indirect.scatter.add.f32 [tilespmem:s13], [sflag:$0x1], $0x80, s3, s14, $0xb8;
	[tilespmem:$0x19D80] =	vst v63  }
0x32: {  	_ =	swait.ge [sflag:s12], $0x6400  }
0x33: {  	s20 =	smov.u32 s22;
	s18 =	sadd.s32 $0xC80, s18;
	[sflag:s12] =	ssyncset.done $0x0  }
0x34: {  	s19 =	sadd.s32 s19, s8;
	[sflag:s12] =	ssyncadd.s32 $0xFFFF9C00  }
0x35: {  	[tilespmem:s3], [sflag:$0x1] =	stream.linear.gather [hbm4b:s19+s3], $0xC8, $0x38;
	[tilespmem:$0x19D80] =	vst v63  }
0x36: {  	_ =	swait.ge [sflag:s12], $0xC8  }
0x37: {  	[sflag:s12] =	ssyncset.done $0x0  }
0x38: {  	[sflag:s12] =	ssyncadd.s32 $0xFFFFFF38  }
0x39: {  	[tilespmem:s13], [sflag:$0x1] =	stream.linear.gather [hbm4b:s18+s3], $0x6400, $0x38;
	[tilespmem:$0x19D80] =	vst v63  }
0x3a: {  	_ =	swait.ge [sflag:s12], $0x6400  }
0x3b: {  	[sflag:s12] =	ssyncset.done $0x0  }
0x3c: {  	[sflag:s12] =	ssyncadd.s32 $0xFFFF9C00  }
0x3d: {  	[spmem:s1] =	stream.indirect.scatter.add.f32 [tilespmem:s13], [sflag:$0x1], $0x80, s3, s14, $0xb8;
	[tilespmem:$0x19D80] =	vst v63  }
0x3e: {  	_ =	swait.ge [sflag:s12], $0x6400  }
0x3f: {  	[sflag:s12] =	ssyncset.done $0x0  }
0x40: {  	[sflag:s12] =	ssyncadd.s32 $0xFFFF9C00  }
0x41: {  	s18 =	simm.s32 @p0 $0x1FC1;
	[bflag:$0x0] =	sbarrier.arrive $0xFFFF  }
0x42: {  	[hbm:s15], [sflag:s18] =	dma.local @p0 [spmem:s9], $0x1900  }
0x43: {  	s18 =	simm.s32 @p0 $0x1  }
0x44: {  	s17 =	sadd.s32 $0x1, s17;
	_ =	swait.ge @p0 [sflag:s18], $0x1900  }
0x45: {  	p1 =	sne.s32 s17, s6;
	[sflag:s18] =	ssyncset.done @p0 $0x0  }
.Ltmp1:
0x46: {  	[sflag:s18] =	ssyncadd.s32 @p0 $0xFFFFE700;
	s18 =	simm.s32 @!p0 $0x1;
	(pc) =	sbr.rel @p1 .LBB2_1-.Ltmp1, $4  }
0x47: {  	[hbm:s16], [sflag:s10] =	dma.local @!p0 [spmem:s11], $0x2800  }
0x48: {  	_ =	swait.ge @!p0 [sflag:s18], $0x2800  }
0x49: {  	[sflag:s18] =	ssyncset.done @!p0 $0x0  }
0x4a: {  	[sflag:s18] =	ssyncadd.s32 @!p0 $0xFFFFD800  }
0x4b: {  	_ =	sfence.sel $0x180000  }
0x4c: {  	[bflag:$0x0] =	sbarrier.arrive $0xFFFF  }
0x4d: {  	p0 =	sne.s32 s2, $0x0;
	_ =	strace $0x9000005F  }
0x4e: {  	s0 =	sadd.s32 @!p0 $0x100000, s0;
	[bflag:$0x2] =	sbarrier.arrive $0xFFFF  }
0x4f: {  	[sflag:s0] =	ssyncadd.tile.s32 @!p0 $0x1;
	_ =	shalt  }
.Lfunc_end2:
_tile_overlayer_lowered:
.L_overlay_start_2:
0x50: {  	(tag) =	ssettag $0x2  }
0x51: {  	s0 =	rddreg [dreg:$0x0];
	s2 =	stileid.u32  }
0x52: {  	s1 =	rddreg [dreg:$0x1];
	p0 =	sne.s32 s2, $0x0  }
0x53: {  	s3 =	rddreg [dreg:$0x2];
	[bflag:$0x3] =	sbarrier.arrive $0xFFFF;
	s2 =	simm.s32 @!p0 $0x1C01  }
0x54: {  	[timem:s3], [sflag:s2] =	dma.local @!p0 [hbm:s0], s1  }
0x55: {  	s0 =	simm.s32 @!p0 $0x1  }
0x56: {  	_ =	swait.ge @!p0 [sflag:s0], s1  }
0x57: {  	s1 =	ssub.s32 @!p0 $0x0, s1;
	[sflag:s0] =	ssyncset.done @!p0 $0x0  }
0x58: {  	[sflag:s0] =	ssyncadd.s32 @!p0 s1  }
0x59: {  	[bflag:$0x3] =	sbarrier.arrive $0xFFFF  }
0x5a: {  	_ =	shalt  }

</sc_bundles>
